<compile_context>
chip_gen: v7x
topology: tpu7x:2x2x1
jax: 0.10.2.dev20260603
libtpu: 0.0.44.dev20260713+nightly
codegen_flags: <defaults>
</compile_context>

<pallas_src>
import dataclasses
import functools

import jax
import jax.numpy as jnp
from jax.experimental import pallas as pl
from jax.experimental.pallas import tpu as pltpu
from jax.experimental.pallas import tpu_sc as plsc

N_ATOMS = 10000
N_EDGES = 320000
D = 128
N_RBF = 20

NUM_SC = 2
NUM_SUBCORES = 16
NUM_WORKERS = NUM_SC * NUM_SUBCORES
CHUNK = 80
CHUNKS_PER_WORKER = 125
E_PAD = NUM_WORKERS * CHUNKS_PER_WORKER * CHUNK
A_PAD = 10112
ROWS_PER_SUB = A_PAD // NUM_SUBCORES

_LN2 = 0.6931471805599453


def _ssp(v):
    return jnp.maximum(v, 0.0) + jnp.log1p(jnp.exp(-jnp.abs(v))) - _LN2


def _h_body(x_ref, w_ref, b_ref, o_ref):
    o_ref[...] = jax.lax.dot_general(
        x_ref[...], w_ref[...], (((1,), (1,)), ((), ())),
        preferred_element_type=jnp.float32) + b_ref[...]


def _compute_h(x, W_in, b_in):
    return pl.pallas_call(
        _h_body,
        out_shape=jax.ShapeDtypeStruct((N_ATOMS, D), jnp.float32),
    )(x, W_in, b_in.reshape(1, D))


_BE = 4000


def _filter_body(fij_ref, rcut_ref, w1_ref, b1_ref, w2_ref, b2_ref, o_ref):
    t = jax.lax.dot_general(
        fij_ref[...].astype(jnp.bfloat16),
        w1_ref[...].astype(jnp.bfloat16), (((1,), (1,)), ((), ())),
        preferred_element_type=jnp.float32) + b1_ref[...]
    t = _ssp(t)
    w = jax.lax.dot_general(
        t.astype(jnp.bfloat16),
        w2_ref[...].astype(jnp.bfloat16), (((1,), (1,)), ((), ())),
        preferred_element_type=jnp.float32) + b2_ref[...]
    o_ref[...] = w * rcut_ref[...]


def _compute_wij(f_ij_p, rcut_p, W_f1, b_f1, W_f2, b_f2):
    grid = (E_PAD // _BE,)
    return pl.pallas_call(
        _filter_body,
        grid=grid,
        in_specs=[
            pl.BlockSpec((_BE, N_RBF), lambda i: (i, 0)),
            pl.BlockSpec((_BE, 1), lambda i: (i, 0)),
            pl.BlockSpec((D, N_RBF), lambda i: (0, 0)),
            pl.BlockSpec((1, D), lambda i: (0, 0)),
            pl.BlockSpec((D, D), lambda i: (0, 0)),
            pl.BlockSpec((1, D), lambda i: (0, 0)),
        ],
        out_specs=pl.BlockSpec((_BE, D), lambda i: (i, 0)),
        out_shape=jax.ShapeDtypeStruct((E_PAD, D), jnp.float32),
    )(f_ij_p, rcut_p, W_f1, b_f1.reshape(1, D), W_f2, b_f2.reshape(1, D))


def _sc_compiler_params():
    cp = pltpu.CompilerParams()
    if "needs_layout_passes" in pltpu.CompilerParams.__dataclass_fields__:
        cp = dataclasses.replace(cp, needs_layout_passes=False)
    return cp


def _sc_aggregate(idx_i2, idx_j2, wij, h):
    mesh = plsc.VectorSubcoreMesh(
        core_axis_name="core", subcore_axis_name="subcore",
        num_cores=NUM_SC, num_subcores=NUM_SUBCORES)

    @functools.partial(
        pl.kernel,
        out_type=jax.ShapeDtypeStruct((NUM_SC, A_PAD, D), jnp.float32),
        mesh=mesh,
        scratch_types=[
            pltpu.VMEM_SHARED((A_PAD, D), jnp.float32),
            [pltpu.VMEM((CHUNK, D), jnp.float32)] * 2,
            [pltpu.VMEM((CHUNK, D), jnp.float32)] * 2,
            [pltpu.VMEM((CHUNK,), jnp.int32)] * 4,
            [pltpu.VMEM((CHUNK,), jnp.int32)] * 4,
            [pltpu.SemaphoreType.DMA] * 2,
            [pltpu.SemaphoreType.DMA] * 2,
            [pltpu.SemaphoreType.DMA] * 2,
            [pltpu.SemaphoreType.DMA] * 4,
        ],
        compiler_params=_sc_compiler_params(),
    )
    def body(idxi_hbm, idxj_hbm, wij_hbm, h_hbm, out_hbm,
             agg_sh, gbufs, wbufs, ib, jb, sg, sw, ss, si):
        core = jax.lax.axis_index("core")
        sub = jax.lax.axis_index("subcore")
        wid = core * NUM_SUBCORES + sub
        base = wid * CHUNKS_PER_WORKER

        zero16 = jnp.zeros((16,), jnp.float32)
        g0 = gbufs[0]

        @plsc.parallel_loop(0, CHUNK, unroll=2)
        def _(r):
            for l in range(0, D, 16):
                g0[r, pl.ds(l, 16)] = zero16

        row0 = sub * ROWS_PER_SUB

        @pl.loop(0, ROWS_PER_SUB // CHUNK)
        def _(k):
            pltpu.sync_copy(g0, agg_sh.at[pl.ds(row0 + k * CHUNK, CHUNK)])

        _rem = ROWS_PER_SUB % CHUNK
        if _rem:
            pltpu.sync_copy(
                g0.at[pl.ds(0, _rem)],
                agg_sh.at[pl.ds(row0 + (ROWS_PER_SUB // CHUNK) * CHUNK, _rem)])

        plsc.subcore_barrier()

        def issue_idx(c, m4):
            off = (base + c) * CHUNK
            pltpu.async_copy(idxi_hbm.at[pl.ds(off, CHUNK)], ib[m4], si[m4])
            pltpu.async_copy(idxj_hbm.at[pl.ds(off, CHUNK)], jb[m4], si[m4])

        def wait_idx(m4):
            pltpu.make_async_copy(
                idxi_hbm.at[pl.ds(0, CHUNK)], ib[m4], si[m4]).wait()
            pltpu.make_async_copy(
                idxj_hbm.at[pl.ds(0, CHUNK)], jb[m4], si[m4]).wait()

        def issue_in(c, m2, m4):
            pltpu.async_copy(h_hbm.at[jb[m4]], gbufs[m2], sg[m2])
            pltpu.async_copy(
                wij_hbm.at[pl.ds((base + c) * CHUNK, CHUNK)], wbufs[m2],
                sw[m2])

        def wait_in(m2):
            pltpu.make_async_copy(
                h_hbm.at[pl.ds(0, CHUNK)], gbufs[m2], sg[m2]).wait()
            pltpu.make_async_copy(
                wij_hbm.at[pl.ds(0, CHUNK)], wbufs[m2], sw[m2]).wait()

        def mul(m2):
            g, w = gbufs[m2], wbufs[m2]

            @plsc.parallel_loop(0, CHUNK, unroll=2)
            def _(r):
                for l in range(0, D, 16):
                    g[r, pl.ds(l, 16)] = g[r, pl.ds(l, 16)] * w[r, pl.ds(l, 16)]

        def issue_scatter(m2, m4):
            pltpu.async_copy(gbufs[m2], agg_sh.at[ib[m4]], ss[m2], add=True)

        def wait_scatter(m2):
            pltpu.make_async_copy(
                h_hbm.at[pl.ds(0, CHUNK)], gbufs[m2], ss[m2]).wait()

        NC = CHUNKS_PER_WORKER

        def slot(c, m2, m4, sc_wait=True, idx_wait=True,
                 prefetch_in=True, prefetch_idx=True):
            wait_in(m2)
            if sc_wait:
                wait_scatter(1 - m2)
            if prefetch_in:
                if idx_wait:
                    wait_idx((m4 + 1) % 4)
                issue_in(c + 1, 1 - m2, (m4 + 1) % 4)
            mul(m2)
            issue_scatter(m2, m4)
            if prefetch_idx:
                issue_idx(c + 2, (m4 + 2) % 4)

        pltpu.sync_copy(idxi_hbm.at[pl.ds(base * CHUNK, CHUNK)], ib[0])
        pltpu.sync_copy(idxj_hbm.at[pl.ds(base * CHUNK, CHUNK)], jb[0])
        pltpu.sync_copy(idxi_hbm.at[pl.ds((base + 1) * CHUNK, CHUNK)], ib[1])
        pltpu.sync_copy(idxj_hbm.at[pl.ds((base + 1) * CHUNK, CHUNK)], jb[1])
        issue_in(0, 0, 0)
        slot(0, 0, 0, sc_wait=False, idx_wait=False)
        slot(1, 1, 1)

        @pl.loop(0, (NC - 5) // 4)
        def _(k):
            c = 4 * k + 2
            slot(c, 0, 2)
            slot(c + 1, 1, 3)
            slot(c + 2, 0, 0)
            slot(c + 3, 1, 1)

        slot(NC - 3, 0, 2)
        slot(NC - 2, 1, 3, prefetch_idx=False)
        slot(NC - 1, 0, 0, prefetch_in=False, prefetch_idx=False)
        wait_scatter(0)

        plsc.subcore_barrier()

        pltpu.sync_copy(agg_sh.at[pl.ds(row0, ROWS_PER_SUB)],
                        out_hbm.at[core, pl.ds(row0, ROWS_PER_SUB)])

    return body(idx_i2, idx_j2, wij, h)


def _out_body(agg_ref, w1_ref, b1_ref, w2_ref, b2_ref, o_ref):
    a = agg_ref[0, :N_ATOMS, :] + agg_ref[1, :N_ATOMS, :]
    t = jax.lax.dot_general(
        a, w1_ref[...], (((1,), (1,)), ((), ())),
        preferred_element_type=jnp.float32) + b1_ref[...]
    t = _ssp(t)
    o_ref[...] = jax.lax.dot_general(
        t, w2_ref[...], (((1,), (1,)), ((), ())),
        preferred_element_type=jnp.float32) + b2_ref[...]


def _compute_out(agg, W_o1, b_o1, W_o2, b_o2):
    return pl.pallas_call(
        _out_body,
        out_shape=jax.ShapeDtypeStruct((N_ATOMS, D), jnp.float32),
    )(agg, W_o1, b_o1.reshape(1, D), W_o2, b_o2.reshape(1, D))


def kernel(x, f_ij, idx_i, idx_j, rcut_ij,
           W_in, b_in, W_f1, b_f1, W_f2, b_f2,
           W_o1, b_o1, W_o2, b_o2):
    rcut_p = rcut_ij.reshape(E_PAD, 1)
    idx_i2 = idx_i.astype(jnp.int32)
    idx_j2 = idx_j.astype(jnp.int32)

    h = _compute_h(x, W_in, b_in)
    wij = _compute_wij(f_ij, rcut_p, W_f1, b_f1, W_f2, b_f2)
    agg = _sc_aggregate(idx_i2, idx_j2, wij, h)
    return _compute_out(agg, W_o1, b_o1, W_o2, b_o2)

# --- scband reference (transcript-rebuilt; emitter-appended) ---
"""Pipeline reference for scband-sch-net-interaction-block-78743930404961 (READ-ONLY COPY).

The authoritative reference and input builder live on the scoring server;
editing this copy changes nothing except your own understanding.
"""

import jax, jax.numpy as jnp
import numpy as np

N_ATOMS = 10000
N_EDGES = 320000
N_ATOM_BASIS = 128
N_FILTERS = 128
N_RBF = 20


def ssp(x):
    return jax.nn.softplus(x) - jnp.log(2.0)


def setup_inputs(seed: int = 0) -> dict:
    key = jax.random.key(seed)
    ks = jax.random.split(key, 16)
    x = jax.random.normal(ks[0], (N_ATOMS, N_ATOM_BASIS), dtype=jnp.float32)
    f_ij = jax.random.normal(ks[1], (N_EDGES, N_RBF), dtype=jnp.float32)
    idx_i = jax.random.randint(ks[2], (N_EDGES,), 0, N_ATOMS, dtype=jnp.int64 if jax.config.jax_enable_x64 else jnp.int32)
    idx_j = jax.random.randint(ks[3], (N_EDGES,), 0, N_ATOMS, dtype=jnp.int64 if jax.config.jax_enable_x64 else jnp.int32)
    rcut_ij = jax.random.uniform(ks[4], (N_EDGES,), dtype=jnp.float32)
    # parameters (torch nn.Linear convention: y = x @ W.T + b)
    def lin(k, out_f, in_f):
        bound = 1.0 / np.sqrt(in_f)
        kw, kb = jax.random.split(k)
        W = jax.random.uniform(kw, (out_f, in_f), minval=-bound, maxval=bound, dtype=jnp.float32)
        b = jax.random.uniform(kb, (out_f,), minval=-bound, maxval=bound, dtype=jnp.float32)
        return W, b
    W_in, b_in = lin(ks[5], N_FILTERS, N_ATOM_BASIS)
    W_f1, b_f1 = lin(ks[6], N_FILTERS, N_RBF)
    W_f2, b_f2 = lin(ks[7], N_FILTERS, N_FILTERS)
    W_o1, b_o1 = lin(ks[8], N_ATOM_BASIS, N_FILTERS)
    W_o2, b_o2 = lin(ks[9], N_ATOM_BASIS, N_ATOM_BASIS)
    return {
        "x": x, "f_ij": f_ij, "idx_i": idx_i, "idx_j": idx_j, "rcut_ij": rcut_ij,
        "W_in": W_in, "b_in": b_in,
        "W_f1": W_f1, "b_f1": b_f1, "W_f2": W_f2, "b_f2": b_f2,
        "W_o1": W_o1, "b_o1": b_o1, "W_o2": W_o2, "b_o2": b_o2,
    }


def reference(x, f_ij, idx_i, idx_j, rcut_ij,
              W_in, b_in, W_f1, b_f1, W_f2, b_f2,
              W_o1, b_o1, W_o2, b_o2):
    # input_to_feature
    h = x @ W_in.T + b_in
    # filter_network: Linear -> ShiftedSoftplus -> Linear
    Wij = ssp(f_ij @ W_f1.T + b_f1) @ W_f2.T + b_f2
    Wij = Wij * rcut_ij[:, None]
    Wij = Wij.astype(h.dtype)
    # gather source-node features per edge
    x_j = h[idx_j]
    x_ij = x_j * Wij
    # scatter_add to destination nodes
    agg = jnp.zeros_like(h).at[idx_i].add(x_ij)
    # feature_to_output: Linear -> ShiftedSoftplus -> Linear
    out = ssp(agg @ W_o1.T + b_o1) @ W_o2.T + b_o2
    return out

if __name__ == "__main__":
    import jax
    _d = setup_inputs()
    print(jax.jit(kernel)(*tuple(_d.values())))

</pallas_src>

<mosaic_0001>
#map = affine_map<(d0, d1) -> (0)>
#map1 = affine_map<(d0, d1) -> (0, 0)>
#map2 = affine_map<(d0, d1) -> (0, 0, 0)>
module attributes {stable_mosaic.version = 14 : i64} {
  func.func @body(%arg0: i32, %arg1: i32, %arg2: memref<320000xi32, #tpu.memory_space<hbm>>, %arg3: memref<320000xi32, #tpu.memory_space<hbm>>, %arg4: memref<320000x128xf32, #tpu.memory_space<hbm>>, %arg5: memref<10000x128xf32, #tpu.memory_space<hbm>>, %arg6: memref<2x10112x128xf32, #tpu.memory_space<hbm>>, %arg7: memref<10112x128xf32, #tpu.memory_space<vmem_shared>>, %arg8: memref<80x128xf32, #tpu.memory_space<vmem>>, %arg9: memref<80x128xf32, #tpu.memory_space<vmem>>, %arg10: memref<80x128xf32, #tpu.memory_space<vmem>>, %arg11: memref<80x128xf32, #tpu.memory_space<vmem>>, %arg12: memref<80xi32, #tpu.memory_space<vmem>>, %arg13: memref<80xi32, #tpu.memory_space<vmem>>, %arg14: memref<80xi32, #tpu.memory_space<vmem>>, %arg15: memref<80xi32, #tpu.memory_space<vmem>>, %arg16: memref<80xi32, #tpu.memory_space<vmem>>, %arg17: memref<80xi32, #tpu.memory_space<vmem>>, %arg18: memref<80xi32, #tpu.memory_space<vmem>>, %arg19: memref<80xi32, #tpu.memory_space<vmem>>, %arg20: memref<!tpu.dma_semaphore, #tpu.memory_space<semaphore_mem>>, %arg21: memref<!tpu.dma_semaphore, #tpu.memory_space<semaphore_mem>>, %arg22: memref<!tpu.dma_semaphore, #tpu.memory_space<semaphore_mem>>, %arg23: memref<!tpu.dma_semaphore, #tpu.memory_space<semaphore_mem>>, %arg24: memref<!tpu.dma_semaphore, #tpu.memory_space<semaphore_mem>>, %arg25: memref<!tpu.dma_semaphore, #tpu.memory_space<semaphore_mem>>, %arg26: memref<!tpu.dma_semaphore, #tpu.memory_space<semaphore_mem>>, %arg27: memref<!tpu.dma_semaphore, #tpu.memory_space<semaphore_mem>>, %arg28: memref<!tpu.dma_semaphore, #tpu.memory_space<semaphore_mem>>, %arg29: memref<!tpu.dma_semaphore, #tpu.memory_space<semaphore_mem>>) attributes {dimension_semantics = [#tpu.dimension_semantics<core_parallel>, #tpu.dimension_semantics<subcore_parallel>], iteration_bounds = array<i64: 2, 16>, scalar_prefetch = 0 : i64, scratch_operands = 23 : i64, tpu.core_type = #tpu.core_type<sc_vector_subcore>, window_params = [{transform_indices = #map}, {transform_indices = #map}, {transform_indices = #map1}, {transform_indices = #map1}, {transform_indices = #map2}]} {
    %mul3A = arith.constant 16 : i32
    %mul3A_0 = arith.muli %arg0, %mul3A : i32
    %add3A = arith.addi %mul3A_0, %arg1 : i32
    %mul3A_1 = arith.constant 125 : i32
    %mul3A_2 = arith.muli %add3A, %mul3A_1 : i32
    %broadcast_in_dim3A = arith.constant 0.000000e+00 : f32
    %broadcast_in_dim3A_3 = vector.broadcast %broadcast_in_dim3A : f32 to vector<16xf32>
    %parallel_loop3A = arith.constant 0 : i32
    %parallel_loop3A_4 = arith.constant 80 : i32
    %parallel_loop3A_5 = arith.constant 1 : i32
    scf.for %parallel_loop3A_253 = %parallel_loop3A to %parallel_loop3A_4 step %parallel_loop3A_5  : i32 {
      %parallel_loop3A_254 = arith.index_cast %parallel_loop3A_253 : i32 to index
      %parallel_loop3A_255 = arith.constant 0 : index
      %parallel_loop3A_256 = tpu.vector_load %arg8[%parallel_loop3A_254, %parallel_loop3A_255] {strides = array<i32>} : memref<80x128xf32, #tpu.memory_space<vmem>>, vector<16xf32>,
      tpu.vector_store %arg8[%parallel_loop3A_254, %parallel_loop3A_255], %broadcast_in_dim3A_3 {strides = array<i32>} : memref<80x128xf32, #tpu.memory_space<vmem>>, vector<16xf32>,
      %parallel_loop3A_257 = arith.index_cast %parallel_loop3A_253 : i32 to index
      %parallel_loop3A_258 = arith.constant 16 : index
      %parallel_loop3A_259 = tpu.vector_load %arg8[%parallel_loop3A_257, %parallel_loop3A_258] {strides = array<i32>} : memref<80x128xf32, #tpu.memory_space<vmem>>, vector<16xf32>,
      tpu.vector_store %arg8[%parallel_loop3A_257, %parallel_loop3A_258], %broadcast_in_dim3A_3 {strides = array<i32>} : memref<80x128xf32, #tpu.memory_space<vmem>>, vector<16xf32>,
      %parallel_loop3A_260 = arith.index_cast %parallel_loop3A_253 : i32 to index
      %parallel_loop3A_261 = arith.constant 32 : index
      %parallel_loop3A_262 = tpu.vector_load %arg8[%parallel_loop3A_260, %parallel_loop3A_261] {strides = array<i32>} : memref<80x128xf32, #tpu.memory_space<vmem>>, vector<16xf32>,
      tpu.vector_store %arg8[%parallel_loop3A_260, %parallel_loop3A_261], %broadcast_in_dim3A_3 {strides = array<i32>} : memref<80x128xf32, #tpu.memory_space<vmem>>, vector<16xf32>,
      %parallel_loop3A_263 = arith.index_cast %parallel_loop3A_253 : i32 to index
      %parallel_loop3A_264 = arith.constant 48 : index
      %parallel_loop3A_265 = tpu.vector_load %arg8[%parallel_loop3A_263, %parallel_loop3A_264] {strides = array<i32>} : memref<80x128xf32, #tpu.memory_space<vmem>>, vector<16xf32>,
      tpu.vector_store %arg8[%parallel_loop3A_263, %parallel_loop3A_264], %broadcast_in_dim3A_3 {strides = array<i32>} : memref<80x128xf32, #tpu.memory_space<vmem>>, vector<16xf32>,
      %parallel_loop3A_266 = arith.index_cast %parallel_loop3A_253 : i32 to index
      %parallel_loop3A_267 = arith.constant 64 : index
      %parallel_loop3A_268 = tpu.vector_load %arg8[%parallel_loop3A_266, %parallel_loop3A_267] {strides = array<i32>} : memref<80x128xf32, #tpu.memory_space<vmem>>, vector<16xf32>,
      tpu.vector_store %arg8[%parallel_loop3A_266, %parallel_loop3A_267], %broadcast_in_dim3A_3 {strides = array<i32>} : memref<80x128xf32, #tpu.memory_space<vmem>>, vector<16xf32>,
      %parallel_loop3A_269 = arith.index_cast %parallel_loop3A_253 : i32 to index
      %parallel_loop3A_270 = arith.constant 80 : index
      %parallel_loop3A_271 = tpu.vector_load %arg8[%parallel_loop3A_269, %parallel_loop3A_270] {strides = array<i32>} : memref<80x128xf32, #tpu.memory_space<vmem>>, vector<16xf32>,
      tpu.vector_store %arg8[%parallel_loop3A_269, %parallel_loop3A_270], %broadcast_in_dim3A_3 {strides = array<i32>} : memref<80x128xf32, #tpu.memory_space<vmem>>, vector<16xf32>,
      %parallel_loop3A_272 = arith.index_cast %parallel_loop3A_253 : i32 to index
      %parallel_loop3A_273 = arith.constant 96 : index
      %parallel_loop3A_274 = tpu.vector_load %arg8[%parallel_loop3A_272, %parallel_loop3A_273] {strides = array<i32>} : memref<80x128xf32, #tpu.memory_space<vmem>>, vector<16xf32>,
      tpu.vector_store %arg8[%parallel_loop3A_272, %parallel_loop3A_273], %broadcast_in_dim3A_3 {strides = array<i32>} : memref<80x128xf32, #tpu.memory_space<vmem>>, vector<16xf32>,
      %parallel_loop3A_275 = arith.index_cast %parallel_loop3A_253 : i32 to index
      %parallel_loop3A_276 = arith.constant 112 : index
      %parallel_loop3A_277 = tpu.vector_load %arg8[%parallel_loop3A_275, %parallel_loop3A_276] {strides = array<i32>} : memref<80x128xf32, #tpu.memory_space<vmem>>, vector<16xf32>,
      tpu.vector_store %arg8[%parallel_loop3A_275, %parallel_loop3A_276], %broadcast_in_dim3A_3 {strides = array<i32>} : memref<80x128xf32, #tpu.memory_space<vmem>>, vector<16xf32>,
    } {sc.loop_unroll_factor = 2 : i64, sc.parallel_access}
    %mul3A_6 = arith.constant 632 : i32
    %mul3A_7 = arith.muli %arg1, %mul3A_6 : i32
    %scan3A = arith.constant 0 : i32
    %scan3A_8 = arith.constant 7 : i32
    %scan3A_9 = arith.addi %scan3A, %scan3A_8 : i32
    %scan3A_10 = arith.constant 1 : i32
    scf.for %scan3A_253 = %scan3A to %scan3A_9 step %scan3A_10  : i32 {
      %mul3A_254 = arith.constant 1 : i32
      %mul3A_255 = arith.muli %scan3A_253, %mul3A_254 : i32
      %add3A_256 = arith.constant 0 : i32
      %add3A_257 = arith.addi %add3A_256, %mul3A_255 : i32
      %mul3A_258 = arith.constant 80 : i32
      %mul3A_259 = arith.muli %add3A_257, %mul3A_258 : i32
      %add3A_260 = arith.addi %mul3A_7, %mul3A_259 : i32
      "tpu.region"() ({
        %run_scoped3A = tpu.sem_alloc : memref<!tpu.dma_semaphore, #tpu.memory_space<semaphore_mem>>
        %dma_start3A_261 = arith.constant 0 : i32
        %dma_start3A_262 = tpu.memref_slice %arg7[%add3A_260, %dma_start3A_261] : memref<10112x128xf32, #tpu.memory_space<vmem_shared>> -> memref<80x128xf32, #tpu.memory_space<vmem_shared>>
        %dma_start3A_263 = arith.constant 0 : i32
        %dma_start3A_264 = tpu.memref_slice %arg7[%add3A_260, %dma_start3A_263] : memref<10112x128xf32, #tpu.memory_space<vmem_shared>> -> memref<80x128xf32, #tpu.memory_space<vmem_shared>>
        tpu.enqueue_dma source(%arg8 : memref<80x128xf32, #tpu.memory_space<vmem>>) target(%dma_start3A_264 : memref<80x128xf32, #tpu.memory_space<vmem_shared>>) target_semaphore(%run_scoped3A : memref<!tpu.dma_semaphore, #tpu.memory_space<semaphore_mem>>)
        %dma_wait3A_265 = arith.constant 0 : i32
        %dma_wait3A_266 = tpu.memref_slice %arg7[%add3A_260, %dma_wait3A_265] : memref<10112x128xf32, #tpu.memory_space<vmem_shared>> -> memref<80x128xf32, #tpu.memory_space<vmem_shared>>
        %dma_wait3A_267 = arith.constant 0 : i32
        %dma_wait3A_268 = tpu.memref_slice %arg7[%add3A_260, %dma_wait3A_267] : memref<10112x128xf32, #tpu.memory_space<vmem_shared>> -> memref<80x128xf32, #tpu.memory_space<vmem_shared>>
        tpu.wait_dma2 semaphore(%run_scoped3A : memref<!tpu.dma_semaphore, #tpu.memory_space<semaphore_mem>>) src(%arg8 : memref<80x128xf32, #tpu.memory_space<vmem>>) dst(%dma_wait3A_268 : memref<80x128xf32, #tpu.memory_space<vmem_shared>>)
        tpu.yield
      }) : () -> ()
    }
    %scan3A_11 = arith.constant 7 : i32
    %add3A_12 = arith.constant 560 : i32
    %add3A_13 = arith.addi %mul3A_7, %add3A_12 : i32
    "tpu.region"() ({
      %run_scoped3A = tpu.sem_alloc : memref<!tpu.dma_semaphore, #tpu.memory_space<semaphore_mem>>
      %dma_start3A_253 = arith.constant 0 : i32
      %dma_start3A_254 = arith.constant 0 : i32
      %dma_start3A_255 = tpu.memref_slice %arg8[%dma_start3A_253, %dma_start3A_254] : memref<80x128xf32, #tpu.memory_space<vmem>> -> memref<72x128xf32, #tpu.memory_space<vmem>>
      %dma_start3A_256 = arith.constant 0 : i32
      %dma_start3A_257 = tpu.memref_slice %arg7[%add3A_13, %dma_start3A_256] : memref<10112x128xf32, #tpu.memory_space<vmem_shared>> -> memref<72x128xf32, #tpu.memory_space<vmem_shared>>
      %dma_start3A_258 = arith.constant 0 : i32
      %dma_start3A_259 = tpu.memref_slice %arg7[%add3A_13, %dma_start3A_258] : memref<10112x128xf32, #tpu.memory_space<vmem_shared>> -> memref<72x128xf32, #tpu.memory_space<vmem_shared>>
      %dma_start3A_260 = arith.constant 0 : i32
      %dma_start3A_261 = arith.constant 0 : i32
      %dma_start3A_262 = tpu.memref_slice %arg8[%dma_start3A_260, %dma_start3A_261] : memref<80x128xf32, #tpu.memory_space<vmem>> -> memref<72x128xf32, #tpu.memory_space<vmem>>
      tpu.enqueue_dma source(%dma_start3A_262 : memref<72x128xf32, #tpu.memory_space<vmem>>) target(%dma_start3A_259 : memref<72x128xf32, #tpu.memory_space<vmem_shared>>) target_semaphore(%run_scoped3A : memref<!tpu.dma_semaphore, #tpu.memory_space<semaphore_mem>>)
      %dma_wait3A_263 = arith.constant 0 : i32
      %dma_wait3A_264 = arith.constant 0 : i32
      %dma_wait3A_265 = tpu.memref_slice %arg8[%dma_wait3A_263, %dma_wait3A_264] : memref<80x128xf32, #tpu.memory_space<vmem>> -> memref<72x128xf32, #tpu.memory_space<vmem>>
      %dma_wait3A_266 = arith.constant 0 : i32
      %dma_wait3A_267 = tpu.memref_slice %arg7[%add3A_13, %dma_wait3A_266] : memref<10112x128xf32, #tpu.memory_space<vmem_shared>> -> memref<72x128xf32, #tpu.memory_space<vmem_shared>>
      %dma_wait3A_268 = arith.constant 0 : i32
      %dma_wait3A_269 = tpu.memref_slice %arg7[%add3A_13, %dma_wait3A_268] : memref<10112x128xf32, #tpu.memory_space<vmem_shared>> -> memref<72x128xf32, #tpu.memory_space<vmem_shared>>
      %dma_wait3A_270 = arith.constant 0 : i32
      %dma_wait3A_271 = arith.constant 0 : i32
      %dma_wait3A_272 = tpu.memref_slice %arg8[%dma_wait3A_270, %dma_wait3A_271] : memref<80x128xf32, #tpu.memory_space<vmem>> -> memref<72x128xf32, #tpu.memory_space<vmem>>
      tpu.wait_dma2 semaphore(%run_scoped3A : memref<!tpu.dma_semaphore, #tpu.memory_space<semaphore_mem>>) src(%dma_wait3A_272 : memref<72x128xf32, #tpu.memory_space<vmem>>) dst(%dma_wait3A_269 : memref<72x128xf32, #tpu.memory_space<vmem_shared>>)
      tpu.yield
    }) : () -> ()
    %barrier3A = arith.constant 0 : index
    tpu.barrier barrier_id(%barrier3A)
    %mul3A_14 = arith.constant 80 : i32
    %mul3A_15 = arith.muli %mul3A_2, %mul3A_14 : i32
    "tpu.region"() ({
      %run_scoped3A = tpu.sem_alloc : memref<!tpu.dma_semaphore, #tpu.memory_space<semaphore_mem>>
      %dma_start3A_253 = tpu.memref_slice %arg2[%mul3A_15] : memref<320000xi32, #tpu.memory_space<hbm>> -> memref<80xi32, #tpu.memory_space<hbm>>
      %dma_start3A_254 = tpu.memref_slice %arg2[%mul3A_15] : memref<320000xi32, #tpu.memory_space<hbm>> -> memref<80xi32, #tpu.memory_space<hbm>>
      tpu.enqueue_dma source(%dma_start3A_254 : memref<80xi32, #tpu.memory_space<hbm>>) target(%arg12 : memref<80xi32, #tpu.memory_space<vmem>>) target_semaphore(%run_scoped3A : memref<!tpu.dma_semaphore, #tpu.memory_space<semaphore_mem>>)
      %dma_wait3A_255 = tpu.memref_slice %arg2[%mul3A_15] : memref<320000xi32, #tpu.memory_space<hbm>> -> memref<80xi32, #tpu.memory_space<hbm>>
      %dma_wait3A_256 = tpu.memref_slice %arg2[%mul3A_15] : memref<320000xi32, #tpu.memory_space<hbm>> -> memref<80xi32, #tpu.memory_space<hbm>>
      tpu.wait_dma2 semaphore(%run_scoped3A : memref<!tpu.dma_semaphore, #tpu.memory_space<semaphore_mem>>) src(%dma_wait3A_256 : memref<80xi32, #tpu.memory_space<hbm>>) dst(%arg12 : memref<80xi32, #tpu.memory_space<vmem>>)
      tpu.yield
    }) : () -> ()
    %mul3A_16 = arith.constant 80 : i32
    %mul3A_17 = arith.muli %mul3A_2, %mul3A_16 : i32
    "tpu.region"() ({
      %run_scoped3A = tpu.sem_alloc : memref<!tpu.dma_semaphore, #tpu.memory_space<semaphore_mem>>
      %dma_start3A_253 = tpu.memref_slice %arg3[%mul3A_17] : memref<320000xi32, #tpu.memory_space<hbm>> -> memref<80xi32, #tpu.memory_space<hbm>>
      %dma_start3A_254 = tpu.memref_slice %arg3[%mul3A_17] : memref<320000xi32, #tpu.memory_space<hbm>> -> memref<80xi32, #tpu.memory_space<hbm>>
      tpu.enqueue_dma source(%dma_start3A_254 : memref<80xi32, #tpu.memory_space<hbm>>) target(%arg16 : memref<80xi32, #tpu.memory_space<vmem>>) target_semaphore(%run_scoped3A : memref<!tpu.dma_semaphore, #tpu.memory_space<semaphore_mem>>)
      %dma_wait3A_255 = tpu.memref_slice %arg3[%mul3A_17] : memref<320000xi32, #tpu.memory_space<hbm>> -> memref<80xi32, #tpu.memory_space<hbm>>
      %dma_wait3A_256 = tpu.memref_slice %arg3[%mul3A_17] : memref<320000xi32, #tpu.memory_space<hbm>> -> memref<80xi32, #tpu.memory_space<hbm>>
      tpu.wait_dma2 semaphore(%run_scoped3A : memref<!tpu.dma_semaphore, #tpu.memory_space<semaphore_mem>>) src(%dma_wait3A_256 : memref<80xi32, #tpu.memory_space<hbm>>) dst(%arg16 : memref<80xi32, #tpu.memory_space<vmem>>)
      tpu.yield
    }) : () -> ()
    %add3A_18 = arith.constant 1 : i32
    %add3A_19 = arith.addi %mul3A_2, %add3A_18 : i32
    %mul3A_20 = arith.constant 80 : i32
    %mul3A_21 = arith.muli %add3A_19, %mul3A_20 : i32
    "tpu.region"() ({
      %run_scoped3A = tpu.sem_alloc : memref<!tpu.dma_semaphore, #tpu.memory_space<semaphore_mem>>
      %dma_start3A_253 = tpu.memref_slice %arg2[%mul3A_21] : memref<320000xi32, #tpu.memory_space<hbm>> -> memref<80xi32, #tpu.memory_space<hbm>>
      %dma_start3A_254 = tpu.memref_slice %arg2[%mul3A_21] : memref<320000xi32, #tpu.memory_space<hbm>> -> memref<80xi32, #tpu.memory_space<hbm>>
      tpu.enqueue_dma source(%dma_start3A_254 : memref<80xi32, #tpu.memory_space<hbm>>) target(%arg13 : memref<80xi32, #tpu.memory_space<vmem>>) target_semaphore(%run_scoped3A : memref<!tpu.dma_semaphore, #tpu.memory_space<semaphore_mem>>)
      %dma_wait3A_255 = tpu.memref_slice %arg2[%mul3A_21] : memref<320000xi32, #tpu.memory_space<hbm>> -> memref<80xi32, #tpu.memory_space<hbm>>
      %dma_wait3A_256 = tpu.memref_slice %arg2[%mul3A_21] : memref<320000xi32, #tpu.memory_space<hbm>> -> memref<80xi32, #tpu.memory_space<hbm>>
      tpu.wait_dma2 semaphore(%run_scoped3A : memref<!tpu.dma_semaphore, #tpu.memory_space<semaphore_mem>>) src(%dma_wait3A_256 : memref<80xi32, #tpu.memory_space<hbm>>) dst(%arg13 : memref<80xi32, #tpu.memory_space<vmem>>)
      tpu.yield
    }) : () -> ()
    %add3A_22 = arith.constant 1 : i32
    %add3A_23 = arith.addi %mul3A_2, %add3A_22 : i32
    %mul3A_24 = arith.constant 80 : i32
    %mul3A_25 = arith.muli %add3A_23, %mul3A_24 : i32
    "tpu.region"() ({
      %run_scoped3A = tpu.sem_alloc : memref<!tpu.dma_semaphore, #tpu.memory_space<semaphore_mem>>
      %dma_start3A_253 = tpu.memref_slice %arg3[%mul3A_25] : memref<320000xi32, #tpu.memory_space<hbm>> -> memref<80xi32, #tpu.memory_space<hbm>>
      %dma_start3A_254 = tpu.memref_slice %arg3[%mul3A_25] : memref<320000xi32, #tpu.memory_space<hbm>> -> memref<80xi32, #tpu.memory_space<hbm>>
      tpu.enqueue_dma source(%dma_start3A_254 : memref<80xi32, #tpu.memory_space<hbm>>) target(%arg17 : memref<80xi32, #tpu.memory_space<vmem>>) target_semaphore(%run_scoped3A : memref<!tpu.dma_semaphore, #tpu.memory_space<semaphore_mem>>)
      %dma_wait3A_255 = tpu.memref_slice %arg3[%mul3A_25] : memref<320000xi32, #tpu.memory_space<hbm>> -> memref<80xi32, #tpu.memory_space<hbm>>
      %dma_wait3A_256 = tpu.memref_slice %arg3[%mul3A_25] : memref<320000xi32, #tpu.memory_space<hbm>> -> memref<80xi32, #tpu.memory_space<hbm>>
      tpu.wait_dma2 semaphore(%run_scoped3A : memref<!tpu.dma_semaphore, #tpu.memory_space<semaphore_mem>>) src(%dma_wait3A_256 : memref<80xi32, #tpu.memory_space<hbm>>) dst(%arg17 : memref<80xi32, #tpu.memory_space<vmem>>)
      tpu.yield
    }) : () -> ()
    %dma_start3A = arith.constant 0 : i32
    %dma_start3A_26 = arith.constant 0 : i32
    %dma_start3A_27 = tpu.memref_slice %arg5[%dma_start3A, %dma_start3A_26] : memref<10000x128xf32, #tpu.memory_space<hbm>> -> memref<10000x128xf32, #tpu.memory_space<hbm>>
    tpu.enqueue_indirect_dma source(%dma_start3A_27 : memref<10000x128xf32, #tpu.memory_space<hbm>>) target(%arg8 : memref<80x128xf32, #tpu.memory_space<vmem>>) offsets(%arg16 : memref<80xi32, #tpu.memory_space<vmem>>) semaphore(%arg20 : memref<!tpu.dma_semaphore, #tpu.memory_space<semaphore_mem>>)
    %add3A_28 = arith.constant 0 : i32
    %add3A_29 = arith.addi %mul3A_2, %add3A_28 : i32
    %mul3A_30 = arith.constant 80 : i32
    %mul3A_31 = arith.muli %add3A_29, %mul3A_30 : i32
    %dma_start3A_32 = arith.constant 0 : i32
    %dma_start3A_33 = tpu.memref_slice %arg4[%mul3A_31, %dma_start3A_32] : memref<320000x128xf32, #tpu.memory_space<hbm>> -> memref<80x128xf32, #tpu.memory_space<hbm>>
    %dma_start3A_34 = arith.constant 0 : i32
    %dma_start3A_35 = tpu.memref_slice %arg4[%mul3A_31, %dma_start3A_34] : memref<320000x128xf32, #tpu.memory_space<hbm>> -> memref<80x128xf32, #tpu.memory_space<hbm>>
    tpu.enqueue_dma source(%dma_start3A_35 : memref<80x128xf32, #tpu.memory_space<hbm>>) target(%arg10 : memref<80x128xf32, #tpu.memory_space<vmem>>) target_semaphore(%arg22 : memref<!tpu.dma_semaphore, #tpu.memory_space<semaphore_mem>>)
    %dma_wait3A = arith.constant 0 : i32
    %dma_wait3A_36 = arith.constant 0 : i32
    %dma_wait3A_37 = tpu.memref_slice %arg5[%dma_wait3A, %dma_wait3A_36] : memref<10000x128xf32, #tpu.memory_space<hbm>> -> memref<80x128xf32, #tpu.memory_space<hbm>>
    %dma_wait3A_38 = arith.constant 0 : i32
    %dma_wait3A_39 = arith.constant 0 : i32
    %dma_wait3A_40 = tpu.memref_slice %arg5[%dma_wait3A_38, %dma_wait3A_39] : memref<10000x128xf32, #tpu.memory_space<hbm>> -> memref<80x128xf32, #tpu.memory_space<hbm>>
    tpu.wait_dma2 semaphore(%arg20 : memref<!tpu.dma_semaphore, #tpu.memory_space<semaphore_mem>>) src(%dma_wait3A_40 : memref<80x128xf32, #tpu.memory_space<hbm>>) dst(%arg8 : memref<80x128xf32, #tpu.memory_space<vmem>>)
    %dma_wait3A_41 = arith.constant 0 : i32
    %dma_wait3A_42 = arith.constant 0 : i32
    %dma_wait3A_43 = tpu.memref_slice %arg4[%dma_wait3A_41, %dma_wait3A_42] : memref<320000x128xf32, #tpu.memory_space<hbm>> -> memref<80x128xf32, #tpu.memory_space<hbm>>
    %dma_wait3A_44 = arith.constant 0 : i32
    %dma_wait3A_45 = arith.constant 0 : i32
    %dma_wait3A_46 = tpu.memref_slice %arg4[%dma_wait3A_44, %dma_wait3A_45] : memref<320000x128xf32, #tpu.memory_space<hbm>> -> memref<80x128xf32, #tpu.memory_space<hbm>>
    tpu.wait_dma2 semaphore(%arg22 : memref<!tpu.dma_semaphore, #tpu.memory_space<semaphore_mem>>) src(%dma_wait3A_46 : memref<80x128xf32, #tpu.memory_space<hbm>>) dst(%arg10 : memref<80x128xf32, #tpu.memory_space<vmem>>)
    %dma_start3A_47 = arith.constant 0 : i32
    %dma_start3A_48 = arith.constant 0 : i32
    %dma_start3A_49 = tpu.memref_slice %arg5[%dma_start3A_47, %dma_start3A_48] : memref<10000x128xf32, #tpu.memory_space<hbm>> -> memref<10000x128xf32, #tpu.memory_space<hbm>>
    tpu.enqueue_indirect_dma source(%dma_start3A_49 : memref<10000x128xf32, #tpu.memory_space<hbm>>) target(%arg9 : memref<80x128xf32, #tpu.memory_space<vmem>>) offsets(%arg17 : memref<80xi32, #tpu.memory_space<vmem>>) semaphore(%arg21 : memref<!tpu.dma_semaphore, #tpu.memory_space<semaphore_mem>>)
    %add3A_50 = arith.constant 1 : i32
    %add3A_51 = arith.addi %mul3A_2, %add3A_50 : i32
    %mul3A_52 = arith.constant 80 : i32
    %mul3A_53 = arith.muli %add3A_51, %mul3A_52 : i32
    %dma_start3A_54 = arith.constant 0 : i32
    %dma_start3A_55 = tpu.memref_slice %arg4[%mul3A_53, %dma_start3A_54] : memref<320000x128xf32, #tpu.memory_space<hbm>> -> memref<80x128xf32, #tpu.memory_space<hbm>>
    %dma_start3A_56 = arith.constant 0 : i32
    %dma_start3A_57 = tpu.memref_slice %arg4[%mul3A_53, %dma_start3A_56] : memref<320000x128xf32, #tpu.memory_space<hbm>> -> memref<80x128xf32, #tpu.memory_space<hbm>>
    tpu.enqueue_dma source(%dma_start3A_57 : memref<80x128xf32, #tpu.memory_space<hbm>>) target(%arg11 : memref<80x128xf32, #tpu.memory_space<vmem>>) target_semaphore(%arg23 : memref<!tpu.dma_semaphore, #tpu.memory_space<semaphore_mem>>)
    %parallel_loop3A_58 = arith.constant 0 : i32
    %parallel_loop3A_59 = arith.constant 80 : i32
    %parallel_loop3A_60 = arith.constant 1 : i32
    scf.for %parallel_loop3A_253 = %parallel_loop3A_58 to %parallel_loop3A_59 step %parallel_loop3A_60  : i32 {
      %parallel_loop3A_254 = arith.index_cast %parallel_loop3A_253 : i32 to index
      %parallel_loop3A_255 = arith.constant 0 : index
      %parallel_loop3A_256 = tpu.vector_load %arg8[%parallel_loop3A_254, %parallel_loop3A_255] {strides = array<i32>} : memref<80x128xf32, #tpu.memory_space<vmem>>, vector<16xf32>,
      %parallel_loop3A_257 = arith.index_cast %parallel_loop3A_253 : i32 to index
      %parallel_loop3A_258 = arith.constant 0 : index
      %parallel_loop3A_259 = tpu.vector_load %arg10[%parallel_loop3A_257, %parallel_loop3A_258] {strides = array<i32>} : memref<80x128xf32, #tpu.memory_space<vmem>>, vector<16xf32>,
      %parallel_loop3A_260 = arith.mulf %parallel_loop3A_256, %parallel_loop3A_259 : vector<16xf32>
      %parallel_loop3A_261 = arith.index_cast %parallel_loop3A_253 : i32 to index
      %parallel_loop3A_262 = arith.constant 0 : index
      %parallel_loop3A_263 = tpu.vector_load %arg8[%parallel_loop3A_261, %parallel_loop3A_262] {strides = array<i32>} : memref<80x128xf32, #tpu.memory_space<vmem>>, vector<16xf32>,
      tpu.vector_store %arg8[%parallel_loop3A_261, %parallel_loop3A_262], %parallel_loop3A_260 {strides = array<i32>} : memref<80x128xf32, #tpu.memory_space<vmem>>, vector<16xf32>,
      %parallel_loop3A_264 = arith.index_cast %parallel_loop3A_253 : i32 to index
      %parallel_loop3A_265 = arith.constant 16 : index
      %parallel_loop3A_266 = tpu.vector_load %arg8[%parallel_loop3A_264, %parallel_loop3A_265] {strides = array<i32>} : memref<80x128xf32, #tpu.memory_space<vmem>>, vector<16xf32>,
      %parallel_loop3A_267 = arith.index_cast %parallel_loop3A_253 : i32 to index
      %parallel_loop3A_268 = arith.constant 16 : index
      %parallel_loop3A_269 = tpu.vector_load %arg10[%parallel_loop3A_267, %parallel_loop3A_268] {strides = array<i32>} : memref<80x128xf32, #tpu.memory_space<vmem>>, vector<16xf32>,
      %parallel_loop3A_270 = arith.mulf %parallel_loop3A_266, %parallel_loop3A_269 : vector<16xf32>
      %parallel_loop3A_271 = arith.index_cast %parallel_loop3A_253 : i32 to index
      %parallel_loop3A_272 = arith.constant 16 : index
      %parallel_loop3A_273 = tpu.vector_load %arg8[%parallel_loop3A_271, %parallel_loop3A_272] {strides = array<i32>} : memref<80x128xf32, #tpu.memory_space<vmem>>, vector<16xf32>,
      tpu.vector_store %arg8[%parallel_loop3A_271, %parallel_loop3A_272], %parallel_loop3A_270 {strides = array<i32>} : memref<80x128xf32, #tpu.memory_space<vmem>>, vector<16xf32>,
      %parallel_loop3A_274 = arith.index_cast %parallel_loop3A_253 : i32 to index
      %parallel_loop3A_275 = arith.constant 32 : index
      %parallel_loop3A_276 = tpu.vector_load %arg8[%parallel_loop3A_274, %parallel_loop3A_275] {strides = array<i32>} : memref<80x128xf32, #tpu.memory_space<vmem>>, vector<16xf32>,
      %parallel_loop3A_277 = arith.index_cast %parallel_loop3A_253 : i32 to index
      %parallel_loop3A_278 = arith.constant 32 : index
      %parallel_loop3A_279 = tpu.vector_load %arg10[%parallel_loop3A_277, %parallel_loop3A_278] {strides = array<i32>} : memref<80x128xf32, #tpu.memory_space<vmem>>, vector<16xf32>,
      %parallel_loop3A_280 = arith.mulf %parallel_loop3A_276, %parallel_loop3A_279 : vector<16xf32>
      %parallel_loop3A_281 = arith.index_cast %parallel_loop3A_253 : i32 to index
      %parallel_loop3A_282 = arith.constant 32 : index
      %parallel_loop3A_283 = tpu.vector_load %arg8[%parallel_loop3A_281, %parallel_loop3A_282] {strides = array<i32>} : memref<80x128xf32, #tpu.memory_space<vmem>>, vector<16xf32>,
      tpu.vector_store %arg8[%parallel_loop3A_281, %parallel_loop3A_282], %parallel_loop3A_280 {strides = array<i32>} : memref<80x128xf32, #tpu.memory_space<vmem>>, vector<16xf32>,
      %parallel_loop3A_284 = arith.index_cast %parallel_loop3A_253 : i32 to index
      %parallel_loop3A_285 = arith.constant 48 : index
      %parallel_loop3A_286 = tpu.vector_load %arg8[%parallel_loop3A_284, %parallel_loop3A_285] {strides = array<i32>} : memref<80x128xf32, #tpu.memory_space<vmem>>, vector<16xf32>,
      %parallel_loop3A_287 = arith.index_cast %parallel_loop3A_253 : i32 to index
      %parallel_loop3A_288 = arith.constant 48 : index
      %parallel_loop3A_289 = tpu.vector_load %arg10[%parallel_loop3A_287, %parallel_loop3A_288] {strides = array<i32>} : memref<80x128xf32, #tpu.memory_space<vmem>>, vector<16xf32>,
      %parallel_loop3A_290 = arith.mulf %parallel_loop3A_286, %parallel_loop3A_289 : vector<16xf32>
      %parallel_loop3A_291 = arith.index_cast %parallel_loop3A_253 : i32 to index
      %parallel_loop3A_292 = arith.constant 48 : index
      %parallel_loop3A_293 = tpu.vector_load %arg8[%parallel_loop3A_291, %parallel_loop3A_292] {strides = array<i32>} : memref<80x128xf32, #tpu.memory_space<vmem>>, vector<16xf32>,
      tpu.vector_store %arg8[%parallel_loop3A_291, %parallel_loop3A_292], %parallel_loop3A_290 {strides = array<i32>} : memref<80x128xf32, #tpu.memory_space<vmem>>, vector<16xf32>,
      %parallel_loop3A_294 = arith.index_cast %parallel_loop3A_253 : i32 to index
      %parallel_loop3A_295 = arith.constant 64 : index
      %parallel_loop3A_296 = tpu.vector_load %arg8[%parallel_loop3A_294, %parallel_loop3A_295] {strides = array<i32>} : memref<80x128xf32, #tpu.memory_space<vmem>>, vector<16xf32>,
      %parallel_loop3A_297 = arith.index_cast %parallel_loop3A_253 : i32 to index
      %parallel_loop3A_298 = arith.constant 64 : index
      %parallel_loop3A_299 = tpu.vector_load %arg10[%parallel_loop3A_297, %parallel_loop3A_298] {strides = array<i32>} : memref<80x128xf32, #tpu.memory_space<vmem>>, vector<16xf32>,
      %parallel_loop3A_300 = arith.mulf %parallel_loop3A_296, %parallel_loop3A_299 : vector<16xf32>
      %parallel_loop3A_301 = arith.index_cast %parallel_loop3A_253 : i32 to index
      %parallel_loop3A_302 = arith.constant 64 : index
      %parallel_loop3A_303 = tpu.vector_load %arg8[%parallel_loop3A_301, %parallel_loop3A_302] {strides = array<i32>} : memref<80x128xf32, #tpu.memory_space<vmem>>, vector<16xf32>,
      tpu.vector_store %arg8[%parallel_loop3A_301, %parallel_loop3A_302], %parallel_loop3A_300 {strides = array<i32>} : memref<80x128xf32, #tpu.memory_space<vmem>>, vector<16xf32>,
      %parallel_loop3A_304 = arith.index_cast %parallel_loop3A_253 : i32 to index
      %parallel_loop3A_305 = arith.constant 80 : index
      %parallel_loop3A_306 = tpu.vector_load %arg8[%parallel_loop3A_304, %parallel_loop3A_305] {strides = array<i32>} : memref<80x128xf32, #tpu.memory_space<vmem>>, vector<16xf32>,
      %parallel_loop3A_307 = arith.index_cast %parallel_loop3A_253 : i32 to index
      %parallel_loop3A_308 = arith.constant 80 : index
      %parallel_loop3A_309 = tpu.vector_load %arg10[%parallel_loop3A_307, %parallel_loop3A_308] {strides = array<i32>} : memref<80x128xf32, #tpu.memory_space<vmem>>, vector<16xf32>,
      %parallel_loop3A_310 = arith.mulf %parallel_loop3A_306, %parallel_loop3A_309 : vector<16xf32>
      %parallel_loop3A_311 = arith.index_cast %parallel_loop3A_253 : i32 to index
      %parallel_loop3A_312 = arith.constant 80 : index
      %parallel_loop3A_313 = tpu.vector_load %arg8[%parallel_loop3A_311, %parallel_loop3A_312] {strides = array<i32>} : memref<80x128xf32, #tpu.memory_space<vmem>>, vector<16xf32>,
      tpu.vector_store %arg8[%parallel_loop3A_311, %parallel_loop3A_312], %parallel_loop3A_310 {strides = array<i32>} : memref<80x128xf32, #tpu.memory_space<vmem>>, vector<16xf32>,
      %parallel_loop3A_314 = arith.index_cast %parallel_loop3A_253 : i32 to index
      %parallel_loop3A_315 = arith.constant 96 : index
      %parallel_loop3A_316 = tpu.vector_load %arg8[%parallel_loop3A_314, %parallel_loop3A_315] {strides = array<i32>} : memref<80x128xf32, #tpu.memory_space<vmem>>, vector<16xf32>,
      %parallel_loop3A_317 = arith.index_cast %parallel_loop3A_253 : i32 to index
      %parallel_loop3A_318 = arith.constant 96 : index
      %parallel_loop3A_319 = tpu.vector_load %arg10[%parallel_loop3A_317, %parallel_loop3A_318] {strides = array<i32>} : memref<80x128xf32, #tpu.memory_space<vmem>>, vector<16xf32>,
      %parallel_loop3A_320 = arith.mulf %parallel_loop3A_316, %parallel_loop3A_319 : vector<16xf32>
      %parallel_loop3A_321 = arith.index_cast %parallel_loop3A_253 : i32 to index
      %parallel_loop3A_322 = arith.constant 96 : index
      %parallel_loop3A_323 = tpu.vector_load %arg8[%parallel_loop3A_321, %parallel_loop3A_322] {strides = array<i32>} : memref<80x128xf32, #tpu.memory_space<vmem>>, vector<16xf32>,
      tpu.vector_store %arg8[%parallel_loop3A_321, %parallel_loop3A_322], %parallel_loop3A_320 {strides = array<i32>} : memref<80x128xf32, #tpu.memory_space<vmem>>, vector<16xf32>,
      %parallel_loop3A_324 = arith.index_cast %parallel_loop3A_253 : i32 to index
      %parallel_loop3A_325 = arith.constant 112 : index
      %parallel_loop3A_326 = tpu.vector_load %arg8[%parallel_loop3A_324, %parallel_loop3A_325] {strides = array<i32>} : memref<80x128xf32, #tpu.memory_space<vmem>>, vector<16xf32>,
      %parallel_loop3A_327 = arith.index_cast %parallel_loop3A_253 : i32 to index
      %parallel_loop3A_328 = arith.constant 112 : index
      %parallel_loop3A_329 = tpu.vector_load %arg10[%parallel_loop3A_327, %parallel_loop3A_328] {strides = array<i32>} : memref<80x128xf32, #tpu.memory_space<vmem>>, vector<16xf32>,
      %parallel_loop3A_330 = arith.mulf %parallel_loop3A_326, %parallel_loop3A_329 : vector<16xf32>
      %parallel_loop3A_331 = arith.index_cast %parallel_loop3A_253 : i32 to index
      %parallel_loop3A_332 = arith.constant 112 : index
      %parallel_loop3A_333 = tpu.vector_load %arg8[%parallel_loop3A_331, %parallel_loop3A_332] {strides = array<i32>} : memref<80x128xf32, #tpu.memory_space<vmem>>, vector<16xf32>,
      tpu.vector_store %arg8[%parallel_loop3A_331, %parallel_loop3A_332], %parallel_loop3A_330 {strides = array<i32>} : memref<80x128xf32, #tpu.memory_space<vmem>>, vector<16xf32>,
    } {sc.loop_unroll_factor = 2 : i64, sc.parallel_access}
    %dma_start3A_61 = arith.constant 0 : i32
    %dma_start3A_62 = arith.constant 0 : i32
    %dma_start3A_63 = tpu.memref_slice %arg7[%dma_start3A_61, %dma_start3A_62] : memref<10112x128xf32, #tpu.memory_space<vmem_shared>> -> memref<10112x128xf32, #tpu.memory_space<vmem_shared>>
    tpu.enqueue_indirect_dma source(%arg8 : memref<80x128xf32, #tpu.memory_space<vmem>>) target(%dma_start3A_63 : memref<10112x128xf32, #tpu.memory_space<vmem_shared>>) offsets(%arg12 : memref<80xi32, #tpu.memory_space<vmem>>) semaphore(%arg24 : memref<!tpu.dma_semaphore, #tpu.memory_space<semaphore_mem>>) {add = true}
    %add3A_64 = arith.constant 2 : i32
    %add3A_65 = arith.addi %mul3A_2, %add3A_64 : i32
    %mul3A_66 = arith.constant 80 : i32
    %mul3A_67 = arith.muli %add3A_65, %mul3A_66 : i32
    %dma_start3A_68 = tpu.memref_slice %arg2[%mul3A_67] : memref<320000xi32, #tpu.memory_space<hbm>> -> memref<80xi32, #tpu.memory_space<hbm>>
    %dma_start3A_69 = tpu.memref_slice %arg2[%mul3A_67] : memref<320000xi32, #tpu.memory_space<hbm>> -> memref<80xi32, #tpu.memory_space<hbm>>
    tpu.enqueue_dma source(%dma_start3A_69 : memref<80xi32, #tpu.memory_space<hbm>>) target(%arg14 : memref<80xi32, #tpu.memory_space<vmem>>) target_semaphore(%arg28 : memref<!tpu.dma_semaphore, #tpu.memory_space<semaphore_mem>>)
    %dma_start3A_70 = tpu.memref_slice %arg3[%mul3A_67] : memref<320000xi32, #tpu.memory_space<hbm>> -> memref<80xi32, #tpu.memory_space<hbm>>
    %dma_start3A_71 = tpu.memref_slice %arg3[%mul3A_67] : memref<320000xi32, #tpu.memory_space<hbm>> -> memref<80xi32, #tpu.memory_space<hbm>>
    tpu.enqueue_dma source(%dma_start3A_71 : memref<80xi32, #tpu.memory_space<hbm>>) target(%arg18 : memref<80xi32, #tpu.memory_space<vmem>>) target_semaphore(%arg28 : memref<!tpu.dma_semaphore, #tpu.memory_space<semaphore_mem>>)
    %dma_wait3A_72 = arith.constant 0 : i32
    %dma_wait3A_73 = arith.constant 0 : i32
    %dma_wait3A_74 = tpu.memref_slice %arg5[%dma_wait3A_72, %dma_wait3A_73] : memref<10000x128xf32, #tpu.memory_space<hbm>> -> memref<80x128xf32, #tpu.memory_space<hbm>>
    %dma_wait3A_75 = arith.constant 0 : i32
    %dma_wait3A_76 = arith.constant 0 : i32
    %dma_wait3A_77 = tpu.memref_slice %arg5[%dma_wait3A_75, %dma_wait3A_76] : memref<10000x128xf32, #tpu.memory_space<hbm>> -> memref<80x128xf32, #tpu.memory_space<hbm>>
    tpu.wait_dma2 semaphore(%arg21 : memref<!tpu.dma_semaphore, #tpu.memory_space<semaphore_mem>>) src(%dma_wait3A_77 : memref<80x128xf32, #tpu.memory_space<hbm>>) dst(%arg9 : memref<80x128xf32, #tpu.memory_space<vmem>>)
    %dma_wait3A_78 = arith.constant 0 : i32
    %dma_wait3A_79 = arith.constant 0 : i32
    %dma_wait3A_80 = tpu.memref_slice %arg4[%dma_wait3A_78, %dma_wait3A_79] : memref<320000x128xf32, #tpu.memory_space<hbm>> -> memref<80x128xf32, #tpu.memory_space<hbm>>
    %dma_wait3A_81 = arith.constant 0 : i32
    %dma_wait3A_82 = arith.constant 0 : i32
    %dma_wait3A_83 = tpu.memref_slice %arg4[%dma_wait3A_81, %dma_wait3A_82] : memref<320000x128xf32, #tpu.memory_space<hbm>> -> memref<80x128xf32, #tpu.memory_space<hbm>>
    tpu.wait_dma2 semaphore(%arg23 : memref<!tpu.dma_semaphore, #tpu.memory_space<semaphore_mem>>) src(%dma_wait3A_83 : memref<80x128xf32, #tpu.memory_space<hbm>>) dst(%arg11 : memref<80x128xf32, #tpu.memory_space<vmem>>)
    %dma_wait3A_84 = arith.constant 0 : i32
    %dma_wait3A_85 = arith.constant 0 : i32
    %dma_wait3A_86 = tpu.memref_slice %arg5[%dma_wait3A_84, %dma_wait3A_85] : memref<10000x128xf32, #tpu.memory_space<hbm>> -> memref<80x128xf32, #tpu.memory_space<hbm>>
    %dma_wait3A_87 = arith.constant 0 : i32
    %dma_wait3A_88 = arith.constant 0 : i32
    %dma_wait3A_89 = tpu.memref_slice %arg5[%dma_wait3A_87, %dma_wait3A_88] : memref<10000x128xf32, #tpu.memory_space<hbm>> -> memref<80x128xf32, #tpu.memory_space<hbm>>
    tpu.wait_dma2 semaphore(%arg24 : memref<!tpu.dma_semaphore, #tpu.memory_space<semaphore_mem>>) src(%dma_wait3A_89 : memref<80x128xf32, #tpu.memory_space<hbm>>) dst(%arg8 : memref<80x128xf32, #tpu.memory_space<vmem>>)
    %dma_wait3A_90 = arith.constant 0 : i32
    %dma_wait3A_91 = tpu.memref_slice %arg2[%dma_wait3A_90] : memref<320000xi32, #tpu.memory_space<hbm>> -> memref<80xi32, #tpu.memory_space<hbm>>
    %dma_wait3A_92 = arith.constant 0 : i32
    %dma_wait3A_93 = tpu.memref_slice %arg2[%dma_wait3A_92] : memref<320000xi32, #tpu.memory_space<hbm>> -> memref<80xi32, #tpu.memory_space<hbm>>
    tpu.wait_dma2 semaphore(%arg28 : memref<!tpu.dma_semaphore, #tpu.memory_space<semaphore_mem>>) src(%dma_wait3A_93 : memref<80xi32, #tpu.memory_space<hbm>>) dst(%arg14 : memref<80xi32, #tpu.memory_space<vmem>>)
    %dma_wait3A_94 = arith.constant 0 : i32
    %dma_wait3A_95 = tpu.memref_slice %arg3[%dma_wait3A_94] : memref<320000xi32, #tpu.memory_space<hbm>> -> memref<80xi32, #tpu.memory_space<hbm>>
    %dma_wait3A_96 = arith.constant 0 : i32
    %dma_wait3A_97 = tpu.memref_slice %arg3[%dma_wait3A_96] : memref<320000xi32, #tpu.memory_space<hbm>> -> memref<80xi32, #tpu.memory_space<hbm>>
    tpu.wait_dma2 semaphore(%arg28 : memref<!tpu.dma_semaphore, #tpu.memory_space<semaphore_mem>>) src(%dma_wait3A_97 : memref<80xi32, #tpu.memory_space<hbm>>) dst(%arg18 : memref<80xi32, #tpu.memory_space<vmem>>)
    %dma_start3A_98 = arith.constant 0 : i32
    %dma_start3A_99 = arith.constant 0 : i32
    %dma_start3A_100 = tpu.memref_slice %arg5[%dma_start3A_98, %dma_start3A_99] : memref<10000x128xf32, #tpu.memory_space<hbm>> -> memref<10000x128xf32, #tpu.memory_space<hbm>>
    tpu.enqueue_indirect_dma source(%dma_start3A_100 : memref<10000x128xf32, #tpu.memory_space<hbm>>) target(%arg8 : memref<80x128xf32, #tpu.memory_space<vmem>>) offsets(%arg18 : memref<80xi32, #tpu.memory_space<vmem>>) semaphore(%arg20 : memref<!tpu.dma_semaphore, #tpu.memory_space<semaphore_mem>>)
    %add3A_101 = arith.constant 2 : i32
    %add3A_102 = arith.addi %mul3A_2, %add3A_101 : i32
    %mul3A_103 = arith.constant 80 : i32
    %mul3A_104 = arith.muli %add3A_102, %mul3A_103 : i32
    %dma_start3A_105 = arith.constant 0 : i32
    %dma_start3A_106 = tpu.memref_slice %arg4[%mul3A_104, %dma_start3A_105] : memref<320000x128xf32, #tpu.memory_space<hbm>> -> memref<80x128xf32, #tpu.memory_space<hbm>>
    %dma_start3A_107 = arith.constant 0 : i32
    %dma_start3A_108 = tpu.memref_slice %arg4[%mul3A_104, %dma_start3A_107] : memref<320000x128xf32, #tpu.memory_space<hbm>> -> memref<80x128xf32, #tpu.memory_space<hbm>>
    tpu.enqueue_dma source(%dma_start3A_108 : memref<80x128xf32, #tpu.memory_space<hbm>>) target(%arg10 : memref<80x128xf32, #tpu.memory_space<vmem>>) target_semaphore(%arg22 : memref<!tpu.dma_semaphore, #tpu.memory_space<semaphore_mem>>)
    %parallel_loop3A_109 = arith.constant 0 : i32
    %parallel_loop3A_110 = arith.constant 80 : i32
    %parallel_loop3A_111 = arith.constant 1 : i32
    scf.for %parallel_loop3A_253 = %parallel_loop3A_109 to %parallel_loop3A_110 step %parallel_loop3A_111  : i32 {
      %parallel_loop3A_254 = arith.index_cast %parallel_loop3A_253 : i32 to index
      %parallel_loop3A_255 = arith.constant 0 : index
      %parallel_loop3A_256 = tpu.vector_load %arg9[%parallel_loop3A_254, %parallel_loop3A_255] {strides = array<i32>} : memref<80x128xf32, #tpu.memory_space<vmem>>, vector<16xf32>,
      %parallel_loop3A_257 = arith.index_cast %parallel_loop3A_253 : i32 to index
      %parallel_loop3A_258 = arith.constant 0 : index
      %parallel_loop3A_259 = tpu.vector_load %arg11[%parallel_loop3A_257, %parallel_loop3A_258] {strides = array<i32>} : memref<80x128xf32, #tpu.memory_space<vmem>>, vector<16xf32>,
      %parallel_loop3A_260 = arith.mulf %parallel_loop3A_256, %parallel_loop3A_259 : vector<16xf32>
      %parallel_loop3A_261 = arith.index_cast %parallel_loop3A_253 : i32 to index
      %parallel_loop3A_262 = arith.constant 0 : index
      %parallel_loop3A_263 = tpu.vector_load %arg9[%parallel_loop3A_261, %parallel_loop3A_262] {strides = array<i32>} : memref<80x128xf32, #tpu.memory_space<vmem>>, vector<16xf32>,
      tpu.vector_store %arg9[%parallel_loop3A_261, %parallel_loop3A_262], %parallel_loop3A_260 {strides = array<i32>} : memref<80x128xf32, #tpu.memory_space<vmem>>, vector<16xf32>,
      %parallel_loop3A_264 = arith.index_cast %parallel_loop3A_253 : i32 to index
      %parallel_loop3A_265 = arith.constant 16 : index
      %parallel_loop3A_266 = tpu.vector_load %arg9[%parallel_loop3A_264, %parallel_loop3A_265] {strides = array<i32>} : memref<80x128xf32, #tpu.memory_space<vmem>>, vector<16xf32>,
      %parallel_loop3A_267 = arith.index_cast %parallel_loop3A_253 : i32 to index
      %parallel_loop3A_268 = arith.constant 16 : index
      %parallel_loop3A_269 = tpu.vector_load %arg11[%parallel_loop3A_267, %parallel_loop3A_268] {strides = array<i32>} : memref<80x128xf32, #tpu.memory_space<vmem>>, vector<16xf32>,
      %parallel_loop3A_270 = arith.mulf %parallel_loop3A_266, %parallel_loop3A_269 : vector<16xf32>
      %parallel_loop3A_271 = arith.index_cast %parallel_loop3A_253 : i32 to index
      %parallel_loop3A_272 = arith.constant 16 : index
      %parallel_loop3A_273 = tpu.vector_load %arg9[%parallel_loop3A_271, %parallel_loop3A_272] {strides = array<i32>} : memref<80x128xf32, #tpu.memory_space<vmem>>, vector<16xf32>,
      tpu.vector_store %arg9[%parallel_loop3A_271, %parallel_loop3A_272], %parallel_loop3A_270 {strides = array<i32>} : memref<80x128xf32, #tpu.memory_space<vmem>>, vector<16xf32>,
      %parallel_loop3A_274 = arith.index_cast %parallel_loop3A_253 : i32 to index
      %parallel_loop3A_275 = arith.constant 32 : index
      %parallel_loop3A_276 = tpu.vector_load %arg9[%parallel_loop3A_274, %parallel_loop3A_275] {strides = array<i32>} : memref<80x128xf32, #tpu.memory_space<vmem>>, vector<16xf32>,
      %parallel_loop3A_277 = arith.index_cast %parallel_loop3A_253 : i32 to index
      %parallel_loop3A_278 = arith.constant 32 : index
      %parallel_loop3A_279 = tpu.vector_load %arg11[%parallel_loop3A_277, %parallel_loop3A_278] {strides = array<i32>} : memref<80x128xf32, #tpu.memory_space<vmem>>, vector<16xf32>,
      %parallel_loop3A_280 = arith.mulf %parallel_loop3A_276, %parallel_loop3A_279 : vector<16xf32>
      %parallel_loop3A_281 = arith.index_cast %parallel_loop3A_253 : i32 to index
      %parallel_loop3A_282 = arith.constant 32 : index
      %parallel_loop3A_283 = tpu.vector_load %arg9[%parallel_loop3A_281, %parallel_loop3A_282] {strides = array<i32>} : memref<80x128xf32, #tpu.memory_space<vmem>>, vector<16xf32>,
      tpu.vector_store %arg9[%parallel_loop3A_281, %parallel_loop3A_282], %parallel_loop3A_280 {strides = array<i32>} : memref<80x128xf32, #tpu.memory_space<vmem>>, vector<16xf32>,
      %parallel_loop3A_284 = arith.index_cast %parallel_loop3A_253 : i32 to index
      %parallel_loop3A_285 = arith.constant 48 : index
      %parallel_loop3A_286 = tpu.vector_load %arg9[%parallel_loop3A_284, %parallel_loop3A_285] {strides = array<i32>} : memref<80x128xf32, #tpu.memory_space<vmem>>, vector<16xf32>,
      %parallel_loop3A_287 = arith.index_cast %parallel_loop3A_253 : i32 to index
      %parallel_loop3A_288 = arith.constant 48 : index
      %parallel_loop3A_289 = tpu.vector_load %arg11[%parallel_loop3A_287, %parallel_loop3A_288] {strides = array<i32>} : memref<80x128xf32, #tpu.memory_space<vmem>>, vector<16xf32>,
      %parallel_loop3A_290 = arith.mulf %parallel_loop3A_286, %parallel_loop3A_289 : vector<16xf32>
      %parallel_loop3A_291 = arith.index_cast %parallel_loop3A_253 : i32 to index
      %parallel_loop3A_292 = arith.constant 48 : index
      %parallel_loop3A_293 = tpu.vector_load %arg9[%parallel_loop3A_291, %parallel_loop3A_292] {strides = array<i32>} : memref<80x128xf32, #tpu.memory_space<vmem>>, vector<16xf32>,
      tpu.vector_store %arg9[%parallel_loop3A_291, %parallel_loop3A_292], %parallel_loop3A_290 {strides = array<i32>} : memref<80x128xf32, #tpu.memory_space<vmem>>, vector<16xf32>,
      %parallel_loop3A_294 = arith.index_cast %parallel_loop3A_253 : i32 to index
      %parallel_loop3A_295 = arith.constant 64 : index
      %parallel_loop3A_296 = tpu.vector_load %arg9[%parallel_loop3A_294, %parallel_loop3A_295] {strides = array<i32>} : memref<80x128xf32, #tpu.memory_space<vmem>>, vector<16xf32>,
      %parallel_loop3A_297 = arith.index_cast %parallel_loop3A_253 : i32 to index
      %parallel_loop3A_298 = arith.constant 64 : index
      %parallel_loop3A_299 = tpu.vector_load %arg11[%parallel_loop3A_297, %parallel_loop3A_298] {strides = array<i32>} : memref<80x128xf32, #tpu.memory_space<vmem>>, vector<16xf32>,
      %parallel_loop3A_300 = arith.mulf %parallel_loop3A_296, %parallel_loop3A_299 : vector<16xf32>
      %parallel_loop3A_301 = arith.index_cast %parallel_loop3A_253 : i32 to index
      %parallel_loop3A_302 = arith.constant 64 : index
      %parallel_loop3A_303 = tpu.vector_load %arg9[%parallel_loop3A_301, %parallel_loop3A_302] {strides = array<i32>} : memref<80x128xf32, #tpu.memory_space<vmem>>, vector<16xf32>,
      tpu.vector_store %arg9[%parallel_loop3A_301, %parallel_loop3A_302], %parallel_loop3A_300 {strides = array<i32>} : memref<80x128xf32, #tpu.memory_space<vmem>>, vector<16xf32>,
      %parallel_loop3A_304 = arith.index_cast %parallel_loop3A_253 : i32 to index
      %parallel_loop3A_305 = arith.constant 80 : index
      %parallel_loop3A_306 = tpu.vector_load %arg9[%parallel_loop3A_304, %parallel_loop3A_305] {strides = array<i32>} : memref<80x128xf32, #tpu.memory_space<vmem>>, vector<16xf32>,
      %parallel_loop3A_307 = arith.index_cast %parallel_loop3A_253 : i32 to index
      %parallel_loop3A_308 = arith.constant 80 : index
      %parallel_loop3A_309 = tpu.vector_load %arg11[%parallel_loop3A_307, %parallel_loop3A_308] {strides = array<i32>} : memref<80x128xf32, #tpu.memory_space<vmem>>, vector<16xf32>,
      %parallel_loop3A_310 = arith.mulf %parallel_loop3A_306, %parallel_loop3A_309 : vector<16xf32>
      %parallel_loop3A_311 = arith.index_cast %parallel_loop3A_253 : i32 to index
      %parallel_loop3A_312 = arith.constant 80 : index
      %parallel_loop3A_313 = tpu.vector_load %arg9[%parallel_loop3A_311, %parallel_loop3A_312] {strides = array<i32>} : memref<80x128xf32, #tpu.memory_space<vmem>>, vector<16xf32>,
      tpu.vector_store %arg9[%parallel_loop3A_311, %parallel_loop3A_312], %parallel_loop3A_310 {strides = array<i32>} : memref<80x128xf32, #tpu.memory_space<vmem>>, vector<16xf32>,
      %parallel_loop3A_314 = arith.index_cast %parallel_loop3A_253 : i32 to index
      %parallel_loop3A_315 = arith.constant 96 : index
      %parallel_loop3A_316 = tpu.vector_load %arg9[%parallel_loop3A_314, %parallel_loop3A_315] {strides = array<i32>} : memref<80x128xf32, #tpu.memory_space<vmem>>, vector<16xf32>,
      %parallel_loop3A_317 = arith.index_cast %parallel_loop3A_253 : i32 to index
      %parallel_loop3A_318 = arith.constant 96 : index
      %parallel_loop3A_319 = tpu.vector_load %arg11[%parallel_loop3A_317, %parallel_loop3A_318] {strides = array<i32>} : memref<80x128xf32, #tpu.memory_space<vmem>>, vector<16xf32>,
      %parallel_loop3A_320 = arith.mulf %parallel_loop3A_316, %parallel_loop3A_319 : vector<16xf32>
      %parallel_loop3A_321 = arith.index_cast %parallel_loop3A_253 : i32 to index
      %parallel_loop3A_322 = arith.constant 96 : index
      %parallel_loop3A_323 = tpu.vector_load %arg9[%parallel_loop3A_321, %parallel_loop3A_322] {strides = array<i32>} : memref<80x128xf32, #tpu.memory_space<vmem>>, vector<16xf32>,
      tpu.vector_store %arg9[%parallel_loop3A_321, %parallel_loop3A_322], %parallel_loop3A_320 {strides = array<i32>} : memref<80x128xf32, #tpu.memory_space<vmem>>, vector<16xf32>,
      %parallel_loop3A_324 = arith.index_cast %parallel_loop3A_253 : i32 to index
      %parallel_loop3A_325 = arith.constant 112 : index
      %parallel_loop3A_326 = tpu.vector_load %arg9[%parallel_loop3A_324, %parallel_loop3A_325] {strides = array<i32>} : memref<80x128xf32, #tpu.memory_space<vmem>>, vector<16xf32>,
      %parallel_loop3A_327 = arith.index_cast %parallel_loop3A_253 : i32 to index
      %parallel_loop3A_328 = arith.constant 112 : index
      %parallel_loop3A_329 = tpu.vector_load %arg11[%parallel_loop3A_327, %parallel_loop3A_328] {strides = array<i32>} : memref<80x128xf32, #tpu.memory_space<vmem>>, vector<16xf32>,
      %parallel_loop3A_330 = arith.mulf %parallel_loop3A_326, %parallel_loop3A_329 : vector<16xf32>
      %parallel_loop3A_331 = arith.index_cast %parallel_loop3A_253 : i32 to index
      %parallel_loop3A_332 = arith.constant 112 : index
      %parallel_loop3A_333 = tpu.vector_load %arg9[%parallel_loop3A_331, %parallel_loop3A_332] {strides = array<i32>} : memref<80x128xf32, #tpu.memory_space<vmem>>, vector<16xf32>,
      tpu.vector_store %arg9[%parallel_loop3A_331, %parallel_loop3A_332], %parallel_loop3A_330 {strides = array<i32>} : memref<80x128xf32, #tpu.memory_space<vmem>>, vector<16xf32>,
    } {sc.loop_unroll_factor = 2 : i64, sc.parallel_access}
    %dma_start3A_112 = arith.constant 0 : i32
    %dma_start3A_113 = arith.constant 0 : i32
    %dma_start3A_114 = tpu.memref_slice %arg7[%dma_start3A_112, %dma_start3A_113] : memref<10112x128xf32, #tpu.memory_space<vmem_shared>> -> memref<10112x128xf32, #tpu.memory_space<vmem_shared>>
    tpu.enqueue_indirect_dma source(%arg9 : memref<80x128xf32, #tpu.memory_space<vmem>>) target(%dma_start3A_114 : memref<10112x128xf32, #tpu.memory_space<vmem_shared>>) offsets(%arg13 : memref<80xi32, #tpu.memory_space<vmem>>) semaphore(%arg25 : memref<!tpu.dma_semaphore, #tpu.memory_space<semaphore_mem>>) {add = true}
    %add3A_115 = arith.constant 3 : i32
    %add3A_116 = arith.addi %mul3A_2, %add3A_115 : i32
    %mul3A_117 = arith.constant 80 : i32
    %mul3A_118 = arith.muli %add3A_116, %mul3A_117 : i32
    %dma_start3A_119 = tpu.memref_slice %arg2[%mul3A_118] : memref<320000xi32, #tpu.memory_space<hbm>> -> memref<80xi32, #tpu.memory_space<hbm>>
    %dma_start3A_120 = tpu.memref_slice %arg2[%mul3A_118] : memref<320000xi32, #tpu.memory_space<hbm>> -> memref<80xi32, #tpu.memory_space<hbm>>
    tpu.enqueue_dma source(%dma_start3A_120 : memref<80xi32, #tpu.memory_space<hbm>>) target(%arg15 : memref<80xi32, #tpu.memory_space<vmem>>) target_semaphore(%arg29 : memref<!tpu.dma_semaphore, #tpu.memory_space<semaphore_mem>>)
    %dma_start3A_121 = tpu.memref_slice %arg3[%mul3A_118] : memref<320000xi32, #tpu.memory_space<hbm>> -> memref<80xi32, #tpu.memory_space<hbm>>
    %dma_start3A_122 = tpu.memref_slice %arg3[%mul3A_118] : memref<320000xi32, #tpu.memory_space<hbm>> -> memref<80xi32, #tpu.memory_space<hbm>>
    tpu.enqueue_dma source(%dma_start3A_122 : memref<80xi32, #tpu.memory_space<hbm>>) target(%arg19 : memref<80xi32, #tpu.memory_space<vmem>>) target_semaphore(%arg29 : memref<!tpu.dma_semaphore, #tpu.memory_space<semaphore_mem>>)
    %scan3A_123 = arith.constant 0 : i32
    %scan3A_124 = arith.constant 30 : i32
    %scan3A_125 = arith.addi %scan3A_123, %scan3A_124 : i32
    %scan3A_126 = arith.constant 1 : i32
    scf.for %scan3A_253 = %scan3A_123 to %scan3A_125 step %scan3A_126  : i32 {
      %mul3A_254 = arith.constant 1 : i32
      %mul3A_255 = arith.muli %scan3A_253, %mul3A_254 : i32
      %add3A_256 = arith.constant 0 : i32
      %add3A_257 = arith.addi %add3A_256, %mul3A_255 : i32
      %mul3A_258 = arith.constant 4 : i32
      %mul3A_259 = arith.muli %mul3A_258, %add3A_257 : i32
      %add3A_260 = arith.constant 2 : i32
      %add3A_261 = arith.addi %mul3A_259, %add3A_260 : i32
      %dma_wait3A_262 = arith.constant 0 : i32
      %dma_wait3A_263 = arith.constant 0 : i32
      %dma_wait3A_264 = tpu.memref_slice %arg5[%dma_wait3A_262, %dma_wait3A_263] : memref<10000x128xf32, #tpu.memory_space<hbm>> -> memref<80x128xf32, #tpu.memory_space<hbm>>
      %dma_wait3A_265 = arith.constant 0 : i32
      %dma_wait3A_266 = arith.constant 0 : i32
      %dma_wait3A_267 = tpu.memref_slice %arg5[%dma_wait3A_265, %dma_wait3A_266] : memref<10000x128xf32, #tpu.memory_space<hbm>> -> memref<80x128xf32, #tpu.memory_space<hbm>>
      tpu.wait_dma2 semaphore(%arg20 : memref<!tpu.dma_semaphore, #tpu.memory_space<semaphore_mem>>) src(%dma_wait3A_267 : memref<80x128xf32, #tpu.memory_space<hbm>>) dst(%arg8 : memref<80x128xf32, #tpu.memory_space<vmem>>)
      %dma_wait3A_268 = arith.constant 0 : i32
      %dma_wait3A_269 = arith.constant 0 : i32
      %dma_wait3A_270 = tpu.memref_slice %arg4[%dma_wait3A_268, %dma_wait3A_269] : memref<320000x128xf32, #tpu.memory_space<hbm>> -> memref<80x128xf32, #tpu.memory_space<hbm>>
      %dma_wait3A_271 = arith.constant 0 : i32
      %dma_wait3A_272 = arith.constant 0 : i32
      %dma_wait3A_273 = tpu.memref_slice %arg4[%dma_wait3A_271, %dma_wait3A_272] : memref<320000x128xf32, #tpu.memory_space<hbm>> -> memref<80x128xf32, #tpu.memory_space<hbm>>
      tpu.wait_dma2 semaphore(%arg22 : memref<!tpu.dma_semaphore, #tpu.memory_space<semaphore_mem>>) src(%dma_wait3A_273 : memref<80x128xf32, #tpu.memory_space<hbm>>) dst(%arg10 : memref<80x128xf32, #tpu.memory_space<vmem>>)
      %dma_wait3A_274 = arith.constant 0 : i32
      %dma_wait3A_275 = arith.constant 0 : i32
      %dma_wait3A_276 = tpu.memref_slice %arg5[%dma_wait3A_274, %dma_wait3A_275] : memref<10000x128xf32, #tpu.memory_space<hbm>> -> memref<80x128xf32, #tpu.memory_space<hbm>>
      %dma_wait3A_277 = arith.constant 0 : i32
      %dma_wait3A_278 = arith.constant 0 : i32
      %dma_wait3A_279 = tpu.memref_slice %arg5[%dma_wait3A_277, %dma_wait3A_278] : memref<10000x128xf32, #tpu.memory_space<hbm>> -> memref<80x128xf32, #tpu.memory_space<hbm>>
      tpu.wait_dma2 semaphore(%arg25 : memref<!tpu.dma_semaphore, #tpu.memory_space<semaphore_mem>>) src(%dma_wait3A_279 : memref<80x128xf32, #tpu.memory_space<hbm>>) dst(%arg9 : memref<80x128xf32, #tpu.memory_space<vmem>>)
      %dma_wait3A_280 = arith.constant 0 : i32
      %dma_wait3A_281 = tpu.memref_slice %arg2[%dma_wait3A_280] : memref<320000xi32, #tpu.memory_space<hbm>> -> memref<80xi32, #tpu.memory_space<hbm>>
      %dma_wait3A_282 = arith.constant 0 : i32
      %dma_wait3A_283 = tpu.memref_slice %arg2[%dma_wait3A_282] : memref<320000xi32, #tpu.memory_space<hbm>> -> memref<80xi32, #tpu.memory_space<hbm>>
      tpu.wait_dma2 semaphore(%arg29 : memref<!tpu.dma_semaphore, #tpu.memory_space<semaphore_mem>>) src(%dma_wait3A_283 : memref<80xi32, #tpu.memory_space<hbm>>) dst(%arg15 : memref<80xi32, #tpu.memory_space<vmem>>)
      %dma_wait3A_284 = arith.constant 0 : i32
      %dma_wait3A_285 = tpu.memref_slice %arg3[%dma_wait3A_284] : memref<320000xi32, #tpu.memory_space<hbm>> -> memref<80xi32, #tpu.memory_space<hbm>>
      %dma_wait3A_286 = arith.constant 0 : i32
      %dma_wait3A_287 = tpu.memref_slice %arg3[%dma_wait3A_286] : memref<320000xi32, #tpu.memory_space<hbm>> -> memref<80xi32, #tpu.memory_space<hbm>>
      tpu.wait_dma2 semaphore(%arg29 : memref<!tpu.dma_semaphore, #tpu.memory_space<semaphore_mem>>) src(%dma_wait3A_287 : memref<80xi32, #tpu.memory_space<hbm>>) dst(%arg19 : memref<80xi32, #tpu.memory_space<vmem>>)
      %add3A_288 = arith.constant 1 : i32
      %add3A_289 = arith.addi %add3A_261, %add3A_288 : i32
      %dma_start3A_290 = arith.constant 0 : i32
      %dma_start3A_291 = arith.constant 0 : i32
      %dma_start3A_292 = tpu.memref_slice %arg5[%dma_start3A_290, %dma_start3A_291] : memref<10000x128xf32, #tpu.memory_space<hbm>> -> memref<10000x128xf32, #tpu.memory_space<hbm>>
      tpu.enqueue_indirect_dma source(%dma_start3A_292 : memref<10000x128xf32, #tpu.memory_space<hbm>>) target(%arg9 : memref<80x128xf32, #tpu.memory_space<vmem>>) offsets(%arg19 : memref<80xi32, #tpu.memory_space<vmem>>) semaphore(%arg21 : memref<!tpu.dma_semaphore, #tpu.memory_space<semaphore_mem>>)
      %add3A_293 = arith.addi %mul3A_2, %add3A_289 : i32
      %mul3A_294 = arith.constant 80 : i32
      %mul3A_295 = arith.muli %add3A_293, %mul3A_294 : i32
      %dma_start3A_296 = arith.constant 0 : i32
      %dma_start3A_297 = tpu.memref_slice %arg4[%mul3A_295, %dma_start3A_296] : memref<320000x128xf32, #tpu.memory_space<hbm>> -> memref<80x128xf32, #tpu.memory_space<hbm>>
      %dma_start3A_298 = arith.constant 0 : i32
      %dma_start3A_299 = tpu.memref_slice %arg4[%mul3A_295, %dma_start3A_298] : memref<320000x128xf32, #tpu.memory_space<hbm>> -> memref<80x128xf32, #tpu.memory_space<hbm>>
      tpu.enqueue_dma source(%dma_start3A_299 : memref<80x128xf32, #tpu.memory_space<hbm>>) target(%arg11 : memref<80x128xf32, #tpu.memory_space<vmem>>) target_semaphore(%arg23 : memref<!tpu.dma_semaphore, #tpu.memory_space<semaphore_mem>>)
      %parallel_loop3A_300 = arith.constant 0 : i32
      %parallel_loop3A_301 = arith.constant 80 : i32
      %parallel_loop3A_302 = arith.constant 1 : i32
      scf.for %parallel_loop3A_480 = %parallel_loop3A_300 to %parallel_loop3A_301 step %parallel_loop3A_302  : i32 {
        %parallel_loop3A_481 = arith.index_cast %parallel_loop3A_480 : i32 to index
        %parallel_loop3A_482 = arith.constant 0 : index
        %parallel_loop3A_483 = tpu.vector_load %arg8[%parallel_loop3A_481, %parallel_loop3A_482] {strides = array<i32>} : memref<80x128xf32, #tpu.memory_space<vmem>>, vector<16xf32>,
        %parallel_loop3A_484 = arith.index_cast %parallel_loop3A_480 : i32 to index
        %parallel_loop3A_485 = arith.constant 0 : index
        %parallel_loop3A_486 = tpu.vector_load %arg10[%parallel_loop3A_484, %parallel_loop3A_485] {strides = array<i32>} : memref<80x128xf32, #tpu.memory_space<vmem>>, vector<16xf32>,
        %parallel_loop3A_487 = arith.mulf %parallel_loop3A_483, %parallel_loop3A_486 : vector<16xf32>
        %parallel_loop3A_488 = arith.index_cast %parallel_loop3A_480 : i32 to index
        %parallel_loop3A_489 = arith.constant 0 : index
        %parallel_loop3A_490 = tpu.vector_load %arg8[%parallel_loop3A_488, %parallel_loop3A_489] {strides = array<i32>} : memref<80x128xf32, #tpu.memory_space<vmem>>, vector<16xf32>,
        tpu.vector_store %arg8[%parallel_loop3A_488, %parallel_loop3A_489], %parallel_loop3A_487 {strides = array<i32>} : memref<80x128xf32, #tpu.memory_space<vmem>>, vector<16xf32>,
        %parallel_loop3A_491 = arith.index_cast %parallel_loop3A_480 : i32 to index
        %parallel_loop3A_492 = arith.constant 16 : index
        %parallel_loop3A_493 = tpu.vector_load %arg8[%parallel_loop3A_491, %parallel_loop3A_492] {strides = array<i32>} : memref<80x128xf32, #tpu.memory_space<vmem>>, vector<16xf32>,
        %parallel_loop3A_494 = arith.index_cast %parallel_loop3A_480 : i32 to index
        %parallel_loop3A_495 = arith.constant 16 : index
        %parallel_loop3A_496 = tpu.vector_load %arg10[%parallel_loop3A_494, %parallel_loop3A_495] {strides = array<i32>} : memref<80x128xf32, #tpu.memory_space<vmem>>, vector<16xf32>,
        %parallel_loop3A_497 = arith.mulf %parallel_loop3A_493, %parallel_loop3A_496 : vector<16xf32>
        %parallel_loop3A_498 = arith.index_cast %parallel_loop3A_480 : i32 to index
        %parallel_loop3A_499 = arith.constant 16 : index
        %parallel_loop3A_500 = tpu.vector_load %arg8[%parallel_loop3A_498, %parallel_loop3A_499] {strides = array<i32>} : memref<80x128xf32, #tpu.memory_space<vmem>>, vector<16xf32>,
        tpu.vector_store %arg8[%parallel_loop3A_498, %parallel_loop3A_499], %parallel_loop3A_497 {strides = array<i32>} : memref<80x128xf32, #tpu.memory_space<vmem>>, vector<16xf32>,
        %parallel_loop3A_501 = arith.index_cast %parallel_loop3A_480 : i32 to index
        %parallel_loop3A_502 = arith.constant 32 : index
        %parallel_loop3A_503 = tpu.vector_load %arg8[%parallel_loop3A_501, %parallel_loop3A_502] {strides = array<i32>} : memref<80x128xf32, #tpu.memory_space<vmem>>, vector<16xf32>,
        %parallel_loop3A_504 = arith.index_cast %parallel_loop3A_480 : i32 to index
        %parallel_loop3A_505 = arith.constant 32 : index
        %parallel_loop3A_506 = tpu.vector_load %arg10[%parallel_loop3A_504, %parallel_loop3A_505] {strides = array<i32>} : memref<80x128xf32, #tpu.memory_space<vmem>>, vector<16xf32>,
        %parallel_loop3A_507 = arith.mulf %parallel_loop3A_503, %parallel_loop3A_506 : vector<16xf32>
        %parallel_loop3A_508 = arith.index_cast %parallel_loop3A_480 : i32 to index
        %parallel_loop3A_509 = arith.constant 32 : index
        %parallel_loop3A_510 = tpu.vector_load %arg8[%parallel_loop3A_508, %parallel_loop3A_509] {strides = array<i32>} : memref<80x128xf32, #tpu.memory_space<vmem>>, vector<16xf32>,
        tpu.vector_store %arg8[%parallel_loop3A_508, %parallel_loop3A_509], %parallel_loop3A_507 {strides = array<i32>} : memref<80x128xf32, #tpu.memory_space<vmem>>, vector<16xf32>,
        %parallel_loop3A_511 = arith.index_cast %parallel_loop3A_480 : i32 to index
        %parallel_loop3A_512 = arith.constant 48 : index
        %parallel_loop3A_513 = tpu.vector_load %arg8[%parallel_loop3A_511, %parallel_loop3A_512] {strides = array<i32>} : memref<80x128xf32, #tpu.memory_space<vmem>>, vector<16xf32>,
        %parallel_loop3A_514 = arith.index_cast %parallel_loop3A_480 : i32 to index
        %parallel_loop3A_515 = arith.constant 48 : index
        %parallel_loop3A_516 = tpu.vector_load %arg10[%parallel_loop3A_514, %parallel_loop3A_515] {strides = array<i32>} : memref<80x128xf32, #tpu.memory_space<vmem>>, vector<16xf32>,
        %parallel_loop3A_517 = arith.mulf %parallel_loop3A_513, %parallel_loop3A_516 : vector<16xf32>
        %parallel_loop3A_518 = arith.index_cast %parallel_loop3A_480 : i32 to index
        %parallel_loop3A_519 = arith.constant 48 : index
        %parallel_loop3A_520 = tpu.vector_load %arg8[%parallel_loop3A_518, %parallel_loop3A_519] {strides = array<i32>} : memref<80x128xf32, #tpu.memory_space<vmem>>, vector<16xf32>,
        tpu.vector_store %arg8[%parallel_loop3A_518, %parallel_loop3A_519], %parallel_loop3A_517 {strides = array<i32>} : memref<80x128xf32, #tpu.memory_space<vmem>>, vector<16xf32>,
        %parallel_loop3A_521 = arith.index_cast %parallel_loop3A_480 : i32 to index
        %parallel_loop3A_522 = arith.constant 64 : index
        %parallel_loop3A_523 = tpu.vector_load %arg8[%parallel_loop3A_521, %parallel_loop3A_522] {strides = array<i32>} : memref<80x128xf32, #tpu.memory_space<vmem>>, vector<16xf32>,
        %parallel_loop3A_524 = arith.index_cast %parallel_loop3A_480 : i32 to index
        %parallel_loop3A_525 = arith.constant 64 : index
        %parallel_loop3A_526 = tpu.vector_load %arg10[%parallel_loop3A_524, %parallel_loop3A_525] {strides = array<i32>} : memref<80x128xf32, #tpu.memory_space<vmem>>, vector<16xf32>,
        %parallel_loop3A_527 = arith.mulf %parallel_loop3A_523, %parallel_loop3A_526 : vector<16xf32>
        %parallel_loop3A_528 = arith.index_cast %parallel_loop3A_480 : i32 to index
        %parallel_loop3A_529 = arith.constant 64 : index
        %parallel_loop3A_530 = tpu.vector_load %arg8[%parallel_loop3A_528, %parallel_loop3A_529] {strides = array<i32>} : memref<80x128xf32, #tpu.memory_space<vmem>>, vector<16xf32>,
        tpu.vector_store %arg8[%parallel_loop3A_528, %parallel_loop3A_529], %parallel_loop3A_527 {strides = array<i32>} : memref<80x128xf32, #tpu.memory_space<vmem>>, vector<16xf32>,
        %parallel_loop3A_531 = arith.index_cast %parallel_loop3A_480 : i32 to index
        %parallel_loop3A_532 = arith.constant 80 : index
        %parallel_loop3A_533 = tpu.vector_load %arg8[%parallel_loop3A_531, %parallel_loop3A_532] {strides = array<i32>} : memref<80x128xf32, #tpu.memory_space<vmem>>, vector<16xf32>,
        %parallel_loop3A_534 = arith.index_cast %parallel_loop3A_480 : i32 to index
        %parallel_loop3A_535 = arith.constant 80 : index
        %parallel_loop3A_536 = tpu.vector_load %arg10[%parallel_loop3A_534, %parallel_loop3A_535] {strides = array<i32>} : memref<80x128xf32, #tpu.memory_space<vmem>>, vector<16xf32>,
        %parallel_loop3A_537 = arith.mulf %parallel_loop3A_533, %parallel_loop3A_536 : vector<16xf32>
        %parallel_loop3A_538 = arith.index_cast %parallel_loop3A_480 : i32 to index
        %parallel_loop3A_539 = arith.constant 80 : index
        %parallel_loop3A_540 = tpu.vector_load %arg8[%parallel_loop3A_538, %parallel_loop3A_539] {strides = array<i32>} : memref<80x128xf32, #tpu.memory_space<vmem>>, vector<16xf32>,
        tpu.vector_store %arg8[%parallel_loop3A_538, %parallel_loop3A_539], %parallel_loop3A_537 {strides = array<i32>} : memref<80x128xf32, #tpu.memory_space<vmem>>, vector<16xf32>,
        %parallel_loop3A_541 = arith.index_cast %parallel_loop3A_480 : i32 to index
        %parallel_loop3A_542 = arith.constant 96 : index
        %parallel_loop3A_543 = tpu.vector_load %arg8[%parallel_loop3A_541, %parallel_loop3A_542] {strides = array<i32>} : memref<80x128xf32, #tpu.memory_space<vmem>>, vector<16xf32>,
        %parallel_loop3A_544 = arith.index_cast %parallel_loop3A_480 : i32 to index
        %parallel_loop3A_545 = arith.constant 96 : index
        %parallel_loop3A_546 = tpu.vector_load %arg10[%parallel_loop3A_544, %parallel_loop3A_545] {strides = array<i32>} : memref<80x128xf32, #tpu.memory_space<vmem>>, vector<16xf32>,
        %parallel_loop3A_547 = arith.mulf %parallel_loop3A_543, %parallel_loop3A_546 : vector<16xf32>
        %parallel_loop3A_548 = arith.index_cast %parallel_loop3A_480 : i32 to index
        %parallel_loop3A_549 = arith.constant 96 : index
        %parallel_loop3A_550 = tpu.vector_load %arg8[%parallel_loop3A_548, %parallel_loop3A_549] {strides = array<i32>} : memref<80x128xf32, #tpu.memory_space<vmem>>, vector<16xf32>,
        tpu.vector_store %arg8[%parallel_loop3A_548, %parallel_loop3A_549], %parallel_loop3A_547 {strides = array<i32>} : memref<80x128xf32, #tpu.memory_space<vmem>>, vector<16xf32>,
        %parallel_loop3A_551 = arith.index_cast %parallel_loop3A_480 : i32 to index
        %parallel_loop3A_552 = arith.constant 112 : index
        %parallel_loop3A_553 = tpu.vector_load %arg8[%parallel_loop3A_551, %parallel_loop3A_552] {strides = array<i32>} : memref<80x128xf32, #tpu.memory_space<vmem>>, vector<16xf32>,
        %parallel_loop3A_554 = arith.index_cast %parallel_loop3A_480 : i32 to index
        %parallel_loop3A_555 = arith.constant 112 : index
        %parallel_loop3A_556 = tpu.vector_load %arg10[%parallel_loop3A_554, %parallel_loop3A_555] {strides = array<i32>} : memref<80x128xf32, #tpu.memory_space<vmem>>, vector<16xf32>,
        %parallel_loop3A_557 = arith.mulf %parallel_loop3A_553, %parallel_loop3A_556 : vector<16xf32>
        %parallel_loop3A_558 = arith.index_cast %parallel_loop3A_480 : i32 to index
        %parallel_loop3A_559 = arith.constant 112 : index
        %parallel_loop3A_560 = tpu.vector_load %arg8[%parallel_loop3A_558, %parallel_loop3A_559] {strides = array<i32>} : memref<80x128xf32, #tpu.memory_space<vmem>>, vector<16xf32>,
        tpu.vector_store %arg8[%parallel_loop3A_558, %parallel_loop3A_559], %parallel_loop3A_557 {strides = array<i32>} : memref<80x128xf32, #tpu.memory_space<vmem>>, vector<16xf32>,
      } {sc.loop_unroll_factor = 2 : i64, sc.parallel_access}
      %dma_start3A_303 = arith.constant 0 : i32
      %dma_start3A_304 = arith.constant 0 : i32
      %dma_start3A_305 = tpu.memref_slice %arg7[%dma_start3A_303, %dma_start3A_304] : memref<10112x128xf32, #tpu.memory_space<vmem_shared>> -> memref<10112x128xf32, #tpu.memory_space<vmem_shared>>
      tpu.enqueue_indirect_dma source(%arg8 : memref<80x128xf32, #tpu.memory_space<vmem>>) target(%dma_start3A_305 : memref<10112x128xf32, #tpu.memory_space<vmem_shared>>) offsets(%arg14 : memref<80xi32, #tpu.memory_space<vmem>>) semaphore(%arg24 : memref<!tpu.dma_semaphore, #tpu.memory_space<semaphore_mem>>) {add = true}
      %add3A_306 = arith.constant 2 : i32
      %add3A_307 = arith.addi %add3A_261, %add3A_306 : i32
      %add3A_308 = arith.addi %mul3A_2, %add3A_307 : i32
      %mul3A_309 = arith.constant 80 : i32
      %mul3A_310 = arith.muli %add3A_308, %mul3A_309 : i32
      %dma_start3A_311 = tpu.memref_slice %arg2[%mul3A_310] : memref<320000xi32, #tpu.memory_space<hbm>> -> memref<80xi32, #tpu.memory_space<hbm>>
      %dma_start3A_312 = tpu.memref_slice %arg2[%mul3A_310] : memref<320000xi32, #tpu.memory_space<hbm>> -> memref<80xi32, #tpu.memory_space<hbm>>
      tpu.enqueue_dma source(%dma_start3A_312 : memref<80xi32, #tpu.memory_space<hbm>>) target(%arg12 : memref<80xi32, #tpu.memory_space<vmem>>) target_semaphore(%arg26 : memref<!tpu.dma_semaphore, #tpu.memory_space<semaphore_mem>>)
      %dma_start3A_313 = tpu.memref_slice %arg3[%mul3A_310] : memref<320000xi32, #tpu.memory_space<hbm>> -> memref<80xi32, #tpu.memory_space<hbm>>
      %dma_start3A_314 = tpu.memref_slice %arg3[%mul3A_310] : memref<320000xi32, #tpu.memory_space<hbm>> -> memref<80xi32, #tpu.memory_space<hbm>>
      tpu.enqueue_dma source(%dma_start3A_314 : memref<80xi32, #tpu.memory_space<hbm>>) target(%arg16 : memref<80xi32, #tpu.memory_space<vmem>>) target_semaphore(%arg26 : memref<!tpu.dma_semaphore, #tpu.memory_space<semaphore_mem>>)
      %add3A_315 = arith.constant 1 : i32
      %add3A_316 = arith.addi %add3A_261, %add3A_315 : i32
      %dma_wait3A_317 = arith.constant 0 : i32
      %dma_wait3A_318 = arith.constant 0 : i32
      %dma_wait3A_319 = tpu.memref_slice %arg5[%dma_wait3A_317, %dma_wait3A_318] : memref<10000x128xf32, #tpu.memory_space<hbm>> -> memref<80x128xf32, #tpu.memory_space<hbm>>
      %dma_wait3A_320 = arith.constant 0 : i32
      %dma_wait3A_321 = arith.constant 0 : i32
      %dma_wait3A_322 = tpu.memref_slice %arg5[%dma_wait3A_320, %dma_wait3A_321] : memref<10000x128xf32, #tpu.memory_space<hbm>> -> memref<80x128xf32, #tpu.memory_space<hbm>>
      tpu.wait_dma2 semaphore(%arg21 : memref<!tpu.dma_semaphore, #tpu.memory_space<semaphore_mem>>) src(%dma_wait3A_322 : memref<80x128xf32, #tpu.memory_space<hbm>>) dst(%arg9 : memref<80x128xf32, #tpu.memory_space<vmem>>)
      %dma_wait3A_323 = arith.constant 0 : i32
      %dma_wait3A_324 = arith.constant 0 : i32
      %dma_wait3A_325 = tpu.memref_slice %arg4[%dma_wait3A_323, %dma_wait3A_324] : memref<320000x128xf32, #tpu.memory_space<hbm>> -> memref<80x128xf32, #tpu.memory_space<hbm>>
      %dma_wait3A_326 = arith.constant 0 : i32
      %dma_wait3A_327 = arith.constant 0 : i32
      %dma_wait3A_328 = tpu.memref_slice %arg4[%dma_wait3A_326, %dma_wait3A_327] : memref<320000x128xf32, #tpu.memory_space<hbm>> -> memref<80x128xf32, #tpu.memory_space<hbm>>
      tpu.wait_dma2 semaphore(%arg23 : memref<!tpu.dma_semaphore, #tpu.memory_space<semaphore_mem>>) src(%dma_wait3A_328 : memref<80x128xf32, #tpu.memory_space<hbm>>) dst(%arg11 : memref<80x128xf32, #tpu.memory_space<vmem>>)
      %dma_wait3A_329 = arith.constant 0 : i32
      %dma_wait3A_330 = arith.constant 0 : i32
      %dma_wait3A_331 = tpu.memref_slice %arg5[%dma_wait3A_329, %dma_wait3A_330] : memref<10000x128xf32, #tpu.memory_space<hbm>> -> memref<80x128xf32, #tpu.memory_space<hbm>>
      %dma_wait3A_332 = arith.constant 0 : i32
      %dma_wait3A_333 = arith.constant 0 : i32
      %dma_wait3A_334 = tpu.memref_slice %arg5[%dma_wait3A_332, %dma_wait3A_333] : memref<10000x128xf32, #tpu.memory_space<hbm>> -> memref<80x128xf32, #tpu.memory_space<hbm>>
      tpu.wait_dma2 semaphore(%arg24 : memref<!tpu.dma_semaphore, #tpu.memory_space<semaphore_mem>>) src(%dma_wait3A_334 : memref<80x128xf32, #tpu.memory_space<hbm>>) dst(%arg8 : memref<80x128xf32, #tpu.memory_space<vmem>>)
      %dma_wait3A_335 = arith.constant 0 : i32
      %dma_wait3A_336 = tpu.memref_slice %arg2[%dma_wait3A_335] : memref<320000xi32, #tpu.memory_space<hbm>> -> memref<80xi32, #tpu.memory_space<hbm>>
      %dma_wait3A_337 = arith.constant 0 : i32
      %dma_wait3A_338 = tpu.memref_slice %arg2[%dma_wait3A_337] : memref<320000xi32, #tpu.memory_space<hbm>> -> memref<80xi32, #tpu.memory_space<hbm>>
      tpu.wait_dma2 semaphore(%arg26 : memref<!tpu.dma_semaphore, #tpu.memory_space<semaphore_mem>>) src(%dma_wait3A_338 : memref<80xi32, #tpu.memory_space<hbm>>) dst(%arg12 : memref<80xi32, #tpu.memory_space<vmem>>)
      %dma_wait3A_339 = arith.constant 0 : i32
      %dma_wait3A_340 = tpu.memref_slice %arg3[%dma_wait3A_339] : memref<320000xi32, #tpu.memory_space<hbm>> -> memref<80xi32, #tpu.memory_space<hbm>>
      %dma_wait3A_341 = arith.constant 0 : i32
      %dma_wait3A_342 = tpu.memref_slice %arg3[%dma_wait3A_341] : memref<320000xi32, #tpu.memory_space<hbm>> -> memref<80xi32, #tpu.memory_space<hbm>>
      tpu.wait_dma2 semaphore(%arg26 : memref<!tpu.dma_semaphore, #tpu.memory_space<semaphore_mem>>) src(%dma_wait3A_342 : memref<80xi32, #tpu.memory_space<hbm>>) dst(%arg16 : memref<80xi32, #tpu.memory_space<vmem>>)
      %add3A_343 = arith.constant 1 : i32
      %add3A_344 = arith.addi %add3A_316, %add3A_343 : i32
      %dma_start3A_345 = arith.constant 0 : i32
      %dma_start3A_346 = arith.constant 0 : i32
      %dma_start3A_347 = tpu.memref_slice %arg5[%dma_start3A_345, %dma_start3A_346] : memref<10000x128xf32, #tpu.memory_space<hbm>> -> memref<10000x128xf32, #tpu.memory_space<hbm>>
      tpu.enqueue_indirect_dma source(%dma_start3A_347 : memref<10000x128xf32, #tpu.memory_space<hbm>>) target(%arg8 : memref<80x128xf32, #tpu.memory_space<vmem>>) offsets(%arg16 : memref<80xi32, #tpu.memory_space<vmem>>) semaphore(%arg20 : memref<!tpu.dma_semaphore, #tpu.memory_space<semaphore_mem>>)
      %add3A_348 = arith.addi %mul3A_2, %add3A_344 : i32
      %mul3A_349 = arith.constant 80 : i32
      %mul3A_350 = arith.muli %add3A_348, %mul3A_349 : i32
      %dma_start3A_351 = arith.constant 0 : i32
      %dma_start3A_352 = tpu.memref_slice %arg4[%mul3A_350, %dma_start3A_351] : memref<320000x128xf32, #tpu.memory_space<hbm>> -> memref<80x128xf32, #tpu.memory_space<hbm>>
      %dma_start3A_353 = arith.constant 0 : i32
      %dma_start3A_354 = tpu.memref_slice %arg4[%mul3A_350, %dma_start3A_353] : memref<320000x128xf32, #tpu.memory_space<hbm>> -> memref<80x128xf32, #tpu.memory_space<hbm>>
      tpu.enqueue_dma source(%dma_start3A_354 : memref<80x128xf32, #tpu.memory_space<hbm>>) target(%arg10 : memref<80x128xf32, #tpu.memory_space<vmem>>) target_semaphore(%arg22 : memref<!tpu.dma_semaphore, #tpu.memory_space<semaphore_mem>>)
      %parallel_loop3A_355 = arith.constant 0 : i32
      %parallel_loop3A_356 = arith.constant 80 : i32
      %parallel_loop3A_357 = arith.constant 1 : i32
      scf.for %parallel_loop3A_480 = %parallel_loop3A_355 to %parallel_loop3A_356 step %parallel_loop3A_357  : i32 {
        %parallel_loop3A_481 = arith.index_cast %parallel_loop3A_480 : i32 to index
        %parallel_loop3A_482 = arith.constant 0 : index
        %parallel_loop3A_483 = tpu.vector_load %arg9[%parallel_loop3A_481, %parallel_loop3A_482] {strides = array<i32>} : memref<80x128xf32, #tpu.memory_space<vmem>>, vector<16xf32>,
        %parallel_loop3A_484 = arith.index_cast %parallel_loop3A_480 : i32 to index
        %parallel_loop3A_485 = arith.constant 0 : index
        %parallel_loop3A_486 = tpu.vector_load %arg11[%parallel_loop3A_484, %parallel_loop3A_485] {strides = array<i32>} : memref<80x128xf32, #tpu.memory_space<vmem>>, vector<16xf32>,
        %parallel_loop3A_487 = arith.mulf %parallel_loop3A_483, %parallel_loop3A_486 : vector<16xf32>
        %parallel_loop3A_488 = arith.index_cast %parallel_loop3A_480 : i32 to index
        %parallel_loop3A_489 = arith.constant 0 : index
        %parallel_loop3A_490 = tpu.vector_load %arg9[%parallel_loop3A_488, %parallel_loop3A_489] {strides = array<i32>} : memref<80x128xf32, #tpu.memory_space<vmem>>, vector<16xf32>,
        tpu.vector_store %arg9[%parallel_loop3A_488, %parallel_loop3A_489], %parallel_loop3A_487 {strides = array<i32>} : memref<80x128xf32, #tpu.memory_space<vmem>>, vector<16xf32>,
        %parallel_loop3A_491 = arith.index_cast %parallel_loop3A_480 : i32 to index
        %parallel_loop3A_492 = arith.constant 16 : index
        %parallel_loop3A_493 = tpu.vector_load %arg9[%parallel_loop3A_491, %parallel_loop3A_492] {strides = array<i32>} : memref<80x128xf32, #tpu.memory_space<vmem>>, vector<16xf32>,
        %parallel_loop3A_494 = arith.index_cast %parallel_loop3A_480 : i32 to index
        %parallel_loop3A_495 = arith.constant 16 : index
        %parallel_loop3A_496 = tpu.vector_load %arg11[%parallel_loop3A_494, %parallel_loop3A_495] {strides = array<i32>} : memref<80x128xf32, #tpu.memory_space<vmem>>, vector<16xf32>,
        %parallel_loop3A_497 = arith.mulf %parallel_loop3A_493, %parallel_loop3A_496 : vector<16xf32>
        %parallel_loop3A_498 = arith.index_cast %parallel_loop3A_480 : i32 to index
        %parallel_loop3A_499 = arith.constant 16 : index
        %parallel_loop3A_500 = tpu.vector_load %arg9[%parallel_loop3A_498, %parallel_loop3A_499] {strides = array<i32>} : memref<80x128xf32, #tpu.memory_space<vmem>>, vector<16xf32>,
        tpu.vector_store %arg9[%parallel_loop3A_498, %parallel_loop3A_499], %parallel_loop3A_497 {strides = array<i32>} : memref<80x128xf32, #tpu.memory_space<vmem>>, vector<16xf32>,
        %parallel_loop3A_501 = arith.index_cast %parallel_loop3A_480 : i32 to index
        %parallel_loop3A_502 = arith.constant 32 : index
        %parallel_loop3A_503 = tpu.vector_load %arg9[%parallel_loop3A_501, %parallel_loop3A_502] {strides = array<i32>} : memref<80x128xf32, #tpu.memory_space<vmem>>, vector<16xf32>,
        %parallel_loop3A_504 = arith.index_cast %parallel_loop3A_480 : i32 to index
        %parallel_loop3A_505 = arith.constant 32 : index
        %parallel_loop3A_506 = tpu.vector_load %arg11[%parallel_loop3A_504, %parallel_loop3A_505] {strides = array<i32>} : memref<80x128xf32, #tpu.memory_space<vmem>>, vector<16xf32>,
        %parallel_loop3A_507 = arith.mulf %parallel_loop3A_503, %parallel_loop3A_506 : vector<16xf32>
        %parallel_loop3A_508 = arith.index_cast %parallel_loop3A_480 : i32 to index
        %parallel_loop3A_509 = arith.constant 32 : index
        %parallel_loop3A_510 = tpu.vector_load %arg9[%parallel_loop3A_508, %parallel_loop3A_509] {strides = array<i32>} : memref<80x128xf32, #tpu.memory_space<vmem>>, vector<16xf32>,
        tpu.vector_store %arg9[%parallel_loop3A_508, %parallel_loop3A_509], %parallel_loop3A_507 {strides = array<i32>} : memref<80x128xf32, #tpu.memory_space<vmem>>, vector<16xf32>,
        %parallel_loop3A_511 = arith.index_cast %parallel_loop3A_480 : i32 to index
        %parallel_loop3A_512 = arith.constant 48 : index
        %parallel_loop3A_513 = tpu.vector_load %arg9[%parallel_loop3A_511, %parallel_loop3A_512] {strides = array<i32>} : memref<80x128xf32, #tpu.memory_space<vmem>>, vector<16xf32>,
        %parallel_loop3A_514 = arith.index_cast %parallel_loop3A_480 : i32 to index
        %parallel_loop3A_515 = arith.constant 48 : index
        %parallel_loop3A_516 = tpu.vector_load %arg11[%parallel_loop3A_514, %parallel_loop3A_515] {strides = array<i32>} : memref<80x128xf32, #tpu.memory_space<vmem>>, vector<16xf32>,
        %parallel_loop3A_517 = arith.mulf %parallel_loop3A_513, %parallel_loop3A_516 : vector<16xf32>
        %parallel_loop3A_518 = arith.index_cast %parallel_loop3A_480 : i32 to index
        %parallel_loop3A_519 = arith.constant 48 : index
        %parallel_loop3A_520 = tpu.vector_load %arg9[%parallel_loop3A_518, %parallel_loop3A_519] {strides = array<i32>} : memref<80x128xf32, #tpu.memory_space<vmem>>, vector<16xf32>,
        tpu.vector_store %arg9[%parallel_loop3A_518, %parallel_loop3A_519], %parallel_loop3A_517 {strides = array<i32>} : memref<80x128xf32, #tpu.memory_space<vmem>>, vector<16xf32>,
        %parallel_loop3A_521 = arith.index_cast %parallel_loop3A_480 : i32 to index
        %parallel_loop3A_522 = arith.constant 64 : index
        %parallel_loop3A_523 = tpu.vector_load %arg9[%parallel_loop3A_521, %parallel_loop3A_522] {strides = array<i32>} : memref<80x128xf32, #tpu.memory_space<vmem>>, vector<16xf32>,
        %parallel_loop3A_524 = arith.index_cast %parallel_loop3A_480 : i32 to index
        %parallel_loop3A_525 = arith.constant 64 : index
        %parallel_loop3A_526 = tpu.vector_load %arg11[%parallel_loop3A_524, %parallel_loop3A_525] {strides = array<i32>} : memref<80x128xf32, #tpu.memory_space<vmem>>, vector<16xf32>,
        %parallel_loop3A_527 = arith.mulf %parallel_loop3A_523, %parallel_loop3A_526 : vector<16xf32>
        %parallel_loop3A_528 = arith.index_cast %parallel_loop3A_480 : i32 to index
        %parallel_loop3A_529 = arith.constant 64 : index
        %parallel_loop3A_530 = tpu.vector_load %arg9[%parallel_loop3A_528, %parallel_loop3A_529] {strides = array<i32>} : memref<80x128xf32, #tpu.memory_space<vmem>>, vector<16xf32>,
        tpu.vector_store %arg9[%parallel_loop3A_528, %parallel_loop3A_529], %parallel_loop3A_527 {strides = array<i32>} : memref<80x128xf32, #tpu.memory_space<vmem>>, vector<16xf32>,
        %parallel_loop3A_531 = arith.index_cast %parallel_loop3A_480 : i32 to index
        %parallel_loop3A_532 = arith.constant 80 : index
        %parallel_loop3A_533 = tpu.vector_load %arg9[%parallel_loop3A_531, %parallel_loop3A_532] {strides = array<i32>} : memref<80x128xf32, #tpu.memory_space<vmem>>, vector<16xf32>,
        %parallel_loop3A_534 = arith.index_cast %parallel_loop3A_480 : i32 to index
        %parallel_loop3A_535 = arith.constant 80 : index
        %parallel_loop3A_536 = tpu.vector_load %arg11[%parallel_loop3A_534, %parallel_loop3A_535] {strides = array<i32>} : memref<80x128xf32, #tpu.memory_space<vmem>>, vector<16xf32>,
        %parallel_loop3A_537 = arith.mulf %parallel_loop3A_533, %parallel_loop3A_536 : vector<16xf32>
        %parallel_loop3A_538 = arith.index_cast %parallel_loop3A_480 : i32 to index
        %parallel_loop3A_539 = arith.constant 80 : index
        %parallel_loop3A_540 = tpu.vector_load %arg9[%parallel_loop3A_538, %parallel_loop3A_539] {strides = array<i32>} : memref<80x128xf32, #tpu.memory_space<vmem>>, vector<16xf32>,
        tpu.vector_store %arg9[%parallel_loop3A_538, %parallel_loop3A_539], %parallel_loop3A_537 {strides = array<i32>} : memref<80x128xf32, #tpu.memory_space<vmem>>, vector<16xf32>,
        %parallel_loop3A_541 = arith.index_cast %parallel_loop3A_480 : i32 to index
        %parallel_loop3A_542 = arith.constant 96 : index
        %parallel_loop3A_543 = tpu.vector_load %arg9[%parallel_loop3A_541, %parallel_loop3A_542] {strides = array<i32>} : memref<80x128xf32, #tpu.memory_space<vmem>>, vector<16xf32>,
        %parallel_loop3A_544 = arith.index_cast %parallel_loop3A_480 : i32 to index
        %parallel_loop3A_545 = arith.constant 96 : index
        %parallel_loop3A_546 = tpu.vector_load %arg11[%parallel_loop3A_544, %parallel_loop3A_545] {strides = array<i32>} : memref<80x128xf32, #tpu.memory_space<vmem>>, vector<16xf32>,
        %parallel_loop3A_547 = arith.mulf %parallel_loop3A_543, %parallel_loop3A_546 : vector<16xf32>
        %parallel_loop3A_548 = arith.index_cast %parallel_loop3A_480 : i32 to index
        %parallel_loop3A_549 = arith.constant 96 : index
        %parallel_loop3A_550 = tpu.vector_load %arg9[%parallel_loop3A_548, %parallel_loop3A_549] {strides = array<i32>} : memref<80x128xf32, #tpu.memory_space<vmem>>, vector<16xf32>,
        tpu.vector_store %arg9[%parallel_loop3A_548, %parallel_loop3A_549], %parallel_loop3A_547 {strides = array<i32>} : memref<80x128xf32, #tpu.memory_space<vmem>>, vector<16xf32>,
        %parallel_loop3A_551 = arith.index_cast %parallel_loop3A_480 : i32 to index
        %parallel_loop3A_552 = arith.constant 112 : index
        %parallel_loop3A_553 = tpu.vector_load %arg9[%parallel_loop3A_551, %parallel_loop3A_552] {strides = array<i32>} : memref<80x128xf32, #tpu.memory_space<vmem>>, vector<16xf32>,
        %parallel_loop3A_554 = arith.index_cast %parallel_loop3A_480 : i32 to index
        %parallel_loop3A_555 = arith.constant 112 : index
        %parallel_loop3A_556 = tpu.vector_load %arg11[%parallel_loop3A_554, %parallel_loop3A_555] {strides = array<i32>} : memref<80x128xf32, #tpu.memory_space<vmem>>, vector<16xf32>,
        %parallel_loop3A_557 = arith.mulf %parallel_loop3A_553, %parallel_loop3A_556 : vector<16xf32>
        %parallel_loop3A_558 = arith.index_cast %parallel_loop3A_480 : i32 to index
        %parallel_loop3A_559 = arith.constant 112 : index
        %parallel_loop3A_560 = tpu.vector_load %arg9[%parallel_loop3A_558, %parallel_loop3A_559] {strides = array<i32>} : memref<80x128xf32, #tpu.memory_space<vmem>>, vector<16xf32>,
        tpu.vector_store %arg9[%parallel_loop3A_558, %parallel_loop3A_559], %parallel_loop3A_557 {strides = array<i32>} : memref<80x128xf32, #tpu.memory_space<vmem>>, vector<16xf32>,
      } {sc.loop_unroll_factor = 2 : i64, sc.parallel_access}
      %dma_start3A_358 = arith.constant 0 : i32
      %dma_start3A_359 = arith.constant 0 : i32
      %dma_start3A_360 = tpu.memref_slice %arg7[%dma_start3A_358, %dma_start3A_359] : memref<10112x128xf32, #tpu.memory_space<vmem_shared>> -> memref<10112x128xf32, #tpu.memory_space<vmem_shared>>
      tpu.enqueue_indirect_dma source(%arg9 : memref<80x128xf32, #tpu.memory_space<vmem>>) target(%dma_start3A_360 : memref<10112x128xf32, #tpu.memory_space<vmem_shared>>) offsets(%arg15 : memref<80xi32, #tpu.memory_space<vmem>>) semaphore(%arg25 : memref<!tpu.dma_semaphore, #tpu.memory_space<semaphore_mem>>) {add = true}
      %add3A_361 = arith.constant 2 : i32
      %add3A_362 = arith.addi %add3A_316, %add3A_361 : i32
      %add3A_363 = arith.addi %mul3A_2, %add3A_362 : i32
      %mul3A_364 = arith.constant 80 : i32
      %mul3A_365 = arith.muli %add3A_363, %mul3A_364 : i32
      %dma_start3A_366 = tpu.memref_slice %arg2[%mul3A_365] : memref<320000xi32, #tpu.memory_space<hbm>> -> memref<80xi32, #tpu.memory_space<hbm>>
      %dma_start3A_367 = tpu.memref_slice %arg2[%mul3A_365] : memref<320000xi32, #tpu.memory_space<hbm>> -> memref<80xi32, #tpu.memory_space<hbm>>
      tpu.enqueue_dma source(%dma_start3A_367 : memref<80xi32, #tpu.memory_space<hbm>>) target(%arg13 : memref<80xi32, #tpu.memory_space<vmem>>) target_semaphore(%arg27 : memref<!tpu.dma_semaphore, #tpu.memory_space<semaphore_mem>>)
      %dma_start3A_368 = tpu.memref_slice %arg3[%mul3A_365] : memref<320000xi32, #tpu.memory_space<hbm>> -> memref<80xi32, #tpu.memory_space<hbm>>
      %dma_start3A_369 = tpu.memref_slice %arg3[%mul3A_365] : memref<320000xi32, #tpu.memory_space<hbm>> -> memref<80xi32, #tpu.memory_space<hbm>>
      tpu.enqueue_dma source(%dma_start3A_369 : memref<80xi32, #tpu.memory_space<hbm>>) target(%arg17 : memref<80xi32, #tpu.memory_space<vmem>>) target_semaphore(%arg27 : memref<!tpu.dma_semaphore, #tpu.memory_space<semaphore_mem>>)
      %add3A_370 = arith.constant 2 : i32
      %add3A_371 = arith.addi %add3A_261, %add3A_370 : i32
      %dma_wait3A_372 = arith.constant 0 : i32
      %dma_wait3A_373 = arith.constant 0 : i32
      %dma_wait3A_374 = tpu.memref_slice %arg5[%dma_wait3A_372, %dma_wait3A_373] : memref<10000x128xf32, #tpu.memory_space<hbm>> -> memref<80x128xf32, #tpu.memory_space<hbm>>
      %dma_wait3A_375 = arith.constant 0 : i32
      %dma_wait3A_376 = arith.constant 0 : i32
      %dma_wait3A_377 = tpu.memref_slice %arg5[%dma_wait3A_375, %dma_wait3A_376] : memref<10000x128xf32, #tpu.memory_space<hbm>> -> memref<80x128xf32, #tpu.memory_space<hbm>>
      tpu.wait_dma2 semaphore(%arg20 : memref<!tpu.dma_semaphore, #tpu.memory_space<semaphore_mem>>) src(%dma_wait3A_377 : memref<80x128xf32, #tpu.memory_space<hbm>>) dst(%arg8 : memref<80x128xf32, #tpu.memory_space<vmem>>)
      %dma_wait3A_378 = arith.constant 0 : i32
      %dma_wait3A_379 = arith.constant 0 : i32
      %dma_wait3A_380 = tpu.memref_slice %arg4[%dma_wait3A_378, %dma_wait3A_379] : memref<320000x128xf32, #tpu.memory_space<hbm>> -> memref<80x128xf32, #tpu.memory_space<hbm>>
      %dma_wait3A_381 = arith.constant 0 : i32
      %dma_wait3A_382 = arith.constant 0 : i32
      %dma_wait3A_383 = tpu.memref_slice %arg4[%dma_wait3A_381, %dma_wait3A_382] : memref<320000x128xf32, #tpu.memory_space<hbm>> -> memref<80x128xf32, #tpu.memory_space<hbm>>
      tpu.wait_dma2 semaphore(%arg22 : memref<!tpu.dma_semaphore, #tpu.memory_space<semaphore_mem>>) src(%dma_wait3A_383 : memref<80x128xf32, #tpu.memory_space<hbm>>) dst(%arg10 : memref<80x128xf32, #tpu.memory_space<vmem>>)
      %dma_wait3A_384 = arith.constant 0 : i32
      %dma_wait3A_385 = arith.constant 0 : i32
      %dma_wait3A_386 = tpu.memref_slice %arg5[%dma_wait3A_384, %dma_wait3A_385] : memref<10000x128xf32, #tpu.memory_space<hbm>> -> memref<80x128xf32, #tpu.memory_space<hbm>>
      %dma_wait3A_387 = arith.constant 0 : i32
      %dma_wait3A_388 = arith.constant 0 : i32
      %dma_wait3A_389 = tpu.memref_slice %arg5[%dma_wait3A_387, %dma_wait3A_388] : memref<10000x128xf32, #tpu.memory_space<hbm>> -> memref<80x128xf32, #tpu.memory_space<hbm>>
      tpu.wait_dma2 semaphore(%arg25 : memref<!tpu.dma_semaphore, #tpu.memory_space<semaphore_mem>>) src(%dma_wait3A_389 : memref<80x128xf32, #tpu.memory_space<hbm>>) dst(%arg9 : memref<80x128xf32, #tpu.memory_space<vmem>>)
      %dma_wait3A_390 = arith.constant 0 : i32
      %dma_wait3A_391 = tpu.memref_slice %arg2[%dma_wait3A_390] : memref<320000xi32, #tpu.memory_space<hbm>> -> memref<80xi32, #tpu.memory_space<hbm>>
      %dma_wait3A_392 = arith.constant 0 : i32
      %dma_wait3A_393 = tpu.memref_slice %arg2[%dma_wait3A_392] : memref<320000xi32, #tpu.memory_space<hbm>> -> memref<80xi32, #tpu.memory_space<hbm>>
      tpu.wait_dma2 semaphore(%arg27 : memref<!tpu.dma_semaphore, #tpu.memory_space<semaphore_mem>>) src(%dma_wait3A_393 : memref<80xi32, #tpu.memory_space<hbm>>) dst(%arg13 : memref<80xi32, #tpu.memory_space<vmem>>)
      %dma_wait3A_394 = arith.constant 0 : i32
      %dma_wait3A_395 = tpu.memref_slice %arg3[%dma_wait3A_394] : memref<320000xi32, #tpu.memory_space<hbm>> -> memref<80xi32, #tpu.memory_space<hbm>>
      %dma_wait3A_396 = arith.constant 0 : i32
      %dma_wait3A_397 = tpu.memref_slice %arg3[%dma_wait3A_396] : memref<320000xi32, #tpu.memory_space<hbm>> -> memref<80xi32, #tpu.memory_space<hbm>>
      tpu.wait_dma2 semaphore(%arg27 : memref<!tpu.dma_semaphore, #tpu.memory_space<semaphore_mem>>) src(%dma_wait3A_397 : memref<80xi32, #tpu.memory_space<hbm>>) dst(%arg17 : memref<80xi32, #tpu.memory_space<vmem>>)
      %add3A_398 = arith.constant 1 : i32
      %add3A_399 = arith.addi %add3A_371, %add3A_398 : i32
      %dma_start3A_400 = arith.constant 0 : i32
      %dma_start3A_401 = arith.constant 0 : i32
      %dma_start3A_402 = tpu.memref_slice %arg5[%dma_start3A_400, %dma_start3A_401] : memref<10000x128xf32, #tpu.memory_space<hbm>> -> memref<10000x128xf32, #tpu.memory_space<hbm>>
      tpu.enqueue_indirect_dma source(%dma_start3A_402 : memref<10000x128xf32, #tpu.memory_space<hbm>>) target(%arg9 : memref<80x128xf32, #tpu.memory_space<vmem>>) offsets(%arg17 : memref<80xi32, #tpu.memory_space<vmem>>) semaphore(%arg21 : memref<!tpu.dma_semaphore, #tpu.memory_space<semaphore_mem>>)
      %add3A_403 = arith.addi %mul3A_2, %add3A_399 : i32
      %mul3A_404 = arith.constant 80 : i32
      %mul3A_405 = arith.muli %add3A_403, %mul3A_404 : i32
      %dma_start3A_406 = arith.constant 0 : i32
      %dma_start3A_407 = tpu.memref_slice %arg4[%mul3A_405, %dma_start3A_406] : memref<320000x128xf32, #tpu.memory_space<hbm>> -> memref<80x128xf32, #tpu.memory_space<hbm>>
      %dma_start3A_408 = arith.constant 0 : i32
      %dma_start3A_409 = tpu.memref_slice %arg4[%mul3A_405, %dma_start3A_408] : memref<320000x128xf32, #tpu.memory_space<hbm>> -> memref<80x128xf32, #tpu.memory_space<hbm>>
      tpu.enqueue_dma source(%dma_start3A_409 : memref<80x128xf32, #tpu.memory_space<hbm>>) target(%arg11 : memref<80x128xf32, #tpu.memory_space<vmem>>) target_semaphore(%arg23 : memref<!tpu.dma_semaphore, #tpu.memory_space<semaphore_mem>>)
      %parallel_loop3A_410 = arith.constant 0 : i32
      %parallel_loop3A_411 = arith.constant 80 : i32
      %parallel_loop3A_412 = arith.constant 1 : i32
      scf.for %parallel_loop3A_480 = %parallel_loop3A_410 to %parallel_loop3A_411 step %parallel_loop3A_412  : i32 {
        %parallel_loop3A_481 = arith.index_cast %parallel_loop3A_480 : i32 to index
        %parallel_loop3A_482 = arith.constant 0 : index
        %parallel_loop3A_483 = tpu.vector_load %arg8[%parallel_loop3A_481, %parallel_loop3A_482] {strides = array<i32>} : memref<80x128xf32, #tpu.memory_space<vmem>>, vector<16xf32>,
        %parallel_loop3A_484 = arith.index_cast %parallel_loop3A_480 : i32 to index
        %parallel_loop3A_485 = arith.constant 0 : index
        %parallel_loop3A_486 = tpu.vector_load %arg10[%parallel_loop3A_484, %parallel_loop3A_485] {strides = array<i32>} : memref<80x128xf32, #tpu.memory_space<vmem>>, vector<16xf32>,
        %parallel_loop3A_487 = arith.mulf %parallel_loop3A_483, %parallel_loop3A_486 : vector<16xf32>
        %parallel_loop3A_488 = arith.index_cast %parallel_loop3A_480 : i32 to index
        %parallel_loop3A_489 = arith.constant 0 : index
        %parallel_loop3A_490 = tpu.vector_load %arg8[%parallel_loop3A_488, %parallel_loop3A_489] {strides = array<i32>} : memref<80x128xf32, #tpu.memory_space<vmem>>, vector<16xf32>,
        tpu.vector_store %arg8[%parallel_loop3A_488, %parallel_loop3A_489], %parallel_loop3A_487 {strides = array<i32>} : memref<80x128xf32, #tpu.memory_space<vmem>>, vector<16xf32>,
        %parallel_loop3A_491 = arith.index_cast %parallel_loop3A_480 : i32 to index
        %parallel_loop3A_492 = arith.constant 16 : index
        %parallel_loop3A_493 = tpu.vector_load %arg8[%parallel_loop3A_491, %parallel_loop3A_492] {strides = array<i32>} : memref<80x128xf32, #tpu.memory_space<vmem>>, vector<16xf32>,
        %parallel_loop3A_494 = arith.index_cast %parallel_loop3A_480 : i32 to index
        %parallel_loop3A_495 = arith.constant 16 : index
        %parallel_loop3A_496 = tpu.vector_load %arg10[%parallel_loop3A_494, %parallel_loop3A_495] {strides = array<i32>} : memref<80x128xf32, #tpu.memory_space<vmem>>, vector<16xf32>,
        %parallel_loop3A_497 = arith.mulf %parallel_loop3A_493, %parallel_loop3A_496 : vector<16xf32>
        %parallel_loop3A_498 = arith.index_cast %parallel_loop3A_480 : i32 to index
        %parallel_loop3A_499 = arith.constant 16 : index
        %parallel_loop3A_500 = tpu.vector_load %arg8[%parallel_loop3A_498, %parallel_loop3A_499] {strides = array<i32>} : memref<80x128xf32, #tpu.memory_space<vmem>>, vector<16xf32>,
        tpu.vector_store %arg8[%parallel_loop3A_498, %parallel_loop3A_499], %parallel_loop3A_497 {strides = array<i32>} : memref<80x128xf32, #tpu.memory_space<vmem>>, vector<16xf32>,
        %parallel_loop3A_501 = arith.index_cast %parallel_loop3A_480 : i32 to index
        %parallel_loop3A_502 = arith.constant 32 : index
        %parallel_loop3A_503 = tpu.vector_load %arg8[%parallel_loop3A_501, %parallel_loop3A_502] {strides = array<i32>} : memref<80x128xf32, #tpu.memory_space<vmem>>, vector<16xf32>,
        %parallel_loop3A_504 = arith.index_cast %parallel_loop3A_480 : i32 to index
        %parallel_loop3A_505 = arith.constant 32 : index
        %parallel_loop3A_506 = tpu.vector_load %arg10[%parallel_loop3A_504, %parallel_loop3A_505] {strides = array<i32>} : memref<80x128xf32, #tpu.memory_space<vmem>>, vector<16xf32>,
        %parallel_loop3A_507 = arith.mulf %parallel_loop3A_503, %parallel_loop3A_506 : vector<16xf32>
        %parallel_loop3A_508 = arith.index_cast %parallel_loop3A_480 : i32 to index
        %parallel_loop3A_509 = arith.constant 32 : index
        %parallel_loop3A_510 = tpu.vector_load %arg8[%parallel_loop3A_508, %parallel_loop3A_509] {strides = array<i32>} : memref<80x128xf32, #tpu.memory_space<vmem>>, vector<16xf32>,
        tpu.vector_store %arg8[%parallel_loop3A_508, %parallel_loop3A_509], %parallel_loop3A_507 {strides = array<i32>} : memref<80x128xf32, #tpu.memory_space<vmem>>, vector<16xf32>,
        %parallel_loop3A_511 = arith.index_cast %parallel_loop3A_480 : i32 to index
        %parallel_loop3A_512 = arith.constant 48 : index
        %parallel_loop3A_513 = tpu.vector_load %arg8[%parallel_loop3A_511, %parallel_loop3A_512] {strides = array<i32>} : memref<80x128xf32, #tpu.memory_space<vmem>>, vector<16xf32>,
        %parallel_loop3A_514 = arith.index_cast %parallel_loop3A_480 : i32 to index
        %parallel_loop3A_515 = arith.constant 48 : index
        %parallel_loop3A_516 = tpu.vector_load %arg10[%parallel_loop3A_514, %parallel_loop3A_515] {strides = array<i32>} : memref<80x128xf32, #tpu.memory_space<vmem>>, vector<16xf32>,
        %parallel_loop3A_517 = arith.mulf %parallel_loop3A_513, %parallel_loop3A_516 : vector<16xf32>
        %parallel_loop3A_518 = arith.index_cast %parallel_loop3A_480 : i32 to index
        %parallel_loop3A_519 = arith.constant 48 : index
        %parallel_loop3A_520 = tpu.vector_load %arg8[%parallel_loop3A_518, %parallel_loop3A_519] {strides = array<i32>} : memref<80x128xf32, #tpu.memory_space<vmem>>, vector<16xf32>,
        tpu.vector_store %arg8[%parallel_loop3A_518, %parallel_loop3A_519], %parallel_loop3A_517 {strides = array<i32>} : memref<80x128xf32, #tpu.memory_space<vmem>>, vector<16xf32>,
        %parallel_loop3A_521 = arith.index_cast %parallel_loop3A_480 : i32 to index
        %parallel_loop3A_522 = arith.constant 64 : index
        %parallel_loop3A_523 = tpu.vector_load %arg8[%parallel_loop3A_521, %parallel_loop3A_522] {strides = array<i32>} : memref<80x128xf32, #tpu.memory_space<vmem>>, vector<16xf32>,
        %parallel_loop3A_524 = arith.index_cast %parallel_loop3A_480 : i32 to index
        %parallel_loop3A_525 = arith.constant 64 : index
        %parallel_loop3A_526 = tpu.vector_load %arg10[%parallel_loop3A_524, %parallel_loop3A_525] {strides = array<i32>} : memref<80x128xf32, #tpu.memory_space<vmem>>, vector<16xf32>,
        %parallel_loop3A_527 = arith.mulf %parallel_loop3A_523, %parallel_loop3A_526 : vector<16xf32>
        %parallel_loop3A_528 = arith.index_cast %parallel_loop3A_480 : i32 to index
        %parallel_loop3A_529 = arith.constant 64 : index
        %parallel_loop3A_530 = tpu.vector_load %arg8[%parallel_loop3A_528, %parallel_loop3A_529] {strides = array<i32>} : memref<80x128xf32, #tpu.memory_space<vmem>>, vector<16xf32>,
        tpu.vector_store %arg8[%parallel_loop3A_528, %parallel_loop3A_529], %parallel_loop3A_527 {strides = array<i32>} : memref<80x128xf32, #tpu.memory_space<vmem>>, vector<16xf32>,
        %parallel_loop3A_531 = arith.index_cast %parallel_loop3A_480 : i32 to index
        %parallel_loop3A_532 = arith.constant 80 : index
        %parallel_loop3A_533 = tpu.vector_load %arg8[%parallel_loop3A_531, %parallel_loop3A_532] {strides = array<i32>} : memref<80x128xf32, #tpu.memory_space<vmem>>, vector<16xf32>,
        %parallel_loop3A_534 = arith.index_cast %parallel_loop3A_480 : i32 to index
        %parallel_loop3A_535 = arith.constant 80 : index
        %parallel_loop3A_536 = tpu.vector_load %arg10[%parallel_loop3A_534, %parallel_loop3A_535] {strides = array<i32>} : memref<80x128xf32, #tpu.memory_space<vmem>>, vector<16xf32>,
        %parallel_loop3A_537 = arith.mulf %parallel_loop3A_533, %parallel_loop3A_536 : vector<16xf32>
        %parallel_loop3A_538 = arith.index_cast %parallel_loop3A_480 : i32 to index
        %parallel_loop3A_539 = arith.constant 80 : index
        %parallel_loop3A_540 = tpu.vector_load %arg8[%parallel_loop3A_538, %parallel_loop3A_539] {strides = array<i32>} : memref<80x128xf32, #tpu.memory_space<vmem>>, vector<16xf32>,
        tpu.vector_store %arg8[%parallel_loop3A_538, %parallel_loop3A_539], %parallel_loop3A_537 {strides = array<i32>} : memref<80x128xf32, #tpu.memory_space<vmem>>, vector<16xf32>,
        %parallel_loop3A_541 = arith.index_cast %parallel_loop3A_480 : i32 to index
        %parallel_loop3A_542 = arith.constant 96 : index
        %parallel_loop3A_543 = tpu.vector_load %arg8[%parallel_loop3A_541, %parallel_loop3A_542] {strides = array<i32>} : memref<80x128xf32, #tpu.memory_space<vmem>>, vector<16xf32>,
        %parallel_loop3A_544 = arith.index_cast %parallel_loop3A_480 : i32 to index
        %parallel_loop3A_545 = arith.constant 96 : index
        %parallel_loop3A_546 = tpu.vector_load %arg10[%parallel_loop3A_544, %parallel_loop3A_545] {strides = array<i32>} : memref<80x128xf32, #tpu.memory_space<vmem>>, vector<16xf32>,
        %parallel_loop3A_547 = arith.mulf %parallel_loop3A_543, %parallel_loop3A_546 : vector<16xf32>
        %parallel_loop3A_548 = arith.index_cast %parallel_loop3A_480 : i32 to index
        %parallel_loop3A_549 = arith.constant 96 : index
        %parallel_loop3A_550 = tpu.vector_load %arg8[%parallel_loop3A_548, %parallel_loop3A_549] {strides = array<i32>} : memref<80x128xf32, #tpu.memory_space<vmem>>, vector<16xf32>,
        tpu.vector_store %arg8[%parallel_loop3A_548, %parallel_loop3A_549], %parallel_loop3A_547 {strides = array<i32>} : memref<80x128xf32, #tpu.memory_space<vmem>>, vector<16xf32>,
        %parallel_loop3A_551 = arith.index_cast %parallel_loop3A_480 : i32 to index
        %parallel_loop3A_552 = arith.constant 112 : index
        %parallel_loop3A_553 = tpu.vector_load %arg8[%parallel_loop3A_551, %parallel_loop3A_552] {strides = array<i32>} : memref<80x128xf32, #tpu.memory_space<vmem>>, vector<16xf32>,
        %parallel_loop3A_554 = arith.index_cast %parallel_loop3A_480 : i32 to index
        %parallel_loop3A_555 = arith.constant 112 : index
        %parallel_loop3A_556 = tpu.vector_load %arg10[%parallel_loop3A_554, %parallel_loop3A_555] {strides = array<i32>} : memref<80x128xf32, #tpu.memory_space<vmem>>, vector<16xf32>,
        %parallel_loop3A_557 = arith.mulf %parallel_loop3A_553, %parallel_loop3A_556 : vector<16xf32>
        %parallel_loop3A_558 = arith.index_cast %parallel_loop3A_480 : i32 to index
        %parallel_loop3A_559 = arith.constant 112 : index
        %parallel_loop3A_560 = tpu.vector_load %arg8[%parallel_loop3A_558, %parallel_loop3A_559] {strides = array<i32>} : memref<80x128xf32, #tpu.memory_space<vmem>>, vector<16xf32>,
        tpu.vector_store %arg8[%parallel_loop3A_558, %parallel_loop3A_559], %parallel_loop3A_557 {strides = array<i32>} : memref<80x128xf32, #tpu.memory_space<vmem>>, vector<16xf32>,
      } {sc.loop_unroll_factor = 2 : i64, sc.parallel_access}
      %dma_start3A_413 = arith.constant 0 : i32
      %dma_start3A_414 = arith.constant 0 : i32
      %dma_start3A_415 = tpu.memref_slice %arg7[%dma_start3A_413, %dma_start3A_414] : memref<10112x128xf32, #tpu.memory_space<vmem_shared>> -> memref<10112x128xf32, #tpu.memory_space<vmem_shared>>
      tpu.enqueue_indirect_dma source(%arg8 : memref<80x128xf32, #tpu.memory_space<vmem>>) target(%dma_start3A_415 : memref<10112x128xf32, #tpu.memory_space<vmem_shared>>) offsets(%arg12 : memref<80xi32, #tpu.memory_space<vmem>>) semaphore(%arg24 : memref<!tpu.dma_semaphore, #tpu.memory_space<semaphore_mem>>) {add = true}
      %add3A_416 = arith.constant 2 : i32
      %add3A_417 = arith.addi %add3A_371, %add3A_416 : i32
      %add3A_418 = arith.addi %mul3A_2, %add3A_417 : i32
      %mul3A_419 = arith.constant 80 : i32
      %mul3A_420 = arith.muli %add3A_418, %mul3A_419 : i32
      %dma_start3A_421 = tpu.memref_slice %arg2[%mul3A_420] : memref<320000xi32, #tpu.memory_space<hbm>> -> memref<80xi32, #tpu.memory_space<hbm>>
      %dma_start3A_422 = tpu.memref_slice %arg2[%mul3A_420] : memref<320000xi32, #tpu.memory_space<hbm>> -> memref<80xi32, #tpu.memory_space<hbm>>
      tpu.enqueue_dma source(%dma_start3A_422 : memref<80xi32, #tpu.memory_space<hbm>>) target(%arg14 : memref<80xi32, #tpu.memory_space<vmem>>) target_semaphore(%arg28 : memref<!tpu.dma_semaphore, #tpu.memory_space<semaphore_mem>>)
      %dma_start3A_423 = tpu.memref_slice %arg3[%mul3A_420] : memref<320000xi32, #tpu.memory_space<hbm>> -> memref<80xi32, #tpu.memory_space<hbm>>
      %dma_start3A_424 = tpu.memref_slice %arg3[%mul3A_420] : memref<320000xi32, #tpu.memory_space<hbm>> -> memref<80xi32, #tpu.memory_space<hbm>>
      tpu.enqueue_dma source(%dma_start3A_424 : memref<80xi32, #tpu.memory_space<hbm>>) target(%arg18 : memref<80xi32, #tpu.memory_space<vmem>>) target_semaphore(%arg28 : memref<!tpu.dma_semaphore, #tpu.memory_space<semaphore_mem>>)
      %add3A_425 = arith.constant 3 : i32
      %add3A_426 = arith.addi %add3A_261, %add3A_425 : i32
      %dma_wait3A_427 = arith.constant 0 : i32
      %dma_wait3A_428 = arith.constant 0 : i32
      %dma_wait3A_429 = tpu.memref_slice %arg5[%dma_wait3A_427, %dma_wait3A_428] : memref<10000x128xf32, #tpu.memory_space<hbm>> -> memref<80x128xf32, #tpu.memory_space<hbm>>
      %dma_wait3A_430 = arith.constant 0 : i32
      %dma_wait3A_431 = arith.constant 0 : i32
      %dma_wait3A_432 = tpu.memref_slice %arg5[%dma_wait3A_430, %dma_wait3A_431] : memref<10000x128xf32, #tpu.memory_space<hbm>> -> memref<80x128xf32, #tpu.memory_space<hbm>>
      tpu.wait_dma2 semaphore(%arg21 : memref<!tpu.dma_semaphore, #tpu.memory_space<semaphore_mem>>) src(%dma_wait3A_432 : memref<80x128xf32, #tpu.memory_space<hbm>>) dst(%arg9 : memref<80x128xf32, #tpu.memory_space<vmem>>)
      %dma_wait3A_433 = arith.constant 0 : i32
      %dma_wait3A_434 = arith.constant 0 : i32
      %dma_wait3A_435 = tpu.memref_slice %arg4[%dma_wait3A_433, %dma_wait3A_434] : memref<320000x128xf32, #tpu.memory_space<hbm>> -> memref<80x128xf32, #tpu.memory_space<hbm>>
      %dma_wait3A_436 = arith.constant 0 : i32
      %dma_wait3A_437 = arith.constant 0 : i32
      %dma_wait3A_438 = tpu.memref_slice %arg4[%dma_wait3A_436, %dma_wait3A_437] : memref<320000x128xf32, #tpu.memory_space<hbm>> -> memref<80x128xf32, #tpu.memory_space<hbm>>
      tpu.wait_dma2 semaphore(%arg23 : memref<!tpu.dma_semaphore, #tpu.memory_space<semaphore_mem>>) src(%dma_wait3A_438 : memref<80x128xf32, #tpu.memory_space<hbm>>) dst(%arg11 : memref<80x128xf32, #tpu.memory_space<vmem>>)
      %dma_wait3A_439 = arith.constant 0 : i32
      %dma_wait3A_440 = arith.constant 0 : i32
      %dma_wait3A_441 = tpu.memref_slice %arg5[%dma_wait3A_439, %dma_wait3A_440] : memref<10000x128xf32, #tpu.memory_space<hbm>> -> memref<80x128xf32, #tpu.memory_space<hbm>>
      %dma_wait3A_442 = arith.constant 0 : i32
      %dma_wait3A_443 = arith.constant 0 : i32
      %dma_wait3A_444 = tpu.memref_slice %arg5[%dma_wait3A_442, %dma_wait3A_443] : memref<10000x128xf32, #tpu.memory_space<hbm>> -> memref<80x128xf32, #tpu.memory_space<hbm>>
      tpu.wait_dma2 semaphore(%arg24 : memref<!tpu.dma_semaphore, #tpu.memory_space<semaphore_mem>>) src(%dma_wait3A_444 : memref<80x128xf32, #tpu.memory_space<hbm>>) dst(%arg8 : memref<80x128xf32, #tpu.memory_space<vmem>>)
      %dma_wait3A_445 = arith.constant 0 : i32
      %dma_wait3A_446 = tpu.memref_slice %arg2[%dma_wait3A_445] : memref<320000xi32, #tpu.memory_space<hbm>> -> memref<80xi32, #tpu.memory_space<hbm>>
      %dma_wait3A_447 = arith.constant 0 : i32
      %dma_wait3A_448 = tpu.memref_slice %arg2[%dma_wait3A_447] : memref<320000xi32, #tpu.memory_space<hbm>> -> memref<80xi32, #tpu.memory_space<hbm>>
      tpu.wait_dma2 semaphore(%arg28 : memref<!tpu.dma_semaphore, #tpu.memory_space<semaphore_mem>>) src(%dma_wait3A_448 : memref<80xi32, #tpu.memory_space<hbm>>) dst(%arg14 : memref<80xi32, #tpu.memory_space<vmem>>)
      %dma_wait3A_449 = arith.constant 0 : i32
      %dma_wait3A_450 = tpu.memref_slice %arg3[%dma_wait3A_449] : memref<320000xi32, #tpu.memory_space<hbm>> -> memref<80xi32, #tpu.memory_space<hbm>>
      %dma_wait3A_451 = arith.constant 0 : i32
      %dma_wait3A_452 = tpu.memref_slice %arg3[%dma_wait3A_451] : memref<320000xi32, #tpu.memory_space<hbm>> -> memref<80xi32, #tpu.memory_space<hbm>>
      tpu.wait_dma2 semaphore(%arg28 : memref<!tpu.dma_semaphore, #tpu.memory_space<semaphore_mem>>) src(%dma_wait3A_452 : memref<80xi32, #tpu.memory_space<hbm>>) dst(%arg18 : memref<80xi32, #tpu.memory_space<vmem>>)
      %add3A_453 = arith.constant 1 : i32
      %add3A_454 = arith.addi %add3A_426, %add3A_453 : i32
      %dma_start3A_455 = arith.constant 0 : i32
      %dma_start3A_456 = arith.constant 0 : i32
      %dma_start3A_457 = tpu.memref_slice %arg5[%dma_start3A_455, %dma_start3A_456] : memref<10000x128xf32, #tpu.memory_space<hbm>> -> memref<10000x128xf32, #tpu.memory_space<hbm>>
      tpu.enqueue_indirect_dma source(%dma_start3A_457 : memref<10000x128xf32, #tpu.memory_space<hbm>>) target(%arg8 : memref<80x128xf32, #tpu.memory_space<vmem>>) offsets(%arg18 : memref<80xi32, #tpu.memory_space<vmem>>) semaphore(%arg20 : memref<!tpu.dma_semaphore, #tpu.memory_space<semaphore_mem>>)
      %add3A_458 = arith.addi %mul3A_2, %add3A_454 : i32
      %mul3A_459 = arith.constant 80 : i32
      %mul3A_460 = arith.muli %add3A_458, %mul3A_459 : i32
      %dma_start3A_461 = arith.constant 0 : i32
      %dma_start3A_462 = tpu.memref_slice %arg4[%mul3A_460, %dma_start3A_461] : memref<320000x128xf32, #tpu.memory_space<hbm>> -> memref<80x128xf32, #tpu.memory_space<hbm>>
      %dma_start3A_463 = arith.constant 0 : i32
      %dma_start3A_464 = tpu.memref_slice %arg4[%mul3A_460, %dma_start3A_463] : memref<320000x128xf32, #tpu.memory_space<hbm>> -> memref<80x128xf32, #tpu.memory_space<hbm>>
      tpu.enqueue_dma source(%dma_start3A_464 : memref<80x128xf32, #tpu.memory_space<hbm>>) target(%arg10 : memref<80x128xf32, #tpu.memory_space<vmem>>) target_semaphore(%arg22 : memref<!tpu.dma_semaphore, #tpu.memory_space<semaphore_mem>>)
      %parallel_loop3A_465 = arith.constant 0 : i32
      %parallel_loop3A_466 = arith.constant 80 : i32
      %parallel_loop3A_467 = arith.constant 1 : i32
      scf.for %parallel_loop3A_480 = %parallel_loop3A_465 to %parallel_loop3A_466 step %parallel_loop3A_467  : i32 {
        %parallel_loop3A_481 = arith.index_cast %parallel_loop3A_480 : i32 to index
        %parallel_loop3A_482 = arith.constant 0 : index
        %parallel_loop3A_483 = tpu.vector_load %arg9[%parallel_loop3A_481, %parallel_loop3A_482] {strides = array<i32>} : memref<80x128xf32, #tpu.memory_space<vmem>>, vector<16xf32>,
        %parallel_loop3A_484 = arith.index_cast %parallel_loop3A_480 : i32 to index
        %parallel_loop3A_485 = arith.constant 0 : index
        %parallel_loop3A_486 = tpu.vector_load %arg11[%parallel_loop3A_484, %parallel_loop3A_485] {strides = array<i32>} : memref<80x128xf32, #tpu.memory_space<vmem>>, vector<16xf32>,
        %parallel_loop3A_487 = arith.mulf %parallel_loop3A_483, %parallel_loop3A_486 : vector<16xf32>
        %parallel_loop3A_488 = arith.index_cast %parallel_loop3A_480 : i32 to index
        %parallel_loop3A_489 = arith.constant 0 : index
        %parallel_loop3A_490 = tpu.vector_load %arg9[%parallel_loop3A_488, %parallel_loop3A_489] {strides = array<i32>} : memref<80x128xf32, #tpu.memory_space<vmem>>, vector<16xf32>,
        tpu.vector_store %arg9[%parallel_loop3A_488, %parallel_loop3A_489], %parallel_loop3A_487 {strides = array<i32>} : memref<80x128xf32, #tpu.memory_space<vmem>>, vector<16xf32>,
        %parallel_loop3A_491 = arith.index_cast %parallel_loop3A_480 : i32 to index
        %parallel_loop3A_492 = arith.constant 16 : index
        %parallel_loop3A_493 = tpu.vector_load %arg9[%parallel_loop3A_491, %parallel_loop3A_492] {strides = array<i32>} : memref<80x128xf32, #tpu.memory_space<vmem>>, vector<16xf32>,
        %parallel_loop3A_494 = arith.index_cast %parallel_loop3A_480 : i32 to index
        %parallel_loop3A_495 = arith.constant 16 : index
        %parallel_loop3A_496 = tpu.vector_load %arg11[%parallel_loop3A_494, %parallel_loop3A_495] {strides = array<i32>} : memref<80x128xf32, #tpu.memory_space<vmem>>, vector<16xf32>,
        %parallel_loop3A_497 = arith.mulf %parallel_loop3A_493, %parallel_loop3A_496 : vector<16xf32>
        %parallel_loop3A_498 = arith.index_cast %parallel_loop3A_480 : i32 to index
        %parallel_loop3A_499 = arith.constant 16 : index
        %parallel_loop3A_500 = tpu.vector_load %arg9[%parallel_loop3A_498, %parallel_loop3A_499] {strides = array<i32>} : memref<80x128xf32, #tpu.memory_space<vmem>>, vector<16xf32>,
        tpu.vector_store %arg9[%parallel_loop3A_498, %parallel_loop3A_499], %parallel_loop3A_497 {strides = array<i32>} : memref<80x128xf32, #tpu.memory_space<vmem>>, vector<16xf32>,
        %parallel_loop3A_501 = arith.index_cast %parallel_loop3A_480 : i32 to index
        %parallel_loop3A_502 = arith.constant 32 : index
        %parallel_loop3A_503 = tpu.vector_load %arg9[%parallel_loop3A_501, %parallel_loop3A_502] {strides = array<i32>} : memref<80x128xf32, #tpu.memory_space<vmem>>, vector<16xf32>,
        %parallel_loop3A_504 = arith.index_cast %parallel_loop3A_480 : i32 to index
        %parallel_loop3A_505 = arith.constant 32 : index
        %parallel_loop3A_506 = tpu.vector_load %arg11[%parallel_loop3A_504, %parallel_loop3A_505] {strides = array<i32>} : memref<80x128xf32, #tpu.memory_space<vmem>>, vector<16xf32>,
        %parallel_loop3A_507 = arith.mulf %parallel_loop3A_503, %parallel_loop3A_506 : vector<16xf32>
        %parallel_loop3A_508 = arith.index_cast %parallel_loop3A_480 : i32 to index
        %parallel_loop3A_509 = arith.constant 32 : index
        %parallel_loop3A_510 = tpu.vector_load %arg9[%parallel_loop3A_508, %parallel_loop3A_509] {strides = array<i32>} : memref<80x128xf32, #tpu.memory_space<vmem>>, vector<16xf32>,
        tpu.vector_store %arg9[%parallel_loop3A_508, %parallel_loop3A_509], %parallel_loop3A_507 {strides = array<i32>} : memref<80x128xf32, #tpu.memory_space<vmem>>, vector<16xf32>,
        %parallel_loop3A_511 = arith.index_cast %parallel_loop3A_480 : i32 to index
        %parallel_loop3A_512 = arith.constant 48 : index
        %parallel_loop3A_513 = tpu.vector_load %arg9[%parallel_loop3A_511, %parallel_loop3A_512] {strides = array<i32>} : memref<80x128xf32, #tpu.memory_space<vmem>>, vector<16xf32>,
        %parallel_loop3A_514 = arith.index_cast %parallel_loop3A_480 : i32 to index
        %parallel_loop3A_515 = arith.constant 48 : index
        %parallel_loop3A_516 = tpu.vector_load %arg11[%parallel_loop3A_514, %parallel_loop3A_515] {strides = array<i32>} : memref<80x128xf32, #tpu.memory_space<vmem>>, vector<16xf32>,
        %parallel_loop3A_517 = arith.mulf %parallel_loop3A_513, %parallel_loop3A_516 : vector<16xf32>
        %parallel_loop3A_518 = arith.index_cast %parallel_loop3A_480 : i32 to index
        %parallel_loop3A_519 = arith.constant 48 : index
        %parallel_loop3A_520 = tpu.vector_load %arg9[%parallel_loop3A_518, %parallel_loop3A_519] {strides = array<i32>} : memref<80x128xf32, #tpu.memory_space<vmem>>, vector<16xf32>,
        tpu.vector_store %arg9[%parallel_loop3A_518, %parallel_loop3A_519], %parallel_loop3A_517 {strides = array<i32>} : memref<80x128xf32, #tpu.memory_space<vmem>>, vector<16xf32>,
        %parallel_loop3A_521 = arith.index_cast %parallel_loop3A_480 : i32 to index
        %parallel_loop3A_522 = arith.constant 64 : index
        %parallel_loop3A_523 = tpu.vector_load %arg9[%parallel_loop3A_521, %parallel_loop3A_522] {strides = array<i32>} : memref<80x128xf32, #tpu.memory_space<vmem>>, vector<16xf32>,
        %parallel_loop3A_524 = arith.index_cast %parallel_loop3A_480 : i32 to index
        %parallel_loop3A_525 = arith.constant 64 : index
        %parallel_loop3A_526 = tpu.vector_load %arg11[%parallel_loop3A_524, %parallel_loop3A_525] {strides = array<i32>} : memref<80x128xf32, #tpu.memory_space<vmem>>, vector<16xf32>,
        %parallel_loop3A_527 = arith.mulf %parallel_loop3A_523, %parallel_loop3A_526 : vector<16xf32>
        %parallel_loop3A_528 = arith.index_cast %parallel_loop3A_480 : i32 to index
        %parallel_loop3A_529 = arith.constant 64 : index
        %parallel_loop3A_530 = tpu.vector_load %arg9[%parallel_loop3A_528, %parallel_loop3A_529] {strides = array<i32>} : memref<80x128xf32, #tpu.memory_space<vmem>>, vector<16xf32>,
        tpu.vector_store %arg9[%parallel_loop3A_528, %parallel_loop3A_529], %parallel_loop3A_527 {strides = array<i32>} : memref<80x128xf32, #tpu.memory_space<vmem>>, vector<16xf32>,
        %parallel_loop3A_531 = arith.index_cast %parallel_loop3A_480 : i32 to index
        %parallel_loop3A_532 = arith.constant 80 : index
        %parallel_loop3A_533 = tpu.vector_load %arg9[%parallel_loop3A_531, %parallel_loop3A_532] {strides = array<i32>} : memref<80x128xf32, #tpu.memory_space<vmem>>, vector<16xf32>,
        %parallel_loop3A_534 = arith.index_cast %parallel_loop3A_480 : i32 to index
        %parallel_loop3A_535 = arith.constant 80 : index
        %parallel_loop3A_536 = tpu.vector_load %arg11[%parallel_loop3A_534, %parallel_loop3A_535] {strides = array<i32>} : memref<80x128xf32, #tpu.memory_space<vmem>>, vector<16xf32>,
        %parallel_loop3A_537 = arith.mulf %parallel_loop3A_533, %parallel_loop3A_536 : vector<16xf32>
        %parallel_loop3A_538 = arith.index_cast %parallel_loop3A_480 : i32 to index
        %parallel_loop3A_539 = arith.constant 80 : index
        %parallel_loop3A_540 = tpu.vector_load %arg9[%parallel_loop3A_538, %parallel_loop3A_539] {strides = array<i32>} : memref<80x128xf32, #tpu.memory_space<vmem>>, vector<16xf32>,
        tpu.vector_store %arg9[%parallel_loop3A_538, %parallel_loop3A_539], %parallel_loop3A_537 {strides = array<i32>} : memref<80x128xf32, #tpu.memory_space<vmem>>, vector<16xf32>,
        %parallel_loop3A_541 = arith.index_cast %parallel_loop3A_480 : i32 to index
        %parallel_loop3A_542 = arith.constant 96 : index
        %parallel_loop3A_543 = tpu.vector_load %arg9[%parallel_loop3A_541, %parallel_loop3A_542] {strides = array<i32>} : memref<80x128xf32, #tpu.memory_space<vmem>>, vector<16xf32>,
        %parallel_loop3A_544 = arith.index_cast %parallel_loop3A_480 : i32 to index
        %parallel_loop3A_545 = arith.constant 96 : index
        %parallel_loop3A_546 = tpu.vector_load %arg11[%parallel_loop3A_544, %parallel_loop3A_545] {strides = array<i32>} : memref<80x128xf32, #tpu.memory_space<vmem>>, vector<16xf32>,
        %parallel_loop3A_547 = arith.mulf %parallel_loop3A_543, %parallel_loop3A_546 : vector<16xf32>
        %parallel_loop3A_548 = arith.index_cast %parallel_loop3A_480 : i32 to index
        %parallel_loop3A_549 = arith.constant 96 : index
        %parallel_loop3A_550 = tpu.vector_load %arg9[%parallel_loop3A_548, %parallel_loop3A_549] {strides = array<i32>} : memref<80x128xf32, #tpu.memory_space<vmem>>, vector<16xf32>,
        tpu.vector_store %arg9[%parallel_loop3A_548, %parallel_loop3A_549], %parallel_loop3A_547 {strides = array<i32>} : memref<80x128xf32, #tpu.memory_space<vmem>>, vector<16xf32>,
        %parallel_loop3A_551 = arith.index_cast %parallel_loop3A_480 : i32 to index
        %parallel_loop3A_552 = arith.constant 112 : index
        %parallel_loop3A_553 = tpu.vector_load %arg9[%parallel_loop3A_551, %parallel_loop3A_552] {strides = array<i32>} : memref<80x128xf32, #tpu.memory_space<vmem>>, vector<16xf32>,
        %parallel_loop3A_554 = arith.index_cast %parallel_loop3A_480 : i32 to index
        %parallel_loop3A_555 = arith.constant 112 : index
        %parallel_loop3A_556 = tpu.vector_load %arg11[%parallel_loop3A_554, %parallel_loop3A_555] {strides = array<i32>} : memref<80x128xf32, #tpu.memory_space<vmem>>, vector<16xf32>,
        %parallel_loop3A_557 = arith.mulf %parallel_loop3A_553, %parallel_loop3A_556 : vector<16xf32>
        %parallel_loop3A_558 = arith.index_cast %parallel_loop3A_480 : i32 to index
        %parallel_loop3A_559 = arith.constant 112 : index
        %parallel_loop3A_560 = tpu.vector_load %arg9[%parallel_loop3A_558, %parallel_loop3A_559] {strides = array<i32>} : memref<80x128xf32, #tpu.memory_space<vmem>>, vector<16xf32>,
        tpu.vector_store %arg9[%parallel_loop3A_558, %parallel_loop3A_559], %parallel_loop3A_557 {strides = array<i32>} : memref<80x128xf32, #tpu.memory_space<vmem>>, vector<16xf32>,
      } {sc.loop_unroll_factor = 2 : i64, sc.parallel_access}
      %dma_start3A_468 = arith.constant 0 : i32
      %dma_start3A_469 = arith.constant 0 : i32
      %dma_start3A_470 = tpu.memref_slice %arg7[%dma_start3A_468, %dma_start3A_469] : memref<10112x128xf32, #tpu.memory_space<vmem_shared>> -> memref<10112x128xf32, #tpu.memory_space<vmem_shared>>
      tpu.enqueue_indirect_dma source(%arg9 : memref<80x128xf32, #tpu.memory_space<vmem>>) target(%dma_start3A_470 : memref<10112x128xf32, #tpu.memory_space<vmem_shared>>) offsets(%arg13 : memref<80xi32, #tpu.memory_space<vmem>>) semaphore(%arg25 : memref<!tpu.dma_semaphore, #tpu.memory_space<semaphore_mem>>) {add = true}
      %add3A_471 = arith.constant 2 : i32
      %add3A_472 = arith.addi %add3A_426, %add3A_471 : i32
      %add3A_473 = arith.addi %mul3A_2, %add3A_472 : i32
      %mul3A_474 = arith.constant 80 : i32
      %mul3A_475 = arith.muli %add3A_473, %mul3A_474 : i32
      %dma_start3A_476 = tpu.memref_slice %arg2[%mul3A_475] : memref<320000xi32, #tpu.memory_space<hbm>> -> memref<80xi32, #tpu.memory_space<hbm>>
      %dma_start3A_477 = tpu.memref_slice %arg2[%mul3A_475] : memref<320000xi32, #tpu.memory_space<hbm>> -> memref<80xi32, #tpu.memory_space<hbm>>
      tpu.enqueue_dma source(%dma_start3A_477 : memref<80xi32, #tpu.memory_space<hbm>>) target(%arg15 : memref<80xi32, #tpu.memory_space<vmem>>) target_semaphore(%arg29 : memref<!tpu.dma_semaphore, #tpu.memory_space<semaphore_mem>>)
      %dma_start3A_478 = tpu.memref_slice %arg3[%mul3A_475] : memref<320000xi32, #tpu.memory_space<hbm>> -> memref<80xi32, #tpu.memory_space<hbm>>
      %dma_start3A_479 = tpu.memref_slice %arg3[%mul3A_475] : memref<320000xi32, #tpu.memory_space<hbm>> -> memref<80xi32, #tpu.memory_space<hbm>>
      tpu.enqueue_dma source(%dma_start3A_479 : memref<80xi32, #tpu.memory_space<hbm>>) target(%arg19 : memref<80xi32, #tpu.memory_space<vmem>>) target_semaphore(%arg29 : memref<!tpu.dma_semaphore, #tpu.memory_space<semaphore_mem>>)
    }
    %scan3A_127 = arith.constant 30 : i32
    %dma_wait3A_128 = arith.constant 0 : i32
    %dma_wait3A_129 = arith.constant 0 : i32
    %dma_wait3A_130 = tpu.memref_slice %arg5[%dma_wait3A_128, %dma_wait3A_129] : memref<10000x128xf32, #tpu.memory_space<hbm>> -> memref<80x128xf32, #tpu.memory_space<hbm>>
    %dma_wait3A_131 = arith.constant 0 : i32
    %dma_wait3A_132 = arith.constant 0 : i32
    %dma_wait3A_133 = tpu.memref_slice %arg5[%dma_wait3A_131, %dma_wait3A_132] : memref<10000x128xf32, #tpu.memory_space<hbm>> -> memref<80x128xf32, #tpu.memory_space<hbm>>
    tpu.wait_dma2 semaphore(%arg20 : memref<!tpu.dma_semaphore, #tpu.memory_space<semaphore_mem>>) src(%dma_wait3A_133 : memref<80x128xf32, #tpu.memory_space<hbm>>) dst(%arg8 : memref<80x128xf32, #tpu.memory_space<vmem>>)
    %dma_wait3A_134 = arith.constant 0 : i32
    %dma_wait3A_135 = arith.constant 0 : i32
    %dma_wait3A_136 = tpu.memref_slice %arg4[%dma_wait3A_134, %dma_wait3A_135] : memref<320000x128xf32, #tpu.memory_space<hbm>> -> memref<80x128xf32, #tpu.memory_space<hbm>>
    %dma_wait3A_137 = arith.constant 0 : i32
    %dma_wait3A_138 = arith.constant 0 : i32
    %dma_wait3A_139 = tpu.memref_slice %arg4[%dma_wait3A_137, %dma_wait3A_138] : memref<320000x128xf32, #tpu.memory_space<hbm>> -> memref<80x128xf32, #tpu.memory_space<hbm>>
    tpu.wait_dma2 semaphore(%arg22 : memref<!tpu.dma_semaphore, #tpu.memory_space<semaphore_mem>>) src(%dma_wait3A_139 : memref<80x128xf32, #tpu.memory_space<hbm>>) dst(%arg10 : memref<80x128xf32, #tpu.memory_space<vmem>>)
    %dma_wait3A_140 = arith.constant 0 : i32
    %dma_wait3A_141 = arith.constant 0 : i32
    %dma_wait3A_142 = tpu.memref_slice %arg5[%dma_wait3A_140, %dma_wait3A_141] : memref<10000x128xf32, #tpu.memory_space<hbm>> -> memref<80x128xf32, #tpu.memory_space<hbm>>
    %dma_wait3A_143 = arith.constant 0 : i32
    %dma_wait3A_144 = arith.constant 0 : i32
    %dma_wait3A_145 = tpu.memref_slice %arg5[%dma_wait3A_143, %dma_wait3A_144] : memref<10000x128xf32, #tpu.memory_space<hbm>> -> memref<80x128xf32, #tpu.memory_space<hbm>>
    tpu.wait_dma2 semaphore(%arg25 : memref<!tpu.dma_semaphore, #tpu.memory_space<semaphore_mem>>) src(%dma_wait3A_145 : memref<80x128xf32, #tpu.memory_space<hbm>>) dst(%arg9 : memref<80x128xf32, #tpu.memory_space<vmem>>)
    %dma_wait3A_146 = arith.constant 0 : i32
    %dma_wait3A_147 = tpu.memref_slice %arg2[%dma_wait3A_146] : memref<320000xi32, #tpu.memory_space<hbm>> -> memref<80xi32, #tpu.memory_space<hbm>>
    %dma_wait3A_148 = arith.constant 0 : i32
    %dma_wait3A_149 = tpu.memref_slice %arg2[%dma_wait3A_148] : memref<320000xi32, #tpu.memory_space<hbm>> -> memref<80xi32, #tpu.memory_space<hbm>>
    tpu.wait_dma2 semaphore(%arg29 : memref<!tpu.dma_semaphore, #tpu.memory_space<semaphore_mem>>) src(%dma_wait3A_149 : memref<80xi32, #tpu.memory_space<hbm>>) dst(%arg15 : memref<80xi32, #tpu.memory_space<vmem>>)
    %dma_wait3A_150 = arith.constant 0 : i32
    %dma_wait3A_151 = tpu.memref_slice %arg3[%dma_wait3A_150] : memref<320000xi32, #tpu.memory_space<hbm>> -> memref<80xi32, #tpu.memory_space<hbm>>
    %dma_wait3A_152 = arith.constant 0 : i32
    %dma_wait3A_153 = tpu.memref_slice %arg3[%dma_wait3A_152] : memref<320000xi32, #tpu.memory_space<hbm>> -> memref<80xi32, #tpu.memory_space<hbm>>
    tpu.wait_dma2 semaphore(%arg29 : memref<!tpu.dma_semaphore, #tpu.memory_space<semaphore_mem>>) src(%dma_wait3A_153 : memref<80xi32, #tpu.memory_space<hbm>>) dst(%arg19 : memref<80xi32, #tpu.memory_space<vmem>>)
    %dma_start3A_154 = arith.constant 0 : i32
    %dma_start3A_155 = arith.constant 0 : i32
    %dma_start3A_156 = tpu.memref_slice %arg5[%dma_start3A_154, %dma_start3A_155] : memref<10000x128xf32, #tpu.memory_space<hbm>> -> memref<10000x128xf32, #tpu.memory_space<hbm>>
    tpu.enqueue_indirect_dma source(%dma_start3A_156 : memref<10000x128xf32, #tpu.memory_space<hbm>>) target(%arg9 : memref<80x128xf32, #tpu.memory_space<vmem>>) offsets(%arg19 : memref<80xi32, #tpu.memory_space<vmem>>) semaphore(%arg21 : memref<!tpu.dma_semaphore, #tpu.memory_space<semaphore_mem>>)
    %add3A_157 = arith.constant 123 : i32
    %add3A_158 = arith.addi %mul3A_2, %add3A_157 : i32
    %mul3A_159 = arith.constant 80 : i32
    %mul3A_160 = arith.muli %add3A_158, %mul3A_159 : i32
    %dma_start3A_161 = arith.constant 0 : i32
    %dma_start3A_162 = tpu.memref_slice %arg4[%mul3A_160, %dma_start3A_161] : memref<320000x128xf32, #tpu.memory_space<hbm>> -> memref<80x128xf32, #tpu.memory_space<hbm>>
    %dma_start3A_163 = arith.constant 0 : i32
    %dma_start3A_164 = tpu.memref_slice %arg4[%mul3A_160, %dma_start3A_163] : memref<320000x128xf32, #tpu.memory_space<hbm>> -> memref<80x128xf32, #tpu.memory_space<hbm>>
    tpu.enqueue_dma source(%dma_start3A_164 : memref<80x128xf32, #tpu.memory_space<hbm>>) target(%arg11 : memref<80x128xf32, #tpu.memory_space<vmem>>) target_semaphore(%arg23 : memref<!tpu.dma_semaphore, #tpu.memory_space<semaphore_mem>>)
    %parallel_loop3A_165 = arith.constant 0 : i32
    %parallel_loop3A_166 = arith.constant 80 : i32
    %parallel_loop3A_167 = arith.constant 1 : i32
    scf.for %parallel_loop3A_253 = %parallel_loop3A_165 to %parallel_loop3A_166 step %parallel_loop3A_167  : i32 {
      %parallel_loop3A_254 = arith.index_cast %parallel_loop3A_253 : i32 to index
      %parallel_loop3A_255 = arith.constant 0 : index
      %parallel_loop3A_256 = tpu.vector_load %arg8[%parallel_loop3A_254, %parallel_loop3A_255] {strides = array<i32>} : memref<80x128xf32, #tpu.memory_space<vmem>>, vector<16xf32>,
      %parallel_loop3A_257 = arith.index_cast %parallel_loop3A_253 : i32 to index
      %parallel_loop3A_258 = arith.constant 0 : index
      %parallel_loop3A_259 = tpu.vector_load %arg10[%parallel_loop3A_257, %parallel_loop3A_258] {strides = array<i32>} : memref<80x128xf32, #tpu.memory_space<vmem>>, vector<16xf32>,
      %parallel_loop3A_260 = arith.mulf %parallel_loop3A_256, %parallel_loop3A_259 : vector<16xf32>
      %parallel_loop3A_261 = arith.index_cast %parallel_loop3A_253 : i32 to index
      %parallel_loop3A_262 = arith.constant 0 : index
      %parallel_loop3A_263 = tpu.vector_load %arg8[%parallel_loop3A_261, %parallel_loop3A_262] {strides = array<i32>} : memref<80x128xf32, #tpu.memory_space<vmem>>, vector<16xf32>,
      tpu.vector_store %arg8[%parallel_loop3A_261, %parallel_loop3A_262], %parallel_loop3A_260 {strides = array<i32>} : memref<80x128xf32, #tpu.memory_space<vmem>>, vector<16xf32>,
      %parallel_loop3A_264 = arith.index_cast %parallel_loop3A_253 : i32 to index
      %parallel_loop3A_265 = arith.constant 16 : index
      %parallel_loop3A_266 = tpu.vector_load %arg8[%parallel_loop3A_264, %parallel_loop3A_265] {strides = array<i32>} : memref<80x128xf32, #tpu.memory_space<vmem>>, vector<16xf32>,
      %parallel_loop3A_267 = arith.index_cast %parallel_loop3A_253 : i32 to index
      %parallel_loop3A_268 = arith.constant 16 : index
      %parallel_loop3A_269 = tpu.vector_load %arg10[%parallel_loop3A_267, %parallel_loop3A_268] {strides = array<i32>} : memref<80x128xf32, #tpu.memory_space<vmem>>, vector<16xf32>,
      %parallel_loop3A_270 = arith.mulf %parallel_loop3A_266, %parallel_loop3A_269 : vector<16xf32>
      %parallel_loop3A_271 = arith.index_cast %parallel_loop3A_253 : i32 to index
      %parallel_loop3A_272 = arith.constant 16 : index
      %parallel_loop3A_273 = tpu.vector_load %arg8[%parallel_loop3A_271, %parallel_loop3A_272] {strides = array<i32>} : memref<80x128xf32, #tpu.memory_space<vmem>>, vector<16xf32>,
      tpu.vector_store %arg8[%parallel_loop3A_271, %parallel_loop3A_272], %parallel_loop3A_270 {strides = array<i32>} : memref<80x128xf32, #tpu.memory_space<vmem>>, vector<16xf32>,
      %parallel_loop3A_274 = arith.index_cast %parallel_loop3A_253 : i32 to index
      %parallel_loop3A_275 = arith.constant 32 : index
      %parallel_loop3A_276 = tpu.vector_load %arg8[%parallel_loop3A_274, %parallel_loop3A_275] {strides = array<i32>} : memref<80x128xf32, #tpu.memory_space<vmem>>, vector<16xf32>,
      %parallel_loop3A_277 = arith.index_cast %parallel_loop3A_253 : i32 to index
      %parallel_loop3A_278 = arith.constant 32 : index
      %parallel_loop3A_279 = tpu.vector_load %arg10[%parallel_loop3A_277, %parallel_loop3A_278] {strides = array<i32>} : memref<80x128xf32, #tpu.memory_space<vmem>>, vector<16xf32>,
      %parallel_loop3A_280 = arith.mulf %parallel_loop3A_276, %parallel_loop3A_279 : vector<16xf32>
      %parallel_loop3A_281 = arith.index_cast %parallel_loop3A_253 : i32 to index
      %parallel_loop3A_282 = arith.constant 32 : index
      %parallel_loop3A_283 = tpu.vector_load %arg8[%parallel_loop3A_281, %parallel_loop3A_282] {strides = array<i32>} : memref<80x128xf32, #tpu.memory_space<vmem>>, vector<16xf32>,
      tpu.vector_store %arg8[%parallel_loop3A_281, %parallel_loop3A_282], %parallel_loop3A_280 {strides = array<i32>} : memref<80x128xf32, #tpu.memory_space<vmem>>, vector<16xf32>,
      %parallel_loop3A_284 = arith.index_cast %parallel_loop3A_253 : i32 to index
      %parallel_loop3A_285 = arith.constant 48 : index
      %parallel_loop3A_286 = tpu.vector_load %arg8[%parallel_loop3A_284, %parallel_loop3A_285] {strides = array<i32>} : memref<80x128xf32, #tpu.memory_space<vmem>>, vector<16xf32>,
      %parallel_loop3A_287 = arith.index_cast %parallel_loop3A_253 : i32 to index
      %parallel_loop3A_288 = arith.constant 48 : index
      %parallel_loop3A_289 = tpu.vector_load %arg10[%parallel_loop3A_287, %parallel_loop3A_288] {strides = array<i32>} : memref<80x128xf32, #tpu.memory_space<vmem>>, vector<16xf32>,
      %parallel_loop3A_290 = arith.mulf %parallel_loop3A_286, %parallel_loop3A_289 : vector<16xf32>
      %parallel_loop3A_291 = arith.index_cast %parallel_loop3A_253 : i32 to index
      %parallel_loop3A_292 = arith.constant 48 : index
      %parallel_loop3A_293 = tpu.vector_load %arg8[%parallel_loop3A_291, %parallel_loop3A_292] {strides = array<i32>} : memref<80x128xf32, #tpu.memory_space<vmem>>, vector<16xf32>,
      tpu.vector_store %arg8[%parallel_loop3A_291, %parallel_loop3A_292], %parallel_loop3A_290 {strides = array<i32>} : memref<80x128xf32, #tpu.memory_space<vmem>>, vector<16xf32>,
      %parallel_loop3A_294 = arith.index_cast %parallel_loop3A_253 : i32 to index
      %parallel_loop3A_295 = arith.constant 64 : index
      %parallel_loop3A_296 = tpu.vector_load %arg8[%parallel_loop3A_294, %parallel_loop3A_295] {strides = array<i32>} : memref<80x128xf32, #tpu.memory_space<vmem>>, vector<16xf32>,
      %parallel_loop3A_297 = arith.index_cast %parallel_loop3A_253 : i32 to index
      %parallel_loop3A_298 = arith.constant 64 : index
      %parallel_loop3A_299 = tpu.vector_load %arg10[%parallel_loop3A_297, %parallel_loop3A_298] {strides = array<i32>} : memref<80x128xf32, #tpu.memory_space<vmem>>, vector<16xf32>,
      %parallel_loop3A_300 = arith.mulf %parallel_loop3A_296, %parallel_loop3A_299 : vector<16xf32>
      %parallel_loop3A_301 = arith.index_cast %parallel_loop3A_253 : i32 to index
      %parallel_loop3A_302 = arith.constant 64 : index
      %parallel_loop3A_303 = tpu.vector_load %arg8[%parallel_loop3A_301, %parallel_loop3A_302] {strides = array<i32>} : memref<80x128xf32, #tpu.memory_space<vmem>>, vector<16xf32>,
      tpu.vector_store %arg8[%parallel_loop3A_301, %parallel_loop3A_302], %parallel_loop3A_300 {strides = array<i32>} : memref<80x128xf32, #tpu.memory_space<vmem>>, vector<16xf32>,
      %parallel_loop3A_304 = arith.index_cast %parallel_loop3A_253 : i32 to index
      %parallel_loop3A_305 = arith.constant 80 : index
      %parallel_loop3A_306 = tpu.vector_load %arg8[%parallel_loop3A_304, %parallel_loop3A_305] {strides = array<i32>} : memref<80x128xf32, #tpu.memory_space<vmem>>, vector<16xf32>,
      %parallel_loop3A_307 = arith.index_cast %parallel_loop3A_253 : i32 to index
      %parallel_loop3A_308 = arith.constant 80 : index
      %parallel_loop3A_309 = tpu.vector_load %arg10[%parallel_loop3A_307, %parallel_loop3A_308] {strides = array<i32>} : memref<80x128xf32, #tpu.memory_space<vmem>>, vector<16xf32>,
      %parallel_loop3A_310 = arith.mulf %parallel_loop3A_306, %parallel_loop3A_309 : vector<16xf32>
      %parallel_loop3A_311 = arith.index_cast %parallel_loop3A_253 : i32 to index
      %parallel_loop3A_312 = arith.constant 80 : index
      %parallel_loop3A_313 = tpu.vector_load %arg8[%parallel_loop3A_311, %parallel_loop3A_312] {strides = array<i32>} : memref<80x128xf32, #tpu.memory_space<vmem>>, vector<16xf32>,
      tpu.vector_store %arg8[%parallel_loop3A_311, %parallel_loop3A_312], %parallel_loop3A_310 {strides = array<i32>} : memref<80x128xf32, #tpu.memory_space<vmem>>, vector<16xf32>,
      %parallel_loop3A_314 = arith.index_cast %parallel_loop3A_253 : i32 to index
      %parallel_loop3A_315 = arith.constant 96 : index
      %parallel_loop3A_316 = tpu.vector_load %arg8[%parallel_loop3A_314, %parallel_loop3A_315] {strides = array<i32>} : memref<80x128xf32, #tpu.memory_space<vmem>>, vector<16xf32>,
      %parallel_loop3A_317 = arith.index_cast %parallel_loop3A_253 : i32 to index
      %parallel_loop3A_318 = arith.constant 96 : index
      %parallel_loop3A_319 = tpu.vector_load %arg10[%parallel_loop3A_317, %parallel_loop3A_318] {strides = array<i32>} : memref<80x128xf32, #tpu.memory_space<vmem>>, vector<16xf32>,
      %parallel_loop3A_320 = arith.mulf %parallel_loop3A_316, %parallel_loop3A_319 : vector<16xf32>
      %parallel_loop3A_321 = arith.index_cast %parallel_loop3A_253 : i32 to index
      %parallel_loop3A_322 = arith.constant 96 : index
      %parallel_loop3A_323 = tpu.vector_load %arg8[%parallel_loop3A_321, %parallel_loop3A_322] {strides = array<i32>} : memref<80x128xf32, #tpu.memory_space<vmem>>, vector<16xf32>,
      tpu.vector_store %arg8[%parallel_loop3A_321, %parallel_loop3A_322], %parallel_loop3A_320 {strides = array<i32>} : memref<80x128xf32, #tpu.memory_space<vmem>>, vector<16xf32>,
      %parallel_loop3A_324 = arith.index_cast %parallel_loop3A_253 : i32 to index
      %parallel_loop3A_325 = arith.constant 112 : index
      %parallel_loop3A_326 = tpu.vector_load %arg8[%parallel_loop3A_324, %parallel_loop3A_325] {strides = array<i32>} : memref<80x128xf32, #tpu.memory_space<vmem>>, vector<16xf32>,
      %parallel_loop3A_327 = arith.index_cast %parallel_loop3A_253 : i32 to index
      %parallel_loop3A_328 = arith.constant 112 : index
      %parallel_loop3A_329 = tpu.vector_load %arg10[%parallel_loop3A_327, %parallel_loop3A_328] {strides = array<i32>} : memref<80x128xf32, #tpu.memory_space<vmem>>, vector<16xf32>,
      %parallel_loop3A_330 = arith.mulf %parallel_loop3A_326, %parallel_loop3A_329 : vector<16xf32>
      %parallel_loop3A_331 = arith.index_cast %parallel_loop3A_253 : i32 to index
      %parallel_loop3A_332 = arith.constant 112 : index
      %parallel_loop3A_333 = tpu.vector_load %arg8[%parallel_loop3A_331, %parallel_loop3A_332] {strides = array<i32>} : memref<80x128xf32, #tpu.memory_space<vmem>>, vector<16xf32>,
      tpu.vector_store %arg8[%parallel_loop3A_331, %parallel_loop3A_332], %parallel_loop3A_330 {strides = array<i32>} : memref<80x128xf32, #tpu.memory_space<vmem>>, vector<16xf32>,
    } {sc.loop_unroll_factor = 2 : i64, sc.parallel_access}
    %dma_start3A_168 = arith.constant 0 : i32
    %dma_start3A_169 = arith.constant 0 : i32
    %dma_start3A_170 = tpu.memref_slice %arg7[%dma_start3A_168, %dma_start3A_169] : memref<10112x128xf32, #tpu.memory_space<vmem_shared>> -> memref<10112x128xf32, #tpu.memory_space<vmem_shared>>
    tpu.enqueue_indirect_dma source(%arg8 : memref<80x128xf32, #tpu.memory_space<vmem>>) target(%dma_start3A_170 : memref<10112x128xf32, #tpu.memory_space<vmem_shared>>) offsets(%arg14 : memref<80xi32, #tpu.memory_space<vmem>>) semaphore(%arg24 : memref<!tpu.dma_semaphore, #tpu.memory_space<semaphore_mem>>) {add = true}
    %add3A_171 = arith.constant 124 : i32
    %add3A_172 = arith.addi %mul3A_2, %add3A_171 : i32
    %mul3A_173 = arith.constant 80 : i32
    %mul3A_174 = arith.muli %add3A_172, %mul3A_173 : i32
    %dma_start3A_175 = tpu.memref_slice %arg2[%mul3A_174] : memref<320000xi32, #tpu.memory_space<hbm>> -> memref<80xi32, #tpu.memory_space<hbm>>
    %dma_start3A_176 = tpu.memref_slice %arg2[%mul3A_174] : memref<320000xi32, #tpu.memory_space<hbm>> -> memref<80xi32, #tpu.memory_space<hbm>>
    tpu.enqueue_dma source(%dma_start3A_176 : memref<80xi32, #tpu.memory_space<hbm>>) target(%arg12 : memref<80xi32, #tpu.memory_space<vmem>>) target_semaphore(%arg26 : memref<!tpu.dma_semaphore, #tpu.memory_space<semaphore_mem>>)
    %dma_start3A_177 = tpu.memref_slice %arg3[%mul3A_174] : memref<320000xi32, #tpu.memory_space<hbm>> -> memref<80xi32, #tpu.memory_space<hbm>>
    %dma_start3A_178 = tpu.memref_slice %arg3[%mul3A_174] : memref<320000xi32, #tpu.memory_space<hbm>> -> memref<80xi32, #tpu.memory_space<hbm>>
    tpu.enqueue_dma source(%dma_start3A_178 : memref<80xi32, #tpu.memory_space<hbm>>) target(%arg16 : memref<80xi32, #tpu.memory_space<vmem>>) target_semaphore(%arg26 : memref<!tpu.dma_semaphore, #tpu.memory_space<semaphore_mem>>)
    %dma_wait3A_179 = arith.constant 0 : i32
    %dma_wait3A_180 = arith.constant 0 : i32
    %dma_wait3A_181 = tpu.memref_slice %arg5[%dma_wait3A_179, %dma_wait3A_180] : memref<10000x128xf32, #tpu.memory_space<hbm>> -> memref<80x128xf32, #tpu.memory_space<hbm>>
    %dma_wait3A_182 = arith.constant 0 : i32
    %dma_wait3A_183 = arith.constant 0 : i32
    %dma_wait3A_184 = tpu.memref_slice %arg5[%dma_wait3A_182, %dma_wait3A_183] : memref<10000x128xf32, #tpu.memory_space<hbm>> -> memref<80x128xf32, #tpu.memory_space<hbm>>
    tpu.wait_dma2 semaphore(%arg21 : memref<!tpu.dma_semaphore, #tpu.memory_space<semaphore_mem>>) src(%dma_wait3A_184 : memref<80x128xf32, #tpu.memory_space<hbm>>) dst(%arg9 : memref<80x128xf32, #tpu.memory_space<vmem>>)
    %dma_wait3A_185 = arith.constant 0 : i32
    %dma_wait3A_186 = arith.constant 0 : i32
    %dma_wait3A_187 = tpu.memref_slice %arg4[%dma_wait3A_185, %dma_wait3A_186] : memref<320000x128xf32, #tpu.memory_space<hbm>> -> memref<80x128xf32, #tpu.memory_space<hbm>>
    %dma_wait3A_188 = arith.constant 0 : i32
    %dma_wait3A_189 = arith.constant 0 : i32
    %dma_wait3A_190 = tpu.memref_slice %arg4[%dma_wait3A_188, %dma_wait3A_189] : memref<320000x128xf32, #tpu.memory_space<hbm>> -> memref<80x128xf32, #tpu.memory_space<hbm>>
    tpu.wait_dma2 semaphore(%arg23 : memref<!tpu.dma_semaphore, #tpu.memory_space<semaphore_mem>>) src(%dma_wait3A_190 : memref<80x128xf32, #tpu.memory_space<hbm>>) dst(%arg11 : memref<80x128xf32, #tpu.memory_space<vmem>>)
    %dma_wait3A_191 = arith.constant 0 : i32
    %dma_wait3A_192 = arith.constant 0 : i32
    %dma_wait3A_193 = tpu.memref_slice %arg5[%dma_wait3A_191, %dma_wait3A_192] : memref<10000x128xf32, #tpu.memory_space<hbm>> -> memref<80x128xf32, #tpu.memory_space<hbm>>
    %dma_wait3A_194 = arith.constant 0 : i32
    %dma_wait3A_195 = arith.constant 0 : i32
    %dma_wait3A_196 = tpu.memref_slice %arg5[%dma_wait3A_194, %dma_wait3A_195] : memref<10000x128xf32, #tpu.memory_space<hbm>> -> memref<80x128xf32, #tpu.memory_space<hbm>>
    tpu.wait_dma2 semaphore(%arg24 : memref<!tpu.dma_semaphore, #tpu.memory_space<semaphore_mem>>) src(%dma_wait3A_196 : memref<80x128xf32, #tpu.memory_space<hbm>>) dst(%arg8 : memref<80x128xf32, #tpu.memory_space<vmem>>)
    %dma_wait3A_197 = arith.constant 0 : i32
    %dma_wait3A_198 = tpu.memref_slice %arg2[%dma_wait3A_197] : memref<320000xi32, #tpu.memory_space<hbm>> -> memref<80xi32, #tpu.memory_space<hbm>>
    %dma_wait3A_199 = arith.constant 0 : i32
    %dma_wait3A_200 = tpu.memref_slice %arg2[%dma_wait3A_199] : memref<320000xi32, #tpu.memory_space<hbm>> -> memref<80xi32, #tpu.memory_space<hbm>>
    tpu.wait_dma2 semaphore(%arg26 : memref<!tpu.dma_semaphore, #tpu.memory_space<semaphore_mem>>) src(%dma_wait3A_200 : memref<80xi32, #tpu.memory_space<hbm>>) dst(%arg12 : memref<80xi32, #tpu.memory_space<vmem>>)
    %dma_wait3A_201 = arith.constant 0 : i32
    %dma_wait3A_202 = tpu.memref_slice %arg3[%dma_wait3A_201] : memref<320000xi32, #tpu.memory_space<hbm>> -> memref<80xi32, #tpu.memory_space<hbm>>
    %dma_wait3A_203 = arith.constant 0 : i32
    %dma_wait3A_204 = tpu.memref_slice %arg3[%dma_wait3A_203] : memref<320000xi32, #tpu.memory_space<hbm>> -> memref<80xi32, #tpu.memory_space<hbm>>
    tpu.wait_dma2 semaphore(%arg26 : memref<!tpu.dma_semaphore, #tpu.memory_space<semaphore_mem>>) src(%dma_wait3A_204 : memref<80xi32, #tpu.memory_space<hbm>>) dst(%arg16 : memref<80xi32, #tpu.memory_space<vmem>>)
    %dma_start3A_205 = arith.constant 0 : i32
    %dma_start3A_206 = arith.constant 0 : i32
    %dma_start3A_207 = tpu.memref_slice %arg5[%dma_start3A_205, %dma_start3A_206] : memref<10000x128xf32, #tpu.memory_space<hbm>> -> memref<10000x128xf32, #tpu.memory_space<hbm>>
    tpu.enqueue_indirect_dma source(%dma_start3A_207 : memref<10000x128xf32, #tpu.memory_space<hbm>>) target(%arg8 : memref<80x128xf32, #tpu.memory_space<vmem>>) offsets(%arg16 : memref<80xi32, #tpu.memory_space<vmem>>) semaphore(%arg20 : memref<!tpu.dma_semaphore, #tpu.memory_space<semaphore_mem>>)
    %add3A_208 = arith.constant 124 : i32
    %add3A_209 = arith.addi %mul3A_2, %add3A_208 : i32
    %mul3A_210 = arith.constant 80 : i32
    %mul3A_211 = arith.muli %add3A_209, %mul3A_210 : i32
    %dma_start3A_212 = arith.constant 0 : i32
    %dma_start3A_213 = tpu.memref_slice %arg4[%mul3A_211, %dma_start3A_212] : memref<320000x128xf32, #tpu.memory_space<hbm>> -> memref<80x128xf32, #tpu.memory_space<hbm>>
    %dma_start3A_214 = arith.constant 0 : i32
    %dma_start3A_215 = tpu.memref_slice %arg4[%mul3A_211, %dma_start3A_214] : memref<320000x128xf32, #tpu.memory_space<hbm>> -> memref<80x128xf32, #tpu.memory_space<hbm>>
    tpu.enqueue_dma source(%dma_start3A_215 : memref<80x128xf32, #tpu.memory_space<hbm>>) target(%arg10 : memref<80x128xf32, #tpu.memory_space<vmem>>) target_semaphore(%arg22 : memref<!tpu.dma_semaphore, #tpu.memory_space<semaphore_mem>>)
    %parallel_loop3A_216 = arith.constant 0 : i32
    %parallel_loop3A_217 = arith.constant 80 : i32
    %parallel_loop3A_218 = arith.constant 1 : i32
    scf.for %parallel_loop3A_253 = %parallel_loop3A_216 to %parallel_loop3A_217 step %parallel_loop3A_218  : i32 {
      %parallel_loop3A_254 = arith.index_cast %parallel_loop3A_253 : i32 to index
      %parallel_loop3A_255 = arith.constant 0 : index
      %parallel_loop3A_256 = tpu.vector_load %arg9[%parallel_loop3A_254, %parallel_loop3A_255] {strides = array<i32>} : memref<80x128xf32, #tpu.memory_space<vmem>>, vector<16xf32>,
      %parallel_loop3A_257 = arith.index_cast %parallel_loop3A_253 : i32 to index
      %parallel_loop3A_258 = arith.constant 0 : index
      %parallel_loop3A_259 = tpu.vector_load %arg11[%parallel_loop3A_257, %parallel_loop3A_258] {strides = array<i32>} : memref<80x128xf32, #tpu.memory_space<vmem>>, vector<16xf32>,
      %parallel_loop3A_260 = arith.mulf %parallel_loop3A_256, %parallel_loop3A_259 : vector<16xf32>
      %parallel_loop3A_261 = arith.index_cast %parallel_loop3A_253 : i32 to index
      %parallel_loop3A_262 = arith.constant 0 : index
      %parallel_loop3A_263 = tpu.vector_load %arg9[%parallel_loop3A_261, %parallel_loop3A_262] {strides = array<i32>} : memref<80x128xf32, #tpu.memory_space<vmem>>, vector<16xf32>,
      tpu.vector_store %arg9[%parallel_loop3A_261, %parallel_loop3A_262], %parallel_loop3A_260 {strides = array<i32>} : memref<80x128xf32, #tpu.memory_space<vmem>>, vector<16xf32>,
      %parallel_loop3A_264 = arith.index_cast %parallel_loop3A_253 : i32 to index
      %parallel_loop3A_265 = arith.constant 16 : index
      %parallel_loop3A_266 = tpu.vector_load %arg9[%parallel_loop3A_264, %parallel_loop3A_265] {strides = array<i32>} : memref<80x128xf32, #tpu.memory_space<vmem>>, vector<16xf32>,
      %parallel_loop3A_267 = arith.index_cast %parallel_loop3A_253 : i32 to index
      %parallel_loop3A_268 = arith.constant 16 : index
      %parallel_loop3A_269 = tpu.vector_load %arg11[%parallel_loop3A_267, %parallel_loop3A_268] {strides = array<i32>} : memref<80x128xf32, #tpu.memory_space<vmem>>, vector<16xf32>,
      %parallel_loop3A_270 = arith.mulf %parallel_loop3A_266, %parallel_loop3A_269 : vector<16xf32>
      %parallel_loop3A_271 = arith.index_cast %parallel_loop3A_253 : i32 to index
      %parallel_loop3A_272 = arith.constant 16 : index
      %parallel_loop3A_273 = tpu.vector_load %arg9[%parallel_loop3A_271, %parallel_loop3A_272] {strides = array<i32>} : memref<80x128xf32, #tpu.memory_space<vmem>>, vector<16xf32>,
      tpu.vector_store %arg9[%parallel_loop3A_271, %parallel_loop3A_272], %parallel_loop3A_270 {strides = array<i32>} : memref<80x128xf32, #tpu.memory_space<vmem>>, vector<16xf32>,
      %parallel_loop3A_274 = arith.index_cast %parallel_loop3A_253 : i32 to index
      %parallel_loop3A_275 = arith.constant 32 : index
      %parallel_loop3A_276 = tpu.vector_load %arg9[%parallel_loop3A_274, %parallel_loop3A_275] {strides = array<i32>} : memref<80x128xf32, #tpu.memory_space<vmem>>, vector<16xf32>,
      %parallel_loop3A_277 = arith.index_cast %parallel_loop3A_253 : i32 to index
      %parallel_loop3A_278 = arith.constant 32 : index
      %parallel_loop3A_279 = tpu.vector_load %arg11[%parallel_loop3A_277, %parallel_loop3A_278] {strides = array<i32>} : memref<80x128xf32, #tpu.memory_space<vmem>>, vector<16xf32>,
      %parallel_loop3A_280 = arith.mulf %parallel_loop3A_276, %parallel_loop3A_279 : vector<16xf32>
      %parallel_loop3A_281 = arith.index_cast %parallel_loop3A_253 : i32 to index
      %parallel_loop3A_282 = arith.constant 32 : index
      %parallel_loop3A_283 = tpu.vector_load %arg9[%parallel_loop3A_281, %parallel_loop3A_282] {strides = array<i32>} : memref<80x128xf32, #tpu.memory_space<vmem>>, vector<16xf32>,
      tpu.vector_store %arg9[%parallel_loop3A_281, %parallel_loop3A_282], %parallel_loop3A_280 {strides = array<i32>} : memref<80x128xf32, #tpu.memory_space<vmem>>, vector<16xf32>,
      %parallel_loop3A_284 = arith.index_cast %parallel_loop3A_253 : i32 to index
      %parallel_loop3A_285 = arith.constant 48 : index
      %parallel_loop3A_286 = tpu.vector_load %arg9[%parallel_loop3A_284, %parallel_loop3A_285] {strides = array<i32>} : memref<80x128xf32, #tpu.memory_space<vmem>>, vector<16xf32>,
      %parallel_loop3A_287 = arith.index_cast %parallel_loop3A_253 : i32 to index
      %parallel_loop3A_288 = arith.constant 48 : index
      %parallel_loop3A_289 = tpu.vector_load %arg11[%parallel_loop3A_287, %parallel_loop3A_288] {strides = array<i32>} : memref<80x128xf32, #tpu.memory_space<vmem>>, vector<16xf32>,
      %parallel_loop3A_290 = arith.mulf %parallel_loop3A_286, %parallel_loop3A_289 : vector<16xf32>
      %parallel_loop3A_291 = arith.index_cast %parallel_loop3A_253 : i32 to index
      %parallel_loop3A_292 = arith.constant 48 : index
      %parallel_loop3A_293 = tpu.vector_load %arg9[%parallel_loop3A_291, %parallel_loop3A_292] {strides = array<i32>} : memref<80x128xf32, #tpu.memory_space<vmem>>, vector<16xf32>,
      tpu.vector_store %arg9[%parallel_loop3A_291, %parallel_loop3A_292], %parallel_loop3A_290 {strides = array<i32>} : memref<80x128xf32, #tpu.memory_space<vmem>>, vector<16xf32>,
      %parallel_loop3A_294 = arith.index_cast %parallel_loop3A_253 : i32 to index
      %parallel_loop3A_295 = arith.constant 64 : index
      %parallel_loop3A_296 = tpu.vector_load %arg9[%parallel_loop3A_294, %parallel_loop3A_295] {strides = array<i32>} : memref<80x128xf32, #tpu.memory_space<vmem>>, vector<16xf32>,
      %parallel_loop3A_297 = arith.index_cast %parallel_loop3A_253 : i32 to index
      %parallel_loop3A_298 = arith.constant 64 : index
      %parallel_loop3A_299 = tpu.vector_load %arg11[%parallel_loop3A_297, %parallel_loop3A_298] {strides = array<i32>} : memref<80x128xf32, #tpu.memory_space<vmem>>, vector<16xf32>,
      %parallel_loop3A_300 = arith.mulf %parallel_loop3A_296, %parallel_loop3A_299 : vector<16xf32>
      %parallel_loop3A_301 = arith.index_cast %parallel_loop3A_253 : i32 to index
      %parallel_loop3A_302 = arith.constant 64 : index
      %parallel_loop3A_303 = tpu.vector_load %arg9[%parallel_loop3A_301, %parallel_loop3A_302] {strides = array<i32>} : memref<80x128xf32, #tpu.memory_space<vmem>>, vector<16xf32>,
      tpu.vector_store %arg9[%parallel_loop3A_301, %parallel_loop3A_302], %parallel_loop3A_300 {strides = array<i32>} : memref<80x128xf32, #tpu.memory_space<vmem>>, vector<16xf32>,
      %parallel_loop3A_304 = arith.index_cast %parallel_loop3A_253 : i32 to index
      %parallel_loop3A_305 = arith.constant 80 : index
      %parallel_loop3A_306 = tpu.vector_load %arg9[%parallel_loop3A_304, %parallel_loop3A_305] {strides = array<i32>} : memref<80x128xf32, #tpu.memory_space<vmem>>, vector<16xf32>,
      %parallel_loop3A_307 = arith.index_cast %parallel_loop3A_253 : i32 to index
      %parallel_loop3A_308 = arith.constant 80 : index
      %parallel_loop3A_309 = tpu.vector_load %arg11[%parallel_loop3A_307, %parallel_loop3A_308] {strides = array<i32>} : memref<80x128xf32, #tpu.memory_space<vmem>>, vector<16xf32>,
      %parallel_loop3A_310 = arith.mulf %parallel_loop3A_306, %parallel_loop3A_309 : vector<16xf32>
      %parallel_loop3A_311 = arith.index_cast %parallel_loop3A_253 : i32 to index
      %parallel_loop3A_312 = arith.constant 80 : index
      %parallel_loop3A_313 = tpu.vector_load %arg9[%parallel_loop3A_311, %parallel_loop3A_312] {strides = array<i32>} : memref<80x128xf32, #tpu.memory_space<vmem>>, vector<16xf32>,
      tpu.vector_store %arg9[%parallel_loop3A_311, %parallel_loop3A_312], %parallel_loop3A_310 {strides = array<i32>} : memref<80x128xf32, #tpu.memory_space<vmem>>, vector<16xf32>,
      %parallel_loop3A_314 = arith.index_cast %parallel_loop3A_253 : i32 to index
      %parallel_loop3A_315 = arith.constant 96 : index
      %parallel_loop3A_316 = tpu.vector_load %arg9[%parallel_loop3A_314, %parallel_loop3A_315] {strides = array<i32>} : memref<80x128xf32, #tpu.memory_space<vmem>>, vector<16xf32>,
      %parallel_loop3A_317 = arith.index_cast %parallel_loop3A_253 : i32 to index
      %parallel_loop3A_318 = arith.constant 96 : index
      %parallel_loop3A_319 = tpu.vector_load %arg11[%parallel_loop3A_317, %parallel_loop3A_318] {strides = array<i32>} : memref<80x128xf32, #tpu.memory_space<vmem>>, vector<16xf32>,
      %parallel_loop3A_320 = arith.mulf %parallel_loop3A_316, %parallel_loop3A_319 : vector<16xf32>
      %parallel_loop3A_321 = arith.index_cast %parallel_loop3A_253 : i32 to index
      %parallel_loop3A_322 = arith.constant 96 : index
      %parallel_loop3A_323 = tpu.vector_load %arg9[%parallel_loop3A_321, %parallel_loop3A_322] {strides = array<i32>} : memref<80x128xf32, #tpu.memory_space<vmem>>, vector<16xf32>,
      tpu.vector_store %arg9[%parallel_loop3A_321, %parallel_loop3A_322], %parallel_loop3A_320 {strides = array<i32>} : memref<80x128xf32, #tpu.memory_space<vmem>>, vector<16xf32>,
      %parallel_loop3A_324 = arith.index_cast %parallel_loop3A_253 : i32 to index
      %parallel_loop3A_325 = arith.constant 112 : index
      %parallel_loop3A_326 = tpu.vector_load %arg9[%parallel_loop3A_324, %parallel_loop3A_325] {strides = array<i32>} : memref<80x128xf32, #tpu.memory_space<vmem>>, vector<16xf32>,
      %parallel_loop3A_327 = arith.index_cast %parallel_loop3A_253 : i32 to index
      %parallel_loop3A_328 = arith.constant 112 : index
      %parallel_loop3A_329 = tpu.vector_load %arg11[%parallel_loop3A_327, %parallel_loop3A_328] {strides = array<i32>} : memref<80x128xf32, #tpu.memory_space<vmem>>, vector<16xf32>,
      %parallel_loop3A_330 = arith.mulf %parallel_loop3A_326, %parallel_loop3A_329 : vector<16xf32>
      %parallel_loop3A_331 = arith.index_cast %parallel_loop3A_253 : i32 to index
      %parallel_loop3A_332 = arith.constant 112 : index
      %parallel_loop3A_333 = tpu.vector_load %arg9[%parallel_loop3A_331, %parallel_loop3A_332] {strides = array<i32>} : memref<80x128xf32, #tpu.memory_space<vmem>>, vector<16xf32>,
      tpu.vector_store %arg9[%parallel_loop3A_331, %parallel_loop3A_332], %parallel_loop3A_330 {strides = array<i32>} : memref<80x128xf32, #tpu.memory_space<vmem>>, vector<16xf32>,
    } {sc.loop_unroll_factor = 2 : i64, sc.parallel_access}
    %dma_start3A_219 = arith.constant 0 : i32
    %dma_start3A_220 = arith.constant 0 : i32
    %dma_start3A_221 = tpu.memref_slice %arg7[%dma_start3A_219, %dma_start3A_220] : memref<10112x128xf32, #tpu.memory_space<vmem_shared>> -> memref<10112x128xf32, #tpu.memory_space<vmem_shared>>
    tpu.enqueue_indirect_dma source(%arg9 : memref<80x128xf32, #tpu.memory_space<vmem>>) target(%dma_start3A_221 : memref<10112x128xf32, #tpu.memory_space<vmem_shared>>) offsets(%arg15 : memref<80xi32, #tpu.memory_space<vmem>>) semaphore(%arg25 : memref<!tpu.dma_semaphore, #tpu.memory_space<semaphore_mem>>) {add = true}
    %dma_wait3A_222 = arith.constant 0 : i32
    %dma_wait3A_223 = arith.constant 0 : i32
    %dma_wait3A_224 = tpu.memref_slice %arg5[%dma_wait3A_222, %dma_wait3A_223] : memref<10000x128xf32, #tpu.memory_space<hbm>> -> memref<80x128xf32, #tpu.memory_space<hbm>>
    %dma_wait3A_225 = arith.constant 0 : i32
    %dma_wait3A_226 = arith.constant 0 : i32
    %dma_wait3A_227 = tpu.memref_slice %arg5[%dma_wait3A_225, %dma_wait3A_226] : memref<10000x128xf32, #tpu.memory_space<hbm>> -> memref<80x128xf32, #tpu.memory_space<hbm>>
    tpu.wait_dma2 semaphore(%arg20 : memref<!tpu.dma_semaphore, #tpu.memory_space<semaphore_mem>>) src(%dma_wait3A_227 : memref<80x128xf32, #tpu.memory_space<hbm>>) dst(%arg8 : memref<80x128xf32, #tpu.memory_space<vmem>>)
    %dma_wait3A_228 = arith.constant 0 : i32
    %dma_wait3A_229 = arith.constant 0 : i32
    %dma_wait3A_230 = tpu.memref_slice %arg4[%dma_wait3A_228, %dma_wait3A_229] : memref<320000x128xf32, #tpu.memory_space<hbm>> -> memref<80x128xf32, #tpu.memory_space<hbm>>
    %dma_wait3A_231 = arith.constant 0 : i32
    %dma_wait3A_232 = arith.constant 0 : i32
    %dma_wait3A_233 = tpu.memref_slice %arg4[%dma_wait3A_231, %dma_wait3A_232] : memref<320000x128xf32, #tpu.memory_space<hbm>> -> memref<80x128xf32, #tpu.memory_space<hbm>>
    tpu.wait_dma2 semaphore(%arg22 : memref<!tpu.dma_semaphore, #tpu.memory_space<semaphore_mem>>) src(%dma_wait3A_233 : memref<80x128xf32, #tpu.memory_space<hbm>>) dst(%arg10 : memref<80x128xf32, #tpu.memory_space<vmem>>)
    %dma_wait3A_234 = arith.constant 0 : i32
    %dma_wait3A_235 = arith.constant 0 : i32
    %dma_wait3A_236 = tpu.memref_slice %arg5[%dma_wait3A_234, %dma_wait3A_235] : memref<10000x128xf32, #tpu.memory_space<hbm>> -> memref<80x128xf32, #tpu.memory_space<hbm>>
    %dma_wait3A_237 = arith.constant 0 : i32
    %dma_wait3A_238 = arith.constant 0 : i32
    %dma_wait3A_239 = tpu.memref_slice %arg5[%dma_wait3A_237, %dma_wait3A_238] : memref<10000x128xf32, #tpu.memory_space<hbm>> -> memref<80x128xf32, #tpu.memory_space<hbm>>
    tpu.wait_dma2 semaphore(%arg25 : memref<!tpu.dma_semaphore, #tpu.memory_space<semaphore_mem>>) src(%dma_wait3A_239 : memref<80x128xf32, #tpu.memory_space<hbm>>) dst(%arg9 : memref<80x128xf32, #tpu.memory_space<vmem>>)
    %parallel_loop3A_240 = arith.constant 0 : i32
    %parallel_loop3A_241 = arith.constant 80 : i32
    %parallel_loop3A_242 = arith.constant 1 : i32
    scf.for %parallel_loop3A_253 = %parallel_loop3A_240 to %parallel_loop3A_241 step %parallel_loop3A_242  : i32 {
      %parallel_loop3A_254 = arith.index_cast %parallel_loop3A_253 : i32 to index
      %parallel_loop3A_255 = arith.constant 0 : index
      %parallel_loop3A_256 = tpu.vector_load %arg8[%parallel_loop3A_254, %parallel_loop3A_255] {strides = array<i32>} : memref<80x128xf32, #tpu.memory_space<vmem>>, vector<16xf32>,
      %parallel_loop3A_257 = arith.index_cast %parallel_loop3A_253 : i32 to index
      %parallel_loop3A_258 = arith.constant 0 : index
      %parallel_loop3A_259 = tpu.vector_load %arg10[%parallel_loop3A_257, %parallel_loop3A_258] {strides = array<i32>} : memref<80x128xf32, #tpu.memory_space<vmem>>, vector<16xf32>,
      %parallel_loop3A_260 = arith.mulf %parallel_loop3A_256, %parallel_loop3A_259 : vector<16xf32>
      %parallel_loop3A_261 = arith.index_cast %parallel_loop3A_253 : i32 to index
      %parallel_loop3A_262 = arith.constant 0 : index
      %parallel_loop3A_263 = tpu.vector_load %arg8[%parallel_loop3A_261, %parallel_loop3A_262] {strides = array<i32>} : memref<80x128xf32, #tpu.memory_space<vmem>>, vector<16xf32>,
      tpu.vector_store %arg8[%parallel_loop3A_261, %parallel_loop3A_262], %parallel_loop3A_260 {strides = array<i32>} : memref<80x128xf32, #tpu.memory_space<vmem>>, vector<16xf32>,
      %parallel_loop3A_264 = arith.index_cast %parallel_loop3A_253 : i32 to index
      %parallel_loop3A_265 = arith.constant 16 : index
      %parallel_loop3A_266 = tpu.vector_load %arg8[%parallel_loop3A_264, %parallel_loop3A_265] {strides = array<i32>} : memref<80x128xf32, #tpu.memory_space<vmem>>, vector<16xf32>,
      %parallel_loop3A_267 = arith.index_cast %parallel_loop3A_253 : i32 to index
      %parallel_loop3A_268 = arith.constant 16 : index
      %parallel_loop3A_269 = tpu.vector_load %arg10[%parallel_loop3A_267, %parallel_loop3A_268] {strides = array<i32>} : memref<80x128xf32, #tpu.memory_space<vmem>>, vector<16xf32>,
      %parallel_loop3A_270 = arith.mulf %parallel_loop3A_266, %parallel_loop3A_269 : vector<16xf32>
      %parallel_loop3A_271 = arith.index_cast %parallel_loop3A_253 : i32 to index
      %parallel_loop3A_272 = arith.constant 16 : index
      %parallel_loop3A_273 = tpu.vector_load %arg8[%parallel_loop3A_271, %parallel_loop3A_272] {strides = array<i32>} : memref<80x128xf32, #tpu.memory_space<vmem>>, vector<16xf32>,
      tpu.vector_store %arg8[%parallel_loop3A_271, %parallel_loop3A_272], %parallel_loop3A_270 {strides = array<i32>} : memref<80x128xf32, #tpu.memory_space<vmem>>, vector<16xf32>,
      %parallel_loop3A_274 = arith.index_cast %parallel_loop3A_253 : i32 to index
      %parallel_loop3A_275 = arith.constant 32 : index
      %parallel_loop3A_276 = tpu.vector_load %arg8[%parallel_loop3A_274, %parallel_loop3A_275] {strides = array<i32>} : memref<80x128xf32, #tpu.memory_space<vmem>>, vector<16xf32>,
      %parallel_loop3A_277 = arith.index_cast %parallel_loop3A_253 : i32 to index
      %parallel_loop3A_278 = arith.constant 32 : index
      %parallel_loop3A_279 = tpu.vector_load %arg10[%parallel_loop3A_277, %parallel_loop3A_278] {strides = array<i32>} : memref<80x128xf32, #tpu.memory_space<vmem>>, vector<16xf32>,
      %parallel_loop3A_280 = arith.mulf %parallel_loop3A_276, %parallel_loop3A_279 : vector<16xf32>
      %parallel_loop3A_281 = arith.index_cast %parallel_loop3A_253 : i32 to index
      %parallel_loop3A_282 = arith.constant 32 : index
      %parallel_loop3A_283 = tpu.vector_load %arg8[%parallel_loop3A_281, %parallel_loop3A_282] {strides = array<i32>} : memref<80x128xf32, #tpu.memory_space<vmem>>, vector<16xf32>,
      tpu.vector_store %arg8[%parallel_loop3A_281, %parallel_loop3A_282], %parallel_loop3A_280 {strides = array<i32>} : memref<80x128xf32, #tpu.memory_space<vmem>>, vector<16xf32>,
      %parallel_loop3A_284 = arith.index_cast %parallel_loop3A_253 : i32 to index
      %parallel_loop3A_285 = arith.constant 48 : index
      %parallel_loop3A_286 = tpu.vector_load %arg8[%parallel_loop3A_284, %parallel_loop3A_285] {strides = array<i32>} : memref<80x128xf32, #tpu.memory_space<vmem>>, vector<16xf32>,
      %parallel_loop3A_287 = arith.index_cast %parallel_loop3A_253 : i32 to index
      %parallel_loop3A_288 = arith.constant 48 : index
      %parallel_loop3A_289 = tpu.vector_load %arg10[%parallel_loop3A_287, %parallel_loop3A_288] {strides = array<i32>} : memref<80x128xf32, #tpu.memory_space<vmem>>, vector<16xf32>,
      %parallel_loop3A_290 = arith.mulf %parallel_loop3A_286, %parallel_loop3A_289 : vector<16xf32>
      %parallel_loop3A_291 = arith.index_cast %parallel_loop3A_253 : i32 to index
      %parallel_loop3A_292 = arith.constant 48 : index
      %parallel_loop3A_293 = tpu.vector_load %arg8[%parallel_loop3A_291, %parallel_loop3A_292] {strides = array<i32>} : memref<80x128xf32, #tpu.memory_space<vmem>>, vector<16xf32>,
      tpu.vector_store %arg8[%parallel_loop3A_291, %parallel_loop3A_292], %parallel_loop3A_290 {strides = array<i32>} : memref<80x128xf32, #tpu.memory_space<vmem>>, vector<16xf32>,
      %parallel_loop3A_294 = arith.index_cast %parallel_loop3A_253 : i32 to index
      %parallel_loop3A_295 = arith.constant 64 : index
      %parallel_loop3A_296 = tpu.vector_load %arg8[%parallel_loop3A_294, %parallel_loop3A_295] {strides = array<i32>} : memref<80x128xf32, #tpu.memory_space<vmem>>, vector<16xf32>,
      %parallel_loop3A_297 = arith.index_cast %parallel_loop3A_253 : i32 to index
      %parallel_loop3A_298 = arith.constant 64 : index
      %parallel_loop3A_299 = tpu.vector_load %arg10[%parallel_loop3A_297, %parallel_loop3A_298] {strides = array<i32>} : memref<80x128xf32, #tpu.memory_space<vmem>>, vector<16xf32>,
      %parallel_loop3A_300 = arith.mulf %parallel_loop3A_296, %parallel_loop3A_299 : vector<16xf32>
      %parallel_loop3A_301 = arith.index_cast %parallel_loop3A_253 : i32 to index
      %parallel_loop3A_302 = arith.constant 64 : index
      %parallel_loop3A_303 = tpu.vector_load %arg8[%parallel_loop3A_301, %parallel_loop3A_302] {strides = array<i32>} : memref<80x128xf32, #tpu.memory_space<vmem>>, vector<16xf32>,
      tpu.vector_store %arg8[%parallel_loop3A_301, %parallel_loop3A_302], %parallel_loop3A_300 {strides = array<i32>} : memref<80x128xf32, #tpu.memory_space<vmem>>, vector<16xf32>,
      %parallel_loop3A_304 = arith.index_cast %parallel_loop3A_253 : i32 to index
      %parallel_loop3A_305 = arith.constant 80 : index
      %parallel_loop3A_306 = tpu.vector_load %arg8[%parallel_loop3A_304, %parallel_loop3A_305] {strides = array<i32>} : memref<80x128xf32, #tpu.memory_space<vmem>>, vector<16xf32>,
      %parallel_loop3A_307 = arith.index_cast %parallel_loop3A_253 : i32 to index
      %parallel_loop3A_308 = arith.constant 80 : index
      %parallel_loop3A_309 = tpu.vector_load %arg10[%parallel_loop3A_307, %parallel_loop3A_308] {strides = array<i32>} : memref<80x128xf32, #tpu.memory_space<vmem>>, vector<16xf32>,
      %parallel_loop3A_310 = arith.mulf %parallel_loop3A_306, %parallel_loop3A_309 : vector<16xf32>
      %parallel_loop3A_311 = arith.index_cast %parallel_loop3A_253 : i32 to index
      %parallel_loop3A_312 = arith.constant 80 : index
      %parallel_loop3A_313 = tpu.vector_load %arg8[%parallel_loop3A_311, %parallel_loop3A_312] {strides = array<i32>} : memref<80x128xf32, #tpu.memory_space<vmem>>, vector<16xf32>,
      tpu.vector_store %arg8[%parallel_loop3A_311, %parallel_loop3A_312], %parallel_loop3A_310 {strides = array<i32>} : memref<80x128xf32, #tpu.memory_space<vmem>>, vector<16xf32>,
      %parallel_loop3A_314 = arith.index_cast %parallel_loop3A_253 : i32 to index
      %parallel_loop3A_315 = arith.constant 96 : index
      %parallel_loop3A_316 = tpu.vector_load %arg8[%parallel_loop3A_314, %parallel_loop3A_315] {strides = array<i32>} : memref<80x128xf32, #tpu.memory_space<vmem>>, vector<16xf32>,
      %parallel_loop3A_317 = arith.index_cast %parallel_loop3A_253 : i32 to index
      %parallel_loop3A_318 = arith.constant 96 : index
      %parallel_loop3A_319 = tpu.vector_load %arg10[%parallel_loop3A_317, %parallel_loop3A_318] {strides = array<i32>} : memref<80x128xf32, #tpu.memory_space<vmem>>, vector<16xf32>,
      %parallel_loop3A_320 = arith.mulf %parallel_loop3A_316, %parallel_loop3A_319 : vector<16xf32>
      %parallel_loop3A_321 = arith.index_cast %parallel_loop3A_253 : i32 to index
      %parallel_loop3A_322 = arith.constant 96 : index
      %parallel_loop3A_323 = tpu.vector_load %arg8[%parallel_loop3A_321, %parallel_loop3A_322] {strides = array<i32>} : memref<80x128xf32, #tpu.memory_space<vmem>>, vector<16xf32>,
      tpu.vector_store %arg8[%parallel_loop3A_321, %parallel_loop3A_322], %parallel_loop3A_320 {strides = array<i32>} : memref<80x128xf32, #tpu.memory_space<vmem>>, vector<16xf32>,
      %parallel_loop3A_324 = arith.index_cast %parallel_loop3A_253 : i32 to index
      %parallel_loop3A_325 = arith.constant 112 : index
      %parallel_loop3A_326 = tpu.vector_load %arg8[%parallel_loop3A_324, %parallel_loop3A_325] {strides = array<i32>} : memref<80x128xf32, #tpu.memory_space<vmem>>, vector<16xf32>,
      %parallel_loop3A_327 = arith.index_cast %parallel_loop3A_253 : i32 to index
      %parallel_loop3A_328 = arith.constant 112 : index
      %parallel_loop3A_329 = tpu.vector_load %arg10[%parallel_loop3A_327, %parallel_loop3A_328] {strides = array<i32>} : memref<80x128xf32, #tpu.memory_space<vmem>>, vector<16xf32>,
      %parallel_loop3A_330 = arith.mulf %parallel_loop3A_326, %parallel_loop3A_329 : vector<16xf32>
      %parallel_loop3A_331 = arith.index_cast %parallel_loop3A_253 : i32 to index
      %parallel_loop3A_332 = arith.constant 112 : index
      %parallel_loop3A_333 = tpu.vector_load %arg8[%parallel_loop3A_331, %parallel_loop3A_332] {strides = array<i32>} : memref<80x128xf32, #tpu.memory_space<vmem>>, vector<16xf32>,
      tpu.vector_store %arg8[%parallel_loop3A_331, %parallel_loop3A_332], %parallel_loop3A_330 {strides = array<i32>} : memref<80x128xf32, #tpu.memory_space<vmem>>, vector<16xf32>,
    } {sc.loop_unroll_factor = 2 : i64, sc.parallel_access}
    %dma_start3A_243 = arith.constant 0 : i32
    %dma_start3A_244 = arith.constant 0 : i32
    %dma_start3A_245 = tpu.memref_slice %arg7[%dma_start3A_243, %dma_start3A_244] : memref<10112x128xf32, #tpu.memory_space<vmem_shared>> -> memref<10112x128xf32, #tpu.memory_space<vmem_shared>>
    tpu.enqueue_indirect_dma source(%arg8 : memref<80x128xf32, #tpu.memory_space<vmem>>) target(%dma_start3A_245 : memref<10112x128xf32, #tpu.memory_space<vmem_shared>>) offsets(%arg12 : memref<80xi32, #tpu.memory_space<vmem>>) semaphore(%arg24 : memref<!tpu.dma_semaphore, #tpu.memory_space<semaphore_mem>>) {add = true}
    %dma_wait3A_246 = arith.constant 0 : i32
    %dma_wait3A_247 = arith.constant 0 : i32
    %dma_wait3A_248 = tpu.memref_slice %arg5[%dma_wait3A_246, %dma_wait3A_247] : memref<10000x128xf32, #tpu.memory_space<hbm>> -> memref<80x128xf32, #tpu.memory_space<hbm>>
    %dma_wait3A_249 = arith.constant 0 : i32
    %dma_wait3A_250 = arith.constant 0 : i32
    %dma_wait3A_251 = tpu.memref_slice %arg5[%dma_wait3A_249, %dma_wait3A_250] : memref<10000x128xf32, #tpu.memory_space<hbm>> -> memref<80x128xf32, #tpu.memory_space<hbm>>
    tpu.wait_dma2 semaphore(%arg24 : memref<!tpu.dma_semaphore, #tpu.memory_space<semaphore_mem>>) src(%dma_wait3A_251 : memref<80x128xf32, #tpu.memory_space<hbm>>) dst(%arg8 : memref<80x128xf32, #tpu.memory_space<vmem>>)
    %barrier3A_252 = arith.constant 0 : index
    tpu.barrier barrier_id(%barrier3A_252)
    "tpu.region"() ({
      %run_scoped3A = tpu.sem_alloc : memref<!tpu.dma_semaphore, #tpu.memory_space<semaphore_mem>>
      %dma_start3A_253 = arith.constant 0 : i32
      %dma_start3A_254 = tpu.memref_slice %arg6[%arg0, %mul3A_7, %dma_start3A_253] : memref<2x10112x128xf32, #tpu.memory_space<hbm>> -> memref<1x632x128xf32, #tpu.memory_space<hbm>>
      %dma_start3A_255 = tpu.memref_squeeze %dma_start3A_254 : memref<1x632x128xf32, #tpu.memory_space<hbm>> -> memref<632x128xf32, #tpu.memory_space<hbm>>
      %dma_start3A_256 = arith.constant 0 : i32
      %dma_start3A_257 = tpu.memref_slice %arg7[%mul3A_7, %dma_start3A_256] : memref<10112x128xf32, #tpu.memory_space<vmem_shared>> -> memref<632x128xf32, #tpu.memory_space<vmem_shared>>
      tpu.enqueue_dma source(%dma_start3A_257 : memref<632x128xf32, #tpu.memory_space<vmem_shared>>) target(%dma_start3A_255 : memref<632x128xf32, #tpu.memory_space<hbm>>) target_semaphore(%run_scoped3A : memref<!tpu.dma_semaphore, #tpu.memory_space<semaphore_mem>>)
      %dma_wait3A_258 = arith.constant 0 : i32
      %dma_wait3A_259 = tpu.memref_slice %arg6[%arg0, %mul3A_7, %dma_wait3A_258] : memref<2x10112x128xf32, #tpu.memory_space<hbm>> -> memref<1x632x128xf32, #tpu.memory_space<hbm>>
      %dma_wait3A_260 = tpu.memref_squeeze %dma_wait3A_259 : memref<1x632x128xf32, #tpu.memory_space<hbm>> -> memref<632x128xf32, #tpu.memory_space<hbm>>
      %dma_wait3A_261 = arith.constant 0 : i32
      %dma_wait3A_262 = tpu.memref_slice %arg7[%mul3A_7, %dma_wait3A_261] : memref<10112x128xf32, #tpu.memory_space<vmem_shared>> -> memref<632x128xf32, #tpu.memory_space<vmem_shared>>
      tpu.wait_dma2 semaphore(%run_scoped3A : memref<!tpu.dma_semaphore, #tpu.memory_space<semaphore_mem>>) src(%dma_wait3A_262 : memref<632x128xf32, #tpu.memory_space<vmem_shared>>) dst(%dma_wait3A_260 : memref<632x128xf32, #tpu.memory_space<hbm>>)
      tpu.yield
    }) : () -> ()
    return
  }
}

module attributes {stable_mosaic.version = 14 : i64} {
  func.func @_filter_body(%arg0: i32, %arg1: memref<4000x20xf32, #tpu.memory_space<vmem>>, %arg2: memref<4000x1xf32, #tpu.memory_space<vmem>>, %arg3: memref<128x20xf32, #tpu.memory_space<vmem>>, %arg4: memref<1x128xf32, #tpu.memory_space<vmem>>, %arg5: memref<128x128xf32, #tpu.memory_space<vmem>>, %arg6: memref<1x128xf32, #tpu.memory_space<vmem>>, %arg7: memref<4000x128xf32, #tpu.memory_space<vmem>>) attributes {dimension_semantics = [#tpu.dimension_semantics<arbitrary>], iteration_bounds = array<i64: 80>, scalar_prefetch = 0 : i64, scratch_operands = 0 : i64, tpu.core_type = #tpu.core_type<tc>, window_params = [{transform_indices = @transform_0, window_bounds = array<i64: 4000, 20>}, {transform_indices = @transform_1, window_bounds = array<i64: 4000, 1>}, {pipeline_mode = #tpu.pipeline_mode<synchronous>, transform_indices = @transform_2, window_bounds = array<i64: 128, 20>}, {pipeline_mode = #tpu.pipeline_mode<synchronous>, transform_indices = @transform_3, window_bounds = array<i64: 1, 128>}, {pipeline_mode = #tpu.pipeline_mode<synchronous>, transform_indices = @transform_4, window_bounds = array<i64: 128, 128>}, {pipeline_mode = #tpu.pipeline_mode<synchronous>, transform_indices = @transform_5, window_bounds = array<i64: 1, 128>}, {transform_indices = @transform_6, window_bounds = array<i64: 4000, 128>}]} {
    %get3A = arith.constant 0 : index
    %get3A_0 = arith.constant 0 : index
    %get3A_1 = vector.load %arg1[%get3A, %get3A_0] : memref<4000x20xf32, #tpu.memory_space<vmem>>, vector<4000x20xf32>
    %convert_element_type3A = arith.truncf %get3A_1 : vector<4000x20xf32> to vector<4000x20xbf16>
    %get3A_2 = arith.constant 0 : index
    %get3A_3 = arith.constant 0 : index
    %get3A_4 = vector.load %arg3[%get3A_2, %get3A_3] : memref<128x20xf32, #tpu.memory_space<vmem>>, vector<128x20xf32>
    %convert_element_type3A_5 = arith.truncf %get3A_4 : vector<128x20xf32> to vector<128x20xbf16>
    %dot_general3A = arith.constant dense<0.000000e+00> : vector<4000x128xf32>
    %dot_general3A_6 = tpu.matmul %convert_element_type3A, %convert_element_type3A_5, %dot_general3A {dimension_numbers = #tpu.dot_dimension_numbers<[1], [1], [0], [0], [0, 0, 1, 0], [], []>, transpose_lhs_hint = false} : vector<4000x20xbf16>, vector<128x20xbf16>, vector<4000x128xf32> -> vector<4000x128xf32>
    %get3A_7 = arith.constant 0 : index
    %get3A_8 = arith.constant 0 : index
    %get3A_9 = vector.load %arg4[%get3A_7, %get3A_8] : memref<1x128xf32, #tpu.memory_space<vmem>>, vector<1x128xf32>
    %add3A = vector.broadcast %get3A_9 : vector<1x128xf32> to vector<4000x128xf32>
    %add3A_10 = arith.addf %dot_general3A_6, %add3A : vector<4000x128xf32>
    %max3A = arith.constant 0.000000e+00 : f32
    %max3A_11 = vector.broadcast %max3A : f32 to vector<4000x128xf32>
    %max3A_12 = arith.maximumf %add3A_10, %max3A_11 : vector<4000x128xf32>
    %abs3A = math.absf %add3A_10 : vector<4000x128xf32>
    %neg3A = arith.constant 0.000000e+00 : f32
    %neg3A_13 = vector.broadcast %neg3A : f32 to vector<4000x128xf32>
    %neg3A_14 = arith.subf %neg3A_13, %abs3A : vector<4000x128xf32>
    %exp3A = math.exp %neg3A_14 : vector<4000x128xf32>
    %log1p3A = math.log1p %exp3A : vector<4000x128xf32>
    %add3A_15 = arith.addf %max3A_12, %log1p3A : vector<4000x128xf32>
    %sub3A = arith.constant 0.693147182 : f32
    %sub3A_16 = vector.broadcast %sub3A : f32 to vector<4000x128xf32>
    %sub3A_17 = arith.subf %add3A_15, %sub3A_16 : vector<4000x128xf32>
    %convert_element_type3A_18 = arith.truncf %sub3A_17 : vector<4000x128xf32> to vector<4000x128xbf16>
    %get3A_19 = arith.constant 0 : index
    %get3A_20 = arith.constant 0 : index
    %get3A_21 = vector.load %arg5[%get3A_19, %get3A_20] : memref<128x128xf32, #tpu.memory_space<vmem>>, vector<128x128xf32>
    %convert_element_type3A_22 = arith.truncf %get3A_21 : vector<128x128xf32> to vector<128x128xbf16>
    %dot_general3A_23 = arith.constant dense<0.000000e+00> : vector<4000x128xf32>
    %dot_general3A_24 = tpu.matmul %convert_element_type3A_18, %convert_element_type3A_22, %dot_general3A_23 {dimension_numbers = #tpu.dot_dimension_numbers<[1], [1], [0], [0], [0, 0, 1, 0], [], []>, transpose_lhs_hint = false} : vector<4000x128xbf16>, vector<128x128xbf16>, vector<4000x128xf32> -> vector<4000x128xf32>
    %get3A_25 = arith.constant 0 : index
    %get3A_26 = arith.constant 0 : index
    %get3A_27 = vector.load %arg6[%get3A_25, %get3A_26] : memref<1x128xf32, #tpu.memory_space<vmem>>, vector<1x128xf32>
    %add3A_28 = vector.broadcast %get3A_27 : vector<1x128xf32> to vector<4000x128xf32>
    %add3A_29 = arith.addf %dot_general3A_24, %add3A_28 : vector<4000x128xf32>
    %get3A_30 = arith.constant 0 : index
    %get3A_31 = arith.constant 0 : index
    %get3A_32 = vector.load %arg2[%get3A_30, %get3A_31] : memref<4000x1xf32, #tpu.memory_space<vmem>>, vector<4000x1xf32>
    %mul3A = vector.broadcast %get3A_32 : vector<4000x1xf32> to vector<4000x128xf32>
    %mul3A_33 = arith.mulf %add3A_29, %mul3A : vector<4000x128xf32>
    %swap3A = arith.constant 0 : index
    %swap3A_34 = arith.constant 0 : index
    %swap3A_35 = vector.load %arg7[%swap3A, %swap3A_34] : memref<4000x128xf32, #tpu.memory_space<vmem>>, vector<4000x128xf32>
    tpu.vector_store %arg7[%swap3A, %swap3A_34], %mul3A_33 {strides = array<i32>} : memref<4000x128xf32, #tpu.memory_space<vmem>>, vector<4000x128xf32>,
    return
  }
  func.func @transform_0(%arg0: i32) -> (i32, i32) {
    %c0_i32 = arith.constant 0 : i32
    %c0_i32_0 = arith.constant 0 : i32
    return %arg0, %c0_i32 : i32, i32
  }
  func.func @transform_1(%arg0: i32) -> (i32, i32) {
    %c0_i32 = arith.constant 0 : i32
    %c0_i32_0 = arith.constant 0 : i32
    return %arg0, %c0_i32 : i32, i32
  }
  func.func @transform_2(%arg0: i32) -> (i32, i32) {
    %c0_i32 = arith.constant 0 : i32
    %c0_i32_0 = arith.constant 0 : i32
    %c0_i32_1 = arith.constant 0 : i32
    return %c0_i32, %c0_i32_0 : i32, i32
  }
  func.func @transform_3(%arg0: i32) -> (i32, i32) {
    %c0_i32 = arith.constant 0 : i32
    %c0_i32_0 = arith.constant 0 : i32
    %c0_i32_1 = arith.constant 0 : i32
    return %c0_i32, %c0_i32_0 : i32, i32
  }
  func.func @transform_4(%arg0: i32) -> (i32, i32) {
    %c0_i32 = arith.constant 0 : i32
    %c0_i32_0 = arith.constant 0 : i32
    %c0_i32_1 = arith.constant 0 : i32
    return %c0_i32, %c0_i32_0 : i32, i32
  }
  func.func @transform_5(%arg0: i32) -> (i32, i32) {
    %c0_i32 = arith.constant 0 : i32
    %c0_i32_0 = arith.constant 0 : i32
    %c0_i32_1 = arith.constant 0 : i32
    return %c0_i32, %c0_i32_0 : i32, i32
  }
  func.func @transform_6(%arg0: i32) -> (i32, i32) {
    %c0_i32 = arith.constant 0 : i32
    %c0_i32_0 = arith.constant 0 : i32
    return %arg0, %c0_i32 : i32, i32
  }
}

module attributes {stable_mosaic.version = 14 : i64} {
  func.func @_h_body(%arg0: memref<10000x128xf32, #tpu.memory_space<vmem>>, %arg1: memref<128x128xf32, #tpu.memory_space<vmem>>, %arg2: memref<1x128xf32, #tpu.memory_space<vmem>>, %arg3: memref<10000x128xf32, #tpu.memory_space<vmem>>) attributes {dimension_semantics = [], scalar_prefetch = 0 : i64, scratch_operands = 0 : i64, tpu.core_type = #tpu.core_type<tc>} {
    %get3A = arith.constant 0 : index
    %get3A_0 = arith.constant 0 : index
    %get3A_1 = vector.load %arg0[%get3A, %get3A_0] : memref<10000x128xf32, #tpu.memory_space<vmem>>, vector<10000x128xf32>
    %get3A_2 = arith.constant 0 : index
    %get3A_3 = arith.constant 0 : index
    %get3A_4 = vector.load %arg1[%get3A_2, %get3A_3] : memref<128x128xf32, #tpu.memory_space<vmem>>, vector<128x128xf32>
    %dot_general3A = arith.constant dense<0.000000e+00> : vector<10000x128xf32>
    %dot_general3A_5 = tpu.matmul %get3A_1, %get3A_4, %dot_general3A {dimension_numbers = #tpu.dot_dimension_numbers<[1], [1], [0], [0], [0, 0, 1, 0], [], []>, transpose_lhs_hint = false} : vector<10000x128xf32>, vector<128x128xf32>, vector<10000x128xf32> -> vector<10000x128xf32>
    %get3A_6 = arith.constant 0 : index
    %get3A_7 = arith.constant 0 : index
    %get3A_8 = vector.load %arg2[%get3A_6, %get3A_7] : memref<1x128xf32, #tpu.memory_space<vmem>>, vector<1x128xf32>
    %add3A = vector.broadcast %get3A_8 : vector<1x128xf32> to vector<10000x128xf32>
    %add3A_9 = arith.addf %dot_general3A_5, %add3A : vector<10000x128xf32>
    %swap3A = arith.constant 0 : index
    %swap3A_10 = arith.constant 0 : index
    %swap3A_11 = vector.load %arg3[%swap3A, %swap3A_10] : memref<10000x128xf32, #tpu.memory_space<vmem>>, vector<10000x128xf32>
    tpu.vector_store %arg3[%swap3A, %swap3A_10], %add3A_9 {strides = array<i32>} : memref<10000x128xf32, #tpu.memory_space<vmem>>, vector<10000x128xf32>,
    return
  }
}

module attributes {stable_mosaic.version = 14 : i64} {
  func.func @_out_body(%arg0: memref<2x10112x128xf32, #tpu.memory_space<vmem>>, %arg1: memref<128x128xf32, #tpu.memory_space<vmem>>, %arg2: memref<1x128xf32, #tpu.memory_space<vmem>>, %arg3: memref<128x128xf32, #tpu.memory_space<vmem>>, %arg4: memref<1x128xf32, #tpu.memory_space<vmem>>, %arg5: memref<10000x128xf32, #tpu.memory_space<vmem>>) attributes {dimension_semantics = [], scalar_prefetch = 0 : i64, scratch_operands = 0 : i64, tpu.core_type = #tpu.core_type<tc>} {
    %get3A = arith.constant 0 : index
    %get3A_0 = arith.constant 0 : index
    %get3A_1 = arith.constant 0 : index
    %get3A_2 = vector.load %arg0[%get3A, %get3A_0, %get3A_1] : memref<2x10112x128xf32, #tpu.memory_space<vmem>>, vector<1x10000x128xf32>
    %get3A_3 = vector.shape_cast %get3A_2 : vector<1x10000x128xf32> to vector<10000x128xf32>
    %get3A_4 = arith.constant 1 : index
    %get3A_5 = arith.constant 0 : index
    %get3A_6 = arith.constant 0 : index
    %get3A_7 = vector.load %arg0[%get3A_4, %get3A_5, %get3A_6] : memref<2x10112x128xf32, #tpu.memory_space<vmem>>, vector<1x10000x128xf32>
    %get3A_8 = vector.shape_cast %get3A_7 : vector<1x10000x128xf32> to vector<10000x128xf32>
    %add3A = arith.addf %get3A_3, %get3A_8 : vector<10000x128xf32>
    %get3A_9 = arith.constant 0 : index
    %get3A_10 = arith.constant 0 : index
    %get3A_11 = vector.load %arg1[%get3A_9, %get3A_10] : memref<128x128xf32, #tpu.memory_space<vmem>>, vector<128x128xf32>
    %dot_general3A = arith.constant dense<0.000000e+00> : vector<10000x128xf32>
    %dot_general3A_12 = tpu.matmul %add3A, %get3A_11, %dot_general3A {dimension_numbers = #tpu.dot_dimension_numbers<[1], [1], [0], [0], [0, 0, 1, 0], [], []>, transpose_lhs_hint = false} : vector<10000x128xf32>, vector<128x128xf32>, vector<10000x128xf32> -> vector<10000x128xf32>
    %get3A_13 = arith.constant 0 : index
    %get3A_14 = arith.constant 0 : index
    %get3A_15 = vector.load %arg2[%get3A_13, %get3A_14] : memref<1x128xf32, #tpu.memory_space<vmem>>, vector<1x128xf32>
    %add3A_16 = vector.broadcast %get3A_15 : vector<1x128xf32> to vector<10000x128xf32>
    %add3A_17 = arith.addf %dot_general3A_12, %add3A_16 : vector<10000x128xf32>
    %max3A = arith.constant 0.000000e+00 : f32
    %max3A_18 = vector.broadcast %max3A : f32 to vector<10000x128xf32>
    %max3A_19 = arith.maximumf %add3A_17, %max3A_18 : vector<10000x128xf32>
    %abs3A = math.absf %add3A_17 : vector<10000x128xf32>
    %neg3A = arith.constant 0.000000e+00 : f32
    %neg3A_20 = vector.broadcast %neg3A : f32 to vector<10000x128xf32>
    %neg3A_21 = arith.subf %neg3A_20, %abs3A : vector<10000x128xf32>
    %exp3A = math.exp %neg3A_21 : vector<10000x128xf32>
    %log1p3A = math.log1p %exp3A : vector<10000x128xf32>
    %add3A_22 = arith.addf %max3A_19, %log1p3A : vector<10000x128xf32>
    %sub3A = arith.constant 0.693147182 : f32
    %sub3A_23 = vector.broadcast %sub3A : f32 to vector<10000x128xf32>
    %sub3A_24 = arith.subf %add3A_22, %sub3A_23 : vector<10000x128xf32>
    %get3A_25 = arith.constant 0 : index
    %get3A_26 = arith.constant 0 : index
    %get3A_27 = vector.load %arg3[%get3A_25, %get3A_26] : memref<128x128xf32, #tpu.memory_space<vmem>>, vector<128x128xf32>
    %dot_general3A_28 = arith.constant dense<0.000000e+00> : vector<10000x128xf32>
    %dot_general3A_29 = tpu.matmul %sub3A_24, %get3A_27, %dot_general3A_28 {dimension_numbers = #tpu.dot_dimension_numbers<[1], [1], [0], [0], [0, 0, 1, 0], [], []>, transpose_lhs_hint = false} : vector<10000x128xf32>, vector<128x128xf32>, vector<10000x128xf32> -> vector<10000x128xf32>
    %get3A_30 = arith.constant 0 : index
    %get3A_31 = arith.constant 0 : index
    %get3A_32 = vector.load %arg4[%get3A_30, %get3A_31] : memref<1x128xf32, #tpu.memory_space<vmem>>, vector<1x128xf32>
    %add3A_33 = vector.broadcast %get3A_32 : vector<1x128xf32> to vector<10000x128xf32>
    %add3A_34 = arith.addf %dot_general3A_29, %add3A_33 : vector<10000x128xf32>
    %swap3A = arith.constant 0 : index
    %swap3A_35 = arith.constant 0 : index
    %swap3A_36 = vector.load %arg5[%swap3A, %swap3A_35] : memref<10000x128xf32, #tpu.memory_space<vmem>>, vector<10000x128xf32>
    tpu.vector_store %arg5[%swap3A, %swap3A_35], %add3A_34 {strides = array<i32>} : memref<10000x128xf32, #tpu.memory_space<vmem>>, vector<10000x128xf32>,
    return
  }
}

</mosaic_0001>

<sc_bundles>
// kernel: kernel.6.cloned.1.call-start
scs
__scs_entry_jumppad:
0x0: {  	(pc) =	sbr.rel $0x88, $3  }
0x1: {  	(tag) =	ssettag $0x0;
	lr =	simm.s32 $0x1  }
0x2: {  	[smem:$0x3F92] =	sst lr;
	_ =	strace $0xD0000000  }
0x3: {  	_ = 	snop  }
0x4: {  	_ = 	snop  }
0x5: {  	_ = 	snop  }
0x6: {  	_ = 	snop  }
0x7: {  	_ = 	snop  }
__scs_overlays_trampoline_lowered:
0x8: {  	[smem:$0x3FA1] =	sst s0  }
0x9: {  	[smem:$0x3FA2] =	sst s1  }
0xa: {  	[smem:$0x3FA3] =	sst s2  }
0xb: {  	[smem:$0x3FA4] =	sst s3  }
0xc: {  	[smem:$0x3FA5] =	sst s4  }
0xd: {  	[smem:$0x3FA6] =	sst s5  }
0xe: {  	[smem:$0x3FA7] =	sst s6  }
0xf: {  	[smem:$0x3FA8] =	sst s7  }
0x10: {  	[smem:$0x3FA9] =	sst s8  }
0x11: {  	[smem:$0x3FAA] =	sst s9;
	s0 =	simm.s32 @!p0 $0x0  }
0x12: {  	s1 =	sld [smem:$0x3F90];
	s0 =	simm.s32 @p0 $0x1  }
0x13: {  	[smem:$0x3FAB] =	sst s0;
	s0 =	simm.s32 @!p1 $0x0  }
0x14: {  	s2 =	sld [smem:$0x3F8F];
	s0 =	simm.s32 @p1 $0x1  }
0x15: {  	[smem:$0x3FAC] =	sst s0;
	s0 =	simm.s32 @!p2 $0x0  }
0x16: {  	s3 =	sld [smem:$0x3FDB];
	s0 =	simm.s32 @p2 $0x1  }
0x17: {  	s4 =	simm.s32 $0x1BF5;
	[smem:$0x3FAE] =	sst s0  }
0x18: {  	s0 =	sld [smem:$0x3F91];
	_ =	swait.ge [sflag:s4], $0x0  }
0x19: {  	s7 =	sld [smem:$0x3F92]  }
0x1a: {  	s8 =	sadd.s32 $0xFFFFE003, lr  }
0x1b: {  	s9 =	sadd.s32 $0xFFFFFEF7, lr;
	s5 =	simm.s32 $0xFFFFFFFF;
	p2 =	slt.u32 s8, $0xFFFFF086  }
0x1c: {  	p1 =	slt.u32 s9, $0xF7A;
	s5 =	simm.s32 @!p2 $0x0  }
0x1d: {  	s5 =	simm.s32 @p1 $0x1;
	p0 =	seq.s32 s7, s2  }
0x1e: {  	s7 =	smul.u32 @!p0 $0xF7A, s2;
	p2 =	seq.s32 @!p0 s5, $0x0  }
0x1f: {  	s9 =	smul.u32 $0xF7A, s1;
	s8 =	simm.s32 @!p0 $0x1BF5;
	p2 =	por !p2, p0  }
0x20: {  	[sflag:s8] =	ssyncset.s32 @!p0 $0xFFFFF086;
	s6 =	sadd.s32 @!p0 s3, s7;
	s7 =	simm.s32 @!p0 $0x108  }
0x21: {  	s3 =	sadd.s32 s3, s9;
	s6 =	sadd.s32 @!p0 $0x88, s6;
	s7 =	simm.s32 @p2 $0x1082  }
0x22: {  	[simem:s7], [sflag:s8] =	dma.local @!p0 [hbm:s6], $0xF7A  }
0x23: {  	s9 =	sor.u32 $0xD0000000, s2;
	s6 =	simm.s32 $0x108;
	_ =	swait.ge @!p0 [sflag:s8], $0x0  }
0x24: {  	s3 =	sadd.s32 $0x88, s3;
	s6 =	simm.s32 @!p1 $0x1082;
	[sflag:s4] =	ssyncset.s32 $0xFFFFF086  }
0x25: {  	[simem:s6], [sflag:s4] =	dma.local [hbm:s3], $0xF7A  }
0x26: {  	[smem:$0x3F92] =	sst s1;
	(tag) =	ssettag s2;
	_ =	strace s9  }
0x27: {  	s1 =	sld [smem:$0x3FA2]  }
0x28: {  	s2 =	sld [smem:$0x3FA3]  }
0x29: {  	s4 =	sld [smem:$0x3FA5]  }
0x2a: {  	p0 =	seq.s32 s5, $0x0;
	s5 =	sld [smem:$0x3FA6]  }
0x2b: {  	s6 =	sld [smem:$0x3FA7]  }
0x2c: {  	s7 =	sld [smem:$0x3FA8]  }
0x2d: {  	s3 =	simm.s32 $0x108;
	s8 =	sld [smem:$0x3FA9]  }
0x2e: {  	s3 =	simm.s32 @!p0 $0x1082;
	s9 =	sld [smem:$0x3FAA]  }
0x2f: {  	lr =	sadd.s32 s0, s3;
	s0 =	sld [smem:$0x3FA1]  }
0x30: {  	s3 =	sld [smem:$0x3FA4]  }
0x31: {  	[smem:$0x3FAD] =	sst s10  }
0x32: {  	s10 =	sld [smem:$0x3FAB];
	_ =	sdelay $0x3  }
0x33: {  	p0 =	seq.s32 s10, $0x1;
	s10 =	sld [smem:$0x3FAD];
	_ =	sdelay $0x3  }
0x34: {  	[smem:$0x3FAD] =	sst s10  }
0x35: {  	s10 =	sld [smem:$0x3FAC];
	_ =	sdelay $0x3  }
0x36: {  	p1 =	seq.s32 s10, $0x1;
	s10 =	sld [smem:$0x3FAD];
	_ =	sdelay $0x3  }
0x37: {  	[smem:$0x3FAD] =	sst s10  }
0x38: {  	s10 =	sld [smem:$0x3FAE]  }
0x39: {  	_ = 	snop;
	(pc) =	sbr.ind lr, $3  }
0x3a: {  	_ = 	snop  }
0x3b: {  	_ = 	snop  }
0x3c: {  	p2 =	seq.s32 s10, $0x1;
	s10 =	sld [smem:$0x3FAD]  }
0x3d: {  	_ =	shalt  }
0x3e: {  	_ =	shalt  }
0x3f: {  	_ =	shalt  }
0x40: {  	_ =	shalt  }
0x41: {  	_ =	shalt  }
0x42: {  	_ =	shalt  }
0x43: {  	_ =	shalt  }
0x44: {  	_ =	shalt  }
0x45: {  	_ =	shalt  }
0x46: {  	_ =	shalt  }
0x47: {  	_ =	shalt  }
0x48: {  	_ =	shalt  }
0x49: {  	_ =	shalt  }
0x4a: {  	_ =	shalt  }
0x4b: {  	_ =	shalt  }
0x4c: {  	_ =	shalt  }
0x4d: {  	_ =	shalt  }
0x4e: {  	_ =	shalt  }
0x4f: {  	_ =	shalt  }
0x50: {  	_ =	shalt  }
0x51: {  	_ =	shalt  }
0x52: {  	_ =	shalt  }
0x53: {  	_ =	shalt  }
0x54: {  	_ =	shalt  }
0x55: {  	_ =	shalt  }
0x56: {  	_ =	shalt  }
0x57: {  	_ =	shalt  }
0x58: {  	_ =	shalt  }
0x59: {  	_ =	shalt  }
0x5a: {  	_ =	shalt  }
0x5b: {  	_ =	shalt  }
0x5c: {  	_ =	shalt  }
0x5d: {  	_ =	shalt  }
0x5e: {  	_ =	shalt  }
0x5f: {  	_ =	shalt  }
0x60: {  	_ =	shalt  }
0x61: {  	_ =	shalt  }
0x62: {  	_ =	shalt  }
0x63: {  	_ =	shalt  }
0x64: {  	_ =	shalt  }
0x65: {  	_ =	shalt  }
0x66: {  	_ =	shalt  }
0x67: {  	_ =	shalt  }
0x68: {  	_ =	shalt  }
0x69: {  	_ =	shalt  }
0x6a: {  	_ =	shalt  }
0x6b: {  	_ =	shalt  }
0x6c: {  	_ =	shalt  }
0x6d: {  	_ =	shalt  }
0x6e: {  	_ =	shalt  }
0x6f: {  	_ =	shalt  }
0x70: {  	_ =	shalt  }
0x71: {  	_ =	shalt  }
0x72: {  	_ =	shalt  }
0x73: {  	_ =	shalt  }
0x74: {  	_ =	shalt  }
0x75: {  	_ =	shalt  }
0x76: {  	_ =	shalt  }
0x77: {  	_ =	shalt  }
0x78: {  	_ =	shalt  }
0x79: {  	_ =	shalt  }
0x7a: {  	_ =	shalt  }
0x7b: {  	_ =	shalt  }
0x7c: {  	_ =	shalt  }
0x7d: {  	_ =	shalt  }
0x7e: {  	_ =	shalt  }
0x7f: {  	_ =	shalt  }
0x80: {  	_ =	shalt  }
0x81: {  	_ =	shalt  }
0x82: {  	_ =	shalt  }
0x83: {  	_ =	shalt  }
0x84: {  	_ =	shalt  }
0x85: {  	_ =	shalt  }
0x86: {  	_ =	shalt  }
0x87: {  	_ =	shalt  }
.Lfunc_end0:
.L_simem_size_0:
called_computation_lowered:
.L_overlay_start_0:
0x88: {  	s2 =	sld [smem:$0x3FD9]  }
0x89: {  	s3 =	sld [smem:$0x3FFE];
	_ =	sdelay $0x1  }
0x8a: {  	s1 =	srdreg.scid  }
0x8b: {  	s0 =	sand.u32 $0x1, s1  }
0x8c: {  	s17 =	sshll.u32 s0, $0xA;
	s2 =	sadd.s32 s3, s2  }
0x8d: {  	s2 =	sadd.s32 s2, s17  }
0x8e: {  	[smem:$0x3FB9] =	sst s2  }
0x8f: {  	_ = 	snop  }
0x90: {  	s2 =	sld [smem:$0x3FC7]  }
0x91: {  	s18 =	sld [smem:$0x3FC6]  }
0x92: {  	s4 =	sld [smem:$0x3FD0];
	(tm) =	ssettm $0x1  }
0x93: {  	s5 =	sld [smem:$0x3FFB];
	_ =	sdelay $0x3  }
0x94: {  	_ =	strace s5  }
0x95: {  	s5 =	sld [smem:$0x3FFC];
	_ =	sdelay $0x3  }
0x96: {  	_ =	strace s5  }
0x97: {  	s5 =	sld [smem:$0x3FFD];
	_ =	sdelay $0x3  }
0x98: {  	_ =	strace s5  }
0x99: {  	_ =	strace $0x8FFFFFFF  }
0x9a: {  	s19 =	sld [smem:$0x3FDB];
	_ =	sdelay $0x1  }
0x9b: {  	s6 =	simm.s32 $_scs_section_size  }
0x9c: {  	s7 =	simm.s32 $_size__tile_overlayer_lowered;
	s8 =	simm.s32 $_tile_overlayer_lowered  }
0x9d: {  	s22 =	simm.s32 $0x1BFF;
	s21 =	sshll.u32 s8, $0x1;
	s5 =	sadd.s32 s6, s19  }
0x9e: {  	s9 =	simm.s32 $0x0;
	s20 =	sshll.u32 s7, $0x1;
	s7 =	sadd.s32 s21, s5  }
0x9f: {  	[timem:s9], [sflag:s22] =	dma.local [hbm:s7], s20  }
0xa0: {  	_ =	swait.ge [sflag:s22], s20  }
0xa1: {  	s6 =	ssub.s32 $0x0, s20;
	[sflag:s22] =	ssyncset.done $0x0  }
0xa2: {  	[sflag:s22] =	ssyncadd.s32 s6;
	_ =	sdelay $0x1  }
0xa3: {  	s23 =	simm.s32 $0x1B8B  }
0xa4: {  	_ =	swait.ge [sflag:s23], $0x1  }
0xa5: {  	[sflag:s23] =	ssyncset.done $0x0  }
0xa6: {  	s25 =	simm.s32 $0x1B8E;
	s24 =	sld [smem:$0x3FFE];
	[sflag:s23] =	ssyncadd.s32 $0xFFFFFFFF  }
0xa7: {  	s26 =	simm.s32 $execute0_lowered;
	[smem:$0x3FD2] =	sst s25  }
0xa8: {  	s7 =	sshll.u32 s26, $0x1;
	_ =	strace $0x80000046;
	[dreg:$0x1] =	wrdreg $0xFFFFFFFF  }
0xa9: {  	s28 =	simm.s32 $_size_execute0_lowered;
	s5 =	sadd.s32 s5, s7;
	[dreg:$0x0] =	wrdreg $0x0  }
0xaa: {  	s7 =	sshll.u32 s28, $0x1;
	[dreg:$0x2] =	wrdreg s5  }
0xab: {  	[dreg:$0x3] =	wrdreg s7  }
0xac: {  	[dreg:$0x4] =	wrdreg $0xC0  }
0xad: {  	_ =	task [dreg:s9], $0x5FFFF  }
0xae: {  	[dreg:$0x1] =	wrdreg $0xFFFFFFFF  }
0xaf: {  	[dreg:$0x0] =	wrdreg $0x60  }
0xb0: {  	[dreg:$0x2] =	wrdreg s2  }
0xb1: {  	[dreg:$0x3] =	wrdreg s18  }
0xb2: {  	[dreg:$0x4] =	wrdreg s24  }
0xb3: {  	[dreg:$0x5] =	wrdreg s4  }
0xb4: {  	[dreg:$0x6] =	wrdreg $0x0  }
0xb5: {  	[dreg:$0x7] =	wrdreg $0x9  }
0xb6: {  	_ =	task.clear_ibuf [dreg:s9], $0x8FFFF;
	_ =	strace $0x90000046  }
0xb7: {  	s29 =	simm.s32 $0x9;
	_ =	strace $0x80000048  }
0xb8: {  	_ =	swait.ge [sflag:s29], $0x1  }
0xb9: {  	[sflag:s29] =	ssyncadd.s32 $0xFFFFFFFF  }
0xba: {  	_ =	strace $0x90000048  }
0xbb: {  	_ =	sfence  }
0xbc: {  	s30 =	sld [smem:$0x0];
	_ =	sdelay $0x2  }
0xbd: {  	s31 =	sshll.u32 s1, $0xD;
	s1 =	sshrl.u32 s1, $0x2  }
0xbe: {  	s3 =	sand.u32 $0x4000, s31;
	s1 =	sadd.s32 s1, s30  }
0xbf: {  	s0 =	sor.u32 s3, s0;
	s1 =	sshll.u32 s1, $0x11  }
0xc0: {  	s0 =	sor.u32 s1, s0  }
0xc1: {  	s0 =	sadd.s32 $0x8F2B, s0  }
0xc2: {  	[sflag:s0] =	ssyncadd.remote.s32 $0x1  }
0xc3: {  	_ =	sfence.sel $0xFFFF  }
0xc4: {  	[dreg:$0x0] =	wrdreg $0xFFFFFFFF;
	(pc) =	sbr.abs _section_cstart, $3  }
0xc5: {  	[dreg:$0x1] =	wrdreg $0xFFFFFFFF  }
0xc6: {  	_ =	task.clear_ibuf [dreg:s9], $0x2FFFF;
	_ =	strace $0x9FFFFFFF  }
0xc7: {  	(tm) =	ssettm $0x7FFFFFFF  }
tec
execute0_lowered:
.L_overlay_start_1:
0x0: {  	(tag) =	ssettag $0x1  }
0x1: {  	s1 =	rddreg [dreg:$0x0]  }
0x2: {  	s2 =	rddreg [dreg:$0x1]  }
0x3: {  	s0 =	rddreg [dreg:$0x2]  }
0x4: {  	s3 =	rddreg [dreg:$0x3]  }
0x5: {  	s5 =	srdreg.scid;
	s10 =	stileid.u32  }
0x6: {  	s4 =	rddreg [dreg:$0x4];
	s5 =	sand.u32 $0x1, s5;
	s9 =	smul.u32 $0x13C00, s10  }
0x7: {  	s6 =	simm.s32 $0x0;
	s28 =	simm.s32 $0x1;
	s8 =	smul.u32 $0x13C000, s5  }
0x8: {  	s29 =	simm.s32 $0x3;
	s30 =	simm.s32 $0x16400;
	s23 =	sshll.u32 s5, $0x4  }
0x9: {  	s8 =	sadd.s32 s9, s8;
	s9 =	sor.u32 s10, s23;
	s10 =	smul.u32 $0x4F000, s10  }
0xa: {  	[smem:$0x7FF] =	sst s6;
	s5 =	ssub.s32 $0x2, s5;
	s12 =	smul.u32 $0x2710, s9  }
0xb: {  	s7 =	sadd.s32 $0x9C6000, s0;
	s11 =	sshrl.u32 s5, $0x1;
	s24 =	smul.u32 $0x4E2, s9  }
0xc: {  	_ =	strace $0x80000047;
	s5 =	ssub.s32 s5, s11;
	s11 =	smul.u32 $0x7D, s9  }
0xd: {  	s8 =	sshrl.u32 s8, $0x3;
	s14 =	smul.u32 $0x27100, s9;
	s25 =	sadd.s32 s1, s24  }
0xe: {  	s0 =	sadd.s32 s8, s0;
	s8 =	sadd.s32 s2, s24;
	[dreg:$0x7] =	wrdreg s25  }
0xf: {  	s9 =	smul.u32 $0x138800, s9;
	s24 =	sadd.s32 $0x3, s11;
	[dreg:$0x8] =	wrdreg s8  }
0x10: {  	s10 =	sshrl.u32 s10, $0x2;
	s0 =	sadd.s32 $0x2000, s0;
	[dreg:$0x12] =	wrdreg s24  }
0x11: {  	s13 =	sadd.s32 $0x50, s12;
	s18 =	sadd.s32 s10, s4;
	[dreg:$0x1b] =	wrdreg s0  }
0x12: {  	s26 =	sshrl.u32 s13, $0x3;
	s8 =	sadd.s32 s7, s14;
	[dreg:$0x6] =	wrdreg s18  }
0x13: {  	s15 =	sshll.u32 s13, $0x4;
	s13 =	sadd.s32 $0x6, s11;
	[dreg:$0xb] =	wrdreg s8  }
0x14: {  	s16 =	sadd.s32 $0xA0, s12;
	s14 =	sadd.s32 $0x7, s11;
	[dreg:$0x15] =	wrdreg s13  }
0x15: {  	s21 =	sshrl.u32 s12, $0x3;
	s24 =	sadd.s32 $0x7800, s18;
	[dreg:$0x16] =	wrdreg s14  }
0x16: {  	s19 =	sshrl.u32 s16, $0x3;
	s31 =	sadd.s32 s1, s26;
	[smem:$0x7FA] =	sst s24  }
0x17: {  	s22 =	sshll.u32 s16, $0x4;
	s10 =	sadd.s32 s2, s26;
	[dreg:$0x9] =	wrdreg s31  }
0x18: {  	s25 =	sshrl.u32 s9, $0x3;
	s17 =	sadd.s32 s7, s15;
	[dreg:$0xa] =	wrdreg s10  }
0x19: {  	s9 =	simm.s32 $0x2;
	s20 =	sadd.s32 s1, s19;
	[dreg:$0xc] =	wrdreg s17  }
0x1a: {  	s8 =	sadd.s32 s2, s19;
	s26 =	sadd.s32 $0x26C0, s12;
	[dreg:$0xd] =	wrdreg s20  }
0x1b: {  	s12 =	sadd.s32 $0x5, s11;
	s14 =	simm.s32 $0x13C00;
	[dreg:$0xe] =	wrdreg s8  }
0x1c: {  	s8 =	sadd.s32 $0x1E, s21;
	s10 =	sadd.s32 s7, s22;
	[dreg:$0x14] =	wrdreg s12  }
0x1d: {  	s31 =	sadd.s32 $0x4, s11;
	s15 =	sshrl.u32 s26, $0x3;
	[dreg:$0xf] =	wrdreg s10  }
0x1e: {  	s16 =	sshll.u32 s26, $0x4;
	s20 =	smax.u32 s5, $0x1;
	[dreg:$0x13] =	wrdreg s31  }
0x1f: {  	s21 =	sadd.s32 $0x11800, s18;
	s22 =	sadd.s32 $0x2800, s18;
	[dreg:$0x1c] =	wrdreg s20  }
0x20: {  	s26 =	sadd.s32 $0xC800, s18;
	s11 =	simm.s32 $0x5;
	[dreg:$0x1d] =	wrdreg s21  }
0x21: {  	s12 =	simm.s32 $0x9;
	s5 =	simm.s32 $0x0;
	[dreg:$0x1e] =	wrdreg s22  }
0x22: {  	s23 =	sadd.s32 s1, s8;
	s8 =	sadd.s32 s2, s8;
	[smem:$0x7FC] =	sst s26  }
0x23: {  	s17 =	sadd.s32 s1, s15;
	s19 =	sadd.s32 s2, s15;
	[dreg:$0x10] =	wrdreg s23  }
0x24: {  	s31 =	sadd.s32 $0xF000, s18;
	s10 =	simm.s32 $0x4;
	[dreg:$0x11] =	wrdreg s8  }
0x25: {  	s26 =	simm.s32 $0x1DF80;
	s15 =	simm.s32 $0x6;
	[dreg:$0x18] =	wrdreg s17  }
0x26: {  	s20 =	simm.s32 $0xA;
	s21 =	simm.s32 $0x7;
	[dreg:$0x19] =	wrdreg s19  }
0x27: {  	s22 =	simm.s32 $0x8;
	s23 =	sadd.s32 $0x5000, s18;
	[smem:$0x7FD] =	sst s31  }
0x28: {  	s8 =	sadd.s32 s7, s25;
	s25 =	sadd.s32 $0xA000, s18;
	[dreg:$0x1f] =	wrdreg s23  }
0x29: {  	s17 =	simm.s32 $0x1DE00;
	s8 =	sadd.s32 $0x26700, s8;
	[smem:$0x7FB] =	sst s25  }
0x2a: {  	s25 =	simm.s32 $0x50;
	[dreg:$0x17] =	wrdreg s8;
	s8 =	sadd.s32 s7, s16  }
0x2b: {  	v0 =	vimm.f32 $0.0e+00;
	s16 =	simm.s32 $0x1DC00;
	[dreg:$0x1a] =	wrdreg s8;
	s8 =	simm.s32 $0xB  }
.LBB2_1:
0x2c: {  	[smem:$0x7F9] =	sst s5;
	s0 =	simm.s32 $0x13C80  }
0x2d: {  	[tilespmem:s0+$0xFFFFFF80] =	vst v0  }
0x2e: {  	[tilespmem:s0+$0x70] =	vst v0  }
0x2f: {  	[tilespmem:s0+$0x60] =	vst v0  }
0x30: {  	[tilespmem:s0+$0x50] =	vst v0  }
0x31: {  	[tilespmem:s0+$0x40] =	vst v0  }
0x32: {  	[tilespmem:s0+$0x30] =	vst v0  }
0x33: {  	[tilespmem:s0+$0x20] =	vst v0  }
0x34: {  	[tilespmem:s0+$0x10] =	vst v0  }
0x35: {  	[tilespmem:s0+$0x0] =	vst v0  }
0x36: {  	[tilespmem:s0+$0xFFFFFFF0] =	vst v0  }
0x37: {  	[tilespmem:s0+$0xFFFFFFE0] =	vst v0  }
0x38: {  	[tilespmem:s0+$0xFFFFFFD0] =	vst v0  }
0x39: {  	[tilespmem:s0+$0xFFFFFFC0] =	vst v0  }
0x3a: {  	[tilespmem:s0+$0xFFFFFFB0] =	vst v0  }
0x3b: {  	s5 =	simm.s32 $0x0;
	[tilespmem:s0+$0xFFFFFFA0] =	vst v0  }
.LBB2_2:
0x3c: {  	s5 =	sadd.s32 $0x2, s5;
	[tilespmem:s0+$0xFFFFFF90] =	vst v0;
	s0 =	sadd.s32 $0x100, s0  }
0x3d: {  	[tilespmem:s0+$0xFFFFFF80] =	vst v0;
	p0 =	slt.u32 s5, $0x4E  }
0x3e: {  	[tilespmem:s0+$0x70] =	vst v0  }
0x3f: {  	[tilespmem:s0+$0x60] =	vst v0  }
0x40: {  	[tilespmem:s0+$0x50] =	vst v0  }
0x41: {  	[tilespmem:s0+$0x40] =	vst v0  }
0x42: {  	[tilespmem:s0+$0x30] =	vst v0  }
0x43: {  	[tilespmem:s0+$0x20] =	vst v0  }
0x44: {  	[tilespmem:s0+$0x10] =	vst v0  }
0x45: {  	[tilespmem:s0+$0x0] =	vst v0  }
0x46: {  	[tilespmem:s0+$0xFFFFFFF0] =	vst v0  }
.Ltmp0:
0x47: {  	[tilespmem:s0+$0xFFFFFFE0] =	vst v0;
	(pc) =	sbr.rel @p0 .LBB2_2-.Ltmp0, $4  }
0x48: {  	[tilespmem:s0+$0xFFFFFFD0] =	vst v0  }
0x49: {  	[tilespmem:s0+$0xFFFFFFC0] =	vst v0  }
0x4a: {  	[tilespmem:s0+$0xFFFFFFB0] =	vst v0  }
0x4b: {  	[tilespmem:s0+$0xFFFFFFA0] =	vst v0  }
0x4c: {  	[tilespmem:s0+$0xFFFFFF90] =	vst v0  }
0x4d: {  	[spmem:s18] =	stream.linear.scatter [tilespmem:s14], [sflag:$0xB], $0x2800, $0x38;
	[tilespmem:$0x1E000] =	vst v63  }
0x4e: {  	_ =	swait.ge [sflag:s8], $0x2800  }
0x4f: {  	[sflag:s8] =	ssyncset.done $0x0  }
0x50: {  	s23 =	rddreg [dreg:$0x1e];
	[sflag:s8] =	ssyncadd.s32 $0xFFFFD800  }
0x51: {  	[spmem:s23] =	stream.linear.scatter [tilespmem:s14], [sflag:$0xB], $0x2800, $0x38;
	[tilespmem:$0x1E000] =	vst v63  }
0x52: {  	_ =	swait.ge [sflag:s8], $0x2800  }
0x53: {  	[sflag:s8] =	ssyncset.done $0x0  }
0x54: {  	s24 =	rddreg [dreg:$0x1f];
	[sflag:s8] =	ssyncadd.s32 $0xFFFFD800  }
0x55: {  	[spmem:s24] =	stream.linear.scatter [tilespmem:s14], [sflag:$0xB], $0x2800, $0x38;
	[tilespmem:$0x1E000] =	vst v63  }
0x56: {  	_ =	swait.ge [sflag:s8], $0x2800  }
0x57: {  	s31 =	sld [smem:$0x7FA]  }
0x58: {  	[sflag:s8] =	ssyncset.done $0x0  }
0x59: {  	[sflag:s8] =	ssyncadd.s32 $0xFFFFD800  }
0x5a: {  	[spmem:s31] =	stream.linear.scatter [tilespmem:s14], [sflag:$0xB], $0x2800, $0x38;
	[tilespmem:$0x1E000] =	vst v63  }
0x5b: {  	_ =	swait.ge [sflag:s8], $0x2800  }
0x5c: {  	s5 =	sld [smem:$0x7FB]  }
0x5d: {  	[sflag:s8] =	ssyncset.done $0x0  }
0x5e: {  	[sflag:s8] =	ssyncadd.s32 $0xFFFFD800  }
0x5f: {  	[spmem:s5] =	stream.linear.scatter [tilespmem:s14], [sflag:$0xB], $0x2800, $0x38;
	[tilespmem:$0x1E000] =	vst v63  }
0x60: {  	_ =	swait.ge [sflag:s8], $0x2800  }
0x61: {  	s13 =	sld [smem:$0x7FC]  }
0x62: {  	[sflag:s8] =	ssyncset.done $0x0  }
0x63: {  	[sflag:s8] =	ssyncadd.s32 $0xFFFFD800  }
0x64: {  	[spmem:s13] =	stream.linear.scatter [tilespmem:s14], [sflag:$0xB], $0x2800, $0x38;
	[tilespmem:$0x1E000] =	vst v63  }
0x65: {  	_ =	swait.ge [sflag:s8], $0x2800  }
0x66: {  	s18 =	sld [smem:$0x7FD]  }
0x67: {  	[sflag:s8] =	ssyncset.done $0x0  }
0x68: {  	[sflag:s8] =	ssyncadd.s32 $0xFFFFD800  }
0x69: {  	[spmem:s18] =	stream.linear.scatter [tilespmem:s14], [sflag:$0xB], $0x2800, $0x38;
	[tilespmem:$0x1E000] =	vst v63  }
0x6a: {  	_ =	swait.ge [sflag:s8], $0x2800  }
0x6b: {  	[sflag:s8] =	ssyncset.done $0x0  }
0x6c: {  	s19 =	rddreg [dreg:$0x1d];
	[sflag:s8] =	ssyncadd.s32 $0xFFFFD800  }
0x6d: {  	[spmem:s19] =	stream.linear.scatter [tilespmem:s14], [sflag:$0xB], $0x2400, $0x38;
	[tilespmem:$0x1E000] =	vst v63  }
0x6e: {  	_ =	swait.ge [sflag:s8], $0x2400  }
0x6f: {  	[sflag:s8] =	ssyncset.done $0x0  }
0x70: {  	[sflag:s8] =	ssyncadd.s32 $0xFFFFDC00  }
0x71: {  	[bflag:$0x0] =	sbarrier.arrive $0xFFFF  }
0x72: {  	s23 =	rddreg [dreg:$0x7]  }
0x73: {  	[tilespmem:s16], [sflag:$0xB] =	stream.linear.gather [hbm4b:s23+s6], $0x50, $0x38;
	[tilespmem:$0x1E000] =	vst v63  }
0x74: {  	_ =	swait.ge [sflag:s8], $0x50  }
0x75: {  	[sflag:s8] =	ssyncset.done $0x0  }
0x76: {  	s24 =	rddreg [dreg:$0x8];
	[sflag:s8] =	ssyncadd.s32 $0xFFFFFFB0  }
0x77: {  	[tilespmem:s17], [sflag:$0xB] =	stream.linear.gather [hbm4b:s24+s6], $0x50, $0x38;
	[tilespmem:$0x1E000] =	vst v63  }
0x78: {  	_ =	swait.ge [sflag:s8], $0x50  }
0x79: {  	[sflag:s8] =	ssyncset.done $0x0  }
0x7a: {  	s5 =	simm.s32 $0x1DC80;
	s31 =	rddreg [dreg:$0x9];
	[sflag:s8] =	ssyncadd.s32 $0xFFFFFFB0  }
0x7b: {  	[tilespmem:s5], [sflag:$0xB] =	stream.linear.gather [hbm4b:s31+s6], $0x50, $0x38;
	[tilespmem:$0x1E000] =	vst v63  }
0x7c: {  	_ =	swait.ge [sflag:s8], $0x50  }
0x7d: {  	[sflag:s8] =	ssyncset.done $0x0  }
0x7e: {  	s13 =	simm.s32 $0x1DE80;
	s5 =	rddreg [dreg:$0xa];
	[sflag:s8] =	ssyncadd.s32 $0xFFFFFFB0  }
0x7f: {  	[tilespmem:s13], [sflag:$0xB] =	stream.linear.gather [hbm4b:s5+s6], $0x50, $0x38;
	[tilespmem:$0x1E000] =	vst v63  }
0x80: {  	_ =	swait.ge [sflag:s8], $0x50  }
0x81: {  	[sflag:s8] =	ssyncset.done $0x0  }
0x82: {  	[sflag:s8] =	ssyncadd.s32 $0xFFFFFFB0  }
0x83: {  	[tilespmem:s14], [sflag:$0x1] =	stream.indirect.gather [hbm4b:s3+s25], $0x80, s17, s25, $0xb8;
	[tilespmem:$0x1E000] =	vst v63  }
0x84: {  	s19 =	simm.s32 $0x18C00;
	s18 =	rddreg [dreg:$0xb]  }
0x85: {  	[tilespmem:s19], [sflag:$0x3] =	stream.linear.gather [hbm4b:s18+s6], $0x2800, $0x38;
	[tilespmem:$0x1E000] =	vst v63  }
0x86: {  	_ =	swait.ge [sflag:s28], $0x2800  }
0x87: {  	[sflag:s28] =	ssyncset.done $0x0  }
0x88: {  	[sflag:s28] =	ssyncadd.s32 $0xFFFFD800  }
0x89: {  	_ =	swait.ge [sflag:s29], $0x2800  }
0x8a: {  	[sflag:s29] =	ssyncset.done $0x0  }
0x8b: {  	[sflag:s29] =	ssyncadd.s32 $0xFFFFD800  }
0x8c: {  	[tilespmem:s30], [sflag:$0x2] =	stream.indirect.gather [hbm4b:s3+s25], $0x80, s13, s25, $0xb8;
	[tilespmem:$0x1E000] =	vst v63  }
0x8d: {  	s24 =	simm.s32 $0x1B400;
	s23 =	rddreg [dreg:$0xc]  }
0x8e: {  	[tilespmem:s24], [sflag:$0x4] =	stream.linear.gather [hbm4b:s23+s6], $0x2800, $0x38;
	[tilespmem:$0x1E000] =	vst v63  }
0x8f: {  	s23 =	simm.s32 $0x13C80  }
0x90: {  	s31 =	simm.s32 $0x18C80;
	v1 =	vld [tilespmem:s23+$0x0]  }
0x91: {  	v2 =	vld [tilespmem:s31+$0x0];
	_ =	sdelay $0x3  }
0x92: {  	v3 =	vld [tilespmem:s23+$0xFFFFFF80]  }
0x93: {  	v1 =	vmul.f32 v2, v1;
	v2 =	vld [tilespmem:s31+$0xFFFFFF80];
	_ =	sdelay $0x1  }
0x94: {  	[tilespmem:s23+$0x0] =	vst v1;
	v1 =	vld [tilespmem:s23+$0x10]  }
0x95: {  	v4 =	vld [tilespmem:s31+$0x10];
	_ =	sdelay $0x1  }
0x96: {  	v2 =	vmul.f32 v2, v3;
	_ =	sdelay $0x1  }
0x97: {  	v5 =	vld [tilespmem:s23+$0xFFFFFF90];
	[tilespmem:s23+$0xFFFFFF80] =	vst v2  }
0x98: {  	v1 =	vmul.f32 v4, v1;
	v2 =	vld [tilespmem:s31+$0xFFFFFF90];
	_ =	sdelay $0x1  }
0x99: {  	[tilespmem:s23+$0x10] =	vst v1;
	v1 =	vld [tilespmem:s23+$0x20]  }
0x9a: {  	v4 =	vld [tilespmem:s31+$0x20]  }
0x9b: {  	v6 =	vld [tilespmem:s23+$0xFFFFFFB0]  }
0x9c: {  	s18 =	simm.s32 $0x13D80;
	v7 =	vld [tilespmem:s23+$0xFFFFFFD0];
	v2 =	vmul.f32 v2, v5  }
0x9d: {  	v8 =	vld [tilespmem:s18+$0x0]  }
0x9e: {  	v3 =	vld [tilespmem:s23+$0xFFFFFFA0];
	[tilespmem:s23+$0xFFFFFF90] =	vst v2  }
0x9f: {  	v1 =	vmul.f32 v4, v1;
	v2 =	vld [tilespmem:s31+$0xFFFFFFA0]  }
0xa0: {  	v9 =	vld [tilespmem:s23+$0xFFFFFFE0]  }
0xa1: {  	[tilespmem:s23+$0x20] =	vst v1;
	v1 =	vld [tilespmem:s23+$0x30]  }
0xa2: {  	s19 =	simm.s32 $0x18D80;
	v4 =	vld [tilespmem:s31+$0x30]  }
0xa3: {  	v11 =	vld [tilespmem:s19+$0xFFFFFF80]  }
0xa4: {  	v2 =	vmul.f32 v2, v3;
	v3 =	vld [tilespmem:s19+$0x0]  }
0xa5: {  	v13 =	vld [tilespmem:s18+$0xFFFFFF90]  }
0xa6: {  	s24 =	simm.s32 $0x18E80;
	v14 =	vld [tilespmem:s18+$0xFFFFFFD0]  }
0xa7: {  	v16 =	vld [tilespmem:s24+$0xFFFFFF80];
	v1 =	vmul.f32 v4, v1  }
0xa8: {  	[tilespmem:s23+$0xFFFFFFA0] =	vst v2;
	v2 =	vld [tilespmem:s23+$0x40]  }
0xa9: {  	[tilespmem:s23+$0x30] =	vst v1;
	v3 =	vmul.f32 v3, v8;
	v8 =	vld [tilespmem:s18+$0xFFFFFF80]  }
0xaa: {  	s0 =	simm.s32 $0x13E80;
	v10 =	vld [tilespmem:s31+$0x40]  }
0xab: {  	v17 =	vld [tilespmem:s0+$0xFFFFFF80]  }
0xac: {  	v4 =	vld [tilespmem:s31+$0xFFFFFFB0]  }
0xad: {  	v18 =	vld [tilespmem:s18+$0x50]  }
0xae: {  	[tilespmem:s18+$0x0] =	vst v3;
	v3 =	vld [tilespmem:s18+$0x10];
	v8 =	vmul.f32 v11, v8  }
0xaf: {  	v12 =	vld [tilespmem:s19+$0x10];
	v2 =	vmul.f32 v10, v2  }
0xb0: {  	v10 =	vld [tilespmem:s23+$0x50];
	[tilespmem:s18+$0xFFFFFF80] =	vst v8  }
0xb1: {  	[tilespmem:s23+$0x40] =	vst v2;
	v2 =	vmul.f32 v4, v6;
	v6 =	vld [tilespmem:s19+$0xFFFFFF90]  }
0xb2: {  	v4 =	vld [tilespmem:s31+$0x50]  }
0xb3: {  	v58 =	vld [tilespmem:s0+$0xFFFFFFA0]  }
0xb4: {  	v5 =	vld [tilespmem:s23+$0xFFFFFFC0];
	v3 =	vmul.f32 v12, v3;
	[tilespmem:s23+$0xFFFFFFB0] =	vst v2  }
0xb5: {  	v2 =	vld [tilespmem:s31+$0xFFFFFFC0]  }
0xb6: {  	[tilespmem:s18+$0x10] =	vst v3;
	v3 =	vld [tilespmem:s18+$0x20]  }
0xb7: {  	v6 =	vmul.f32 v6, v13;
	v4 =	vmul.f32 v4, v10;
	v10 =	vld [tilespmem:s19+$0x20]  }
0xb8: {  	v19 =	vld [tilespmem:s18+$0x60]  }
0xb9: {  	v16 =	vmul.f32 v16, v17;
	v11 =	vld [tilespmem:s18+$0xFFFFFFA0];
	[tilespmem:s18+$0xFFFFFF90] =	vst v6  }
0xba: {  	v2 =	vmul.f32 v2, v5;
	v5 =	vld [tilespmem:s19+$0xFFFFFFA0]  }
0xbb: {  	v61 =	vld [tilespmem:s18+$0x70];
	[tilespmem:s0+$0xFFFFFF80] =	vst v16  }
0xbc: {  	v16 =	vld [tilespmem:s24+$0xFFFFFF90];
	[tilespmem:s23+$0xFFFFFFC0] =	vst v2;
	v2 =	vmul.f32 v10, v3  }
0xbd: {  	v1 =	vld [tilespmem:s23+$0xFFFFFFF0]  }
0xbe: {  	v6 =	vld [tilespmem:s18+$0x30];
	[tilespmem:s18+$0x20] =	vst v2  }
0xbf: {  	v5 =	vmul.f32 v5, v11;
	v11 =	vld [tilespmem:s19+$0x30]  }
0xc0: {  	v3 =	vld [tilespmem:s31+$0xFFFFFFD0]  }
0xc1: {  	v8 =	vld [tilespmem:s18+$0xFFFFFFB0]  }
0xc2: {  	v12 =	vld [tilespmem:s23+$0x60];
	[tilespmem:s23+$0x50] =	vst v4  }
0xc3: {  	v4 =	vld [tilespmem:s31+$0x60]  }
0xc4: {  	[tilespmem:s18+$0xFFFFFFA0] =	vst v5;
	v5 =	vld [tilespmem:s0+$0x0];
	v6 =	vmul.f32 v11, v6  }
0xc5: {  	v3 =	vmul.f32 v3, v7;
	v7 =	vld [tilespmem:s24+$0x0]  }
0xc6: {  	v11 =	vld [tilespmem:s18+$0x40];
	[tilespmem:s18+$0x30] =	vst v6  }
0xc7: {  	v6 =	vld [tilespmem:s19+$0x40]  }
0xc8: {  	v13 =	vld [tilespmem:s18+$0xFFFFFFC0];
	v4 =	vmul.f32 v4, v12  }
0xc9: {  	v10 =	vld [tilespmem:s23+$0x70]  }
0xca: {  	[tilespmem:s23+$0x60] =	vst v4;
	v4 =	vld [tilespmem:s19+$0xFFFFFFB0];
	v5 =	vmul.f32 v7, v5  }
0xcb: {  	v7 =	vld [tilespmem:s0+$0xFFFFFF90]  }
0xcc: {  	[tilespmem:s0+$0x0] =	vst v5;
	v5 =	vld [tilespmem:s0+$0x10];
	v6 =	vmul.f32 v6, v11  }
0xcd: {  	v11 =	vld [tilespmem:s24+$0x10]  }
0xce: {  	v2 =	vld [tilespmem:s18+$0xFFFFFFE0];
	[tilespmem:s18+$0x40] =	vst v6  }
0xcf: {  	v4 =	vmul.f32 v4, v8;
	v8 =	vld [tilespmem:s19+$0x50]  }
0xd0: {  	v12 =	vld [tilespmem:s31+$0x70];
	[tilespmem:s23+$0xFFFFFFD0] =	vst v3  }
0xd1: {  	v3 =	vld [tilespmem:s18+$0xFFFFFFF0];
	[tilespmem:s18+$0xFFFFFFB0] =	vst v4;
	v7 =	vmul.f32 v16, v7  }
0xd2: {  	v4 =	vmul.f32 v11, v5;
	v11 =	vld [tilespmem:s19+$0xFFFFFFC0]  }
0xd3: {  	v15 =	vld [tilespmem:s31+$0xFFFFFFE0];
	[tilespmem:s0+$0xFFFFFF90] =	vst v7  }
0xd4: {  	v7 =	vld [tilespmem:s0+$0xFFFFFFE0];
	[tilespmem:s0+$0x10] =	vst v4;
	v4 =	vmul.f32 v8, v18  }
0xd5: {  	v8 =	vld [tilespmem:s0+$0x20]  }
0xd6: {  	v59 =	vld [tilespmem:s24+$0x20];
	[tilespmem:s18+$0x50] =	vst v4  }
0xd7: {  	v11 =	vmul.f32 v11, v13;
	v13 =	vld [tilespmem:s19+$0x60]  }
0xd8: {  	v6 =	vld [tilespmem:s0+$0xFFFFFFB0]  }
0xd9: {  	v60 =	vld [tilespmem:s24+$0xFFFFFFA0];
	[tilespmem:s18+$0xFFFFFFC0] =	vst v11  }
0xda: {  	v11 =	vld [tilespmem:s19+$0xFFFFFFD0]  }
0xdb: {  	v5 =	vld [tilespmem:s0+$0xFFFFFFC0];
	v8 =	vmul.f32 v59, v8  }
0xdc: {  	v4 =	vld [tilespmem:s0+$0xFFFFFFD0];
	v13 =	vmul.f32 v13, v19  }
0xdd: {  	[tilespmem:s0+$0x20] =	vst v8;
	v8 =	vmul.f32 v15, v9;
	v15 =	vld [tilespmem:s0+$0x30]  }
0xde: {  	v9 =	vmul.f32 v60, v58;
	v62 =	vld [tilespmem:s24+$0x30];
	[tilespmem:s18+$0x60] =	vst v13  }
0xdf: {  	[tilespmem:s23+$0xFFFFFFE0] =	vst v8;
	v8 =	vmul.f32 v11, v14;
	v63 =	vld [tilespmem:s19+$0x70]  }
0xe0: {  	[tilespmem:s0+$0xFFFFFFA0] =	vst v9;
	v9 =	vld [tilespmem:s31+$0xFFFFFFF0]  }
0xe1: {  	v13 =	vld [tilespmem:s24+$0xFFFFFFB0];
	[tilespmem:s18+$0xFFFFFFD0] =	vst v8  }
0xe2: {  	v11 =	vmul.f32 v12, v10;
	v10 =	vld [tilespmem:s19+$0xFFFFFFE0]  }
0xe3: {  	v8 =	vld [tilespmem:s0+$0xFFFFFFF0];
	v14 =	vmul.f32 v62, v15  }
0xe4: {  	s5 =	simm.s32 $0x18E80;
	s8 =	simm.s32 $0x13F80;
	s13 =	simm.s32 $0x4;
	[tilespmem:s23+$0x70] =	vst v11;
	v11 =	vld [tilespmem:s0+$0x40];
	v12 =	vmul.f32 v63, v61  }
.LBB2_4:
0xe5: {  	v15 =	vld [tilespmem:s8+$0x0];
	[tilespmem:s0+$0x30] =	vst v14;
	s24 =	sadd.s32 $0x100, s24;
	v9 =	vmul.f32 v9, v1;
	v1 =	vmov v3  }
0xe6: {  	v14 =	vld [tilespmem:s24+$0x0];
	v13 =	vmul.f32 v13, v6;
	[tilespmem:s18+$0x70] =	vst v12  }
0xe7: {  	s13 =	sadd.s32 $0x2, s13;
	v6 =	vld [tilespmem:s5+$0x40];
	v10 =	vmul.f32 v10, v2;
	[tilespmem:s23+$0xFFFFFFF0] =	vst v9;
	v2 =	vmov v7;
	s23 =	smov.u32 s18;
	s18 =	smov.u32 s0  }
0xe8: {  	p0 =	slt.u32 s13, $0x4E;
	s0 =	smov.u32 s8;
	v7 =	vld [tilespmem:s24+$0xFFFFFF80];
	[tilespmem:s18+$0xFFFFFFB0] =	vst v13;
	v3 =	vmov v8  }
0xe9: {  	v8 =	vld [tilespmem:s8+$0xFFFFFF80];
	[tilespmem:s23+$0xFFFFFFE0] =	vst v10  }
0xea: {  	v9 =	vld [tilespmem:s8+$0xFFFFFF90]  }
0xeb: {  	v10 =	vld [tilespmem:s8+$0xFFFFFFA0];
	v12 =	vmul.f32 v14, v15  }
0xec: {  	v6 =	vmul.f32 v6, v11;
	v11 =	vld [tilespmem:s18+$0x50]  }
0xed: {  	[tilespmem:s8+$0x0] =	vst v12;
	v12 =	vld [tilespmem:s8+$0x10]  }
0xee: {  	v7 =	vmul.f32 v7, v8;
	v8 =	vld [tilespmem:s24+$0x10];
	[tilespmem:s18+$0x40] =	vst v6  }
0xef: {  	v13 =	vld [tilespmem:s5+$0x50]  }
0xf0: {  	[tilespmem:s8+$0xFFFFFF80] =	vst v7;
	v6 =	vld [tilespmem:s8+$0xFFFFFFB0]  }
0xf1: {  	v7 =	vld [tilespmem:s24+$0xFFFFFF90]  }
0xf2: {  	v14 =	vld [tilespmem:s5+$0xFFFFFFC0]  }
0xf3: {  	v15 =	vld [tilespmem:s8+$0xFFFFFFC0];
	v8 =	vmul.f32 v8, v12  }
0xf4: {  	v11 =	vmul.f32 v13, v11;
	v12 =	vld [tilespmem:s18+$0x60]  }
0xf5: {  	[tilespmem:s8+$0x10] =	vst v8;
	v8 =	vld [tilespmem:s8+$0x20]  }
0xf6: {  	v7 =	vmul.f32 v7, v9;
	v9 =	vld [tilespmem:s24+$0x20];
	[tilespmem:s18+$0x50] =	vst v11  }
0xf7: {  	v11 =	vmul.f32 v14, v5;
	v13 =	vld [tilespmem:s5+$0x60]  }
0xf8: {  	[tilespmem:s8+$0xFFFFFF90] =	vst v7;
	v14 =	vld [tilespmem:s8+$0xFFFFFFD0];
	v5 =	vmov v15  }
0xf9: {  	v15 =	vld [tilespmem:s24+$0xFFFFFFA0];
	[tilespmem:s18+$0xFFFFFFC0] =	vst v11  }
0xfa: {  	v11 =	vld [tilespmem:s5+$0xFFFFFFD0]  }
0xfb: {  	v7 =	vld [tilespmem:s8+$0xFFFFFFE0];
	v8 =	vmul.f32 v9, v8  }
0xfc: {  	v9 =	vmul.f32 v13, v12;
	v12 =	vld [tilespmem:s18+$0x70]  }
0xfd: {  	[tilespmem:s8+$0x20] =	vst v8;
	v16 =	vld [tilespmem:s8+$0x30]  }
0xfe: {  	v8 =	vmul.f32 v15, v10;
	v15 =	vld [tilespmem:s24+$0x30];
	[tilespmem:s18+$0x60] =	vst v9  }
0xff: {  	v10 =	vmul.f32 v11, v4;
	v17 =	vld [tilespmem:s5+$0x70];
	v4 =	vmov v14  }
.Ltmp1:
0x100: {  	[tilespmem:s8+$0xFFFFFFA0] =	vst v8;
	v9 =	vld [tilespmem:s19+$0xFFFFFFF0];
	s19 =	smov.u32 s5;
	s5 =	smov.u32 s24;
	(pc) =	sbr.rel @p0 .LBB2_4-.Ltmp1, $4  }
0x101: {  	v13 =	vld [tilespmem:s24+$0xFFFFFFB0];
	[tilespmem:s18+$0xFFFFFFD0] =	vst v10  }
0x102: {  	v10 =	vld [tilespmem:s19+$0xFFFFFFE0]  }
0x103: {  	v8 =	vld [tilespmem:s8+$0xFFFFFFF0];
	v14 =	vmul.f32 v15, v16  }
0x104: {  	s8 =	sadd.s32 $0x100, s8;
	v11 =	vld [tilespmem:s0+$0x40];
	v12 =	vmul.f32 v17, v12  }
0x105: {  	_ = 	snop  }
0x106: {  	[tilespmem:s0+$0x30] =	vst v14;
	v6 =	vmul.f32 v13, v6  }
0x107: {  	v13 =	vld [tilespmem:s5+$0x40]  }
0x108: {  	[tilespmem:s0+$0xFFFFFFB0] =	vst v6  }
0x109: {  	v6 =	vld [tilespmem:s5+$0xFFFFFFC0];
	_ =	sdelay $0x2  }
0x10a: {  	v11 =	vmul.f32 v13, v11;
	_ =	sdelay $0x1  }
0x10b: {  	v13 =	vld [tilespmem:s0+$0x50];
	[tilespmem:s0+$0x40] =	vst v11;
	v5 =	vmul.f32 v6, v5  }
0x10c: {  	v6 =	vld [tilespmem:s5+$0x50]  }
0x10d: {  	[tilespmem:s0+$0xFFFFFFC0] =	vst v5  }
0x10e: {  	v5 =	vld [tilespmem:s5+$0xFFFFFFD0];
	_ =	sdelay $0x2  }
0x10f: {  	v6 =	vmul.f32 v6, v13;
	_ =	sdelay $0x1  }
0x110: {  	v11 =	vld [tilespmem:s0+$0x60];
	[tilespmem:s0+$0x50] =	vst v6;
	v4 =	vmul.f32 v5, v4  }
0x111: {  	v5 =	vld [tilespmem:s5+$0x60]  }
0x112: {  	[tilespmem:s0+$0xFFFFFFD0] =	vst v4  }
0x113: {  	v4 =	vld [tilespmem:s5+$0xFFFFFFE0];
	_ =	sdelay $0x2  }
0x114: {  	v5 =	vmul.f32 v5, v11  }
0x115: {  	v2 =	vmul.f32 v10, v2  }
0x116: {  	v6 =	vld [tilespmem:s0+$0x70];
	[tilespmem:s0+$0x60] =	vst v5;
	v4 =	vmul.f32 v4, v7  }
0x117: {  	[tilespmem:s18+$0xFFFFFFE0] =	vst v2;
	v2 =	vld [tilespmem:s5+$0x70]  }
0x118: {  	v5 =	vld [tilespmem:s19+$0xFFFFFFF0];
	[tilespmem:s0+$0xFFFFFFE0] =	vst v4  }
0x119: {  	v4 =	vld [tilespmem:s5+$0xFFFFFFF0];
	_ =	sdelay $0x1  }
0x11a: {  	v1 =	vmul.f32 v9, v1  }
0x11b: {  	[tilespmem:s18+$0x70] =	vst v12;
	v2 =	vmul.f32 v2, v6  }
0x11c: {  	[tilespmem:s23+$0xFFFFFFF0] =	vst v1;
	v1 =	vmul.f32 v5, v3  }
0x11d: {  	[tilespmem:s0+$0x70] =	vst v2;
	v2 =	vmul.f32 v4, v8  }
0x11e: {  	[tilespmem:s18+$0xFFFFFFF0] =	vst v1  }
0x11f: {  	[tilespmem:s0+$0xFFFFFFF0] =	vst v2  }
0x120: {  	[spmem:s4] =	stream.indirect.scatter.add.f32 [tilespmem:s14], [sflag:$0x5], $0x80, s16, s25, $0xb8;
	[tilespmem:$0x1E000] =	vst v63  }
0x121: {  	s13 =	simm.s32 $0x1DD00;
	s0 =	rddreg [dreg:$0xd]  }
0x122: {  	[tilespmem:s13], [sflag:$0x9] =	stream.linear.gather [hbm4b:s0+s6], $0x50, $0x38;
	[tilespmem:$0x1E000] =	vst v63  }
0x123: {  	s19 =	simm.s32 $0x1DF00;
	s18 =	rddreg [dreg:$0xe]  }
0x124: {  	[tilespmem:s19], [sflag:$0x9] =	stream.linear.gather [hbm4b:s18+s6], $0x50, $0x38;
	[tilespmem:$0x1E000] =	vst v63  }
0x125: {  	_ =	swait.ge [sflag:s9], $0x2800  }
0x126: {  	[sflag:s9] =	ssyncset.done $0x0  }
0x127: {  	[sflag:s9] =	ssyncadd.s32 $0xFFFFD800  }
0x128: {  	_ =	swait.ge [sflag:s10], $0x2800  }
0x129: {  	[sflag:s10] =	ssyncset.done $0x0  }
0x12a: {  	[sflag:s10] =	ssyncadd.s32 $0xFFFFD800  }
0x12b: {  	_ =	swait.ge [sflag:s11], $0x2800  }
0x12c: {  	[sflag:s11] =	ssyncset.done $0x0  }
0x12d: {  	[sflag:s11] =	ssyncadd.s32 $0xFFFFD800  }
0x12e: {  	_ =	swait.ge [sflag:s12], $0x50  }
0x12f: {  	[sflag:s12] =	ssyncset.done $0x0  }
0x130: {  	[sflag:s12] =	ssyncadd.s32 $0xFFFFFFB0  }
0x131: {  	_ =	swait.ge [sflag:s12], $0x50  }
0x132: {  	[sflag:s12] =	ssyncset.done $0x0  }
0x133: {  	[sflag:s12] =	ssyncadd.s32 $0xFFFFFFB0  }
0x134: {  	[tilespmem:s14], [sflag:$0x1] =	stream.indirect.gather [hbm4b:s3+s25], $0x80, s19, s25, $0xb8;
	[tilespmem:$0x1E000] =	vst v63  }
0x135: {  	s24 =	simm.s32 $0x18C00;
	s23 =	rddreg [dreg:$0xf]  }
0x136: {  	[tilespmem:s24], [sflag:$0x3] =	stream.linear.gather [hbm4b:s23+s6], $0x2800, $0x38;
	[tilespmem:$0x1E000] =	vst v63  }
0x137: {  	s23 =	simm.s32 $0x16480  }
0x138: {  	s31 =	simm.s32 $0x1B480;
	v1 =	vld [tilespmem:s23+$0x0]  }
0x139: {  	v2 =	vld [tilespmem:s31+$0x0];
	_ =	sdelay $0x3  }
0x13a: {  	v3 =	vld [tilespmem:s23+$0xFFFFFF80]  }
0x13b: {  	v1 =	vmul.f32 v2, v1;
	v2 =	vld [tilespmem:s31+$0xFFFFFF80];
	_ =	sdelay $0x1  }
0x13c: {  	[tilespmem:s23+$0x0] =	vst v1;
	v1 =	vld [tilespmem:s23+$0x10]  }
0x13d: {  	v4 =	vld [tilespmem:s31+$0x10];
	_ =	sdelay $0x1  }
0x13e: {  	v2 =	vmul.f32 v2, v3;
	_ =	sdelay $0x1  }
0x13f: {  	v5 =	vld [tilespmem:s23+$0xFFFFFF90];
	[tilespmem:s23+$0xFFFFFF80] =	vst v2  }
0x140: {  	v1 =	vmul.f32 v4, v1;
	v2 =	vld [tilespmem:s31+$0xFFFFFF90];
	_ =	sdelay $0x1  }
0x141: {  	[tilespmem:s23+$0x10] =	vst v1;
	v1 =	vld [tilespmem:s23+$0x20]  }
0x142: {  	v4 =	vld [tilespmem:s31+$0x20]  }
0x143: {  	v6 =	vld [tilespmem:s23+$0xFFFFFFB0]  }
0x144: {  	s18 =	simm.s32 $0x16580;
	v7 =	vld [tilespmem:s23+$0xFFFFFFD0];
	v2 =	vmul.f32 v2, v5  }
0x145: {  	v8 =	vld [tilespmem:s18+$0x0]  }
0x146: {  	v3 =	vld [tilespmem:s23+$0xFFFFFFA0];
	[tilespmem:s23+$0xFFFFFF90] =	vst v2  }
0x147: {  	v1 =	vmul.f32 v4, v1;
	v2 =	vld [tilespmem:s31+$0xFFFFFFA0]  }
0x148: {  	v9 =	vld [tilespmem:s23+$0xFFFFFFE0]  }
0x149: {  	[tilespmem:s23+$0x20] =	vst v1;
	v1 =	vld [tilespmem:s23+$0x30]  }
0x14a: {  	s19 =	simm.s32 $0x1B580;
	v4 =	vld [tilespmem:s31+$0x30]  }
0x14b: {  	v11 =	vld [tilespmem:s19+$0xFFFFFF80]  }
0x14c: {  	v2 =	vmul.f32 v2, v3;
	v3 =	vld [tilespmem:s19+$0x0]  }
0x14d: {  	v13 =	vld [tilespmem:s18+$0xFFFFFF90]  }
0x14e: {  	s24 =	simm.s32 $0x1B680;
	v14 =	vld [tilespmem:s18+$0xFFFFFFD0]  }
0x14f: {  	v16 =	vld [tilespmem:s24+$0xFFFFFF80];
	v1 =	vmul.f32 v4, v1  }
0x150: {  	[tilespmem:s23+$0xFFFFFFA0] =	vst v2;
	v2 =	vld [tilespmem:s23+$0x40]  }
0x151: {  	[tilespmem:s23+$0x30] =	vst v1;
	v3 =	vmul.f32 v3, v8;
	v8 =	vld [tilespmem:s18+$0xFFFFFF80]  }
0x152: {  	s0 =	simm.s32 $0x16680;
	v10 =	vld [tilespmem:s31+$0x40]  }
0x153: {  	v17 =	vld [tilespmem:s0+$0xFFFFFF80]  }
0x154: {  	v4 =	vld [tilespmem:s31+$0xFFFFFFB0]  }
0x155: {  	v18 =	vld [tilespmem:s18+$0x50]  }
0x156: {  	[tilespmem:s18+$0x0] =	vst v3;
	v3 =	vld [tilespmem:s18+$0x10];
	v8 =	vmul.f32 v11, v8  }
0x157: {  	v12 =	vld [tilespmem:s19+$0x10];
	v2 =	vmul.f32 v10, v2  }
0x158: {  	v10 =	vld [tilespmem:s23+$0x50];
	[tilespmem:s18+$0xFFFFFF80] =	vst v8  }
0x159: {  	[tilespmem:s23+$0x40] =	vst v2;
	v2 =	vmul.f32 v4, v6;
	v6 =	vld [tilespmem:s19+$0xFFFFFF90]  }
0x15a: {  	v4 =	vld [tilespmem:s31+$0x50]  }
0x15b: {  	v58 =	vld [tilespmem:s0+$0xFFFFFFA0]  }
0x15c: {  	v5 =	vld [tilespmem:s23+$0xFFFFFFC0];
	v3 =	vmul.f32 v12, v3;
	[tilespmem:s23+$0xFFFFFFB0] =	vst v2  }
0x15d: {  	v2 =	vld [tilespmem:s31+$0xFFFFFFC0]  }
0x15e: {  	[tilespmem:s18+$0x10] =	vst v3;
	v3 =	vld [tilespmem:s18+$0x20]  }
0x15f: {  	v6 =	vmul.f32 v6, v13;
	v4 =	vmul.f32 v4, v10;
	v10 =	vld [tilespmem:s19+$0x20]  }
0x160: {  	v19 =	vld [tilespmem:s18+$0x60]  }
0x161: {  	v16 =	vmul.f32 v16, v17;
	v11 =	vld [tilespmem:s18+$0xFFFFFFA0];
	[tilespmem:s18+$0xFFFFFF90] =	vst v6  }
0x162: {  	v2 =	vmul.f32 v2, v5;
	v5 =	vld [tilespmem:s19+$0xFFFFFFA0]  }
0x163: {  	v61 =	vld [tilespmem:s18+$0x70];
	[tilespmem:s0+$0xFFFFFF80] =	vst v16  }
0x164: {  	v16 =	vld [tilespmem:s24+$0xFFFFFF90];
	[tilespmem:s23+$0xFFFFFFC0] =	vst v2;
	v2 =	vmul.f32 v10, v3  }
0x165: {  	v1 =	vld [tilespmem:s23+$0xFFFFFFF0]  }
0x166: {  	v6 =	vld [tilespmem:s18+$0x30];
	[tilespmem:s18+$0x20] =	vst v2  }
0x167: {  	v5 =	vmul.f32 v5, v11;
	v11 =	vld [tilespmem:s19+$0x30]  }
0x168: {  	v3 =	vld [tilespmem:s31+$0xFFFFFFD0]  }
0x169: {  	v8 =	vld [tilespmem:s18+$0xFFFFFFB0]  }
0x16a: {  	v12 =	vld [tilespmem:s23+$0x60];
	[tilespmem:s23+$0x50] =	vst v4  }
0x16b: {  	v4 =	vld [tilespmem:s31+$0x60]  }
0x16c: {  	[tilespmem:s18+$0xFFFFFFA0] =	vst v5;
	v5 =	vld [tilespmem:s0+$0x0];
	v6 =	vmul.f32 v11, v6  }
0x16d: {  	v3 =	vmul.f32 v3, v7;
	v7 =	vld [tilespmem:s24+$0x0]  }
0x16e: {  	v11 =	vld [tilespmem:s18+$0x40];
	[tilespmem:s18+$0x30] =	vst v6  }
0x16f: {  	v6 =	vld [tilespmem:s19+$0x40]  }
0x170: {  	v13 =	vld [tilespmem:s18+$0xFFFFFFC0];
	v4 =	vmul.f32 v4, v12  }
0x171: {  	v10 =	vld [tilespmem:s23+$0x70]  }
0x172: {  	[tilespmem:s23+$0x60] =	vst v4;
	v4 =	vld [tilespmem:s19+$0xFFFFFFB0];
	v5 =	vmul.f32 v7, v5  }
0x173: {  	v7 =	vld [tilespmem:s0+$0xFFFFFF90]  }
0x174: {  	[tilespmem:s0+$0x0] =	vst v5;
	v5 =	vld [tilespmem:s0+$0x10];
	v6 =	vmul.f32 v6, v11  }
0x175: {  	v11 =	vld [tilespmem:s24+$0x10]  }
0x176: {  	v2 =	vld [tilespmem:s18+$0xFFFFFFE0];
	[tilespmem:s18+$0x40] =	vst v6  }
0x177: {  	v4 =	vmul.f32 v4, v8;
	v8 =	vld [tilespmem:s19+$0x50]  }
0x178: {  	v12 =	vld [tilespmem:s31+$0x70];
	[tilespmem:s23+$0xFFFFFFD0] =	vst v3  }
0x179: {  	v3 =	vld [tilespmem:s18+$0xFFFFFFF0];
	[tilespmem:s18+$0xFFFFFFB0] =	vst v4;
	v7 =	vmul.f32 v16, v7  }
0x17a: {  	v4 =	vmul.f32 v11, v5;
	v11 =	vld [tilespmem:s19+$0xFFFFFFC0]  }
0x17b: {  	v15 =	vld [tilespmem:s31+$0xFFFFFFE0];
	[tilespmem:s0+$0xFFFFFF90] =	vst v7  }
0x17c: {  	v7 =	vld [tilespmem:s0+$0xFFFFFFE0];
	[tilespmem:s0+$0x10] =	vst v4;
	v4 =	vmul.f32 v8, v18  }
0x17d: {  	v8 =	vld [tilespmem:s0+$0x20]  }
0x17e: {  	v59 =	vld [tilespmem:s24+$0x20];
	[tilespmem:s18+$0x50] =	vst v4  }
0x17f: {  	v11 =	vmul.f32 v11, v13;
	v13 =	vld [tilespmem:s19+$0x60]  }
0x180: {  	v6 =	vld [tilespmem:s0+$0xFFFFFFB0]  }
0x181: {  	v60 =	vld [tilespmem:s24+$0xFFFFFFA0];
	[tilespmem:s18+$0xFFFFFFC0] =	vst v11  }
0x182: {  	v11 =	vld [tilespmem:s19+$0xFFFFFFD0]  }
0x183: {  	v5 =	vld [tilespmem:s0+$0xFFFFFFC0];
	v8 =	vmul.f32 v59, v8  }
0x184: {  	v4 =	vld [tilespmem:s0+$0xFFFFFFD0];
	v13 =	vmul.f32 v13, v19  }
0x185: {  	[tilespmem:s0+$0x20] =	vst v8;
	v8 =	vmul.f32 v15, v9;
	v15 =	vld [tilespmem:s0+$0x30]  }
0x186: {  	v9 =	vmul.f32 v60, v58;
	v62 =	vld [tilespmem:s24+$0x30];
	[tilespmem:s18+$0x60] =	vst v13  }
0x187: {  	[tilespmem:s23+$0xFFFFFFE0] =	vst v8;
	v8 =	vmul.f32 v11, v14;
	v63 =	vld [tilespmem:s19+$0x70]  }
0x188: {  	[tilespmem:s0+$0xFFFFFFA0] =	vst v9;
	v9 =	vld [tilespmem:s31+$0xFFFFFFF0]  }
0x189: {  	v13 =	vld [tilespmem:s24+$0xFFFFFFB0];
	[tilespmem:s18+$0xFFFFFFD0] =	vst v8  }
0x18a: {  	v11 =	vmul.f32 v12, v10;
	v10 =	vld [tilespmem:s19+$0xFFFFFFE0]  }
0x18b: {  	v8 =	vld [tilespmem:s0+$0xFFFFFFF0];
	v14 =	vmul.f32 v62, v15  }
0x18c: {  	s8 =	simm.s32 $0x16780;
	s5 =	simm.s32 $0x1B680;
	s13 =	simm.s32 $0x4;
	[tilespmem:s23+$0x70] =	vst v11;
	v11 =	vld [tilespmem:s0+$0x40];
	v12 =	vmul.f32 v63, v61  }
.LBB2_6:
0x18d: {  	v15 =	vld [tilespmem:s8+$0x0];
	[tilespmem:s0+$0x30] =	vst v14;
	s24 =	sadd.s32 $0x100, s24;
	v9 =	vmul.f32 v9, v1;
	v1 =	vmov v3  }
0x18e: {  	v14 =	vld [tilespmem:s24+$0x0];
	v13 =	vmul.f32 v13, v6;
	[tilespmem:s18+$0x70] =	vst v12  }
0x18f: {  	s13 =	sadd.s32 $0x2, s13;
	v6 =	vld [tilespmem:s5+$0x40];
	v10 =	vmul.f32 v10, v2;
	[tilespmem:s23+$0xFFFFFFF0] =	vst v9;
	v2 =	vmov v7;
	s23 =	smov.u32 s18;
	s18 =	smov.u32 s0  }
0x190: {  	p0 =	slt.u32 s13, $0x4E;
	s0 =	smov.u32 s8;
	v7 =	vld [tilespmem:s24+$0xFFFFFF80];
	[tilespmem:s18+$0xFFFFFFB0] =	vst v13;
	v3 =	vmov v8  }
0x191: {  	v8 =	vld [tilespmem:s8+$0xFFFFFF80];
	[tilespmem:s23+$0xFFFFFFE0] =	vst v10  }
0x192: {  	v9 =	vld [tilespmem:s8+$0xFFFFFF90]  }
0x193: {  	v10 =	vld [tilespmem:s8+$0xFFFFFFA0];
	v12 =	vmul.f32 v14, v15  }
0x194: {  	v6 =	vmul.f32 v6, v11;
	v11 =	vld [tilespmem:s18+$0x50]  }
0x195: {  	[tilespmem:s8+$0x0] =	vst v12;
	v12 =	vld [tilespmem:s8+$0x10]  }
0x196: {  	v7 =	vmul.f32 v7, v8;
	v8 =	vld [tilespmem:s24+$0x10];
	[tilespmem:s18+$0x40] =	vst v6  }
0x197: {  	v13 =	vld [tilespmem:s5+$0x50]  }
0x198: {  	[tilespmem:s8+$0xFFFFFF80] =	vst v7;
	v6 =	vld [tilespmem:s8+$0xFFFFFFB0]  }
0x199: {  	v7 =	vld [tilespmem:s24+$0xFFFFFF90]  }
0x19a: {  	v14 =	vld [tilespmem:s5+$0xFFFFFFC0]  }
0x19b: {  	v15 =	vld [tilespmem:s8+$0xFFFFFFC0];
	v8 =	vmul.f32 v8, v12  }
0x19c: {  	v11 =	vmul.f32 v13, v11;
	v12 =	vld [tilespmem:s18+$0x60]  }
0x19d: {  	[tilespmem:s8+$0x10] =	vst v8;
	v8 =	vld [tilespmem:s8+$0x20]  }
0x19e: {  	v7 =	vmul.f32 v7, v9;
	v9 =	vld [tilespmem:s24+$0x20];
	[tilespmem:s18+$0x50] =	vst v11  }
0x19f: {  	v11 =	vmul.f32 v14, v5;
	v13 =	vld [tilespmem:s5+$0x60]  }
0x1a0: {  	[tilespmem:s8+$0xFFFFFF90] =	vst v7;
	v14 =	vld [tilespmem:s8+$0xFFFFFFD0];
	v5 =	vmov v15  }
0x1a1: {  	v15 =	vld [tilespmem:s24+$0xFFFFFFA0];
	[tilespmem:s18+$0xFFFFFFC0] =	vst v11  }
0x1a2: {  	v11 =	vld [tilespmem:s5+$0xFFFFFFD0]  }
0x1a3: {  	v7 =	vld [tilespmem:s8+$0xFFFFFFE0];
	v8 =	vmul.f32 v9, v8  }
0x1a4: {  	v9 =	vmul.f32 v13, v12;
	v12 =	vld [tilespmem:s18+$0x70]  }
0x1a5: {  	[tilespmem:s8+$0x20] =	vst v8;
	v16 =	vld [tilespmem:s8+$0x30]  }
0x1a6: {  	v8 =	vmul.f32 v15, v10;
	v15 =	vld [tilespmem:s24+$0x30];
	[tilespmem:s18+$0x60] =	vst v9  }
0x1a7: {  	v10 =	vmul.f32 v11, v4;
	v17 =	vld [tilespmem:s5+$0x70];
	v4 =	vmov v14  }
.Ltmp2:
0x1a8: {  	[tilespmem:s8+$0xFFFFFFA0] =	vst v8;
	v9 =	vld [tilespmem:s19+$0xFFFFFFF0];
	s19 =	smov.u32 s5;
	s5 =	smov.u32 s24;
	(pc) =	sbr.rel @p0 .LBB2_6-.Ltmp2, $4  }
0x1a9: {  	v13 =	vld [tilespmem:s24+$0xFFFFFFB0];
	[tilespmem:s18+$0xFFFFFFD0] =	vst v10  }
0x1aa: {  	v10 =	vld [tilespmem:s19+$0xFFFFFFE0]  }
0x1ab: {  	v8 =	vld [tilespmem:s8+$0xFFFFFFF0];
	v14 =	vmul.f32 v15, v16  }
0x1ac: {  	s8 =	sadd.s32 $0x100, s8;
	v11 =	vld [tilespmem:s0+$0x40];
	v12 =	vmul.f32 v17, v12  }
0x1ad: {  	_ = 	snop  }
0x1ae: {  	[tilespmem:s0+$0x30] =	vst v14;
	v6 =	vmul.f32 v13, v6  }
0x1af: {  	v57 =	vld [tilespmem:s5+$0x40]  }
0x1b0: {  	[tilespmem:s0+$0xFFFFFFB0] =	vst v6  }
0x1b1: {  	v6 =	vld [tilespmem:s5+$0xFFFFFFC0];
	_ =	sdelay $0x2  }
0x1b2: {  	v11 =	vmul.f32 v57, v11;
	_ =	sdelay $0x1  }
0x1b3: {  	v58 =	vld [tilespmem:s0+$0x50];
	[tilespmem:s0+$0x40] =	vst v11;
	v5 =	vmul.f32 v6, v5  }
0x1b4: {  	v59 =	vld [tilespmem:s5+$0x50]  }
0x1b5: {  	[tilespmem:s0+$0xFFFFFFC0] =	vst v5  }
0x1b6: {  	v5 =	vld [tilespmem:s5+$0xFFFFFFD0];
	_ =	sdelay $0x2  }
0x1b7: {  	v6 =	vmul.f32 v59, v58;
	_ =	sdelay $0x1  }
0x1b8: {  	v60 =	vld [tilespmem:s0+$0x60];
	[tilespmem:s0+$0x50] =	vst v6;
	v4 =	vmul.f32 v5, v4  }
0x1b9: {  	v61 =	vld [tilespmem:s5+$0x60]  }
0x1ba: {  	[tilespmem:s0+$0xFFFFFFD0] =	vst v4  }
0x1bb: {  	v4 =	vld [tilespmem:s5+$0xFFFFFFE0];
	_ =	sdelay $0x2  }
0x1bc: {  	v5 =	vmul.f32 v61, v60  }
0x1bd: {  	v2 =	vmul.f32 v10, v2  }
0x1be: {  	v62 =	vld [tilespmem:s0+$0x70];
	[tilespmem:s0+$0x60] =	vst v5;
	v4 =	vmul.f32 v4, v7  }
0x1bf: {  	[tilespmem:s18+$0xFFFFFFE0] =	vst v2;
	v2 =	vld [tilespmem:s5+$0x70]  }
0x1c0: {  	v63 =	vld [tilespmem:s19+$0xFFFFFFF0];
	[tilespmem:s0+$0xFFFFFFE0] =	vst v4  }
0x1c1: {  	v4 =	vld [tilespmem:s5+$0xFFFFFFF0];
	_ =	sdelay $0x1  }
0x1c2: {  	v1 =	vmul.f32 v9, v1  }
0x1c3: {  	[tilespmem:s18+$0x70] =	vst v12;
	v2 =	vmul.f32 v2, v62  }
0x1c4: {  	[tilespmem:s23+$0xFFFFFFF0] =	vst v1;
	v1 =	vmul.f32 v63, v3  }
0x1c5: {  	[tilespmem:s0+$0x70] =	vst v2;
	v2 =	vmul.f32 v4, v8  }
0x1c6: {  	[tilespmem:s18+$0xFFFFFFF0] =	vst v1  }
0x1c7: {  	s18 =	simm.s32 $0x1DC80;
	[tilespmem:s0+$0xFFFFFFF0] =	vst v2  }
0x1c8: {  	[spmem:s4] =	stream.indirect.scatter.add.f32 [tilespmem:s30], [sflag:$0x6], $0x80, s18, s25, $0xb8;
	[tilespmem:$0x1E000] =	vst v63  }
0x1c9: {  	s24 =	simm.s32 $0x1DD80;
	s23 =	simm.s32 $0x0;
	s19 =	rddreg [dreg:$0x10]  }
0x1ca: {  	[tilespmem:s24], [sflag:$0xA] =	stream.linear.gather [hbm4b:s19+s23], $0x50, $0x38;
	[tilespmem:$0x1E000] =	vst v63  }
0x1cb: {  	s31 =	rddreg [dreg:$0x11]  }
0x1cc: {  	[tilespmem:s26], [sflag:$0xA] =	stream.linear.gather [hbm4b:s31+s23], $0x50, $0x38;
	[tilespmem:$0x1E000] =	vst v63  }
.LBB2_8:
0x1cd: {  	_ =	swait.ge [sflag:s28], $0x2800  }
0x1ce: {  	[sflag:s28] =	ssyncset.done $0x0  }
0x1cf: {  	[sflag:s28] =	ssyncadd.s32 $0xFFFFD800  }
0x1d0: {  	_ =	swait.ge [sflag:s29], $0x2800  }
0x1d1: {  	[sflag:s29] =	ssyncset.done $0x0  }
0x1d2: {  	[sflag:s29] =	ssyncadd.s32 $0xFFFFD800  }
0x1d3: {  	_ =	swait.ge [sflag:s15], $0x2800  }
0x1d4: {  	[sflag:s15] =	ssyncset.done $0x0  }
0x1d5: {  	[sflag:s15] =	ssyncadd.s32 $0xFFFFD800  }
0x1d6: {  	_ =	swait.ge [sflag:s20], $0x50  }
0x1d7: {  	[sflag:s20] =	ssyncset.done $0x0  }
0x1d8: {  	[sflag:s20] =	ssyncadd.s32 $0xFFFFFFB0  }
0x1d9: {  	_ =	swait.ge [sflag:s20], $0x50  }
0x1da: {  	s24 =	sshll.u32 s23, $0x2;
	s0 =	rddreg [dreg:$0x12]  }
0x1db: {  	[sflag:s20] =	ssyncset.done $0x0;
	s0 =	sadd.s32 s24, s0  }
0x1dc: {  	[sflag:s20] =	ssyncadd.s32 $0xFFFFFFB0;
	s0 =	smul.u32 $0x500, s0  }
0x1dd: {  	[tilespmem:s30], [sflag:$0x2] =	stream.indirect.gather [hbm4b:s3+s25], $0x80, s26, s25, $0xb8;
	[tilespmem:$0x1E000] =	vst v63  }
0x1de: {  	s5 =	simm.s32 $0x1B400;
	s18 =	simm.s32 $0x13C80;
	s0 =	sadd.s32 s7, s0  }
0x1df: {  	[tilespmem:s5], [sflag:$0x4] =	stream.linear.gather [hbm4b:s0+s6], $0x2800, $0x38;
	[tilespmem:$0x1E000] =	vst v63  }
0x1e0: {  	s13 =	simm.s32 $0x18C80;
	v1 =	vld [tilespmem:s18+$0x0]  }
0x1e1: {  	v2 =	vld [tilespmem:s13+$0x0];
	_ =	sdelay $0x3  }
0x1e2: {  	v3 =	vld [tilespmem:s18+$0xFFFFFF80]  }
0x1e3: {  	v1 =	vmul.f32 v2, v1;
	v2 =	vld [tilespmem:s13+$0xFFFFFF80];
	_ =	sdelay $0x1  }
0x1e4: {  	[tilespmem:s18+$0x0] =	vst v1;
	v1 =	vld [tilespmem:s18+$0x10]  }
0x1e5: {  	v4 =	vld [tilespmem:s13+$0x10];
	_ =	sdelay $0x1  }
0x1e6: {  	v2 =	vmul.f32 v2, v3;
	_ =	sdelay $0x1  }
0x1e7: {  	v5 =	vld [tilespmem:s18+$0xFFFFFF90];
	[tilespmem:s18+$0xFFFFFF80] =	vst v2  }
0x1e8: {  	v1 =	vmul.f32 v4, v1;
	v2 =	vld [tilespmem:s13+$0xFFFFFF90];
	_ =	sdelay $0x1  }
0x1e9: {  	[tilespmem:s18+$0x10] =	vst v1;
	v1 =	vld [tilespmem:s18+$0x20]  }
0x1ea: {  	v4 =	vld [tilespmem:s13+$0x20]  }
0x1eb: {  	v6 =	vld [tilespmem:s18+$0xFFFFFFB0]  }
0x1ec: {  	s19 =	simm.s32 $0x13D80;
	v7 =	vld [tilespmem:s18+$0xFFFFFFD0];
	v2 =	vmul.f32 v2, v5  }
0x1ed: {  	v8 =	vld [tilespmem:s19+$0x0]  }
0x1ee: {  	v3 =	vld [tilespmem:s18+$0xFFFFFFA0];
	[tilespmem:s18+$0xFFFFFF90] =	vst v2  }
0x1ef: {  	v1 =	vmul.f32 v4, v1;
	v2 =	vld [tilespmem:s13+$0xFFFFFFA0]  }
0x1f0: {  	v9 =	vld [tilespmem:s18+$0xFFFFFFE0]  }
0x1f1: {  	[tilespmem:s18+$0x20] =	vst v1;
	v1 =	vld [tilespmem:s18+$0x30]  }
0x1f2: {  	s31 =	simm.s32 $0x18D80;
	v4 =	vld [tilespmem:s13+$0x30]  }
0x1f3: {  	v11 =	vld [tilespmem:s31+$0xFFFFFF80]  }
0x1f4: {  	v2 =	vmul.f32 v2, v3;
	v3 =	vld [tilespmem:s31+$0x0]  }
0x1f5: {  	v13 =	vld [tilespmem:s19+$0xFFFFFF90]  }
0x1f6: {  	s5 =	simm.s32 $0x18E80;
	v14 =	vld [tilespmem:s19+$0xFFFFFFD0]  }
0x1f7: {  	v16 =	vld [tilespmem:s5+$0xFFFFFF80];
	v1 =	vmul.f32 v4, v1  }
0x1f8: {  	[tilespmem:s18+$0xFFFFFFA0] =	vst v2;
	v2 =	vld [tilespmem:s18+$0x40]  }
0x1f9: {  	[tilespmem:s18+$0x30] =	vst v1;
	v3 =	vmul.f32 v3, v8;
	v8 =	vld [tilespmem:s19+$0xFFFFFF80]  }
0x1fa: {  	s0 =	simm.s32 $0x13E80;
	v10 =	vld [tilespmem:s13+$0x40]  }
0x1fb: {  	v17 =	vld [tilespmem:s0+$0xFFFFFF80]  }
0x1fc: {  	v4 =	vld [tilespmem:s13+$0xFFFFFFB0]  }
0x1fd: {  	v18 =	vld [tilespmem:s19+$0x50]  }
0x1fe: {  	[tilespmem:s19+$0x0] =	vst v3;
	v3 =	vld [tilespmem:s19+$0x10];
	v8 =	vmul.f32 v11, v8  }
0x1ff: {  	v12 =	vld [tilespmem:s31+$0x10];
	v2 =	vmul.f32 v10, v2  }
0x200: {  	v10 =	vld [tilespmem:s18+$0x50];
	[tilespmem:s19+$0xFFFFFF80] =	vst v8  }
0x201: {  	[tilespmem:s18+$0x40] =	vst v2;
	v2 =	vmul.f32 v4, v6;
	v6 =	vld [tilespmem:s31+$0xFFFFFF90]  }
0x202: {  	v4 =	vld [tilespmem:s13+$0x50]  }
0x203: {  	v58 =	vld [tilespmem:s0+$0xFFFFFFA0]  }
0x204: {  	v5 =	vld [tilespmem:s18+$0xFFFFFFC0];
	v3 =	vmul.f32 v12, v3;
	[tilespmem:s18+$0xFFFFFFB0] =	vst v2  }
0x205: {  	v2 =	vld [tilespmem:s13+$0xFFFFFFC0]  }
0x206: {  	[tilespmem:s19+$0x10] =	vst v3;
	v3 =	vld [tilespmem:s19+$0x20]  }
0x207: {  	v6 =	vmul.f32 v6, v13;
	v4 =	vmul.f32 v4, v10;
	v10 =	vld [tilespmem:s31+$0x20]  }
0x208: {  	v19 =	vld [tilespmem:s19+$0x60]  }
0x209: {  	v16 =	vmul.f32 v16, v17;
	v11 =	vld [tilespmem:s19+$0xFFFFFFA0];
	[tilespmem:s19+$0xFFFFFF90] =	vst v6  }
0x20a: {  	v2 =	vmul.f32 v2, v5;
	v5 =	vld [tilespmem:s31+$0xFFFFFFA0]  }
0x20b: {  	v61 =	vld [tilespmem:s19+$0x70];
	[tilespmem:s0+$0xFFFFFF80] =	vst v16  }
0x20c: {  	v16 =	vld [tilespmem:s5+$0xFFFFFF90];
	[tilespmem:s18+$0xFFFFFFC0] =	vst v2;
	v2 =	vmul.f32 v10, v3  }
0x20d: {  	v1 =	vld [tilespmem:s18+$0xFFFFFFF0]  }
0x20e: {  	v6 =	vld [tilespmem:s19+$0x30];
	[tilespmem:s19+$0x20] =	vst v2  }
0x20f: {  	v5 =	vmul.f32 v5, v11;
	v11 =	vld [tilespmem:s31+$0x30]  }
0x210: {  	v3 =	vld [tilespmem:s13+$0xFFFFFFD0]  }
0x211: {  	v8 =	vld [tilespmem:s19+$0xFFFFFFB0]  }
0x212: {  	v12 =	vld [tilespmem:s18+$0x60];
	[tilespmem:s18+$0x50] =	vst v4  }
0x213: {  	v4 =	vld [tilespmem:s13+$0x60]  }
0x214: {  	[tilespmem:s19+$0xFFFFFFA0] =	vst v5;
	v5 =	vld [tilespmem:s0+$0x0];
	v6 =	vmul.f32 v11, v6  }
0x215: {  	v3 =	vmul.f32 v3, v7;
	v7 =	vld [tilespmem:s5+$0x0]  }
0x216: {  	v11 =	vld [tilespmem:s19+$0x40];
	[tilespmem:s19+$0x30] =	vst v6  }
0x217: {  	v6 =	vld [tilespmem:s31+$0x40]  }
0x218: {  	v13 =	vld [tilespmem:s19+$0xFFFFFFC0];
	v4 =	vmul.f32 v4, v12  }
0x219: {  	v10 =	vld [tilespmem:s18+$0x70]  }
0x21a: {  	[tilespmem:s18+$0x60] =	vst v4;
	v4 =	vld [tilespmem:s31+$0xFFFFFFB0];
	v5 =	vmul.f32 v7, v5  }
0x21b: {  	v7 =	vld [tilespmem:s0+$0xFFFFFF90]  }
0x21c: {  	[tilespmem:s0+$0x0] =	vst v5;
	v5 =	vld [tilespmem:s0+$0x10];
	v6 =	vmul.f32 v6, v11  }
0x21d: {  	v11 =	vld [tilespmem:s5+$0x10]  }
0x21e: {  	v2 =	vld [tilespmem:s19+$0xFFFFFFE0];
	[tilespmem:s19+$0x40] =	vst v6  }
0x21f: {  	v4 =	vmul.f32 v4, v8;
	v8 =	vld [tilespmem:s31+$0x50]  }
0x220: {  	v12 =	vld [tilespmem:s13+$0x70];
	[tilespmem:s18+$0xFFFFFFD0] =	vst v3  }
0x221: {  	v3 =	vld [tilespmem:s19+$0xFFFFFFF0];
	[tilespmem:s19+$0xFFFFFFB0] =	vst v4;
	v7 =	vmul.f32 v16, v7  }
0x222: {  	v4 =	vmul.f32 v11, v5;
	v11 =	vld [tilespmem:s31+$0xFFFFFFC0]  }
0x223: {  	v15 =	vld [tilespmem:s13+$0xFFFFFFE0];
	[tilespmem:s0+$0xFFFFFF90] =	vst v7  }
0x224: {  	v7 =	vld [tilespmem:s0+$0xFFFFFFE0];
	[tilespmem:s0+$0x10] =	vst v4;
	v4 =	vmul.f32 v8, v18  }
0x225: {  	v8 =	vld [tilespmem:s0+$0x20]  }
0x226: {  	v59 =	vld [tilespmem:s5+$0x20];
	[tilespmem:s19+$0x50] =	vst v4  }
0x227: {  	v11 =	vmul.f32 v11, v13;
	v13 =	vld [tilespmem:s31+$0x60]  }
0x228: {  	v6 =	vld [tilespmem:s0+$0xFFFFFFB0]  }
0x229: {  	v60 =	vld [tilespmem:s5+$0xFFFFFFA0];
	[tilespmem:s19+$0xFFFFFFC0] =	vst v11  }
0x22a: {  	v11 =	vld [tilespmem:s31+$0xFFFFFFD0]  }
0x22b: {  	v5 =	vld [tilespmem:s0+$0xFFFFFFC0];
	v8 =	vmul.f32 v59, v8  }
0x22c: {  	v4 =	vld [tilespmem:s0+$0xFFFFFFD0];
	v13 =	vmul.f32 v13, v19  }
0x22d: {  	[tilespmem:s0+$0x20] =	vst v8;
	v8 =	vmul.f32 v15, v9;
	v15 =	vld [tilespmem:s0+$0x30]  }
0x22e: {  	v9 =	vmul.f32 v60, v58;
	v62 =	vld [tilespmem:s5+$0x30];
	[tilespmem:s19+$0x60] =	vst v13  }
0x22f: {  	[tilespmem:s18+$0xFFFFFFE0] =	vst v8;
	v8 =	vmul.f32 v11, v14;
	v63 =	vld [tilespmem:s31+$0x70]  }
0x230: {  	[tilespmem:s0+$0xFFFFFFA0] =	vst v9;
	v9 =	vld [tilespmem:s13+$0xFFFFFFF0]  }
0x231: {  	v13 =	vld [tilespmem:s5+$0xFFFFFFB0];
	[tilespmem:s19+$0xFFFFFFD0] =	vst v8  }
0x232: {  	v11 =	vmul.f32 v12, v10;
	v10 =	vld [tilespmem:s31+$0xFFFFFFE0]  }
0x233: {  	v8 =	vld [tilespmem:s0+$0xFFFFFFF0];
	v14 =	vmul.f32 v62, v15  }
0x234: {  	s8 =	simm.s32 $0x4;
	s26 =	simm.s32 $0x13F80;
	s13 =	simm.s32 $0x18E80;
	[tilespmem:s18+$0x70] =	vst v11;
	v11 =	vld [tilespmem:s0+$0x40];
	v12 =	vmul.f32 v63, v61  }
.LBB2_9:
0x235: {  	v15 =	vld [tilespmem:s26+$0x0];
	[tilespmem:s0+$0x30] =	vst v14;
	s5 =	sadd.s32 $0x100, s5;
	v9 =	vmul.f32 v9, v1;
	v1 =	vmov v3  }
0x236: {  	v14 =	vld [tilespmem:s5+$0x0];
	v13 =	vmul.f32 v13, v6;
	[tilespmem:s19+$0x70] =	vst v12  }
0x237: {  	s8 =	sadd.s32 $0x2, s8;
	v6 =	vld [tilespmem:s13+$0x40];
	v10 =	vmul.f32 v10, v2;
	[tilespmem:s18+$0xFFFFFFF0] =	vst v9;
	v2 =	vmov v7;
	s18 =	smov.u32 s19;
	s19 =	smov.u32 s0  }
0x238: {  	p0 =	slt.u32 s8, $0x4E;
	s0 =	smov.u32 s26;
	v7 =	vld [tilespmem:s5+$0xFFFFFF80];
	[tilespmem:s19+$0xFFFFFFB0] =	vst v13;
	v3 =	vmov v8  }
0x239: {  	v8 =	vld [tilespmem:s26+$0xFFFFFF80];
	[tilespmem:s18+$0xFFFFFFE0] =	vst v10  }
0x23a: {  	v9 =	vld [tilespmem:s26+$0xFFFFFF90]  }
0x23b: {  	v10 =	vld [tilespmem:s26+$0xFFFFFFA0];
	v12 =	vmul.f32 v14, v15  }
0x23c: {  	v6 =	vmul.f32 v6, v11;
	v11 =	vld [tilespmem:s19+$0x50]  }
0x23d: {  	[tilespmem:s26+$0x0] =	vst v12;
	v12 =	vld [tilespmem:s26+$0x10]  }
0x23e: {  	v7 =	vmul.f32 v7, v8;
	v8 =	vld [tilespmem:s5+$0x10];
	[tilespmem:s19+$0x40] =	vst v6  }
0x23f: {  	v13 =	vld [tilespmem:s13+$0x50]  }
0x240: {  	[tilespmem:s26+$0xFFFFFF80] =	vst v7;
	v6 =	vld [tilespmem:s26+$0xFFFFFFB0]  }
0x241: {  	v7 =	vld [tilespmem:s5+$0xFFFFFF90]  }
0x242: {  	v14 =	vld [tilespmem:s13+$0xFFFFFFC0]  }
0x243: {  	v15 =	vld [tilespmem:s26+$0xFFFFFFC0];
	v8 =	vmul.f32 v8, v12  }
0x244: {  	v11 =	vmul.f32 v13, v11;
	v12 =	vld [tilespmem:s19+$0x60]  }
0x245: {  	[tilespmem:s26+$0x10] =	vst v8;
	v8 =	vld [tilespmem:s26+$0x20]  }
0x246: {  	v7 =	vmul.f32 v7, v9;
	v9 =	vld [tilespmem:s5+$0x20];
	[tilespmem:s19+$0x50] =	vst v11  }
0x247: {  	v11 =	vmul.f32 v14, v5;
	v13 =	vld [tilespmem:s13+$0x60]  }
0x248: {  	[tilespmem:s26+$0xFFFFFF90] =	vst v7;
	v14 =	vld [tilespmem:s26+$0xFFFFFFD0];
	v5 =	vmov v15  }
0x249: {  	v15 =	vld [tilespmem:s5+$0xFFFFFFA0];
	[tilespmem:s19+$0xFFFFFFC0] =	vst v11  }
0x24a: {  	v11 =	vld [tilespmem:s13+$0xFFFFFFD0]  }
0x24b: {  	v7 =	vld [tilespmem:s26+$0xFFFFFFE0];
	v8 =	vmul.f32 v9, v8  }
0x24c: {  	v9 =	vmul.f32 v13, v12;
	v12 =	vld [tilespmem:s19+$0x70]  }
0x24d: {  	[tilespmem:s26+$0x20] =	vst v8;
	v16 =	vld [tilespmem:s26+$0x30]  }
0x24e: {  	v8 =	vmul.f32 v15, v10;
	v15 =	vld [tilespmem:s5+$0x30];
	[tilespmem:s19+$0x60] =	vst v9  }
0x24f: {  	v10 =	vmul.f32 v11, v4;
	v17 =	vld [tilespmem:s13+$0x70];
	v4 =	vmov v14  }
.Ltmp3:
0x250: {  	[tilespmem:s26+$0xFFFFFFA0] =	vst v8;
	v9 =	vld [tilespmem:s31+$0xFFFFFFF0];
	s31 =	smov.u32 s13;
	s13 =	smov.u32 s5;
	(pc) =	sbr.rel @p0 .LBB2_9-.Ltmp3, $4  }
0x251: {  	v13 =	vld [tilespmem:s5+$0xFFFFFFB0];
	[tilespmem:s19+$0xFFFFFFD0] =	vst v10  }
0x252: {  	v10 =	vld [tilespmem:s31+$0xFFFFFFE0]  }
0x253: {  	v8 =	vld [tilespmem:s26+$0xFFFFFFF0];
	v14 =	vmul.f32 v15, v16  }
0x254: {  	s26 =	sadd.s32 $0x100, s26;
	v11 =	vld [tilespmem:s0+$0x40];
	v12 =	vmul.f32 v17, v12  }
0x255: {  	[tilespmem:s0+$0x30] =	vst v14  }
0x256: {  	v6 =	vmul.f32 v13, v6;
	v13 =	vld [tilespmem:s13+$0x40];
	_ =	sdelay $0x1  }
0x257: {  	[tilespmem:s0+$0xFFFFFFB0] =	vst v6  }
0x258: {  	v6 =	vld [tilespmem:s13+$0xFFFFFFC0];
	_ =	sdelay $0x1  }
0x259: {  	v11 =	vmul.f32 v13, v11;
	_ =	sdelay $0x1  }
0x25a: {  	v13 =	vld [tilespmem:s0+$0x50];
	[tilespmem:s0+$0x40] =	vst v11  }
0x25b: {  	v5 =	vmul.f32 v6, v5;
	v6 =	vld [tilespmem:s13+$0x50];
	_ =	sdelay $0x1  }
0x25c: {  	[tilespmem:s0+$0xFFFFFFC0] =	vst v5  }
0x25d: {  	v5 =	vld [tilespmem:s13+$0xFFFFFFD0];
	_ =	sdelay $0x1  }
0x25e: {  	v6 =	vmul.f32 v6, v13;
	_ =	sdelay $0x1  }
0x25f: {  	v11 =	vld [tilespmem:s0+$0x60];
	[tilespmem:s0+$0x50] =	vst v6  }
0x260: {  	v4 =	vmul.f32 v5, v4;
	v5 =	vld [tilespmem:s13+$0x60];
	_ =	sdelay $0x1  }
0x261: {  	[tilespmem:s0+$0xFFFFFFD0] =	vst v4  }
0x262: {  	v4 =	vld [tilespmem:s13+$0xFFFFFFE0]  }
0x263: {  	v2 =	vmul.f32 v10, v2  }
0x264: {  	v5 =	vmul.f32 v5, v11  }
0x265: {  	[tilespmem:s19+$0xFFFFFFE0] =	vst v2;
	v6 =	vld [tilespmem:s0+$0x70]  }
0x266: {  	[tilespmem:s0+$0x60] =	vst v5;
	v5 =	vld [tilespmem:s31+$0xFFFFFFF0]  }
0x267: {  	v4 =	vmul.f32 v4, v7;
	v2 =	vld [tilespmem:s13+$0x70];
	_ =	sdelay $0x1  }
0x268: {  	v1 =	vmul.f32 v9, v1;
	[tilespmem:s0+$0xFFFFFFE0] =	vst v4  }
0x269: {  	v4 =	vld [tilespmem:s13+$0xFFFFFFF0]  }
0x26a: {  	[tilespmem:s18+$0xFFFFFFF0] =	vst v1;
	v1 =	vmul.f32 v5, v3  }
0x26b: {  	[tilespmem:s19+$0x70] =	vst v12;
	v2 =	vmul.f32 v2, v6  }
0x26c: {  	[tilespmem:s19+$0xFFFFFFF0] =	vst v1  }
0x26d: {  	[tilespmem:s0+$0x70] =	vst v2  }
0x26e: {  	v2 =	vmul.f32 v4, v8;
	s5 =	rddreg [dreg:$0x13]  }
0x26f: {  	s5 =	sadd.s32 s24, s5  }
0x270: {  	s8 =	simm.s32 $0x1DD00;
	[tilespmem:s0+$0xFFFFFFF0] =	vst v2;
	s26 =	smul.u32 $0xA, s5  }
0x271: {  	[spmem:s4] =	stream.indirect.scatter.add.f32 [tilespmem:s14], [sflag:$0x5], $0x80, s8, s25, $0xb8;
	[tilespmem:$0x1E000] =	vst v63  }
0x272: {  	s13 =	sadd.s32 s1, s26  }
0x273: {  	[tilespmem:s16], [sflag:$0x7] =	stream.linear.gather [hbm4b:s13+s6], $0x50, $0x38;
	[tilespmem:$0x1E000] =	vst v63  }
0x274: {  	s0 =	sadd.s32 s2, s26  }
0x275: {  	[tilespmem:s17], [sflag:$0x7] =	stream.linear.gather [hbm4b:s0+s6], $0x50, $0x38;
	[tilespmem:$0x1E000] =	vst v63  }
0x276: {  	_ =	swait.ge [sflag:s9], $0x2800  }
0x277: {  	[sflag:s9] =	ssyncset.done $0x0  }
0x278: {  	[sflag:s9] =	ssyncadd.s32 $0xFFFFD800  }
0x279: {  	_ =	swait.ge [sflag:s10], $0x2800  }
0x27a: {  	[sflag:s10] =	ssyncset.done $0x0  }
0x27b: {  	[sflag:s10] =	ssyncadd.s32 $0xFFFFD800  }
0x27c: {  	_ =	swait.ge [sflag:s11], $0x2800  }
0x27d: {  	[sflag:s11] =	ssyncset.done $0x0  }
0x27e: {  	[sflag:s11] =	ssyncadd.s32 $0xFFFFD800  }
0x27f: {  	_ =	swait.ge [sflag:s21], $0x50  }
0x280: {  	[sflag:s21] =	ssyncset.done $0x0  }
0x281: {  	[sflag:s21] =	ssyncadd.s32 $0xFFFFFFB0  }
0x282: {  	_ =	swait.ge [sflag:s21], $0x50  }
0x283: {  	[sflag:s21] =	ssyncset.done $0x0  }
0x284: {  	s18 =	smul.u32 $0x500, s5;
	[sflag:s21] =	ssyncadd.s32 $0xFFFFFFB0  }
0x285: {  	[tilespmem:s14], [sflag:$0x1] =	stream.indirect.gather [hbm4b:s3+s25], $0x80, s17, s25, $0xb8;
	[tilespmem:$0x1E000] =	vst v63  }
0x286: {  	s19 =	simm.s32 $0x18C00;
	s0 =	sadd.s32 s7, s18;
	s18 =	simm.s32 $0x16480  }
0x287: {  	[tilespmem:s19], [sflag:$0x3] =	stream.linear.gather [hbm4b:s0+s6], $0x2800, $0x38;
	[tilespmem:$0x1E000] =	vst v63  }
0x288: {  	s26 =	simm.s32 $0x1B480;
	v1 =	vld [tilespmem:s18+$0x0]  }
0x289: {  	v2 =	vld [tilespmem:s26+$0x0];
	_ =	sdelay $0x3  }
0x28a: {  	v3 =	vld [tilespmem:s18+$0xFFFFFF80]  }
0x28b: {  	v1 =	vmul.f32 v2, v1;
	v2 =	vld [tilespmem:s26+$0xFFFFFF80];
	_ =	sdelay $0x1  }
0x28c: {  	[tilespmem:s18+$0x0] =	vst v1;
	v1 =	vld [tilespmem:s18+$0x10]  }
0x28d: {  	v4 =	vld [tilespmem:s26+$0x10];
	_ =	sdelay $0x1  }
0x28e: {  	v2 =	vmul.f32 v2, v3;
	_ =	sdelay $0x1  }
0x28f: {  	v5 =	vld [tilespmem:s18+$0xFFFFFF90];
	[tilespmem:s18+$0xFFFFFF80] =	vst v2  }
0x290: {  	v1 =	vmul.f32 v4, v1;
	v2 =	vld [tilespmem:s26+$0xFFFFFF90];
	_ =	sdelay $0x1  }
0x291: {  	[tilespmem:s18+$0x10] =	vst v1;
	v1 =	vld [tilespmem:s18+$0x20]  }
0x292: {  	v4 =	vld [tilespmem:s26+$0x20]  }
0x293: {  	v6 =	vld [tilespmem:s18+$0xFFFFFFB0]  }
0x294: {  	s19 =	simm.s32 $0x16580;
	v7 =	vld [tilespmem:s18+$0xFFFFFFD0];
	v2 =	vmul.f32 v2, v5  }
0x295: {  	v8 =	vld [tilespmem:s19+$0x0]  }
0x296: {  	v3 =	vld [tilespmem:s18+$0xFFFFFFA0];
	[tilespmem:s18+$0xFFFFFF90] =	vst v2  }
0x297: {  	v1 =	vmul.f32 v4, v1;
	v2 =	vld [tilespmem:s26+$0xFFFFFFA0]  }
0x298: {  	v9 =	vld [tilespmem:s18+$0xFFFFFFE0]  }
0x299: {  	[tilespmem:s18+$0x20] =	vst v1;
	v1 =	vld [tilespmem:s18+$0x30]  }
0x29a: {  	s31 =	simm.s32 $0x1B580;
	v4 =	vld [tilespmem:s26+$0x30]  }
0x29b: {  	v11 =	vld [tilespmem:s31+$0xFFFFFF80]  }
0x29c: {  	v2 =	vmul.f32 v2, v3;
	v3 =	vld [tilespmem:s31+$0x0]  }
0x29d: {  	v13 =	vld [tilespmem:s19+$0xFFFFFF90]  }
0x29e: {  	s5 =	simm.s32 $0x1B680;
	v14 =	vld [tilespmem:s19+$0xFFFFFFD0]  }
0x29f: {  	v16 =	vld [tilespmem:s5+$0xFFFFFF80];
	v1 =	vmul.f32 v4, v1  }
0x2a0: {  	[tilespmem:s18+$0xFFFFFFA0] =	vst v2;
	v2 =	vld [tilespmem:s18+$0x40]  }
0x2a1: {  	[tilespmem:s18+$0x30] =	vst v1;
	v3 =	vmul.f32 v3, v8;
	v8 =	vld [tilespmem:s19+$0xFFFFFF80]  }
0x2a2: {  	s0 =	simm.s32 $0x16680;
	v10 =	vld [tilespmem:s26+$0x40]  }
0x2a3: {  	v17 =	vld [tilespmem:s0+$0xFFFFFF80]  }
0x2a4: {  	v4 =	vld [tilespmem:s26+$0xFFFFFFB0]  }
0x2a5: {  	v18 =	vld [tilespmem:s19+$0x50]  }
0x2a6: {  	[tilespmem:s19+$0x0] =	vst v3;
	v3 =	vld [tilespmem:s19+$0x10];
	v8 =	vmul.f32 v11, v8  }
0x2a7: {  	v12 =	vld [tilespmem:s31+$0x10];
	v2 =	vmul.f32 v10, v2  }
0x2a8: {  	v10 =	vld [tilespmem:s18+$0x50];
	[tilespmem:s19+$0xFFFFFF80] =	vst v8  }
0x2a9: {  	[tilespmem:s18+$0x40] =	vst v2;
	v2 =	vmul.f32 v4, v6;
	v6 =	vld [tilespmem:s31+$0xFFFFFF90]  }
0x2aa: {  	v4 =	vld [tilespmem:s26+$0x50]  }
0x2ab: {  	v58 =	vld [tilespmem:s0+$0xFFFFFFA0]  }
0x2ac: {  	v5 =	vld [tilespmem:s18+$0xFFFFFFC0];
	v3 =	vmul.f32 v12, v3;
	[tilespmem:s18+$0xFFFFFFB0] =	vst v2  }
0x2ad: {  	v2 =	vld [tilespmem:s26+$0xFFFFFFC0]  }
0x2ae: {  	[tilespmem:s19+$0x10] =	vst v3;
	v3 =	vld [tilespmem:s19+$0x20]  }
0x2af: {  	v6 =	vmul.f32 v6, v13;
	v4 =	vmul.f32 v4, v10;
	v10 =	vld [tilespmem:s31+$0x20]  }
0x2b0: {  	v19 =	vld [tilespmem:s19+$0x60]  }
0x2b1: {  	v16 =	vmul.f32 v16, v17;
	v11 =	vld [tilespmem:s19+$0xFFFFFFA0];
	[tilespmem:s19+$0xFFFFFF90] =	vst v6  }
0x2b2: {  	v2 =	vmul.f32 v2, v5;
	v5 =	vld [tilespmem:s31+$0xFFFFFFA0]  }
0x2b3: {  	v61 =	vld [tilespmem:s19+$0x70];
	[tilespmem:s0+$0xFFFFFF80] =	vst v16  }
0x2b4: {  	v16 =	vld [tilespmem:s5+$0xFFFFFF90];
	[tilespmem:s18+$0xFFFFFFC0] =	vst v2;
	v2 =	vmul.f32 v10, v3  }
0x2b5: {  	v1 =	vld [tilespmem:s18+$0xFFFFFFF0]  }
0x2b6: {  	v6 =	vld [tilespmem:s19+$0x30];
	[tilespmem:s19+$0x20] =	vst v2  }
0x2b7: {  	v5 =	vmul.f32 v5, v11;
	v11 =	vld [tilespmem:s31+$0x30]  }
0x2b8: {  	v3 =	vld [tilespmem:s26+$0xFFFFFFD0]  }
0x2b9: {  	v8 =	vld [tilespmem:s19+$0xFFFFFFB0]  }
0x2ba: {  	v12 =	vld [tilespmem:s18+$0x60];
	[tilespmem:s18+$0x50] =	vst v4  }
0x2bb: {  	v4 =	vld [tilespmem:s26+$0x60]  }
0x2bc: {  	[tilespmem:s19+$0xFFFFFFA0] =	vst v5;
	v5 =	vld [tilespmem:s0+$0x0];
	v6 =	vmul.f32 v11, v6  }
0x2bd: {  	v3 =	vmul.f32 v3, v7;
	v7 =	vld [tilespmem:s5+$0x0]  }
0x2be: {  	v11 =	vld [tilespmem:s19+$0x40];
	[tilespmem:s19+$0x30] =	vst v6  }
0x2bf: {  	v6 =	vld [tilespmem:s31+$0x40]  }
0x2c0: {  	v13 =	vld [tilespmem:s19+$0xFFFFFFC0];
	v4 =	vmul.f32 v4, v12  }
0x2c1: {  	v10 =	vld [tilespmem:s18+$0x70]  }
0x2c2: {  	[tilespmem:s18+$0x60] =	vst v4;
	v4 =	vld [tilespmem:s31+$0xFFFFFFB0];
	v5 =	vmul.f32 v7, v5  }
0x2c3: {  	v7 =	vld [tilespmem:s0+$0xFFFFFF90]  }
0x2c4: {  	[tilespmem:s0+$0x0] =	vst v5;
	v5 =	vld [tilespmem:s0+$0x10];
	v6 =	vmul.f32 v6, v11  }
0x2c5: {  	v11 =	vld [tilespmem:s5+$0x10]  }
0x2c6: {  	v2 =	vld [tilespmem:s19+$0xFFFFFFE0];
	[tilespmem:s19+$0x40] =	vst v6  }
0x2c7: {  	v4 =	vmul.f32 v4, v8;
	v8 =	vld [tilespmem:s31+$0x50]  }
0x2c8: {  	v12 =	vld [tilespmem:s26+$0x70];
	[tilespmem:s18+$0xFFFFFFD0] =	vst v3  }
0x2c9: {  	v3 =	vld [tilespmem:s19+$0xFFFFFFF0];
	[tilespmem:s19+$0xFFFFFFB0] =	vst v4;
	v7 =	vmul.f32 v16, v7  }
0x2ca: {  	v4 =	vmul.f32 v11, v5;
	v11 =	vld [tilespmem:s31+$0xFFFFFFC0]  }
0x2cb: {  	v15 =	vld [tilespmem:s26+$0xFFFFFFE0];
	[tilespmem:s0+$0xFFFFFF90] =	vst v7  }
0x2cc: {  	v7 =	vld [tilespmem:s0+$0xFFFFFFE0];
	[tilespmem:s0+$0x10] =	vst v4;
	v4 =	vmul.f32 v8, v18  }
0x2cd: {  	v8 =	vld [tilespmem:s0+$0x20]  }
0x2ce: {  	v59 =	vld [tilespmem:s5+$0x20];
	[tilespmem:s19+$0x50] =	vst v4  }
0x2cf: {  	v11 =	vmul.f32 v11, v13;
	v13 =	vld [tilespmem:s31+$0x60]  }
0x2d0: {  	v6 =	vld [tilespmem:s0+$0xFFFFFFB0]  }
0x2d1: {  	v60 =	vld [tilespmem:s5+$0xFFFFFFA0];
	[tilespmem:s19+$0xFFFFFFC0] =	vst v11  }
0x2d2: {  	v11 =	vld [tilespmem:s31+$0xFFFFFFD0]  }
0x2d3: {  	v5 =	vld [tilespmem:s0+$0xFFFFFFC0];
	v8 =	vmul.f32 v59, v8  }
0x2d4: {  	v4 =	vld [tilespmem:s0+$0xFFFFFFD0];
	v13 =	vmul.f32 v13, v19  }
0x2d5: {  	[tilespmem:s0+$0x20] =	vst v8;
	v8 =	vmul.f32 v15, v9;
	v15 =	vld [tilespmem:s0+$0x30]  }
0x2d6: {  	v9 =	vmul.f32 v60, v58;
	v62 =	vld [tilespmem:s5+$0x30];
	[tilespmem:s19+$0x60] =	vst v13  }
0x2d7: {  	[tilespmem:s18+$0xFFFFFFE0] =	vst v8;
	v8 =	vmul.f32 v11, v14;
	v63 =	vld [tilespmem:s31+$0x70]  }
0x2d8: {  	[tilespmem:s0+$0xFFFFFFA0] =	vst v9;
	v9 =	vld [tilespmem:s26+$0xFFFFFFF0]  }
0x2d9: {  	v13 =	vld [tilespmem:s5+$0xFFFFFFB0];
	[tilespmem:s19+$0xFFFFFFD0] =	vst v8  }
0x2da: {  	v11 =	vmul.f32 v12, v10;
	v10 =	vld [tilespmem:s31+$0xFFFFFFE0]  }
0x2db: {  	v8 =	vld [tilespmem:s0+$0xFFFFFFF0];
	v14 =	vmul.f32 v62, v15  }
0x2dc: {  	s8 =	simm.s32 $0x4;
	s13 =	simm.s32 $0x1B680;
	s26 =	simm.s32 $0x16780;
	[tilespmem:s18+$0x70] =	vst v11;
	v11 =	vld [tilespmem:s0+$0x40];
	v12 =	vmul.f32 v63, v61  }
.LBB2_11:
0x2dd: {  	v15 =	vld [tilespmem:s26+$0x0];
	[tilespmem:s0+$0x30] =	vst v14;
	s5 =	sadd.s32 $0x100, s5;
	v9 =	vmul.f32 v9, v1;
	v1 =	vmov v3  }
0x2de: {  	v14 =	vld [tilespmem:s5+$0x0];
	v13 =	vmul.f32 v13, v6;
	[tilespmem:s19+$0x70] =	vst v12  }
0x2df: {  	s8 =	sadd.s32 $0x2, s8;
	v6 =	vld [tilespmem:s13+$0x40];
	v10 =	vmul.f32 v10, v2;
	[tilespmem:s18+$0xFFFFFFF0] =	vst v9;
	v2 =	vmov v7;
	s18 =	smov.u32 s19;
	s19 =	smov.u32 s0  }
0x2e0: {  	p0 =	slt.u32 s8, $0x4E;
	s0 =	smov.u32 s26;
	v7 =	vld [tilespmem:s5+$0xFFFFFF80];
	[tilespmem:s19+$0xFFFFFFB0] =	vst v13;
	v3 =	vmov v8  }
0x2e1: {  	v8 =	vld [tilespmem:s26+$0xFFFFFF80];
	[tilespmem:s18+$0xFFFFFFE0] =	vst v10  }
0x2e2: {  	v9 =	vld [tilespmem:s26+$0xFFFFFF90]  }
0x2e3: {  	v10 =	vld [tilespmem:s26+$0xFFFFFFA0];
	v12 =	vmul.f32 v14, v15  }
0x2e4: {  	v6 =	vmul.f32 v6, v11;
	v11 =	vld [tilespmem:s19+$0x50]  }
0x2e5: {  	[tilespmem:s26+$0x0] =	vst v12;
	v12 =	vld [tilespmem:s26+$0x10]  }
0x2e6: {  	v7 =	vmul.f32 v7, v8;
	v8 =	vld [tilespmem:s5+$0x10];
	[tilespmem:s19+$0x40] =	vst v6  }
0x2e7: {  	v13 =	vld [tilespmem:s13+$0x50]  }
0x2e8: {  	[tilespmem:s26+$0xFFFFFF80] =	vst v7;
	v6 =	vld [tilespmem:s26+$0xFFFFFFB0]  }
0x2e9: {  	v7 =	vld [tilespmem:s5+$0xFFFFFF90]  }
0x2ea: {  	v14 =	vld [tilespmem:s13+$0xFFFFFFC0]  }
0x2eb: {  	v15 =	vld [tilespmem:s26+$0xFFFFFFC0];
	v8 =	vmul.f32 v8, v12  }
0x2ec: {  	v11 =	vmul.f32 v13, v11;
	v12 =	vld [tilespmem:s19+$0x60]  }
0x2ed: {  	[tilespmem:s26+$0x10] =	vst v8;
	v8 =	vld [tilespmem:s26+$0x20]  }
0x2ee: {  	v7 =	vmul.f32 v7, v9;
	v9 =	vld [tilespmem:s5+$0x20];
	[tilespmem:s19+$0x50] =	vst v11  }
0x2ef: {  	v11 =	vmul.f32 v14, v5;
	v13 =	vld [tilespmem:s13+$0x60]  }
0x2f0: {  	[tilespmem:s26+$0xFFFFFF90] =	vst v7;
	v14 =	vld [tilespmem:s26+$0xFFFFFFD0];
	v5 =	vmov v15  }
0x2f1: {  	v15 =	vld [tilespmem:s5+$0xFFFFFFA0];
	[tilespmem:s19+$0xFFFFFFC0] =	vst v11  }
0x2f2: {  	v11 =	vld [tilespmem:s13+$0xFFFFFFD0]  }
0x2f3: {  	v7 =	vld [tilespmem:s26+$0xFFFFFFE0];
	v8 =	vmul.f32 v9, v8  }
0x2f4: {  	v9 =	vmul.f32 v13, v12;
	v12 =	vld [tilespmem:s19+$0x70]  }
0x2f5: {  	[tilespmem:s26+$0x20] =	vst v8;
	v16 =	vld [tilespmem:s26+$0x30]  }
0x2f6: {  	v8 =	vmul.f32 v15, v10;
	v15 =	vld [tilespmem:s5+$0x30];
	[tilespmem:s19+$0x60] =	vst v9  }
0x2f7: {  	v10 =	vmul.f32 v11, v4;
	v17 =	vld [tilespmem:s13+$0x70];
	v4 =	vmov v14  }
.Ltmp4:
0x2f8: {  	[tilespmem:s26+$0xFFFFFFA0] =	vst v8;
	v9 =	vld [tilespmem:s31+$0xFFFFFFF0];
	s31 =	smov.u32 s13;
	s13 =	smov.u32 s5;
	(pc) =	sbr.rel @p0 .LBB2_11-.Ltmp4, $4  }
0x2f9: {  	v13 =	vld [tilespmem:s5+$0xFFFFFFB0];
	[tilespmem:s19+$0xFFFFFFD0] =	vst v10  }
0x2fa: {  	v10 =	vld [tilespmem:s31+$0xFFFFFFE0]  }
0x2fb: {  	v8 =	vld [tilespmem:s26+$0xFFFFFFF0];
	v14 =	vmul.f32 v15, v16  }
0x2fc: {  	s26 =	sadd.s32 $0x100, s26;
	v11 =	vld [tilespmem:s0+$0x40];
	v12 =	vmul.f32 v17, v12  }
0x2fd: {  	[tilespmem:s0+$0x30] =	vst v14  }
0x2fe: {  	v6 =	vmul.f32 v13, v6;
	v13 =	vld [tilespmem:s13+$0x40];
	_ =	sdelay $0x1  }
0x2ff: {  	[tilespmem:s0+$0xFFFFFFB0] =	vst v6  }
0x300: {  	v6 =	vld [tilespmem:s13+$0xFFFFFFC0];
	_ =	sdelay $0x1  }
0x301: {  	v11 =	vmul.f32 v13, v11;
	_ =	sdelay $0x1  }
0x302: {  	v13 =	vld [tilespmem:s0+$0x50];
	[tilespmem:s0+$0x40] =	vst v11  }
0x303: {  	v5 =	vmul.f32 v6, v5;
	v6 =	vld [tilespmem:s13+$0x50];
	_ =	sdelay $0x1  }
0x304: {  	[tilespmem:s0+$0xFFFFFFC0] =	vst v5  }
0x305: {  	v5 =	vld [tilespmem:s13+$0xFFFFFFD0];
	_ =	sdelay $0x1  }
0x306: {  	v6 =	vmul.f32 v6, v13;
	_ =	sdelay $0x1  }
0x307: {  	v11 =	vld [tilespmem:s0+$0x60];
	[tilespmem:s0+$0x50] =	vst v6  }
0x308: {  	v4 =	vmul.f32 v5, v4;
	v5 =	vld [tilespmem:s13+$0x60];
	_ =	sdelay $0x1  }
0x309: {  	[tilespmem:s0+$0xFFFFFFD0] =	vst v4  }
0x30a: {  	v4 =	vld [tilespmem:s13+$0xFFFFFFE0]  }
0x30b: {  	v2 =	vmul.f32 v10, v2  }
0x30c: {  	v5 =	vmul.f32 v5, v11  }
0x30d: {  	[tilespmem:s19+$0xFFFFFFE0] =	vst v2;
	v6 =	vld [tilespmem:s0+$0x70]  }
0x30e: {  	[tilespmem:s0+$0x60] =	vst v5;
	v5 =	vld [tilespmem:s31+$0xFFFFFFF0]  }
0x30f: {  	v4 =	vmul.f32 v4, v7;
	v2 =	vld [tilespmem:s13+$0x70];
	_ =	sdelay $0x1  }
0x310: {  	v1 =	vmul.f32 v9, v1;
	[tilespmem:s0+$0xFFFFFFE0] =	vst v4  }
0x311: {  	v4 =	vld [tilespmem:s13+$0xFFFFFFF0]  }
0x312: {  	[tilespmem:s18+$0xFFFFFFF0] =	vst v1;
	v1 =	vmul.f32 v5, v3  }
0x313: {  	[tilespmem:s19+$0x70] =	vst v12;
	v2 =	vmul.f32 v2, v6  }
0x314: {  	[tilespmem:s19+$0xFFFFFFF0] =	vst v1  }
0x315: {  	[tilespmem:s0+$0x70] =	vst v2  }
0x316: {  	v2 =	vmul.f32 v4, v8;
	s5 =	rddreg [dreg:$0x14]  }
0x317: {  	s5 =	sadd.s32 s24, s5  }
0x318: {  	s8 =	simm.s32 $0x1DD80;
	[tilespmem:s0+$0xFFFFFFF0] =	vst v2;
	s18 =	smul.u32 $0xA, s5  }
0x319: {  	[spmem:s4] =	stream.indirect.scatter.add.f32 [tilespmem:s30], [sflag:$0x6], $0x80, s8, s25, $0xb8;
	[tilespmem:$0x1E000] =	vst v63  }
0x31a: {  	s26 =	simm.s32 $0x1DC80;
	s19 =	sadd.s32 s1, s18  }
0x31b: {  	[tilespmem:s26], [sflag:$0x8] =	stream.linear.gather [hbm4b:s19+s6], $0x50, $0x38;
	[tilespmem:$0x1E000] =	vst v63  }
0x31c: {  	s13 =	simm.s32 $0x1DE80;
	s0 =	sadd.s32 s2, s18  }
0x31d: {  	[tilespmem:s13], [sflag:$0x8] =	stream.linear.gather [hbm4b:s0+s6], $0x50, $0x38;
	[tilespmem:$0x1E000] =	vst v63  }
0x31e: {  	_ =	swait.ge [sflag:s28], $0x2800  }
0x31f: {  	[sflag:s28] =	ssyncset.done $0x0  }
0x320: {  	[sflag:s28] =	ssyncadd.s32 $0xFFFFD800  }
0x321: {  	_ =	swait.ge [sflag:s29], $0x2800  }
0x322: {  	[sflag:s29] =	ssyncset.done $0x0  }
0x323: {  	[sflag:s29] =	ssyncadd.s32 $0xFFFFD800  }
0x324: {  	_ =	swait.ge [sflag:s15], $0x2800  }
0x325: {  	[sflag:s15] =	ssyncset.done $0x0  }
0x326: {  	[sflag:s15] =	ssyncadd.s32 $0xFFFFD800  }
0x327: {  	_ =	swait.ge [sflag:s22], $0x50  }
0x328: {  	[sflag:s22] =	ssyncset.done $0x0  }
0x329: {  	[sflag:s22] =	ssyncadd.s32 $0xFFFFFFB0  }
0x32a: {  	_ =	swait.ge [sflag:s22], $0x50  }
0x32b: {  	[sflag:s22] =	ssyncset.done $0x0  }
0x32c: {  	s18 =	smul.u32 $0x500, s5;
	[sflag:s22] =	ssyncadd.s32 $0xFFFFFFB0  }
0x32d: {  	[tilespmem:s30], [sflag:$0x2] =	stream.indirect.gather [hbm4b:s3+s25], $0x80, s13, s25, $0xb8;
	[tilespmem:$0x1E000] =	vst v63  }
0x32e: {  	s19 =	simm.s32 $0x1B400;
	s0 =	sadd.s32 s7, s18;
	s18 =	simm.s32 $0x13C80  }
0x32f: {  	[tilespmem:s19], [sflag:$0x4] =	stream.linear.gather [hbm4b:s0+s6], $0x2800, $0x38;
	[tilespmem:$0x1E000] =	vst v63  }
0x330: {  	s26 =	simm.s32 $0x18C80;
	v1 =	vld [tilespmem:s18+$0x0]  }
0x331: {  	v2 =	vld [tilespmem:s26+$0x0];
	_ =	sdelay $0x3  }
0x332: {  	v3 =	vld [tilespmem:s18+$0xFFFFFF80]  }
0x333: {  	v1 =	vmul.f32 v2, v1;
	v2 =	vld [tilespmem:s26+$0xFFFFFF80];
	_ =	sdelay $0x1  }
0x334: {  	[tilespmem:s18+$0x0] =	vst v1;
	v1 =	vld [tilespmem:s18+$0x10]  }
0x335: {  	v4 =	vld [tilespmem:s26+$0x10];
	_ =	sdelay $0x1  }
0x336: {  	v2 =	vmul.f32 v2, v3;
	_ =	sdelay $0x1  }
0x337: {  	v5 =	vld [tilespmem:s18+$0xFFFFFF90];
	[tilespmem:s18+$0xFFFFFF80] =	vst v2  }
0x338: {  	v1 =	vmul.f32 v4, v1;
	v2 =	vld [tilespmem:s26+$0xFFFFFF90];
	_ =	sdelay $0x1  }
0x339: {  	[tilespmem:s18+$0x10] =	vst v1;
	v1 =	vld [tilespmem:s18+$0x20]  }
0x33a: {  	v4 =	vld [tilespmem:s26+$0x20]  }
0x33b: {  	v6 =	vld [tilespmem:s18+$0xFFFFFFB0]  }
0x33c: {  	s19 =	simm.s32 $0x13D80;
	v7 =	vld [tilespmem:s18+$0xFFFFFFD0];
	v2 =	vmul.f32 v2, v5  }
0x33d: {  	v8 =	vld [tilespmem:s19+$0x0]  }
0x33e: {  	v3 =	vld [tilespmem:s18+$0xFFFFFFA0];
	[tilespmem:s18+$0xFFFFFF90] =	vst v2  }
0x33f: {  	v1 =	vmul.f32 v4, v1;
	v2 =	vld [tilespmem:s26+$0xFFFFFFA0]  }
0x340: {  	v9 =	vld [tilespmem:s18+$0xFFFFFFE0]  }
0x341: {  	[tilespmem:s18+$0x20] =	vst v1;
	v1 =	vld [tilespmem:s18+$0x30]  }
0x342: {  	s31 =	simm.s32 $0x18D80;
	v4 =	vld [tilespmem:s26+$0x30]  }
0x343: {  	v11 =	vld [tilespmem:s31+$0xFFFFFF80]  }
0x344: {  	v2 =	vmul.f32 v2, v3;
	v3 =	vld [tilespmem:s31+$0x0]  }
0x345: {  	v13 =	vld [tilespmem:s19+$0xFFFFFF90]  }
0x346: {  	s5 =	simm.s32 $0x18E80;
	v14 =	vld [tilespmem:s19+$0xFFFFFFD0]  }
0x347: {  	v16 =	vld [tilespmem:s5+$0xFFFFFF80];
	v1 =	vmul.f32 v4, v1  }
0x348: {  	[tilespmem:s18+$0xFFFFFFA0] =	vst v2;
	v2 =	vld [tilespmem:s18+$0x40]  }
0x349: {  	[tilespmem:s18+$0x30] =	vst v1;
	v3 =	vmul.f32 v3, v8;
	v8 =	vld [tilespmem:s19+$0xFFFFFF80]  }
0x34a: {  	s0 =	simm.s32 $0x13E80;
	v10 =	vld [tilespmem:s26+$0x40]  }
0x34b: {  	v17 =	vld [tilespmem:s0+$0xFFFFFF80]  }
0x34c: {  	v4 =	vld [tilespmem:s26+$0xFFFFFFB0]  }
0x34d: {  	v18 =	vld [tilespmem:s19+$0x50]  }
0x34e: {  	[tilespmem:s19+$0x0] =	vst v3;
	v3 =	vld [tilespmem:s19+$0x10];
	v8 =	vmul.f32 v11, v8  }
0x34f: {  	v12 =	vld [tilespmem:s31+$0x10];
	v2 =	vmul.f32 v10, v2  }
0x350: {  	v10 =	vld [tilespmem:s18+$0x50];
	[tilespmem:s19+$0xFFFFFF80] =	vst v8  }
0x351: {  	[tilespmem:s18+$0x40] =	vst v2;
	v2 =	vmul.f32 v4, v6;
	v6 =	vld [tilespmem:s31+$0xFFFFFF90]  }
0x352: {  	v4 =	vld [tilespmem:s26+$0x50]  }
0x353: {  	v58 =	vld [tilespmem:s0+$0xFFFFFFA0]  }
0x354: {  	v5 =	vld [tilespmem:s18+$0xFFFFFFC0];
	v3 =	vmul.f32 v12, v3;
	[tilespmem:s18+$0xFFFFFFB0] =	vst v2  }
0x355: {  	v2 =	vld [tilespmem:s26+$0xFFFFFFC0]  }
0x356: {  	[tilespmem:s19+$0x10] =	vst v3;
	v3 =	vld [tilespmem:s19+$0x20]  }
0x357: {  	v6 =	vmul.f32 v6, v13;
	v4 =	vmul.f32 v4, v10;
	v10 =	vld [tilespmem:s31+$0x20]  }
0x358: {  	v19 =	vld [tilespmem:s19+$0x60]  }
0x359: {  	v16 =	vmul.f32 v16, v17;
	v11 =	vld [tilespmem:s19+$0xFFFFFFA0];
	[tilespmem:s19+$0xFFFFFF90] =	vst v6  }
0x35a: {  	v2 =	vmul.f32 v2, v5;
	v5 =	vld [tilespmem:s31+$0xFFFFFFA0]  }
0x35b: {  	v61 =	vld [tilespmem:s19+$0x70];
	[tilespmem:s0+$0xFFFFFF80] =	vst v16  }
0x35c: {  	v16 =	vld [tilespmem:s5+$0xFFFFFF90];
	[tilespmem:s18+$0xFFFFFFC0] =	vst v2;
	v2 =	vmul.f32 v10, v3  }
0x35d: {  	v1 =	vld [tilespmem:s18+$0xFFFFFFF0]  }
0x35e: {  	v6 =	vld [tilespmem:s19+$0x30];
	[tilespmem:s19+$0x20] =	vst v2  }
0x35f: {  	v5 =	vmul.f32 v5, v11;
	v11 =	vld [tilespmem:s31+$0x30]  }
0x360: {  	v3 =	vld [tilespmem:s26+$0xFFFFFFD0]  }
0x361: {  	v8 =	vld [tilespmem:s19+$0xFFFFFFB0]  }
0x362: {  	v12 =	vld [tilespmem:s18+$0x60];
	[tilespmem:s18+$0x50] =	vst v4  }
0x363: {  	v4 =	vld [tilespmem:s26+$0x60]  }
0x364: {  	[tilespmem:s19+$0xFFFFFFA0] =	vst v5;
	v5 =	vld [tilespmem:s0+$0x0];
	v6 =	vmul.f32 v11, v6  }
0x365: {  	v3 =	vmul.f32 v3, v7;
	v7 =	vld [tilespmem:s5+$0x0]  }
0x366: {  	v11 =	vld [tilespmem:s19+$0x40];
	[tilespmem:s19+$0x30] =	vst v6  }
0x367: {  	v6 =	vld [tilespmem:s31+$0x40]  }
0x368: {  	v13 =	vld [tilespmem:s19+$0xFFFFFFC0];
	v4 =	vmul.f32 v4, v12  }
0x369: {  	v10 =	vld [tilespmem:s18+$0x70]  }
0x36a: {  	[tilespmem:s18+$0x60] =	vst v4;
	v4 =	vld [tilespmem:s31+$0xFFFFFFB0];
	v5 =	vmul.f32 v7, v5  }
0x36b: {  	v7 =	vld [tilespmem:s0+$0xFFFFFF90]  }
0x36c: {  	[tilespmem:s0+$0x0] =	vst v5;
	v5 =	vld [tilespmem:s0+$0x10];
	v6 =	vmul.f32 v6, v11  }
0x36d: {  	v11 =	vld [tilespmem:s5+$0x10]  }
0x36e: {  	v2 =	vld [tilespmem:s19+$0xFFFFFFE0];
	[tilespmem:s19+$0x40] =	vst v6  }
0x36f: {  	v4 =	vmul.f32 v4, v8;
	v8 =	vld [tilespmem:s31+$0x50]  }
0x370: {  	v12 =	vld [tilespmem:s26+$0x70];
	[tilespmem:s18+$0xFFFFFFD0] =	vst v3  }
0x371: {  	v3 =	vld [tilespmem:s19+$0xFFFFFFF0];
	[tilespmem:s19+$0xFFFFFFB0] =	vst v4;
	v7 =	vmul.f32 v16, v7  }
0x372: {  	v4 =	vmul.f32 v11, v5;
	v11 =	vld [tilespmem:s31+$0xFFFFFFC0]  }
0x373: {  	v15 =	vld [tilespmem:s26+$0xFFFFFFE0];
	[tilespmem:s0+$0xFFFFFF90] =	vst v7  }
0x374: {  	v7 =	vld [tilespmem:s0+$0xFFFFFFE0];
	[tilespmem:s0+$0x10] =	vst v4;
	v4 =	vmul.f32 v8, v18  }
0x375: {  	v8 =	vld [tilespmem:s0+$0x20]  }
0x376: {  	v59 =	vld [tilespmem:s5+$0x20];
	[tilespmem:s19+$0x50] =	vst v4  }
0x377: {  	v11 =	vmul.f32 v11, v13;
	v13 =	vld [tilespmem:s31+$0x60]  }
0x378: {  	v6 =	vld [tilespmem:s0+$0xFFFFFFB0]  }
0x379: {  	v60 =	vld [tilespmem:s5+$0xFFFFFFA0];
	[tilespmem:s19+$0xFFFFFFC0] =	vst v11  }
0x37a: {  	v11 =	vld [tilespmem:s31+$0xFFFFFFD0]  }
0x37b: {  	v5 =	vld [tilespmem:s0+$0xFFFFFFC0];
	v8 =	vmul.f32 v59, v8  }
0x37c: {  	v4 =	vld [tilespmem:s0+$0xFFFFFFD0];
	v13 =	vmul.f32 v13, v19  }
0x37d: {  	[tilespmem:s0+$0x20] =	vst v8;
	v8 =	vmul.f32 v15, v9;
	v15 =	vld [tilespmem:s0+$0x30]  }
0x37e: {  	v9 =	vmul.f32 v60, v58;
	v62 =	vld [tilespmem:s5+$0x30];
	[tilespmem:s19+$0x60] =	vst v13  }
0x37f: {  	[tilespmem:s18+$0xFFFFFFE0] =	vst v8;
	v8 =	vmul.f32 v11, v14;
	v63 =	vld [tilespmem:s31+$0x70]  }
0x380: {  	[tilespmem:s0+$0xFFFFFFA0] =	vst v9;
	v9 =	vld [tilespmem:s26+$0xFFFFFFF0]  }
0x381: {  	v13 =	vld [tilespmem:s5+$0xFFFFFFB0];
	[tilespmem:s19+$0xFFFFFFD0] =	vst v8  }
0x382: {  	v11 =	vmul.f32 v12, v10;
	v10 =	vld [tilespmem:s31+$0xFFFFFFE0]  }
0x383: {  	v8 =	vld [tilespmem:s0+$0xFFFFFFF0];
	v14 =	vmul.f32 v62, v15  }
0x384: {  	s8 =	simm.s32 $0x4;
	s13 =	simm.s32 $0x18E80;
	s26 =	simm.s32 $0x13F80;
	[tilespmem:s18+$0x70] =	vst v11;
	v11 =	vld [tilespmem:s0+$0x40];
	v12 =	vmul.f32 v63, v61  }
.LBB2_13:
0x385: {  	v15 =	vld [tilespmem:s26+$0x0];
	[tilespmem:s0+$0x30] =	vst v14;
	s5 =	sadd.s32 $0x100, s5;
	v9 =	vmul.f32 v9, v1;
	v1 =	vmov v3  }
0x386: {  	v14 =	vld [tilespmem:s5+$0x0];
	v13 =	vmul.f32 v13, v6;
	[tilespmem:s19+$0x70] =	vst v12  }
0x387: {  	s8 =	sadd.s32 $0x2, s8;
	v6 =	vld [tilespmem:s13+$0x40];
	v10 =	vmul.f32 v10, v2;
	[tilespmem:s18+$0xFFFFFFF0] =	vst v9;
	v2 =	vmov v7;
	s18 =	smov.u32 s19;
	s19 =	smov.u32 s0  }
0x388: {  	p0 =	slt.u32 s8, $0x4E;
	s0 =	smov.u32 s26;
	v7 =	vld [tilespmem:s5+$0xFFFFFF80];
	[tilespmem:s19+$0xFFFFFFB0] =	vst v13;
	v3 =	vmov v8  }
0x389: {  	v8 =	vld [tilespmem:s26+$0xFFFFFF80];
	[tilespmem:s18+$0xFFFFFFE0] =	vst v10  }
0x38a: {  	v9 =	vld [tilespmem:s26+$0xFFFFFF90]  }
0x38b: {  	v10 =	vld [tilespmem:s26+$0xFFFFFFA0];
	v12 =	vmul.f32 v14, v15  }
0x38c: {  	v6 =	vmul.f32 v6, v11;
	v11 =	vld [tilespmem:s19+$0x50]  }
0x38d: {  	[tilespmem:s26+$0x0] =	vst v12;
	v12 =	vld [tilespmem:s26+$0x10]  }
0x38e: {  	v7 =	vmul.f32 v7, v8;
	v8 =	vld [tilespmem:s5+$0x10];
	[tilespmem:s19+$0x40] =	vst v6  }
0x38f: {  	v13 =	vld [tilespmem:s13+$0x50]  }
0x390: {  	[tilespmem:s26+$0xFFFFFF80] =	vst v7;
	v6 =	vld [tilespmem:s26+$0xFFFFFFB0]  }
0x391: {  	v7 =	vld [tilespmem:s5+$0xFFFFFF90]  }
0x392: {  	v14 =	vld [tilespmem:s13+$0xFFFFFFC0]  }
0x393: {  	v15 =	vld [tilespmem:s26+$0xFFFFFFC0];
	v8 =	vmul.f32 v8, v12  }
0x394: {  	v11 =	vmul.f32 v13, v11;
	v12 =	vld [tilespmem:s19+$0x60]  }
0x395: {  	[tilespmem:s26+$0x10] =	vst v8;
	v8 =	vld [tilespmem:s26+$0x20]  }
0x396: {  	v7 =	vmul.f32 v7, v9;
	v9 =	vld [tilespmem:s5+$0x20];
	[tilespmem:s19+$0x50] =	vst v11  }
0x397: {  	v11 =	vmul.f32 v14, v5;
	v13 =	vld [tilespmem:s13+$0x60]  }
0x398: {  	[tilespmem:s26+$0xFFFFFF90] =	vst v7;
	v14 =	vld [tilespmem:s26+$0xFFFFFFD0];
	v5 =	vmov v15  }
0x399: {  	v15 =	vld [tilespmem:s5+$0xFFFFFFA0];
	[tilespmem:s19+$0xFFFFFFC0] =	vst v11  }
0x39a: {  	v11 =	vld [tilespmem:s13+$0xFFFFFFD0]  }
0x39b: {  	v7 =	vld [tilespmem:s26+$0xFFFFFFE0];
	v8 =	vmul.f32 v9, v8  }
0x39c: {  	v9 =	vmul.f32 v13, v12;
	v12 =	vld [tilespmem:s19+$0x70]  }
0x39d: {  	[tilespmem:s26+$0x20] =	vst v8;
	v16 =	vld [tilespmem:s26+$0x30]  }
0x39e: {  	v8 =	vmul.f32 v15, v10;
	v15 =	vld [tilespmem:s5+$0x30];
	[tilespmem:s19+$0x60] =	vst v9  }
0x39f: {  	v10 =	vmul.f32 v11, v4;
	v17 =	vld [tilespmem:s13+$0x70];
	v4 =	vmov v14  }
.Ltmp5:
0x3a0: {  	[tilespmem:s26+$0xFFFFFFA0] =	vst v8;
	v9 =	vld [tilespmem:s31+$0xFFFFFFF0];
	s31 =	smov.u32 s13;
	s13 =	smov.u32 s5;
	(pc) =	sbr.rel @p0 .LBB2_13-.Ltmp5, $4  }
0x3a1: {  	v13 =	vld [tilespmem:s5+$0xFFFFFFB0];
	[tilespmem:s19+$0xFFFFFFD0] =	vst v10  }
0x3a2: {  	v10 =	vld [tilespmem:s31+$0xFFFFFFE0]  }
0x3a3: {  	v8 =	vld [tilespmem:s26+$0xFFFFFFF0];
	v14 =	vmul.f32 v15, v16  }
0x3a4: {  	s26 =	sadd.s32 $0x100, s26;
	v11 =	vld [tilespmem:s0+$0x40];
	v12 =	vmul.f32 v17, v12  }
0x3a5: {  	[tilespmem:s0+$0x30] =	vst v14  }
0x3a6: {  	v6 =	vmul.f32 v13, v6;
	v13 =	vld [tilespmem:s13+$0x40];
	_ =	sdelay $0x1  }
0x3a7: {  	[tilespmem:s0+$0xFFFFFFB0] =	vst v6  }
0x3a8: {  	v6 =	vld [tilespmem:s13+$0xFFFFFFC0];
	_ =	sdelay $0x1  }
0x3a9: {  	v11 =	vmul.f32 v13, v11;
	_ =	sdelay $0x1  }
0x3aa: {  	v13 =	vld [tilespmem:s0+$0x50];
	[tilespmem:s0+$0x40] =	vst v11  }
0x3ab: {  	v5 =	vmul.f32 v6, v5;
	v6 =	vld [tilespmem:s13+$0x50];
	_ =	sdelay $0x1  }
0x3ac: {  	[tilespmem:s0+$0xFFFFFFC0] =	vst v5  }
0x3ad: {  	v5 =	vld [tilespmem:s13+$0xFFFFFFD0];
	_ =	sdelay $0x1  }
0x3ae: {  	v6 =	vmul.f32 v6, v13;
	_ =	sdelay $0x1  }
0x3af: {  	v11 =	vld [tilespmem:s0+$0x60];
	[tilespmem:s0+$0x50] =	vst v6  }
0x3b0: {  	v4 =	vmul.f32 v5, v4;
	v5 =	vld [tilespmem:s13+$0x60];
	_ =	sdelay $0x1  }
0x3b1: {  	[tilespmem:s0+$0xFFFFFFD0] =	vst v4  }
0x3b2: {  	v4 =	vld [tilespmem:s13+$0xFFFFFFE0]  }
0x3b3: {  	v2 =	vmul.f32 v10, v2  }
0x3b4: {  	v5 =	vmul.f32 v5, v11  }
0x3b5: {  	[tilespmem:s19+$0xFFFFFFE0] =	vst v2;
	v6 =	vld [tilespmem:s0+$0x70]  }
0x3b6: {  	[tilespmem:s0+$0x60] =	vst v5;
	v5 =	vld [tilespmem:s31+$0xFFFFFFF0]  }
0x3b7: {  	v4 =	vmul.f32 v4, v7;
	v2 =	vld [tilespmem:s13+$0x70];
	_ =	sdelay $0x1  }
0x3b8: {  	v1 =	vmul.f32 v9, v1;
	[tilespmem:s0+$0xFFFFFFE0] =	vst v4  }
0x3b9: {  	v4 =	vld [tilespmem:s13+$0xFFFFFFF0]  }
0x3ba: {  	[tilespmem:s18+$0xFFFFFFF0] =	vst v1;
	v1 =	vmul.f32 v5, v3  }
0x3bb: {  	[tilespmem:s19+$0x70] =	vst v12;
	v2 =	vmul.f32 v2, v6  }
0x3bc: {  	[tilespmem:s19+$0xFFFFFFF0] =	vst v1  }
0x3bd: {  	[tilespmem:s0+$0x70] =	vst v2  }
0x3be: {  	v2 =	vmul.f32 v4, v8;
	s5 =	rddreg [dreg:$0x15]  }
0x3bf: {  	s5 =	sadd.s32 s24, s5  }
0x3c0: {  	[tilespmem:s0+$0xFFFFFFF0] =	vst v2;
	s19 =	smul.u32 $0xA, s5  }
0x3c1: {  	[spmem:s4] =	stream.indirect.scatter.add.f32 [tilespmem:s14], [sflag:$0x5], $0x80, s16, s25, $0xb8;
	[tilespmem:$0x1E000] =	vst v63  }
0x3c2: {  	s26 =	simm.s32 $0x1DD00;
	s8 =	sadd.s32 s1, s19  }
0x3c3: {  	[tilespmem:s26], [sflag:$0x9] =	stream.linear.gather [hbm4b:s8+s6], $0x50, $0x38;
	[tilespmem:$0x1E000] =	vst v63  }
0x3c4: {  	s13 =	simm.s32 $0x1DF00;
	s0 =	sadd.s32 s2, s19  }
0x3c5: {  	[tilespmem:s13], [sflag:$0x9] =	stream.linear.gather [hbm4b:s0+s6], $0x50, $0x38;
	[tilespmem:$0x1E000] =	vst v63  }
0x3c6: {  	_ =	swait.ge [sflag:s9], $0x2800  }
0x3c7: {  	[sflag:s9] =	ssyncset.done $0x0  }
0x3c8: {  	[sflag:s9] =	ssyncadd.s32 $0xFFFFD800  }
0x3c9: {  	_ =	swait.ge [sflag:s10], $0x2800  }
0x3ca: {  	[sflag:s10] =	ssyncset.done $0x0  }
0x3cb: {  	[sflag:s10] =	ssyncadd.s32 $0xFFFFD800  }
0x3cc: {  	_ =	swait.ge [sflag:s11], $0x2800  }
0x3cd: {  	[sflag:s11] =	ssyncset.done $0x0  }
0x3ce: {  	[sflag:s11] =	ssyncadd.s32 $0xFFFFD800  }
0x3cf: {  	_ =	swait.ge [sflag:s12], $0x50  }
0x3d0: {  	[sflag:s12] =	ssyncset.done $0x0  }
0x3d1: {  	[sflag:s12] =	ssyncadd.s32 $0xFFFFFFB0  }
0x3d2: {  	_ =	swait.ge [sflag:s12], $0x50  }
0x3d3: {  	[sflag:s12] =	ssyncset.done $0x0  }
0x3d4: {  	s18 =	smul.u32 $0x500, s5;
	[sflag:s12] =	ssyncadd.s32 $0xFFFFFFB0  }
0x3d5: {  	[tilespmem:s14], [sflag:$0x1] =	stream.indirect.gather [hbm4b:s3+s25], $0x80, s13, s25, $0xb8;
	[tilespmem:$0x1E000] =	vst v63  }
0x3d6: {  	s19 =	simm.s32 $0x18C00;
	s0 =	sadd.s32 s7, s18;
	s18 =	simm.s32 $0x16480  }
0x3d7: {  	[tilespmem:s19], [sflag:$0x3] =	stream.linear.gather [hbm4b:s0+s6], $0x2800, $0x38;
	[tilespmem:$0x1E000] =	vst v63  }
0x3d8: {  	s26 =	simm.s32 $0x1B480;
	v1 =	vld [tilespmem:s18+$0x0]  }
0x3d9: {  	v2 =	vld [tilespmem:s26+$0x0];
	_ =	sdelay $0x3  }
0x3da: {  	v3 =	vld [tilespmem:s18+$0xFFFFFF80]  }
0x3db: {  	v1 =	vmul.f32 v2, v1;
	v2 =	vld [tilespmem:s26+$0xFFFFFF80];
	_ =	sdelay $0x1  }
0x3dc: {  	[tilespmem:s18+$0x0] =	vst v1;
	v1 =	vld [tilespmem:s18+$0x10]  }
0x3dd: {  	v4 =	vld [tilespmem:s26+$0x10];
	_ =	sdelay $0x1  }
0x3de: {  	v2 =	vmul.f32 v2, v3;
	_ =	sdelay $0x1  }
0x3df: {  	v5 =	vld [tilespmem:s18+$0xFFFFFF90];
	[tilespmem:s18+$0xFFFFFF80] =	vst v2  }
0x3e0: {  	v1 =	vmul.f32 v4, v1;
	v2 =	vld [tilespmem:s26+$0xFFFFFF90];
	_ =	sdelay $0x1  }
0x3e1: {  	[tilespmem:s18+$0x10] =	vst v1;
	v1 =	vld [tilespmem:s18+$0x20]  }
0x3e2: {  	v4 =	vld [tilespmem:s26+$0x20]  }
0x3e3: {  	v6 =	vld [tilespmem:s18+$0xFFFFFFB0]  }
0x3e4: {  	s19 =	simm.s32 $0x16580;
	v7 =	vld [tilespmem:s18+$0xFFFFFFD0];
	v2 =	vmul.f32 v2, v5  }
0x3e5: {  	v8 =	vld [tilespmem:s19+$0x0]  }
0x3e6: {  	v3 =	vld [tilespmem:s18+$0xFFFFFFA0];
	[tilespmem:s18+$0xFFFFFF90] =	vst v2  }
0x3e7: {  	v1 =	vmul.f32 v4, v1;
	v2 =	vld [tilespmem:s26+$0xFFFFFFA0]  }
0x3e8: {  	v9 =	vld [tilespmem:s18+$0xFFFFFFE0]  }
0x3e9: {  	[tilespmem:s18+$0x20] =	vst v1;
	v1 =	vld [tilespmem:s18+$0x30]  }
0x3ea: {  	s31 =	simm.s32 $0x1B580;
	v4 =	vld [tilespmem:s26+$0x30]  }
0x3eb: {  	v11 =	vld [tilespmem:s31+$0xFFFFFF80]  }
0x3ec: {  	v2 =	vmul.f32 v2, v3;
	v3 =	vld [tilespmem:s31+$0x0]  }
0x3ed: {  	v13 =	vld [tilespmem:s19+$0xFFFFFF90]  }
0x3ee: {  	s5 =	simm.s32 $0x1B680;
	v14 =	vld [tilespmem:s19+$0xFFFFFFD0]  }
0x3ef: {  	v16 =	vld [tilespmem:s5+$0xFFFFFF80];
	v1 =	vmul.f32 v4, v1  }
0x3f0: {  	[tilespmem:s18+$0xFFFFFFA0] =	vst v2;
	v2 =	vld [tilespmem:s18+$0x40]  }
0x3f1: {  	[tilespmem:s18+$0x30] =	vst v1;
	v3 =	vmul.f32 v3, v8;
	v8 =	vld [tilespmem:s19+$0xFFFFFF80]  }
0x3f2: {  	s0 =	simm.s32 $0x16680;
	v10 =	vld [tilespmem:s26+$0x40]  }
0x3f3: {  	v17 =	vld [tilespmem:s0+$0xFFFFFF80]  }
0x3f4: {  	v4 =	vld [tilespmem:s26+$0xFFFFFFB0]  }
0x3f5: {  	v18 =	vld [tilespmem:s19+$0x50]  }
0x3f6: {  	[tilespmem:s19+$0x0] =	vst v3;
	v3 =	vld [tilespmem:s19+$0x10];
	v8 =	vmul.f32 v11, v8  }
0x3f7: {  	v12 =	vld [tilespmem:s31+$0x10];
	v2 =	vmul.f32 v10, v2  }
0x3f8: {  	v10 =	vld [tilespmem:s18+$0x50];
	[tilespmem:s19+$0xFFFFFF80] =	vst v8  }
0x3f9: {  	[tilespmem:s18+$0x40] =	vst v2;
	v2 =	vmul.f32 v4, v6;
	v6 =	vld [tilespmem:s31+$0xFFFFFF90]  }
0x3fa: {  	v4 =	vld [tilespmem:s26+$0x50]  }
0x3fb: {  	v58 =	vld [tilespmem:s0+$0xFFFFFFA0]  }
0x3fc: {  	v5 =	vld [tilespmem:s18+$0xFFFFFFC0];
	v3 =	vmul.f32 v12, v3;
	[tilespmem:s18+$0xFFFFFFB0] =	vst v2  }
0x3fd: {  	v2 =	vld [tilespmem:s26+$0xFFFFFFC0]  }
0x3fe: {  	[tilespmem:s19+$0x10] =	vst v3;
	v3 =	vld [tilespmem:s19+$0x20]  }
0x3ff: {  	v6 =	vmul.f32 v6, v13;
	v4 =	vmul.f32 v4, v10;
	v10 =	vld [tilespmem:s31+$0x20]  }
0x400: {  	v19 =	vld [tilespmem:s19+$0x60]  }
0x401: {  	v16 =	vmul.f32 v16, v17;
	v11 =	vld [tilespmem:s19+$0xFFFFFFA0];
	[tilespmem:s19+$0xFFFFFF90] =	vst v6  }
0x402: {  	v2 =	vmul.f32 v2, v5;
	v5 =	vld [tilespmem:s31+$0xFFFFFFA0]  }
0x403: {  	v61 =	vld [tilespmem:s19+$0x70];
	[tilespmem:s0+$0xFFFFFF80] =	vst v16  }
0x404: {  	v16 =	vld [tilespmem:s5+$0xFFFFFF90];
	[tilespmem:s18+$0xFFFFFFC0] =	vst v2;
	v2 =	vmul.f32 v10, v3  }
0x405: {  	v1 =	vld [tilespmem:s18+$0xFFFFFFF0]  }
0x406: {  	v6 =	vld [tilespmem:s19+$0x30];
	[tilespmem:s19+$0x20] =	vst v2  }
0x407: {  	v5 =	vmul.f32 v5, v11;
	v11 =	vld [tilespmem:s31+$0x30]  }
0x408: {  	v3 =	vld [tilespmem:s26+$0xFFFFFFD0]  }
0x409: {  	v8 =	vld [tilespmem:s19+$0xFFFFFFB0]  }
0x40a: {  	v12 =	vld [tilespmem:s18+$0x60];
	[tilespmem:s18+$0x50] =	vst v4  }
0x40b: {  	v4 =	vld [tilespmem:s26+$0x60]  }
0x40c: {  	[tilespmem:s19+$0xFFFFFFA0] =	vst v5;
	v5 =	vld [tilespmem:s0+$0x0];
	v6 =	vmul.f32 v11, v6  }
0x40d: {  	v3 =	vmul.f32 v3, v7;
	v7 =	vld [tilespmem:s5+$0x0]  }
0x40e: {  	v11 =	vld [tilespmem:s19+$0x40];
	[tilespmem:s19+$0x30] =	vst v6  }
0x40f: {  	v6 =	vld [tilespmem:s31+$0x40]  }
0x410: {  	v13 =	vld [tilespmem:s19+$0xFFFFFFC0];
	v4 =	vmul.f32 v4, v12  }
0x411: {  	v10 =	vld [tilespmem:s18+$0x70]  }
0x412: {  	[tilespmem:s18+$0x60] =	vst v4;
	v4 =	vld [tilespmem:s31+$0xFFFFFFB0];
	v5 =	vmul.f32 v7, v5  }
0x413: {  	v7 =	vld [tilespmem:s0+$0xFFFFFF90]  }
0x414: {  	[tilespmem:s0+$0x0] =	vst v5;
	v5 =	vld [tilespmem:s0+$0x10];
	v6 =	vmul.f32 v6, v11  }
0x415: {  	v11 =	vld [tilespmem:s5+$0x10]  }
0x416: {  	v2 =	vld [tilespmem:s19+$0xFFFFFFE0];
	[tilespmem:s19+$0x40] =	vst v6  }
0x417: {  	v4 =	vmul.f32 v4, v8;
	v8 =	vld [tilespmem:s31+$0x50]  }
0x418: {  	v12 =	vld [tilespmem:s26+$0x70];
	[tilespmem:s18+$0xFFFFFFD0] =	vst v3  }
0x419: {  	v3 =	vld [tilespmem:s19+$0xFFFFFFF0];
	[tilespmem:s19+$0xFFFFFFB0] =	vst v4;
	v7 =	vmul.f32 v16, v7  }
0x41a: {  	v4 =	vmul.f32 v11, v5;
	v11 =	vld [tilespmem:s31+$0xFFFFFFC0]  }
0x41b: {  	v15 =	vld [tilespmem:s26+$0xFFFFFFE0];
	[tilespmem:s0+$0xFFFFFF90] =	vst v7  }
0x41c: {  	v7 =	vld [tilespmem:s0+$0xFFFFFFE0];
	[tilespmem:s0+$0x10] =	vst v4;
	v4 =	vmul.f32 v8, v18  }
0x41d: {  	v8 =	vld [tilespmem:s0+$0x20]  }
0x41e: {  	v59 =	vld [tilespmem:s5+$0x20];
	[tilespmem:s19+$0x50] =	vst v4  }
0x41f: {  	v11 =	vmul.f32 v11, v13;
	v13 =	vld [tilespmem:s31+$0x60]  }
0x420: {  	v6 =	vld [tilespmem:s0+$0xFFFFFFB0]  }
0x421: {  	v60 =	vld [tilespmem:s5+$0xFFFFFFA0];
	[tilespmem:s19+$0xFFFFFFC0] =	vst v11  }
0x422: {  	v11 =	vld [tilespmem:s31+$0xFFFFFFD0]  }
0x423: {  	v5 =	vld [tilespmem:s0+$0xFFFFFFC0];
	v8 =	vmul.f32 v59, v8  }
0x424: {  	v4 =	vld [tilespmem:s0+$0xFFFFFFD0];
	v13 =	vmul.f32 v13, v19  }
0x425: {  	[tilespmem:s0+$0x20] =	vst v8;
	v8 =	vmul.f32 v15, v9;
	v15 =	vld [tilespmem:s0+$0x30]  }
0x426: {  	v9 =	vmul.f32 v60, v58;
	v62 =	vld [tilespmem:s5+$0x30];
	[tilespmem:s19+$0x60] =	vst v13  }
0x427: {  	[tilespmem:s18+$0xFFFFFFE0] =	vst v8;
	v8 =	vmul.f32 v11, v14;
	v63 =	vld [tilespmem:s31+$0x70]  }
0x428: {  	[tilespmem:s0+$0xFFFFFFA0] =	vst v9;
	v9 =	vld [tilespmem:s26+$0xFFFFFFF0]  }
0x429: {  	v13 =	vld [tilespmem:s5+$0xFFFFFFB0];
	[tilespmem:s19+$0xFFFFFFD0] =	vst v8  }
0x42a: {  	v11 =	vmul.f32 v12, v10;
	v10 =	vld [tilespmem:s31+$0xFFFFFFE0]  }
0x42b: {  	v8 =	vld [tilespmem:s0+$0xFFFFFFF0];
	v14 =	vmul.f32 v62, v15  }
0x42c: {  	s8 =	simm.s32 $0x4;
	s13 =	simm.s32 $0x1B680;
	s26 =	simm.s32 $0x16780;
	[tilespmem:s18+$0x70] =	vst v11;
	v11 =	vld [tilespmem:s0+$0x40];
	v12 =	vmul.f32 v63, v61  }
.LBB2_15:
0x42d: {  	v15 =	vld [tilespmem:s26+$0x0];
	[tilespmem:s0+$0x30] =	vst v14;
	s5 =	sadd.s32 $0x100, s5;
	v9 =	vmul.f32 v9, v1;
	v1 =	vmov v3  }
0x42e: {  	v14 =	vld [tilespmem:s5+$0x0];
	v13 =	vmul.f32 v13, v6;
	[tilespmem:s19+$0x70] =	vst v12  }
0x42f: {  	s8 =	sadd.s32 $0x2, s8;
	v6 =	vld [tilespmem:s13+$0x40];
	v10 =	vmul.f32 v10, v2;
	[tilespmem:s18+$0xFFFFFFF0] =	vst v9;
	v2 =	vmov v7;
	s18 =	smov.u32 s19;
	s19 =	smov.u32 s0  }
0x430: {  	p0 =	slt.u32 s8, $0x4E;
	s0 =	smov.u32 s26;
	v7 =	vld [tilespmem:s5+$0xFFFFFF80];
	[tilespmem:s19+$0xFFFFFFB0] =	vst v13;
	v3 =	vmov v8  }
0x431: {  	v8 =	vld [tilespmem:s26+$0xFFFFFF80];
	[tilespmem:s18+$0xFFFFFFE0] =	vst v10  }
0x432: {  	v9 =	vld [tilespmem:s26+$0xFFFFFF90]  }
0x433: {  	v10 =	vld [tilespmem:s26+$0xFFFFFFA0];
	v12 =	vmul.f32 v14, v15  }
0x434: {  	v6 =	vmul.f32 v6, v11;
	v11 =	vld [tilespmem:s19+$0x50]  }
0x435: {  	[tilespmem:s26+$0x0] =	vst v12;
	v12 =	vld [tilespmem:s26+$0x10]  }
0x436: {  	v7 =	vmul.f32 v7, v8;
	v8 =	vld [tilespmem:s5+$0x10];
	[tilespmem:s19+$0x40] =	vst v6  }
0x437: {  	v13 =	vld [tilespmem:s13+$0x50]  }
0x438: {  	[tilespmem:s26+$0xFFFFFF80] =	vst v7;
	v6 =	vld [tilespmem:s26+$0xFFFFFFB0]  }
0x439: {  	v7 =	vld [tilespmem:s5+$0xFFFFFF90]  }
0x43a: {  	v14 =	vld [tilespmem:s13+$0xFFFFFFC0]  }
0x43b: {  	v15 =	vld [tilespmem:s26+$0xFFFFFFC0];
	v8 =	vmul.f32 v8, v12  }
0x43c: {  	v11 =	vmul.f32 v13, v11;
	v12 =	vld [tilespmem:s19+$0x60]  }
0x43d: {  	[tilespmem:s26+$0x10] =	vst v8;
	v8 =	vld [tilespmem:s26+$0x20]  }
0x43e: {  	v7 =	vmul.f32 v7, v9;
	v9 =	vld [tilespmem:s5+$0x20];
	[tilespmem:s19+$0x50] =	vst v11  }
0x43f: {  	v11 =	vmul.f32 v14, v5;
	v13 =	vld [tilespmem:s13+$0x60]  }
0x440: {  	[tilespmem:s26+$0xFFFFFF90] =	vst v7;
	v14 =	vld [tilespmem:s26+$0xFFFFFFD0];
	v5 =	vmov v15  }
0x441: {  	v15 =	vld [tilespmem:s5+$0xFFFFFFA0];
	[tilespmem:s19+$0xFFFFFFC0] =	vst v11  }
0x442: {  	v11 =	vld [tilespmem:s13+$0xFFFFFFD0]  }
0x443: {  	v7 =	vld [tilespmem:s26+$0xFFFFFFE0];
	v8 =	vmul.f32 v9, v8  }
0x444: {  	v9 =	vmul.f32 v13, v12;
	v12 =	vld [tilespmem:s19+$0x70]  }
0x445: {  	[tilespmem:s26+$0x20] =	vst v8;
	v16 =	vld [tilespmem:s26+$0x30]  }
0x446: {  	v8 =	vmul.f32 v15, v10;
	v15 =	vld [tilespmem:s5+$0x30];
	[tilespmem:s19+$0x60] =	vst v9  }
0x447: {  	v10 =	vmul.f32 v11, v4;
	v17 =	vld [tilespmem:s13+$0x70];
	v4 =	vmov v14  }
.Ltmp6:
0x448: {  	[tilespmem:s26+$0xFFFFFFA0] =	vst v8;
	v9 =	vld [tilespmem:s31+$0xFFFFFFF0];
	s31 =	smov.u32 s13;
	s13 =	smov.u32 s5;
	(pc) =	sbr.rel @p0 .LBB2_15-.Ltmp6, $4  }
0x449: {  	v13 =	vld [tilespmem:s5+$0xFFFFFFB0];
	[tilespmem:s19+$0xFFFFFFD0] =	vst v10  }
0x44a: {  	v10 =	vld [tilespmem:s31+$0xFFFFFFE0]  }
0x44b: {  	v8 =	vld [tilespmem:s26+$0xFFFFFFF0];
	v14 =	vmul.f32 v15, v16  }
0x44c: {  	s26 =	sadd.s32 $0x100, s26;
	v11 =	vld [tilespmem:s0+$0x40];
	v12 =	vmul.f32 v17, v12  }
0x44d: {  	[tilespmem:s0+$0x30] =	vst v14  }
0x44e: {  	v6 =	vmul.f32 v13, v6;
	v57 =	vld [tilespmem:s13+$0x40];
	_ =	sdelay $0x1  }
0x44f: {  	[tilespmem:s0+$0xFFFFFFB0] =	vst v6  }
0x450: {  	v6 =	vld [tilespmem:s13+$0xFFFFFFC0];
	_ =	sdelay $0x1  }
0x451: {  	v11 =	vmul.f32 v57, v11;
	_ =	sdelay $0x1  }
0x452: {  	v58 =	vld [tilespmem:s0+$0x50];
	[tilespmem:s0+$0x40] =	vst v11  }
0x453: {  	v5 =	vmul.f32 v6, v5;
	v59 =	vld [tilespmem:s13+$0x50];
	_ =	sdelay $0x1  }
0x454: {  	[tilespmem:s0+$0xFFFFFFC0] =	vst v5  }
0x455: {  	v5 =	vld [tilespmem:s13+$0xFFFFFFD0];
	_ =	sdelay $0x1  }
0x456: {  	v6 =	vmul.f32 v59, v58;
	_ =	sdelay $0x1  }
0x457: {  	v60 =	vld [tilespmem:s0+$0x60];
	[tilespmem:s0+$0x50] =	vst v6  }
0x458: {  	v4 =	vmul.f32 v5, v4;
	v61 =	vld [tilespmem:s13+$0x60];
	_ =	sdelay $0x1  }
0x459: {  	[tilespmem:s0+$0xFFFFFFD0] =	vst v4  }
0x45a: {  	v4 =	vld [tilespmem:s13+$0xFFFFFFE0]  }
0x45b: {  	v2 =	vmul.f32 v10, v2  }
0x45c: {  	v5 =	vmul.f32 v61, v60  }
0x45d: {  	v62 =	vld [tilespmem:s0+$0x70];
	[tilespmem:s19+$0xFFFFFFE0] =	vst v2  }
0x45e: {  	v63 =	vld [tilespmem:s31+$0xFFFFFFF0];
	[tilespmem:s0+$0x60] =	vst v5  }
0x45f: {  	v4 =	vmul.f32 v4, v7;
	v2 =	vld [tilespmem:s13+$0x70];
	_ =	sdelay $0x1  }
0x460: {  	v1 =	vmul.f32 v9, v1;
	[tilespmem:s0+$0xFFFFFFE0] =	vst v4  }
0x461: {  	v4 =	vld [tilespmem:s13+$0xFFFFFFF0]  }
0x462: {  	[tilespmem:s18+$0xFFFFFFF0] =	vst v1;
	v1 =	vmul.f32 v63, v3  }
0x463: {  	[tilespmem:s19+$0x70] =	vst v12;
	v2 =	vmul.f32 v2, v62  }
0x464: {  	[tilespmem:s19+$0xFFFFFFF0] =	vst v1  }
0x465: {  	[tilespmem:s0+$0x70] =	vst v2  }
0x466: {  	v2 =	vmul.f32 v4, v8;
	s5 =	rddreg [dreg:$0x16]  }
0x467: {  	s23 =	sadd.s32 $0x1, s23;
	s5 =	sadd.s32 s24, s5  }
0x468: {  	s26 =	simm.s32 $0x1DC80;
	p0 =	sne.s32 s23, $0x1E;
	[tilespmem:s0+$0xFFFFFFF0] =	vst v2;
	s24 =	smul.u32 $0xA, s5  }
0x469: {  	[spmem:s4] =	stream.indirect.scatter.add.f32 [tilespmem:s30], [sflag:$0x6], $0x80, s26, s25, $0xb8;
	[tilespmem:$0x1E000] =	vst v63  }
.Ltmp7:
0x46a: {  	_ = 	snop;
	(pc) =	sbr.rel @p0 .LBB2_8-.Ltmp7, $4  }
0x46b: {  	s8 =	simm.s32 $0x1DD80;
	s31 =	sadd.s32 s1, s24  }
0x46c: {  	[tilespmem:s8], [sflag:$0xA] =	stream.linear.gather [hbm4b:s31+s6], $0x50, $0x38;
	[tilespmem:$0x1E000] =	vst v63  }
0x46d: {  	s26 =	simm.s32 $0x1DF80;
	s0 =	sadd.s32 s2, s24  }
0x46e: {  	[tilespmem:s26], [sflag:$0xA] =	stream.linear.gather [hbm4b:s0+s6], $0x50, $0x38;
	[tilespmem:$0x1E000] =	vst v63  }
0x46f: {  	_ =	swait.ge [sflag:s28], $0x2800  }
0x470: {  	[sflag:s28] =	ssyncset.done $0x0  }
0x471: {  	[sflag:s28] =	ssyncadd.s32 $0xFFFFD800  }
0x472: {  	_ =	swait.ge [sflag:s29], $0x2800  }
0x473: {  	[sflag:s29] =	ssyncset.done $0x0  }
0x474: {  	[sflag:s29] =	ssyncadd.s32 $0xFFFFD800  }
0x475: {  	_ =	swait.ge [sflag:s15], $0x2800  }
0x476: {  	[sflag:s15] =	ssyncset.done $0x0  }
0x477: {  	[sflag:s15] =	ssyncadd.s32 $0xFFFFD800  }
0x478: {  	_ =	swait.ge [sflag:s20], $0x50  }
0x479: {  	[sflag:s20] =	ssyncset.done $0x0  }
0x47a: {  	[sflag:s20] =	ssyncadd.s32 $0xFFFFFFB0  }
0x47b: {  	_ =	swait.ge [sflag:s20], $0x50  }
0x47c: {  	[sflag:s20] =	ssyncset.done $0x0  }
0x47d: {  	[sflag:s20] =	ssyncadd.s32 $0xFFFFFFB0  }
0x47e: {  	[tilespmem:s30], [sflag:$0x2] =	stream.indirect.gather [hbm4b:s3+s25], $0x80, s26, s25, $0xb8;
	[tilespmem:$0x1E000] =	vst v63  }
0x47f: {  	s5 =	simm.s32 $0x1B400;
	s18 =	simm.s32 $0x13C80;
	s0 =	rddreg [dreg:$0x17]  }
0x480: {  	[tilespmem:s5], [sflag:$0x4] =	stream.linear.gather [hbm4b:s0+s6], $0x2800, $0x38;
	[tilespmem:$0x1E000] =	vst v63  }
0x481: {  	s13 =	simm.s32 $0x18C80;
	v1 =	vld [tilespmem:s18+$0x0]  }
0x482: {  	v2 =	vld [tilespmem:s13+$0x0];
	_ =	sdelay $0x3  }
0x483: {  	v3 =	vld [tilespmem:s18+$0xFFFFFF80]  }
0x484: {  	v1 =	vmul.f32 v2, v1;
	v2 =	vld [tilespmem:s13+$0xFFFFFF80];
	_ =	sdelay $0x1  }
0x485: {  	[tilespmem:s18+$0x0] =	vst v1;
	v1 =	vld [tilespmem:s18+$0x10]  }
0x486: {  	v4 =	vld [tilespmem:s13+$0x10];
	_ =	sdelay $0x1  }
0x487: {  	v2 =	vmul.f32 v2, v3;
	_ =	sdelay $0x1  }
0x488: {  	v5 =	vld [tilespmem:s18+$0xFFFFFF90];
	[tilespmem:s18+$0xFFFFFF80] =	vst v2  }
0x489: {  	v1 =	vmul.f32 v4, v1;
	v2 =	vld [tilespmem:s13+$0xFFFFFF90];
	_ =	sdelay $0x1  }
0x48a: {  	[tilespmem:s18+$0x10] =	vst v1;
	v1 =	vld [tilespmem:s18+$0x20]  }
0x48b: {  	v4 =	vld [tilespmem:s13+$0x20]  }
0x48c: {  	v6 =	vld [tilespmem:s18+$0xFFFFFFB0]  }
0x48d: {  	s19 =	simm.s32 $0x13D80;
	v7 =	vld [tilespmem:s18+$0xFFFFFFD0];
	v2 =	vmul.f32 v2, v5  }
0x48e: {  	v8 =	vld [tilespmem:s19+$0x0]  }
0x48f: {  	v3 =	vld [tilespmem:s18+$0xFFFFFFA0];
	[tilespmem:s18+$0xFFFFFF90] =	vst v2  }
0x490: {  	v1 =	vmul.f32 v4, v1;
	v2 =	vld [tilespmem:s13+$0xFFFFFFA0]  }
0x491: {  	v9 =	vld [tilespmem:s18+$0xFFFFFFE0]  }
0x492: {  	[tilespmem:s18+$0x20] =	vst v1;
	v1 =	vld [tilespmem:s18+$0x30]  }
0x493: {  	s23 =	simm.s32 $0x18D80;
	v4 =	vld [tilespmem:s13+$0x30]  }
0x494: {  	v11 =	vld [tilespmem:s23+$0xFFFFFF80]  }
0x495: {  	v2 =	vmul.f32 v2, v3;
	v3 =	vld [tilespmem:s23+$0x0]  }
0x496: {  	v13 =	vld [tilespmem:s19+$0xFFFFFF90]  }
0x497: {  	s5 =	simm.s32 $0x18E80;
	v14 =	vld [tilespmem:s19+$0xFFFFFFD0]  }
0x498: {  	v16 =	vld [tilespmem:s5+$0xFFFFFF80];
	v1 =	vmul.f32 v4, v1  }
0x499: {  	[tilespmem:s18+$0xFFFFFFA0] =	vst v2;
	v2 =	vld [tilespmem:s18+$0x40]  }
0x49a: {  	[tilespmem:s18+$0x30] =	vst v1;
	v3 =	vmul.f32 v3, v8;
	v8 =	vld [tilespmem:s19+$0xFFFFFF80]  }
0x49b: {  	s0 =	simm.s32 $0x13E80;
	v10 =	vld [tilespmem:s13+$0x40]  }
0x49c: {  	v17 =	vld [tilespmem:s0+$0xFFFFFF80]  }
0x49d: {  	v4 =	vld [tilespmem:s13+$0xFFFFFFB0]  }
0x49e: {  	v18 =	vld [tilespmem:s19+$0x50]  }
0x49f: {  	[tilespmem:s19+$0x0] =	vst v3;
	v3 =	vld [tilespmem:s19+$0x10];
	v8 =	vmul.f32 v11, v8  }
0x4a0: {  	v12 =	vld [tilespmem:s23+$0x10];
	v2 =	vmul.f32 v10, v2  }
0x4a1: {  	v10 =	vld [tilespmem:s18+$0x50];
	[tilespmem:s19+$0xFFFFFF80] =	vst v8  }
0x4a2: {  	[tilespmem:s18+$0x40] =	vst v2;
	v2 =	vmul.f32 v4, v6;
	v6 =	vld [tilespmem:s23+$0xFFFFFF90]  }
0x4a3: {  	v4 =	vld [tilespmem:s13+$0x50]  }
0x4a4: {  	v58 =	vld [tilespmem:s0+$0xFFFFFFA0]  }
0x4a5: {  	v5 =	vld [tilespmem:s18+$0xFFFFFFC0];
	v3 =	vmul.f32 v12, v3;
	[tilespmem:s18+$0xFFFFFFB0] =	vst v2  }
0x4a6: {  	v2 =	vld [tilespmem:s13+$0xFFFFFFC0]  }
0x4a7: {  	[tilespmem:s19+$0x10] =	vst v3;
	v3 =	vld [tilespmem:s19+$0x20]  }
0x4a8: {  	v6 =	vmul.f32 v6, v13;
	v4 =	vmul.f32 v4, v10;
	v10 =	vld [tilespmem:s23+$0x20]  }
0x4a9: {  	v19 =	vld [tilespmem:s19+$0x60]  }
0x4aa: {  	v16 =	vmul.f32 v16, v17;
	v11 =	vld [tilespmem:s19+$0xFFFFFFA0];
	[tilespmem:s19+$0xFFFFFF90] =	vst v6  }
0x4ab: {  	v2 =	vmul.f32 v2, v5;
	v5 =	vld [tilespmem:s23+$0xFFFFFFA0]  }
0x4ac: {  	v61 =	vld [tilespmem:s19+$0x70];
	[tilespmem:s0+$0xFFFFFF80] =	vst v16  }
0x4ad: {  	v16 =	vld [tilespmem:s5+$0xFFFFFF90];
	[tilespmem:s18+$0xFFFFFFC0] =	vst v2;
	v2 =	vmul.f32 v10, v3  }
0x4ae: {  	v1 =	vld [tilespmem:s18+$0xFFFFFFF0]  }
0x4af: {  	v6 =	vld [tilespmem:s19+$0x30];
	[tilespmem:s19+$0x20] =	vst v2  }
0x4b0: {  	v5 =	vmul.f32 v5, v11;
	v11 =	vld [tilespmem:s23+$0x30]  }
0x4b1: {  	v3 =	vld [tilespmem:s13+$0xFFFFFFD0]  }
0x4b2: {  	v8 =	vld [tilespmem:s19+$0xFFFFFFB0]  }
0x4b3: {  	v12 =	vld [tilespmem:s18+$0x60];
	[tilespmem:s18+$0x50] =	vst v4  }
0x4b4: {  	v4 =	vld [tilespmem:s13+$0x60]  }
0x4b5: {  	[tilespmem:s19+$0xFFFFFFA0] =	vst v5;
	v5 =	vld [tilespmem:s0+$0x0];
	v6 =	vmul.f32 v11, v6  }
0x4b6: {  	v3 =	vmul.f32 v3, v7;
	v7 =	vld [tilespmem:s5+$0x0]  }
0x4b7: {  	v11 =	vld [tilespmem:s19+$0x40];
	[tilespmem:s19+$0x30] =	vst v6  }
0x4b8: {  	v6 =	vld [tilespmem:s23+$0x40]  }
0x4b9: {  	v13 =	vld [tilespmem:s19+$0xFFFFFFC0];
	v4 =	vmul.f32 v4, v12  }
0x4ba: {  	v10 =	vld [tilespmem:s18+$0x70]  }
0x4bb: {  	[tilespmem:s18+$0x60] =	vst v4;
	v4 =	vld [tilespmem:s23+$0xFFFFFFB0];
	v5 =	vmul.f32 v7, v5  }
0x4bc: {  	v7 =	vld [tilespmem:s0+$0xFFFFFF90]  }
0x4bd: {  	[tilespmem:s0+$0x0] =	vst v5;
	v5 =	vld [tilespmem:s0+$0x10];
	v6 =	vmul.f32 v6, v11  }
0x4be: {  	v11 =	vld [tilespmem:s5+$0x10]  }
0x4bf: {  	v2 =	vld [tilespmem:s19+$0xFFFFFFE0];
	[tilespmem:s19+$0x40] =	vst v6  }
0x4c0: {  	v4 =	vmul.f32 v4, v8;
	v8 =	vld [tilespmem:s23+$0x50]  }
0x4c1: {  	v12 =	vld [tilespmem:s13+$0x70];
	[tilespmem:s18+$0xFFFFFFD0] =	vst v3  }
0x4c2: {  	v3 =	vld [tilespmem:s19+$0xFFFFFFF0];
	[tilespmem:s19+$0xFFFFFFB0] =	vst v4;
	v7 =	vmul.f32 v16, v7  }
0x4c3: {  	v4 =	vmul.f32 v11, v5;
	v11 =	vld [tilespmem:s23+$0xFFFFFFC0]  }
0x4c4: {  	v15 =	vld [tilespmem:s13+$0xFFFFFFE0];
	[tilespmem:s0+$0xFFFFFF90] =	vst v7  }
0x4c5: {  	v7 =	vld [tilespmem:s0+$0xFFFFFFE0];
	[tilespmem:s0+$0x10] =	vst v4;
	v4 =	vmul.f32 v8, v18  }
0x4c6: {  	v8 =	vld [tilespmem:s0+$0x20]  }
0x4c7: {  	v59 =	vld [tilespmem:s5+$0x20];
	[tilespmem:s19+$0x50] =	vst v4  }
0x4c8: {  	v11 =	vmul.f32 v11, v13;
	v13 =	vld [tilespmem:s23+$0x60]  }
0x4c9: {  	v6 =	vld [tilespmem:s0+$0xFFFFFFB0]  }
0x4ca: {  	v60 =	vld [tilespmem:s5+$0xFFFFFFA0];
	[tilespmem:s19+$0xFFFFFFC0] =	vst v11  }
0x4cb: {  	v11 =	vld [tilespmem:s23+$0xFFFFFFD0]  }
0x4cc: {  	v5 =	vld [tilespmem:s0+$0xFFFFFFC0];
	v8 =	vmul.f32 v59, v8  }
0x4cd: {  	v4 =	vld [tilespmem:s0+$0xFFFFFFD0];
	v13 =	vmul.f32 v13, v19  }
0x4ce: {  	[tilespmem:s0+$0x20] =	vst v8;
	v8 =	vmul.f32 v15, v9;
	v15 =	vld [tilespmem:s0+$0x30]  }
0x4cf: {  	v9 =	vmul.f32 v60, v58;
	v62 =	vld [tilespmem:s5+$0x30];
	[tilespmem:s19+$0x60] =	vst v13  }
0x4d0: {  	[tilespmem:s18+$0xFFFFFFE0] =	vst v8;
	v8 =	vmul.f32 v11, v14;
	v63 =	vld [tilespmem:s23+$0x70]  }
0x4d1: {  	[tilespmem:s0+$0xFFFFFFA0] =	vst v9;
	v9 =	vld [tilespmem:s13+$0xFFFFFFF0]  }
0x4d2: {  	v13 =	vld [tilespmem:s5+$0xFFFFFFB0];
	[tilespmem:s19+$0xFFFFFFD0] =	vst v8  }
0x4d3: {  	v11 =	vmul.f32 v12, v10;
	v10 =	vld [tilespmem:s23+$0xFFFFFFE0]  }
0x4d4: {  	v8 =	vld [tilespmem:s0+$0xFFFFFFF0];
	v14 =	vmul.f32 v62, v15  }
0x4d5: {  	s8 =	simm.s32 $0x4;
	s24 =	simm.s32 $0x13F80;
	s13 =	simm.s32 $0x18E80;
	[tilespmem:s18+$0x70] =	vst v11;
	v11 =	vld [tilespmem:s0+$0x40];
	v12 =	vmul.f32 v63, v61  }
.LBB2_18:
0x4d6: {  	v15 =	vld [tilespmem:s24+$0x0];
	[tilespmem:s0+$0x30] =	vst v14;
	s5 =	sadd.s32 $0x100, s5;
	v9 =	vmul.f32 v9, v1;
	v1 =	vmov v3  }
0x4d7: {  	v14 =	vld [tilespmem:s5+$0x0];
	v13 =	vmul.f32 v13, v6;
	[tilespmem:s19+$0x70] =	vst v12  }
0x4d8: {  	s8 =	sadd.s32 $0x2, s8;
	v6 =	vld [tilespmem:s13+$0x40];
	v10 =	vmul.f32 v10, v2;
	[tilespmem:s18+$0xFFFFFFF0] =	vst v9;
	v2 =	vmov v7;
	s18 =	smov.u32 s19;
	s19 =	smov.u32 s0  }
0x4d9: {  	p0 =	slt.u32 s8, $0x4E;
	s0 =	smov.u32 s24;
	v7 =	vld [tilespmem:s5+$0xFFFFFF80];
	[tilespmem:s19+$0xFFFFFFB0] =	vst v13;
	v3 =	vmov v8  }
0x4da: {  	v8 =	vld [tilespmem:s24+$0xFFFFFF80];
	[tilespmem:s18+$0xFFFFFFE0] =	vst v10  }
0x4db: {  	v9 =	vld [tilespmem:s24+$0xFFFFFF90]  }
0x4dc: {  	v10 =	vld [tilespmem:s24+$0xFFFFFFA0];
	v12 =	vmul.f32 v14, v15  }
0x4dd: {  	v6 =	vmul.f32 v6, v11;
	v11 =	vld [tilespmem:s19+$0x50]  }
0x4de: {  	[tilespmem:s24+$0x0] =	vst v12;
	v12 =	vld [tilespmem:s24+$0x10]  }
0x4df: {  	v7 =	vmul.f32 v7, v8;
	v8 =	vld [tilespmem:s5+$0x10];
	[tilespmem:s19+$0x40] =	vst v6  }
0x4e0: {  	v13 =	vld [tilespmem:s13+$0x50]  }
0x4e1: {  	[tilespmem:s24+$0xFFFFFF80] =	vst v7;
	v6 =	vld [tilespmem:s24+$0xFFFFFFB0]  }
0x4e2: {  	v7 =	vld [tilespmem:s5+$0xFFFFFF90]  }
0x4e3: {  	v14 =	vld [tilespmem:s13+$0xFFFFFFC0]  }
0x4e4: {  	v15 =	vld [tilespmem:s24+$0xFFFFFFC0];
	v8 =	vmul.f32 v8, v12  }
0x4e5: {  	v11 =	vmul.f32 v13, v11;
	v12 =	vld [tilespmem:s19+$0x60]  }
0x4e6: {  	[tilespmem:s24+$0x10] =	vst v8;
	v8 =	vld [tilespmem:s24+$0x20]  }
0x4e7: {  	v7 =	vmul.f32 v7, v9;
	v9 =	vld [tilespmem:s5+$0x20];
	[tilespmem:s19+$0x50] =	vst v11  }
0x4e8: {  	v11 =	vmul.f32 v14, v5;
	v13 =	vld [tilespmem:s13+$0x60]  }
0x4e9: {  	[tilespmem:s24+$0xFFFFFF90] =	vst v7;
	v14 =	vld [tilespmem:s24+$0xFFFFFFD0];
	v5 =	vmov v15  }
0x4ea: {  	v15 =	vld [tilespmem:s5+$0xFFFFFFA0];
	[tilespmem:s19+$0xFFFFFFC0] =	vst v11  }
0x4eb: {  	v11 =	vld [tilespmem:s13+$0xFFFFFFD0]  }
0x4ec: {  	v7 =	vld [tilespmem:s24+$0xFFFFFFE0];
	v8 =	vmul.f32 v9, v8  }
0x4ed: {  	v9 =	vmul.f32 v13, v12;
	v12 =	vld [tilespmem:s19+$0x70]  }
0x4ee: {  	[tilespmem:s24+$0x20] =	vst v8;
	v16 =	vld [tilespmem:s24+$0x30]  }
0x4ef: {  	v8 =	vmul.f32 v15, v10;
	v15 =	vld [tilespmem:s5+$0x30];
	[tilespmem:s19+$0x60] =	vst v9  }
0x4f0: {  	v10 =	vmul.f32 v11, v4;
	v17 =	vld [tilespmem:s13+$0x70];
	v4 =	vmov v14  }
.Ltmp8:
0x4f1: {  	[tilespmem:s24+$0xFFFFFFA0] =	vst v8;
	v9 =	vld [tilespmem:s23+$0xFFFFFFF0];
	s23 =	smov.u32 s13;
	s13 =	smov.u32 s5;
	(pc) =	sbr.rel @p0 .LBB2_18-.Ltmp8, $4  }
0x4f2: {  	v13 =	vld [tilespmem:s5+$0xFFFFFFB0];
	[tilespmem:s19+$0xFFFFFFD0] =	vst v10  }
0x4f3: {  	v10 =	vld [tilespmem:s23+$0xFFFFFFE0]  }
0x4f4: {  	v8 =	vld [tilespmem:s24+$0xFFFFFFF0];
	v14 =	vmul.f32 v15, v16  }
0x4f5: {  	s24 =	sadd.s32 $0x100, s24;
	v11 =	vld [tilespmem:s0+$0x40];
	v12 =	vmul.f32 v17, v12  }
0x4f6: {  	_ = 	snop  }
0x4f7: {  	[tilespmem:s0+$0x30] =	vst v14;
	v6 =	vmul.f32 v13, v6  }
0x4f8: {  	v13 =	vld [tilespmem:s13+$0x40]  }
0x4f9: {  	[tilespmem:s0+$0xFFFFFFB0] =	vst v6  }
0x4fa: {  	v6 =	vld [tilespmem:s13+$0xFFFFFFC0];
	_ =	sdelay $0x2  }
0x4fb: {  	v11 =	vmul.f32 v13, v11;
	_ =	sdelay $0x1  }
0x4fc: {  	v13 =	vld [tilespmem:s0+$0x50];
	[tilespmem:s0+$0x40] =	vst v11;
	v5 =	vmul.f32 v6, v5  }
0x4fd: {  	v6 =	vld [tilespmem:s13+$0x50]  }
0x4fe: {  	[tilespmem:s0+$0xFFFFFFC0] =	vst v5  }
0x4ff: {  	v5 =	vld [tilespmem:s13+$0xFFFFFFD0];
	_ =	sdelay $0x2  }
0x500: {  	v6 =	vmul.f32 v6, v13;
	_ =	sdelay $0x1  }
0x501: {  	v11 =	vld [tilespmem:s0+$0x60];
	[tilespmem:s0+$0x50] =	vst v6;
	v4 =	vmul.f32 v5, v4  }
0x502: {  	v5 =	vld [tilespmem:s13+$0x60]  }
0x503: {  	[tilespmem:s0+$0xFFFFFFD0] =	vst v4  }
0x504: {  	v4 =	vld [tilespmem:s13+$0xFFFFFFE0];
	_ =	sdelay $0x2  }
0x505: {  	v5 =	vmul.f32 v5, v11  }
0x506: {  	v2 =	vmul.f32 v10, v2  }
0x507: {  	v6 =	vld [tilespmem:s0+$0x70];
	[tilespmem:s0+$0x60] =	vst v5;
	v4 =	vmul.f32 v4, v7  }
0x508: {  	[tilespmem:s19+$0xFFFFFFE0] =	vst v2;
	v2 =	vld [tilespmem:s13+$0x70]  }
0x509: {  	v5 =	vld [tilespmem:s23+$0xFFFFFFF0];
	[tilespmem:s0+$0xFFFFFFE0] =	vst v4  }
0x50a: {  	v4 =	vld [tilespmem:s13+$0xFFFFFFF0];
	_ =	sdelay $0x1  }
0x50b: {  	v1 =	vmul.f32 v9, v1  }
0x50c: {  	[tilespmem:s19+$0x70] =	vst v12;
	v2 =	vmul.f32 v2, v6  }
0x50d: {  	[tilespmem:s18+$0xFFFFFFF0] =	vst v1;
	v1 =	vmul.f32 v5, v3  }
0x50e: {  	[tilespmem:s0+$0x70] =	vst v2;
	v2 =	vmul.f32 v4, v8  }
0x50f: {  	[tilespmem:s19+$0xFFFFFFF0] =	vst v1  }
0x510: {  	s18 =	simm.s32 $0x1DD00;
	[tilespmem:s0+$0xFFFFFFF0] =	vst v2  }
0x511: {  	[spmem:s4] =	stream.indirect.scatter.add.f32 [tilespmem:s14], [sflag:$0x5], $0x80, s18, s25, $0xb8;
	[tilespmem:$0x1E000] =	vst v63  }
0x512: {  	s19 =	rddreg [dreg:$0x18]  }
0x513: {  	[tilespmem:s16], [sflag:$0x7] =	stream.linear.gather [hbm4b:s19+s6], $0x50, $0x38;
	[tilespmem:$0x1E000] =	vst v63  }
0x514: {  	s23 =	rddreg [dreg:$0x19]  }
0x515: {  	[tilespmem:s17], [sflag:$0x7] =	stream.linear.gather [hbm4b:s23+s6], $0x50, $0x38;
	[tilespmem:$0x1E000] =	vst v63  }
0x516: {  	_ =	swait.ge [sflag:s9], $0x2800  }
0x517: {  	[sflag:s9] =	ssyncset.done $0x0  }
0x518: {  	[sflag:s9] =	ssyncadd.s32 $0xFFFFD800  }
0x519: {  	_ =	swait.ge [sflag:s10], $0x2800  }
0x51a: {  	[sflag:s10] =	ssyncset.done $0x0  }
0x51b: {  	[sflag:s10] =	ssyncadd.s32 $0xFFFFD800  }
0x51c: {  	_ =	swait.ge [sflag:s11], $0x2800  }
0x51d: {  	[sflag:s11] =	ssyncset.done $0x0  }
0x51e: {  	[sflag:s11] =	ssyncadd.s32 $0xFFFFD800  }
0x51f: {  	_ =	swait.ge [sflag:s21], $0x50  }
0x520: {  	[sflag:s21] =	ssyncset.done $0x0  }
0x521: {  	[sflag:s21] =	ssyncadd.s32 $0xFFFFFFB0  }
0x522: {  	_ =	swait.ge [sflag:s21], $0x50  }
0x523: {  	[sflag:s21] =	ssyncset.done $0x0  }
0x524: {  	[sflag:s21] =	ssyncadd.s32 $0xFFFFFFB0  }
0x525: {  	[tilespmem:s14], [sflag:$0x1] =	stream.indirect.gather [hbm4b:s3+s25], $0x80, s17, s25, $0xb8;
	[tilespmem:$0x1E000] =	vst v63  }
0x526: {  	s5 =	simm.s32 $0x18C00;
	s18 =	simm.s32 $0x16480;
	s24 =	rddreg [dreg:$0x1a]  }
0x527: {  	[tilespmem:s5], [sflag:$0x3] =	stream.linear.gather [hbm4b:s24+s6], $0x2800, $0x38;
	[tilespmem:$0x1E000] =	vst v63  }
0x528: {  	s31 =	simm.s32 $0x1B480;
	v1 =	vld [tilespmem:s18+$0x0]  }
0x529: {  	v2 =	vld [tilespmem:s31+$0x0];
	_ =	sdelay $0x3  }
0x52a: {  	v3 =	vld [tilespmem:s18+$0xFFFFFF80]  }
0x52b: {  	v1 =	vmul.f32 v2, v1;
	v2 =	vld [tilespmem:s31+$0xFFFFFF80];
	_ =	sdelay $0x1  }
0x52c: {  	[tilespmem:s18+$0x0] =	vst v1;
	v1 =	vld [tilespmem:s18+$0x10]  }
0x52d: {  	v4 =	vld [tilespmem:s31+$0x10];
	_ =	sdelay $0x1  }
0x52e: {  	v2 =	vmul.f32 v2, v3;
	_ =	sdelay $0x1  }
0x52f: {  	v5 =	vld [tilespmem:s18+$0xFFFFFF90];
	[tilespmem:s18+$0xFFFFFF80] =	vst v2  }
0x530: {  	v1 =	vmul.f32 v4, v1;
	v2 =	vld [tilespmem:s31+$0xFFFFFF90];
	_ =	sdelay $0x1  }
0x531: {  	[tilespmem:s18+$0x10] =	vst v1;
	v1 =	vld [tilespmem:s18+$0x20]  }
0x532: {  	v4 =	vld [tilespmem:s31+$0x20]  }
0x533: {  	v6 =	vld [tilespmem:s18+$0xFFFFFFB0]  }
0x534: {  	s19 =	simm.s32 $0x16580;
	v7 =	vld [tilespmem:s18+$0xFFFFFFD0];
	v2 =	vmul.f32 v2, v5  }
0x535: {  	v8 =	vld [tilespmem:s19+$0x0]  }
0x536: {  	v3 =	vld [tilespmem:s18+$0xFFFFFFA0];
	[tilespmem:s18+$0xFFFFFF90] =	vst v2  }
0x537: {  	v1 =	vmul.f32 v4, v1;
	v2 =	vld [tilespmem:s31+$0xFFFFFFA0]  }
0x538: {  	v9 =	vld [tilespmem:s18+$0xFFFFFFE0]  }
0x539: {  	[tilespmem:s18+$0x20] =	vst v1;
	v1 =	vld [tilespmem:s18+$0x30]  }
0x53a: {  	s23 =	simm.s32 $0x1B580;
	v4 =	vld [tilespmem:s31+$0x30]  }
0x53b: {  	v11 =	vld [tilespmem:s23+$0xFFFFFF80]  }
0x53c: {  	v2 =	vmul.f32 v2, v3;
	v3 =	vld [tilespmem:s23+$0x0]  }
0x53d: {  	v13 =	vld [tilespmem:s19+$0xFFFFFF90]  }
0x53e: {  	s5 =	simm.s32 $0x1B680;
	v14 =	vld [tilespmem:s19+$0xFFFFFFD0]  }
0x53f: {  	v16 =	vld [tilespmem:s5+$0xFFFFFF80];
	v1 =	vmul.f32 v4, v1  }
0x540: {  	[tilespmem:s18+$0xFFFFFFA0] =	vst v2;
	v2 =	vld [tilespmem:s18+$0x40]  }
0x541: {  	[tilespmem:s18+$0x30] =	vst v1;
	v3 =	vmul.f32 v3, v8;
	v8 =	vld [tilespmem:s19+$0xFFFFFF80]  }
0x542: {  	s0 =	simm.s32 $0x16680;
	v10 =	vld [tilespmem:s31+$0x40]  }
0x543: {  	v17 =	vld [tilespmem:s0+$0xFFFFFF80]  }
0x544: {  	v4 =	vld [tilespmem:s31+$0xFFFFFFB0]  }
0x545: {  	v18 =	vld [tilespmem:s19+$0x50]  }
0x546: {  	[tilespmem:s19+$0x0] =	vst v3;
	v3 =	vld [tilespmem:s19+$0x10];
	v8 =	vmul.f32 v11, v8  }
0x547: {  	v12 =	vld [tilespmem:s23+$0x10];
	v2 =	vmul.f32 v10, v2  }
0x548: {  	v10 =	vld [tilespmem:s18+$0x50];
	[tilespmem:s19+$0xFFFFFF80] =	vst v8  }
0x549: {  	[tilespmem:s18+$0x40] =	vst v2;
	v2 =	vmul.f32 v4, v6;
	v6 =	vld [tilespmem:s23+$0xFFFFFF90]  }
0x54a: {  	v4 =	vld [tilespmem:s31+$0x50]  }
0x54b: {  	v58 =	vld [tilespmem:s0+$0xFFFFFFA0]  }
0x54c: {  	v5 =	vld [tilespmem:s18+$0xFFFFFFC0];
	v3 =	vmul.f32 v12, v3;
	[tilespmem:s18+$0xFFFFFFB0] =	vst v2  }
0x54d: {  	v2 =	vld [tilespmem:s31+$0xFFFFFFC0]  }
0x54e: {  	[tilespmem:s19+$0x10] =	vst v3;
	v3 =	vld [tilespmem:s19+$0x20]  }
0x54f: {  	v6 =	vmul.f32 v6, v13;
	v4 =	vmul.f32 v4, v10;
	v10 =	vld [tilespmem:s23+$0x20]  }
0x550: {  	v19 =	vld [tilespmem:s19+$0x60]  }
0x551: {  	v16 =	vmul.f32 v16, v17;
	v11 =	vld [tilespmem:s19+$0xFFFFFFA0];
	[tilespmem:s19+$0xFFFFFF90] =	vst v6  }
0x552: {  	v2 =	vmul.f32 v2, v5;
	v5 =	vld [tilespmem:s23+$0xFFFFFFA0]  }
0x553: {  	v61 =	vld [tilespmem:s19+$0x70];
	[tilespmem:s0+$0xFFFFFF80] =	vst v16  }
0x554: {  	v16 =	vld [tilespmem:s5+$0xFFFFFF90];
	[tilespmem:s18+$0xFFFFFFC0] =	vst v2;
	v2 =	vmul.f32 v10, v3  }
0x555: {  	v1 =	vld [tilespmem:s18+$0xFFFFFFF0]  }
0x556: {  	v6 =	vld [tilespmem:s19+$0x30];
	[tilespmem:s19+$0x20] =	vst v2  }
0x557: {  	v5 =	vmul.f32 v5, v11;
	v11 =	vld [tilespmem:s23+$0x30]  }
0x558: {  	v3 =	vld [tilespmem:s31+$0xFFFFFFD0]  }
0x559: {  	v8 =	vld [tilespmem:s19+$0xFFFFFFB0]  }
0x55a: {  	v12 =	vld [tilespmem:s18+$0x60];
	[tilespmem:s18+$0x50] =	vst v4  }
0x55b: {  	v4 =	vld [tilespmem:s31+$0x60]  }
0x55c: {  	[tilespmem:s19+$0xFFFFFFA0] =	vst v5;
	v5 =	vld [tilespmem:s0+$0x0];
	v6 =	vmul.f32 v11, v6  }
0x55d: {  	v3 =	vmul.f32 v3, v7;
	v7 =	vld [tilespmem:s5+$0x0]  }
0x55e: {  	v11 =	vld [tilespmem:s19+$0x40];
	[tilespmem:s19+$0x30] =	vst v6  }
0x55f: {  	v6 =	vld [tilespmem:s23+$0x40]  }
0x560: {  	v13 =	vld [tilespmem:s19+$0xFFFFFFC0];
	v4 =	vmul.f32 v4, v12  }
0x561: {  	v10 =	vld [tilespmem:s18+$0x70]  }
0x562: {  	[tilespmem:s18+$0x60] =	vst v4;
	v4 =	vld [tilespmem:s23+$0xFFFFFFB0];
	v5 =	vmul.f32 v7, v5  }
0x563: {  	v7 =	vld [tilespmem:s0+$0xFFFFFF90]  }
0x564: {  	[tilespmem:s0+$0x0] =	vst v5;
	v5 =	vld [tilespmem:s0+$0x10];
	v6 =	vmul.f32 v6, v11  }
0x565: {  	v11 =	vld [tilespmem:s5+$0x10]  }
0x566: {  	v2 =	vld [tilespmem:s19+$0xFFFFFFE0];
	[tilespmem:s19+$0x40] =	vst v6  }
0x567: {  	v4 =	vmul.f32 v4, v8;
	v8 =	vld [tilespmem:s23+$0x50]  }
0x568: {  	v12 =	vld [tilespmem:s31+$0x70];
	[tilespmem:s18+$0xFFFFFFD0] =	vst v3  }
0x569: {  	v3 =	vld [tilespmem:s19+$0xFFFFFFF0];
	[tilespmem:s19+$0xFFFFFFB0] =	vst v4;
	v7 =	vmul.f32 v16, v7  }
0x56a: {  	v4 =	vmul.f32 v11, v5;
	v11 =	vld [tilespmem:s23+$0xFFFFFFC0]  }
0x56b: {  	v15 =	vld [tilespmem:s31+$0xFFFFFFE0];
	[tilespmem:s0+$0xFFFFFF90] =	vst v7  }
0x56c: {  	v7 =	vld [tilespmem:s0+$0xFFFFFFE0];
	[tilespmem:s0+$0x10] =	vst v4;
	v4 =	vmul.f32 v8, v18  }
0x56d: {  	v8 =	vld [tilespmem:s0+$0x20]  }
0x56e: {  	v59 =	vld [tilespmem:s5+$0x20];
	[tilespmem:s19+$0x50] =	vst v4  }
0x56f: {  	v11 =	vmul.f32 v11, v13;
	v13 =	vld [tilespmem:s23+$0x60]  }
0x570: {  	v6 =	vld [tilespmem:s0+$0xFFFFFFB0]  }
0x571: {  	v60 =	vld [tilespmem:s5+$0xFFFFFFA0];
	[tilespmem:s19+$0xFFFFFFC0] =	vst v11  }
0x572: {  	v11 =	vld [tilespmem:s23+$0xFFFFFFD0]  }
0x573: {  	v5 =	vld [tilespmem:s0+$0xFFFFFFC0];
	v8 =	vmul.f32 v59, v8  }
0x574: {  	v4 =	vld [tilespmem:s0+$0xFFFFFFD0];
	v13 =	vmul.f32 v13, v19  }
0x575: {  	[tilespmem:s0+$0x20] =	vst v8;
	v8 =	vmul.f32 v15, v9;
	v15 =	vld [tilespmem:s0+$0x30]  }
0x576: {  	v9 =	vmul.f32 v60, v58;
	v62 =	vld [tilespmem:s5+$0x30];
	[tilespmem:s19+$0x60] =	vst v13  }
0x577: {  	[tilespmem:s18+$0xFFFFFFE0] =	vst v8;
	v8 =	vmul.f32 v11, v14;
	v63 =	vld [tilespmem:s23+$0x70]  }
0x578: {  	[tilespmem:s0+$0xFFFFFFA0] =	vst v9;
	v9 =	vld [tilespmem:s31+$0xFFFFFFF0]  }
0x579: {  	v13 =	vld [tilespmem:s5+$0xFFFFFFB0];
	[tilespmem:s19+$0xFFFFFFD0] =	vst v8  }
0x57a: {  	v11 =	vmul.f32 v12, v10;
	v10 =	vld [tilespmem:s23+$0xFFFFFFE0]  }
0x57b: {  	v8 =	vld [tilespmem:s0+$0xFFFFFFF0];
	v14 =	vmul.f32 v62, v15  }
0x57c: {  	s8 =	simm.s32 $0x4;
	s13 =	simm.s32 $0x1B680;
	s24 =	simm.s32 $0x16780;
	[tilespmem:s18+$0x70] =	vst v11;
	v11 =	vld [tilespmem:s0+$0x40];
	v12 =	vmul.f32 v63, v61  }
.LBB2_20:
0x57d: {  	v15 =	vld [tilespmem:s24+$0x0];
	[tilespmem:s0+$0x30] =	vst v14;
	s5 =	sadd.s32 $0x100, s5;
	v9 =	vmul.f32 v9, v1;
	v1 =	vmov v3  }
0x57e: {  	v14 =	vld [tilespmem:s5+$0x0];
	v13 =	vmul.f32 v13, v6;
	[tilespmem:s19+$0x70] =	vst v12  }
0x57f: {  	s8 =	sadd.s32 $0x2, s8;
	v6 =	vld [tilespmem:s13+$0x40];
	v10 =	vmul.f32 v10, v2;
	[tilespmem:s18+$0xFFFFFFF0] =	vst v9;
	v2 =	vmov v7;
	s18 =	smov.u32 s19;
	s19 =	smov.u32 s0  }
0x580: {  	p0 =	slt.u32 s8, $0x4E;
	s0 =	smov.u32 s24;
	v7 =	vld [tilespmem:s5+$0xFFFFFF80];
	[tilespmem:s19+$0xFFFFFFB0] =	vst v13;
	v3 =	vmov v8  }
0x581: {  	v8 =	vld [tilespmem:s24+$0xFFFFFF80];
	[tilespmem:s18+$0xFFFFFFE0] =	vst v10  }
0x582: {  	v9 =	vld [tilespmem:s24+$0xFFFFFF90]  }
0x583: {  	v10 =	vld [tilespmem:s24+$0xFFFFFFA0];
	v12 =	vmul.f32 v14, v15  }
0x584: {  	v6 =	vmul.f32 v6, v11;
	v11 =	vld [tilespmem:s19+$0x50]  }
0x585: {  	[tilespmem:s24+$0x0] =	vst v12;
	v12 =	vld [tilespmem:s24+$0x10]  }
0x586: {  	v7 =	vmul.f32 v7, v8;
	v8 =	vld [tilespmem:s5+$0x10];
	[tilespmem:s19+$0x40] =	vst v6  }
0x587: {  	v13 =	vld [tilespmem:s13+$0x50]  }
0x588: {  	[tilespmem:s24+$0xFFFFFF80] =	vst v7;
	v6 =	vld [tilespmem:s24+$0xFFFFFFB0]  }
0x589: {  	v7 =	vld [tilespmem:s5+$0xFFFFFF90]  }
0x58a: {  	v14 =	vld [tilespmem:s13+$0xFFFFFFC0]  }
0x58b: {  	v15 =	vld [tilespmem:s24+$0xFFFFFFC0];
	v8 =	vmul.f32 v8, v12  }
0x58c: {  	v11 =	vmul.f32 v13, v11;
	v12 =	vld [tilespmem:s19+$0x60]  }
0x58d: {  	[tilespmem:s24+$0x10] =	vst v8;
	v8 =	vld [tilespmem:s24+$0x20]  }
0x58e: {  	v7 =	vmul.f32 v7, v9;
	v9 =	vld [tilespmem:s5+$0x20];
	[tilespmem:s19+$0x50] =	vst v11  }
0x58f: {  	v11 =	vmul.f32 v14, v5;
	v13 =	vld [tilespmem:s13+$0x60]  }
0x590: {  	[tilespmem:s24+$0xFFFFFF90] =	vst v7;
	v14 =	vld [tilespmem:s24+$0xFFFFFFD0];
	v5 =	vmov v15  }
0x591: {  	v15 =	vld [tilespmem:s5+$0xFFFFFFA0];
	[tilespmem:s19+$0xFFFFFFC0] =	vst v11  }
0x592: {  	v11 =	vld [tilespmem:s13+$0xFFFFFFD0]  }
0x593: {  	v7 =	vld [tilespmem:s24+$0xFFFFFFE0];
	v8 =	vmul.f32 v9, v8  }
0x594: {  	v9 =	vmul.f32 v13, v12;
	v12 =	vld [tilespmem:s19+$0x70]  }
0x595: {  	[tilespmem:s24+$0x20] =	vst v8;
	v16 =	vld [tilespmem:s24+$0x30]  }
0x596: {  	v8 =	vmul.f32 v15, v10;
	v15 =	vld [tilespmem:s5+$0x30];
	[tilespmem:s19+$0x60] =	vst v9  }
0x597: {  	v10 =	vmul.f32 v11, v4;
	v17 =	vld [tilespmem:s13+$0x70];
	v4 =	vmov v14  }
.Ltmp9:
0x598: {  	[tilespmem:s24+$0xFFFFFFA0] =	vst v8;
	v9 =	vld [tilespmem:s23+$0xFFFFFFF0];
	s23 =	smov.u32 s13;
	s13 =	smov.u32 s5;
	(pc) =	sbr.rel @p0 .LBB2_20-.Ltmp9, $4  }
0x599: {  	v13 =	vld [tilespmem:s5+$0xFFFFFFB0];
	[tilespmem:s19+$0xFFFFFFD0] =	vst v10  }
0x59a: {  	v10 =	vld [tilespmem:s23+$0xFFFFFFE0]  }
0x59b: {  	v8 =	vld [tilespmem:s24+$0xFFFFFFF0];
	v14 =	vmul.f32 v15, v16  }
0x59c: {  	s24 =	sadd.s32 $0x100, s24;
	v11 =	vld [tilespmem:s0+$0x40];
	v12 =	vmul.f32 v17, v12  }
0x59d: {  	_ = 	snop  }
0x59e: {  	[tilespmem:s0+$0x30] =	vst v14;
	v6 =	vmul.f32 v13, v6  }
0x59f: {  	v13 =	vld [tilespmem:s13+$0x40]  }
0x5a0: {  	[tilespmem:s0+$0xFFFFFFB0] =	vst v6  }
0x5a1: {  	v6 =	vld [tilespmem:s13+$0xFFFFFFC0];
	_ =	sdelay $0x2  }
0x5a2: {  	v11 =	vmul.f32 v13, v11;
	_ =	sdelay $0x1  }
0x5a3: {  	v13 =	vld [tilespmem:s0+$0x50];
	[tilespmem:s0+$0x40] =	vst v11;
	v5 =	vmul.f32 v6, v5  }
0x5a4: {  	v6 =	vld [tilespmem:s13+$0x50]  }
0x5a5: {  	[tilespmem:s0+$0xFFFFFFC0] =	vst v5  }
0x5a6: {  	v5 =	vld [tilespmem:s13+$0xFFFFFFD0];
	_ =	sdelay $0x2  }
0x5a7: {  	v6 =	vmul.f32 v6, v13;
	_ =	sdelay $0x1  }
0x5a8: {  	v11 =	vld [tilespmem:s0+$0x60];
	[tilespmem:s0+$0x50] =	vst v6;
	v4 =	vmul.f32 v5, v4  }
0x5a9: {  	v5 =	vld [tilespmem:s13+$0x60]  }
0x5aa: {  	[tilespmem:s0+$0xFFFFFFD0] =	vst v4  }
0x5ab: {  	v4 =	vld [tilespmem:s13+$0xFFFFFFE0];
	_ =	sdelay $0x2  }
0x5ac: {  	v5 =	vmul.f32 v5, v11  }
0x5ad: {  	v2 =	vmul.f32 v10, v2  }
0x5ae: {  	v6 =	vld [tilespmem:s0+$0x70];
	[tilespmem:s0+$0x60] =	vst v5;
	v4 =	vmul.f32 v4, v7  }
0x5af: {  	[tilespmem:s19+$0xFFFFFFE0] =	vst v2;
	v2 =	vld [tilespmem:s13+$0x70]  }
0x5b0: {  	v5 =	vld [tilespmem:s23+$0xFFFFFFF0];
	[tilespmem:s0+$0xFFFFFFE0] =	vst v4  }
0x5b1: {  	v4 =	vld [tilespmem:s13+$0xFFFFFFF0];
	_ =	sdelay $0x1  }
0x5b2: {  	v1 =	vmul.f32 v9, v1  }
0x5b3: {  	[tilespmem:s19+$0x70] =	vst v12;
	v2 =	vmul.f32 v2, v6  }
0x5b4: {  	[tilespmem:s18+$0xFFFFFFF0] =	vst v1;
	v1 =	vmul.f32 v5, v3  }
0x5b5: {  	[tilespmem:s0+$0x70] =	vst v2;
	v2 =	vmul.f32 v4, v8  }
0x5b6: {  	[tilespmem:s19+$0xFFFFFFF0] =	vst v1  }
0x5b7: {  	s24 =	simm.s32 $0x1DD80;
	[tilespmem:s0+$0xFFFFFFF0] =	vst v2  }
0x5b8: {  	[spmem:s4] =	stream.indirect.scatter.add.f32 [tilespmem:s30], [sflag:$0x6], $0x80, s24, s25, $0xb8;
	[tilespmem:$0x1E000] =	vst v63  }
0x5b9: {  	_ =	swait.ge [sflag:s28], $0x2800  }
0x5ba: {  	[sflag:s28] =	ssyncset.done $0x0  }
0x5bb: {  	[sflag:s28] =	ssyncadd.s32 $0xFFFFD800  }
0x5bc: {  	_ =	swait.ge [sflag:s29], $0x2800  }
0x5bd: {  	[sflag:s29] =	ssyncset.done $0x0  }
0x5be: {  	[sflag:s29] =	ssyncadd.s32 $0xFFFFD800  }
0x5bf: {  	_ =	swait.ge [sflag:s15], $0x2800  }
0x5c0: {  	[sflag:s15] =	ssyncset.done $0x0  }
0x5c1: {  	s18 =	simm.s32 $0x13C80;
	[sflag:s15] =	ssyncadd.s32 $0xFFFFD800  }
0x5c2: {  	s31 =	simm.s32 $0x18C80;
	v1 =	vld [tilespmem:s18+$0x0]  }
0x5c3: {  	v2 =	vld [tilespmem:s31+$0x0];
	_ =	sdelay $0x3  }
0x5c4: {  	v3 =	vld [tilespmem:s18+$0xFFFFFF80]  }
0x5c5: {  	v1 =	vmul.f32 v2, v1;
	v2 =	vld [tilespmem:s31+$0xFFFFFF80];
	_ =	sdelay $0x1  }
0x5c6: {  	[tilespmem:s18+$0x0] =	vst v1;
	v1 =	vld [tilespmem:s18+$0x10]  }
0x5c7: {  	v4 =	vld [tilespmem:s31+$0x10];
	_ =	sdelay $0x1  }
0x5c8: {  	v2 =	vmul.f32 v2, v3;
	_ =	sdelay $0x1  }
0x5c9: {  	v5 =	vld [tilespmem:s18+$0xFFFFFF90];
	[tilespmem:s18+$0xFFFFFF80] =	vst v2  }
0x5ca: {  	v1 =	vmul.f32 v4, v1;
	v2 =	vld [tilespmem:s31+$0xFFFFFF90];
	_ =	sdelay $0x1  }
0x5cb: {  	[tilespmem:s18+$0x10] =	vst v1;
	v1 =	vld [tilespmem:s18+$0x20]  }
0x5cc: {  	v4 =	vld [tilespmem:s31+$0x20]  }
0x5cd: {  	v6 =	vld [tilespmem:s18+$0xFFFFFFB0]  }
0x5ce: {  	s19 =	simm.s32 $0x13D80;
	v7 =	vld [tilespmem:s18+$0xFFFFFFD0];
	v2 =	vmul.f32 v2, v5  }
0x5cf: {  	v8 =	vld [tilespmem:s19+$0x0]  }
0x5d0: {  	v3 =	vld [tilespmem:s18+$0xFFFFFFA0];
	[tilespmem:s18+$0xFFFFFF90] =	vst v2  }
0x5d1: {  	v1 =	vmul.f32 v4, v1;
	v2 =	vld [tilespmem:s31+$0xFFFFFFA0]  }
0x5d2: {  	v9 =	vld [tilespmem:s18+$0xFFFFFFE0]  }
0x5d3: {  	[tilespmem:s18+$0x20] =	vst v1;
	v1 =	vld [tilespmem:s18+$0x30]  }
0x5d4: {  	s23 =	simm.s32 $0x18D80;
	v4 =	vld [tilespmem:s31+$0x30]  }
0x5d5: {  	v11 =	vld [tilespmem:s23+$0xFFFFFF80]  }
0x5d6: {  	v2 =	vmul.f32 v2, v3;
	v3 =	vld [tilespmem:s23+$0x0]  }
0x5d7: {  	v13 =	vld [tilespmem:s19+$0xFFFFFF90]  }
0x5d8: {  	s5 =	simm.s32 $0x18E80;
	v14 =	vld [tilespmem:s19+$0xFFFFFFD0]  }
0x5d9: {  	v16 =	vld [tilespmem:s5+$0xFFFFFF80];
	v1 =	vmul.f32 v4, v1  }
0x5da: {  	[tilespmem:s18+$0xFFFFFFA0] =	vst v2;
	v2 =	vld [tilespmem:s18+$0x40]  }
0x5db: {  	[tilespmem:s18+$0x30] =	vst v1;
	v3 =	vmul.f32 v3, v8;
	v8 =	vld [tilespmem:s19+$0xFFFFFF80]  }
0x5dc: {  	s0 =	simm.s32 $0x13E80;
	v10 =	vld [tilespmem:s31+$0x40]  }
0x5dd: {  	v17 =	vld [tilespmem:s0+$0xFFFFFF80]  }
0x5de: {  	v4 =	vld [tilespmem:s31+$0xFFFFFFB0]  }
0x5df: {  	v18 =	vld [tilespmem:s19+$0x50]  }
0x5e0: {  	[tilespmem:s19+$0x0] =	vst v3;
	v3 =	vld [tilespmem:s19+$0x10];
	v8 =	vmul.f32 v11, v8  }
0x5e1: {  	v12 =	vld [tilespmem:s23+$0x10];
	v2 =	vmul.f32 v10, v2  }
0x5e2: {  	v10 =	vld [tilespmem:s18+$0x50];
	[tilespmem:s19+$0xFFFFFF80] =	vst v8  }
0x5e3: {  	[tilespmem:s18+$0x40] =	vst v2;
	v2 =	vmul.f32 v4, v6;
	v6 =	vld [tilespmem:s23+$0xFFFFFF90]  }
0x5e4: {  	v4 =	vld [tilespmem:s31+$0x50]  }
0x5e5: {  	v58 =	vld [tilespmem:s0+$0xFFFFFFA0]  }
0x5e6: {  	v5 =	vld [tilespmem:s18+$0xFFFFFFC0];
	v3 =	vmul.f32 v12, v3;
	[tilespmem:s18+$0xFFFFFFB0] =	vst v2  }
0x5e7: {  	v2 =	vld [tilespmem:s31+$0xFFFFFFC0]  }
0x5e8: {  	[tilespmem:s19+$0x10] =	vst v3;
	v3 =	vld [tilespmem:s19+$0x20]  }
0x5e9: {  	v6 =	vmul.f32 v6, v13;
	v4 =	vmul.f32 v4, v10;
	v10 =	vld [tilespmem:s23+$0x20]  }
0x5ea: {  	v19 =	vld [tilespmem:s19+$0x60]  }
0x5eb: {  	v16 =	vmul.f32 v16, v17;
	v11 =	vld [tilespmem:s19+$0xFFFFFFA0];
	[tilespmem:s19+$0xFFFFFF90] =	vst v6  }
0x5ec: {  	v2 =	vmul.f32 v2, v5;
	v5 =	vld [tilespmem:s23+$0xFFFFFFA0]  }
0x5ed: {  	v61 =	vld [tilespmem:s19+$0x70];
	[tilespmem:s0+$0xFFFFFF80] =	vst v16  }
0x5ee: {  	v16 =	vld [tilespmem:s5+$0xFFFFFF90];
	[tilespmem:s18+$0xFFFFFFC0] =	vst v2;
	v2 =	vmul.f32 v10, v3  }
0x5ef: {  	v1 =	vld [tilespmem:s18+$0xFFFFFFF0]  }
0x5f0: {  	v6 =	vld [tilespmem:s19+$0x30];
	[tilespmem:s19+$0x20] =	vst v2  }
0x5f1: {  	v5 =	vmul.f32 v5, v11;
	v11 =	vld [tilespmem:s23+$0x30]  }
0x5f2: {  	v3 =	vld [tilespmem:s31+$0xFFFFFFD0]  }
0x5f3: {  	v8 =	vld [tilespmem:s19+$0xFFFFFFB0]  }
0x5f4: {  	v12 =	vld [tilespmem:s18+$0x60];
	[tilespmem:s18+$0x50] =	vst v4  }
0x5f5: {  	v4 =	vld [tilespmem:s31+$0x60]  }
0x5f6: {  	[tilespmem:s19+$0xFFFFFFA0] =	vst v5;
	v5 =	vld [tilespmem:s0+$0x0];
	v6 =	vmul.f32 v11, v6  }
0x5f7: {  	v3 =	vmul.f32 v3, v7;
	v7 =	vld [tilespmem:s5+$0x0]  }
0x5f8: {  	v11 =	vld [tilespmem:s19+$0x40];
	[tilespmem:s19+$0x30] =	vst v6  }
0x5f9: {  	v6 =	vld [tilespmem:s23+$0x40]  }
0x5fa: {  	v13 =	vld [tilespmem:s19+$0xFFFFFFC0];
	v4 =	vmul.f32 v4, v12  }
0x5fb: {  	v10 =	vld [tilespmem:s18+$0x70]  }
0x5fc: {  	[tilespmem:s18+$0x60] =	vst v4;
	v4 =	vld [tilespmem:s23+$0xFFFFFFB0];
	v5 =	vmul.f32 v7, v5  }
0x5fd: {  	v7 =	vld [tilespmem:s0+$0xFFFFFF90]  }
0x5fe: {  	[tilespmem:s0+$0x0] =	vst v5;
	v5 =	vld [tilespmem:s0+$0x10];
	v6 =	vmul.f32 v6, v11  }
0x5ff: {  	v11 =	vld [tilespmem:s5+$0x10]  }
0x600: {  	v2 =	vld [tilespmem:s19+$0xFFFFFFE0];
	[tilespmem:s19+$0x40] =	vst v6  }
0x601: {  	v4 =	vmul.f32 v4, v8;
	v8 =	vld [tilespmem:s23+$0x50]  }
0x602: {  	v12 =	vld [tilespmem:s31+$0x70];
	[tilespmem:s18+$0xFFFFFFD0] =	vst v3  }
0x603: {  	v3 =	vld [tilespmem:s19+$0xFFFFFFF0];
	[tilespmem:s19+$0xFFFFFFB0] =	vst v4;
	v7 =	vmul.f32 v16, v7  }
0x604: {  	v4 =	vmul.f32 v11, v5;
	v11 =	vld [tilespmem:s23+$0xFFFFFFC0]  }
0x605: {  	v15 =	vld [tilespmem:s31+$0xFFFFFFE0];
	[tilespmem:s0+$0xFFFFFF90] =	vst v7  }
0x606: {  	v7 =	vld [tilespmem:s0+$0xFFFFFFE0];
	[tilespmem:s0+$0x10] =	vst v4;
	v4 =	vmul.f32 v8, v18  }
0x607: {  	v8 =	vld [tilespmem:s0+$0x20]  }
0x608: {  	v59 =	vld [tilespmem:s5+$0x20];
	[tilespmem:s19+$0x50] =	vst v4  }
0x609: {  	v11 =	vmul.f32 v11, v13;
	v13 =	vld [tilespmem:s23+$0x60]  }
0x60a: {  	v6 =	vld [tilespmem:s0+$0xFFFFFFB0]  }
0x60b: {  	v60 =	vld [tilespmem:s5+$0xFFFFFFA0];
	[tilespmem:s19+$0xFFFFFFC0] =	vst v11  }
0x60c: {  	v11 =	vld [tilespmem:s23+$0xFFFFFFD0]  }
0x60d: {  	v5 =	vld [tilespmem:s0+$0xFFFFFFC0];
	v8 =	vmul.f32 v59, v8  }
0x60e: {  	v4 =	vld [tilespmem:s0+$0xFFFFFFD0];
	v13 =	vmul.f32 v13, v19  }
0x60f: {  	[tilespmem:s0+$0x20] =	vst v8;
	v8 =	vmul.f32 v15, v9;
	v15 =	vld [tilespmem:s0+$0x30]  }
0x610: {  	v9 =	vmul.f32 v60, v58;
	v62 =	vld [tilespmem:s5+$0x30];
	[tilespmem:s19+$0x60] =	vst v13  }
0x611: {  	[tilespmem:s18+$0xFFFFFFE0] =	vst v8;
	v8 =	vmul.f32 v11, v14;
	v63 =	vld [tilespmem:s23+$0x70]  }
0x612: {  	[tilespmem:s0+$0xFFFFFFA0] =	vst v9;
	v9 =	vld [tilespmem:s31+$0xFFFFFFF0]  }
0x613: {  	v13 =	vld [tilespmem:s5+$0xFFFFFFB0];
	[tilespmem:s19+$0xFFFFFFD0] =	vst v8  }
0x614: {  	v11 =	vmul.f32 v12, v10;
	v10 =	vld [tilespmem:s23+$0xFFFFFFE0]  }
0x615: {  	v8 =	vld [tilespmem:s0+$0xFFFFFFF0];
	v14 =	vmul.f32 v62, v15  }
0x616: {  	s8 =	simm.s32 $0x4;
	s13 =	simm.s32 $0x18E80;
	s24 =	simm.s32 $0x13F80;
	[tilespmem:s18+$0x70] =	vst v11;
	v11 =	vld [tilespmem:s0+$0x40];
	v12 =	vmul.f32 v63, v61  }
.LBB2_22:
0x617: {  	v15 =	vld [tilespmem:s24+$0x0];
	[tilespmem:s0+$0x30] =	vst v14;
	s5 =	sadd.s32 $0x100, s5;
	v9 =	vmul.f32 v9, v1;
	v1 =	vmov v3  }
0x618: {  	v14 =	vld [tilespmem:s5+$0x0];
	v13 =	vmul.f32 v13, v6;
	[tilespmem:s19+$0x70] =	vst v12  }
0x619: {  	s8 =	sadd.s32 $0x2, s8;
	v6 =	vld [tilespmem:s13+$0x40];
	v10 =	vmul.f32 v10, v2;
	[tilespmem:s18+$0xFFFFFFF0] =	vst v9;
	v2 =	vmov v7;
	s18 =	smov.u32 s19;
	s19 =	smov.u32 s0  }
0x61a: {  	p0 =	slt.u32 s8, $0x4E;
	s0 =	smov.u32 s24;
	v7 =	vld [tilespmem:s5+$0xFFFFFF80];
	[tilespmem:s19+$0xFFFFFFB0] =	vst v13;
	v3 =	vmov v8  }
0x61b: {  	v8 =	vld [tilespmem:s24+$0xFFFFFF80];
	[tilespmem:s18+$0xFFFFFFE0] =	vst v10  }
0x61c: {  	v9 =	vld [tilespmem:s24+$0xFFFFFF90]  }
0x61d: {  	v10 =	vld [tilespmem:s24+$0xFFFFFFA0];
	v12 =	vmul.f32 v14, v15  }
0x61e: {  	v6 =	vmul.f32 v6, v11;
	v11 =	vld [tilespmem:s19+$0x50]  }
0x61f: {  	[tilespmem:s24+$0x0] =	vst v12;
	v12 =	vld [tilespmem:s24+$0x10]  }
0x620: {  	v7 =	vmul.f32 v7, v8;
	v8 =	vld [tilespmem:s5+$0x10];
	[tilespmem:s19+$0x40] =	vst v6  }
0x621: {  	v13 =	vld [tilespmem:s13+$0x50]  }
0x622: {  	[tilespmem:s24+$0xFFFFFF80] =	vst v7;
	v6 =	vld [tilespmem:s24+$0xFFFFFFB0]  }
0x623: {  	v7 =	vld [tilespmem:s5+$0xFFFFFF90]  }
0x624: {  	v14 =	vld [tilespmem:s13+$0xFFFFFFC0]  }
0x625: {  	v15 =	vld [tilespmem:s24+$0xFFFFFFC0];
	v8 =	vmul.f32 v8, v12  }
0x626: {  	v11 =	vmul.f32 v13, v11;
	v12 =	vld [tilespmem:s19+$0x60]  }
0x627: {  	[tilespmem:s24+$0x10] =	vst v8;
	v8 =	vld [tilespmem:s24+$0x20]  }
0x628: {  	v7 =	vmul.f32 v7, v9;
	v9 =	vld [tilespmem:s5+$0x20];
	[tilespmem:s19+$0x50] =	vst v11  }
0x629: {  	v11 =	vmul.f32 v14, v5;
	v13 =	vld [tilespmem:s13+$0x60]  }
0x62a: {  	[tilespmem:s24+$0xFFFFFF90] =	vst v7;
	v14 =	vld [tilespmem:s24+$0xFFFFFFD0];
	v5 =	vmov v15  }
0x62b: {  	v15 =	vld [tilespmem:s5+$0xFFFFFFA0];
	[tilespmem:s19+$0xFFFFFFC0] =	vst v11  }
0x62c: {  	v11 =	vld [tilespmem:s13+$0xFFFFFFD0]  }
0x62d: {  	v7 =	vld [tilespmem:s24+$0xFFFFFFE0];
	v8 =	vmul.f32 v9, v8  }
0x62e: {  	v9 =	vmul.f32 v13, v12;
	v12 =	vld [tilespmem:s19+$0x70]  }
0x62f: {  	[tilespmem:s24+$0x20] =	vst v8;
	v16 =	vld [tilespmem:s24+$0x30]  }
0x630: {  	v8 =	vmul.f32 v15, v10;
	v15 =	vld [tilespmem:s5+$0x30];
	[tilespmem:s19+$0x60] =	vst v9  }
0x631: {  	v10 =	vmul.f32 v11, v4;
	v17 =	vld [tilespmem:s13+$0x70];
	v4 =	vmov v14  }
.Ltmp10:
0x632: {  	[tilespmem:s24+$0xFFFFFFA0] =	vst v8;
	v9 =	vld [tilespmem:s23+$0xFFFFFFF0];
	s23 =	smov.u32 s13;
	s13 =	smov.u32 s5;
	(pc) =	sbr.rel @p0 .LBB2_22-.Ltmp10, $4  }
0x633: {  	v13 =	vld [tilespmem:s5+$0xFFFFFFB0];
	[tilespmem:s19+$0xFFFFFFD0] =	vst v10  }
0x634: {  	v10 =	vld [tilespmem:s23+$0xFFFFFFE0]  }
0x635: {  	v8 =	vld [tilespmem:s24+$0xFFFFFFF0];
	v14 =	vmul.f32 v15, v16  }
0x636: {  	s24 =	sadd.s32 $0x100, s24;
	v11 =	vld [tilespmem:s0+$0x40];
	v12 =	vmul.f32 v17, v12  }
0x637: {  	_ = 	snop  }
0x638: {  	[tilespmem:s0+$0x30] =	vst v14;
	v6 =	vmul.f32 v13, v6  }
0x639: {  	v57 =	vld [tilespmem:s13+$0x40]  }
0x63a: {  	[tilespmem:s0+$0xFFFFFFB0] =	vst v6  }
0x63b: {  	v6 =	vld [tilespmem:s13+$0xFFFFFFC0];
	_ =	sdelay $0x2  }
0x63c: {  	v11 =	vmul.f32 v57, v11;
	_ =	sdelay $0x1  }
0x63d: {  	v58 =	vld [tilespmem:s0+$0x50];
	[tilespmem:s0+$0x40] =	vst v11;
	v5 =	vmul.f32 v6, v5  }
0x63e: {  	v59 =	vld [tilespmem:s13+$0x50]  }
0x63f: {  	[tilespmem:s0+$0xFFFFFFC0] =	vst v5  }
0x640: {  	v5 =	vld [tilespmem:s13+$0xFFFFFFD0];
	_ =	sdelay $0x2  }
0x641: {  	v6 =	vmul.f32 v59, v58;
	_ =	sdelay $0x1  }
0x642: {  	v60 =	vld [tilespmem:s0+$0x60];
	[tilespmem:s0+$0x50] =	vst v6;
	v4 =	vmul.f32 v5, v4  }
0x643: {  	v61 =	vld [tilespmem:s13+$0x60]  }
0x644: {  	[tilespmem:s0+$0xFFFFFFD0] =	vst v4  }
0x645: {  	v4 =	vld [tilespmem:s13+$0xFFFFFFE0];
	_ =	sdelay $0x2  }
0x646: {  	v5 =	vmul.f32 v61, v60  }
0x647: {  	v2 =	vmul.f32 v10, v2  }
0x648: {  	v62 =	vld [tilespmem:s0+$0x70];
	[tilespmem:s0+$0x60] =	vst v5;
	v4 =	vmul.f32 v4, v7  }
0x649: {  	[tilespmem:s19+$0xFFFFFFE0] =	vst v2;
	v2 =	vld [tilespmem:s13+$0x70]  }
0x64a: {  	v63 =	vld [tilespmem:s23+$0xFFFFFFF0];
	[tilespmem:s0+$0xFFFFFFE0] =	vst v4  }
0x64b: {  	v4 =	vld [tilespmem:s13+$0xFFFFFFF0];
	_ =	sdelay $0x1  }
0x64c: {  	v1 =	vmul.f32 v9, v1  }
0x64d: {  	[tilespmem:s19+$0x70] =	vst v12;
	v2 =	vmul.f32 v2, v62  }
0x64e: {  	[tilespmem:s18+$0xFFFFFFF0] =	vst v1;
	v1 =	vmul.f32 v63, v3  }
0x64f: {  	[tilespmem:s0+$0x70] =	vst v2;
	v2 =	vmul.f32 v4, v8  }
0x650: {  	[tilespmem:s19+$0xFFFFFFF0] =	vst v1  }
0x651: {  	[tilespmem:s0+$0xFFFFFFF0] =	vst v2  }
0x652: {  	[spmem:s4] =	stream.indirect.scatter.add.f32 [tilespmem:s14], [sflag:$0x5], $0x80, s16, s25, $0xb8;
	[tilespmem:$0x1E000] =	vst v63  }
0x653: {  	_ =	swait.ge [sflag:s11], $0x2800  }
0x654: {  	[sflag:s11] =	ssyncset.done $0x0  }
0x655: {  	[sflag:s11] =	ssyncadd.s32 $0xFFFFD800  }
0x656: {  	s23 =	stileid.u32;
	[bflag:$0x0] =	sbarrier.arrive $0xFFFF  }
0x657: {  	s0 =	sshll.u32 s23, $0x6;
	s18 =	rddreg [dreg:$0x6]  }
0x658: {  	s0 =	sor.u32 $0x1C0B, s0;
	s8 =	rddreg [dreg:$0x1b];
	s5 =	sshrl.u32 s18, $0x3  }
0x659: {  	[hbm:s8], [sflag:s0] =	dma.local [spmem:s5], $0x2780  }
0x65a: {  	s8 =	simm.s32 $0xB  }
0x65b: {  	_ =	swait.ge [sflag:s8], $0x2780  }
0x65c: {  	s24 =	sld [smem:$0x7F9];
	_ =	sdelay $0x2  }
0x65d: {  	s31 =	rddreg [dreg:$0x1c];
	s5 =	sadd.s32 $0x1, s24  }
0x65e: {  	p0 =	sne.s32 s5, s31  }
.Ltmp11:
0x65f: {  	_ = 	snop;
	(pc) =	sbr.rel @p0 .LBB2_1-.Ltmp11, $3  }
0x660: {  	_ =	sdelay $0x1  }
0x661: {  	[sflag:s8] =	ssyncset.done $0x0  }
0x662: {  	[sflag:s8] =	ssyncadd.s32 $0xFFFFD880  }
0x663: {  	_ =	sfence.sel $0x180000  }
0x664: {  	[bflag:$0x0] =	sbarrier.arrive $0xFFFF  }
0x665: {  	_ =	strace $0x90000047  }
0x666: {  	s0 =	stileid.u32;
	[bflag:$0x2] =	sbarrier.arrive $0xFFFF  }
0x667: {  	p0 =	sne.s32 s0, $0x0;
	s0 =	rddreg [dreg:$0x5]  }
0x668: {  	s0 =	sadd.s32 @!p0 $0x100000, s0  }
0x669: {  	[sflag:s0] =	ssyncadd.tile.s32 @!p0 $0x1;
	_ =	shalt  }
.Lfunc_end2:
_tile_overlayer_lowered:
.L_overlay_start_2:
0x66a: {  	(tag) =	ssettag $0x2  }
0x66b: {  	s0 =	rddreg [dreg:$0x0];
	s2 =	stileid.u32  }
0x66c: {  	s1 =	rddreg [dreg:$0x1];
	p0 =	sne.s32 s2, $0x0  }
0x66d: {  	s3 =	rddreg [dreg:$0x2];
	[bflag:$0x3] =	sbarrier.arrive $0xFFFF;
	s2 =	simm.s32 @!p0 $0x1C0B  }
0x66e: {  	[timem:s3], [sflag:s2] =	dma.local @!p0 [hbm:s0], s1  }
0x66f: {  	s0 =	simm.s32 @!p0 $0xB  }
0x670: {  	_ =	swait.ge @!p0 [sflag:s0], s1  }
0x671: {  	s1 =	ssub.s32 @!p0 $0x0, s1;
	[sflag:s0] =	ssyncset.done @!p0 $0x0  }
0x672: {  	[sflag:s0] =	ssyncadd.s32 @!p0 s1  }
0x673: {  	[bflag:$0x3] =	sbarrier.arrive $0xFFFF  }
0x674: {  	_ =	shalt  }

</sc_bundles>
